<compile_context>
chip_gen: v7x
topology: tpu7x:2x2x1
jax: 0.10.2.dev20260603
libtpu: 0.0.44.dev20260713+nightly
codegen_flags: <defaults>
</compile_context>

<pallas_src>
import functools

import jax
import jax.numpy as jnp
from jax import lax
from jax.experimental import pallas as pl
from jax.experimental.pallas import tpu as pltpu
from jax.experimental.pallas import tpu_sc as plsc

_B = 16384
_F = 13
_D = 16
_NW = 32
_N = _B * _F
_RPW = _N // _NW
_ECH = 416
_NECH = _RPW // _ECH
_LCH = 832
_NLCH = _RPW // _LCH

_B_BLK = 512
_H = 208


def _sc_gather_body(pku, pks, ilu, ils, tabu, tabs, linu, lins,
                    gu, gs, lu, ls,
                    idx_v0, rows_v0, idx_v1, rows_v1, lidx_v, lval_v,
                    sem0, sem1):
    wid = lax.axis_index("s") * 2 + lax.axis_index("c")
    idx_b = (idx_v0, idx_v1)
    rows_b = (rows_v0, rows_v1)
    sem_b = (sem0, sem1)
    nslots = 2 * _NECH

    def slot_args(t):
        tab = tabu if t % 2 == 0 else tabs
        src = pku if t % 2 == 0 else pks
        dst = gu if t % 2 == 0 else gs
        base = wid * _RPW + (t // 2) * _ECH
        return tab, src, dst, base

    tab, src, dst, base = slot_args(0)
    pltpu.sync_copy(src.at[pl.ds(base, _ECH)], idx_b[0])
    cp_prev = pltpu.async_copy(tab.at[idx_b[0]], rows_b[0], sem_b[0])
    for t in range(nslots):
        k = t % 2
        nk = (t + 1) % 2
        if t + 1 < nslots:
            tab, src, dst_n, base_n = slot_args(t + 1)
            pltpu.sync_copy(src.at[pl.ds(base_n, _ECH)], idx_b[nk])
            cp_next = pltpu.async_copy(tab.at[idx_b[nk]], rows_b[nk], sem_b[nk])
        cp_prev.wait()
        _, _, dst, base = slot_args(t)
        pltpu.sync_copy(rows_b[k], dst.at[pl.ds(base, _ECH)])
        if t + 1 < nslots:
            cp_prev = cp_next
    for c in range(_NLCH):
        base = wid * _RPW + c * _LCH
        pltpu.sync_copy(ilu.at[pl.ds(base, _LCH)], lidx_v)
        pltpu.async_copy(linu.at[lidx_v], lval_v, sem0).wait()
        pltpu.sync_copy(lval_v, lu.at[pl.ds(base, _LCH)])
        pltpu.sync_copy(ils.at[pl.ds(base, _LCH)], lidx_v)
        pltpu.async_copy(lins.at[lidx_v], lval_v, sem0).wait()
        pltpu.sync_copy(lval_v, ls.at[pl.ds(base, _LCH)])


def _sc_gather(pku, pks, ilu, ils, tabu, tabs, linu, lins):
    mesh = plsc.VectorSubcoreMesh(core_axis_name="c", subcore_axis_name="s")
    call = functools.partial(
        pl.kernel,
        mesh=mesh,
        out_type=[
            jax.ShapeDtypeStruct((_N, 128), jnp.float32),
            jax.ShapeDtypeStruct((_N, 128), jnp.float32),
            jax.ShapeDtypeStruct((_N,), jnp.float32),
            jax.ShapeDtypeStruct((_N,), jnp.float32),
        ],
        scratch_types=[
            pltpu.VMEM((_ECH,), jnp.int32),
            pltpu.VMEM((_ECH, 128), jnp.float32),
            pltpu.VMEM((_ECH,), jnp.int32),
            pltpu.VMEM((_ECH, 128), jnp.float32),
            pltpu.VMEM((_LCH,), jnp.int32),
            pltpu.VMEM((_LCH,), jnp.float32),
            pltpu.SemaphoreType.DMA,
            pltpu.SemaphoreType.DMA,
        ],
    )(_sc_gather_body)
    return call(pku, pks, ilu, ils, tabu, tabs, linu, lins)


def _pack128(tab):
    return tab.T.reshape(_D, 162500, 8).transpose(1, 2, 0).reshape(162500, 128)


def _leaky(x):
    return jnp.where(x >= 0, x, 0.01 * x)


def _tc_body(gu, gs, remu, rems, ulg, slg, ux, sx,
             R, RWu, RWs, Wud, Wsd, uw, sw, uw2s, sw2s, udlw, sdlw,
             b0, W1, b1, W2, b2, W3, b3, W4, b4p, out):
    dot = lambda a, b: lax.dot_general(
        a, b, (((1,), (0,)), ((), ())), preferred_element_type=jnp.float32)
    ux_ = ux[...]
    sx_ = sx[...]
    lane_grp = lax.broadcasted_iota(jnp.int32, (_B_BLK, 128), 1) // 16
    h = dot(ux_, Wud[...]) + dot(sx_, Wsd[...]) + b0[...]
    mgsum = jnp.zeros((_B_BLK, 128), jnp.float32)
    ssqv = jnp.zeros((_B_BLK, 128), jnp.float32)
    for f in range(_F):
        for g_ref, rem_ref, RW in ((gu, remu, RWu), (gs, rems, RWs)):
            gf = g_ref[pl.ds(f * _B_BLK, _B_BLK), :]
            rf = rem_ref[:, f][:, None]
            mg = jnp.where(lane_grp == rf, gf, 0.0)
            h = h + dot(mg, RW[pl.ds(f * 128, 128), :])
            mgsum = mgsum + mg
            ssqv = ssqv + mg * gf
    S = dot(mgsum, R[...]) + dot(ux_, uw[...]) + dot(sx_, sw[...])
    ssq = (jnp.sum(ssqv, axis=1, keepdims=True)
           + jnp.sum(ux_ * ux_ * uw2s[...], axis=1, keepdims=True)
           + jnp.sum(sx_ * sx_ * sw2s[...], axis=1, keepdims=True))
    h = _leaky(h)
    h = _leaky(dot(h, W1[...]) + b1[...])
    h = _leaky(dot(h, W2[...]) + b2[...])
    h = _leaky(dot(h, W3[...]) + b3[...])
    deep = dot(h, W4[...]) + b4p[...]
    sqsum = jnp.sum(S * S, axis=1, keepdims=True)
    v1 = (jnp.sum(ulg[...], axis=1, keepdims=True)
          + jnp.sum(slg[...], axis=1, keepdims=True)
          + jnp.sum(ux_ * udlw[...], axis=1, keepdims=True)
          + jnp.sum(sx_ * sdlw[...], axis=1, keepdims=True))
    out[...] = deep + v1 + 0.5 * (sqsum - ssq)


def kernel(user_sparse_x, user_dense_x, spu_sparse_x, spu_dense_x,
           user_table, spu_table, user_lin_table, spu_lin_table,
           user_dense_w, spu_dense_w, user_dense_lin_w, spu_dense_lin_w,
           fm_bias, W0, b0, W1, b1, W2, b2, W3, b3, W4, b4):
    f32 = jnp.float32
    off = (jnp.arange(_F, dtype=jnp.int32) * 100000)[None, :]
    idx_u = user_sparse_x.astype(jnp.int32) + off
    idx_s = spu_sparse_x.astype(jnp.int32) + off
    n_blk = _B // _B_BLK
    def pack_order(idx):
        q = (idx // 8).reshape(n_blk, _B_BLK, _F)
        return q.transpose(0, 2, 1).reshape(-1)
    pku = pack_order(idx_u)
    pks = pack_order(idx_s)
    rem_u = idx_u % 8
    rem_s = idx_s % 8
    ilu = idx_u.reshape(-1)
    ils = idx_s.reshape(-1)

    gu, gs, lu, ls = _sc_gather(
        pku, pks, ilu, ils,
        _pack128(user_table),
        _pack128(spu_table),
        user_lin_table[:, 0], spu_lin_table[:, 0])
    ulg = lu.reshape(_B, _F)
    slg = ls.reshape(_B, _F)

    uw = user_dense_w[0]
    sw = spu_dense_w[0]
    Wud = jnp.einsum("fd,fdn->fn", uw, W0[_H:2 * _H].reshape(_F, _D, -1))
    Wsd = jnp.einsum("fd,fdn->fn", sw, W0[3 * _H:4 * _H].reshape(_F, _D, -1))
    R = jnp.tile(jnp.eye(_D, dtype=f32), (8, 1))
    RWu = jnp.tile(W0[:_H].reshape(_F, 1, _D, -1), (1, 8, 1, 1)).reshape(_F * 128, -1)
    RWs = jnp.tile(W0[2 * _H:3 * _H].reshape(_F, 1, _D, -1), (1, 8, 1, 1)).reshape(_F * 128, -1)
    uw2s = jnp.sum(uw * uw, axis=1)[None, :]
    sw2s = jnp.sum(sw * sw, axis=1)[None, :]
    udlw = user_dense_lin_w[0, :, 0][None, :]
    sdlw = spu_dense_lin_w[0, :, 0][None, :]
    b4p = (b4 + fm_bias)[None, :]

    bspec_slab = pl.BlockSpec((_F * _B_BLK, 128), lambda i: (i, 0))
    bspec_batch = lambda n: pl.BlockSpec((_B_BLK, n), lambda i: (i, 0))
    bspec_w = lambda a: pl.BlockSpec(a.shape, lambda i: (0, 0))
    weights = [R, RWu, RWs, Wud, Wsd, uw, sw, uw2s, sw2s, udlw, sdlw,
               b0[None, :], W1, b1[None, :], W2, b2[None, :],
               W3, b3[None, :], W4, b4p]
    out = pl.pallas_call(
        _tc_body,
        grid=(n_blk,),
        in_specs=[bspec_slab, bspec_slab,
                  bspec_batch(_F), bspec_batch(_F), bspec_batch(_F),
                  bspec_batch(_F), bspec_batch(_F), bspec_batch(_F)]
                 + [bspec_w(a) for a in weights],
        out_specs=pl.BlockSpec((_B_BLK, 1), lambda i: (i, 0)),
        out_shape=jax.ShapeDtypeStruct((_B, 1), f32),
    )(gu, gs, rem_u, rem_s, ulg, slg, user_dense_x, spu_dense_x, *weights)
    return out[:, 0]

# --- scband reference (transcript-rebuilt; emitter-appended) ---
"""Pipeline reference for scband-deep-fm-48172353192168 (READ-ONLY COPY).

The authoritative reference and input builder live on the scoring server;
editing this copy changes nothing except your own understanding.
"""

import jax, jax.numpy as jnp
import numpy as np

BATCH = 16384
EMBED_DIM = 16
USER_FIELDS = [100000] * 13
SPU_FIELDS = [100000] * 13
UNITS = [256, 128, 64, 32, 1]


def _offsets(fields):
    return jnp.asarray(np.concatenate([[0], np.cumsum(fields)[:-1]]).astype(np.int32))


def setup_inputs(seed: int = 0):
    key = jax.random.key(seed)
    ks = jax.random.split(key, 24)
    inp = {}
    inp["user_sparse_x"] = jax.random.randint(ks[0], (BATCH, 13), 0, 100000)
    inp["user_dense_x"] = jax.random.normal(ks[1], (BATCH, 13), dtype=jnp.float32)
    inp["spu_sparse_x"] = jax.random.randint(ks[2], (BATCH, 13), 0, 100000)
    inp["spu_dense_x"] = jax.random.normal(ks[3], (BATCH, 13), dtype=jnp.float32)
    inp["user_table"] = jax.random.normal(ks[4], (sum(USER_FIELDS), EMBED_DIM), dtype=jnp.float32) * 0.01
    inp["spu_table"] = jax.random.normal(ks[5], (sum(SPU_FIELDS), EMBED_DIM), dtype=jnp.float32) * 0.01
    inp["user_lin_table"] = jax.random.normal(ks[6], (sum(USER_FIELDS), 1), dtype=jnp.float32) * 0.01
    inp["spu_lin_table"] = jax.random.normal(ks[7], (sum(SPU_FIELDS), 1), dtype=jnp.float32) * 0.01
    inp["user_dense_w"] = jax.random.normal(ks[8], (1, 13, EMBED_DIM), dtype=jnp.float32) * 0.01
    inp["spu_dense_w"] = jax.random.normal(ks[9], (1, 13, EMBED_DIM), dtype=jnp.float32) * 0.01
    inp["user_dense_lin_w"] = jax.random.normal(ks[10], (1, 13, 1), dtype=jnp.float32) * 0.01
    inp["spu_dense_lin_w"] = jax.random.normal(ks[11], (1, 13, 1), dtype=jnp.float32) * 0.01
    inp["fm_bias"] = jnp.zeros((1,), dtype=jnp.float32)
    dims = [52 * EMBED_DIM] + UNITS
    for i in range(5):
        inp["W%d" % i] = jax.random.normal(ks[12 + i], (dims[i], dims[i + 1]), dtype=jnp.float32) * (1.0 / np.sqrt(dims[i]))
        inp["b%d" % i] = jnp.zeros((dims[i + 1],), dtype=jnp.float32)
    return inp


def _leaky_relu(x):
    return jnp.where(x >= 0, x, 0.01 * x)


def reference(user_sparse_x, user_dense_x, spu_sparse_x, spu_dense_x,
              user_table, spu_table, user_lin_table, spu_lin_table,
              user_dense_w, spu_dense_w, user_dense_lin_w, spu_dense_lin_w,
              fm_bias, W0, b0, W1, b1, W2, b2, W3, b3, W4, b4):
    uoff = _offsets(USER_FIELDS)
    soff = _offsets(SPU_FIELDS)
    # second-order embeddings (shared between FM and Deep parts)
    u_sp2 = jnp.take(user_table, user_sparse_x + uoff[None, :], axis=0)      # [B,13,D]
    u_de2 = user_dense_w * user_dense_x[:, :, None]                          # [B,13,D]
    s_sp2 = jnp.take(spu_table, spu_sparse_x + soff[None, :], axis=0)       # [B,13,D]
    s_de2 = spu_dense_w * spu_dense_x[:, :, None]                            # [B,13,D]
    # first-order (linear) terms
    v1_user = jnp.take(user_lin_table, user_sparse_x + uoff[None, :], axis=0)[..., 0].sum(axis=1) \
        + (user_dense_lin_w * user_dense_x[:, :, None])[..., 0].sum(axis=1)
    v1_spu = jnp.take(spu_lin_table, spu_sparse_x + soff[None, :], axis=0)[..., 0].sum(axis=1) \
        + (spu_dense_lin_w * spu_dense_x[:, :, None])[..., 0].sum(axis=1)
    v1 = v1_user + v1_spu
    # FM second-order interaction
    v2 = jnp.concatenate([u_sp2, u_de2, s_sp2, s_de2], axis=1)              # [B,52,D]
    square_sum = jnp.sum(jnp.sum(v2, axis=1) ** 2, axis=1)
    sum_square = jnp.sum(jnp.sum(v2 ** 2, axis=1), axis=1)
    fm_score = fm_bias[0] + v1 + 0.5 * (square_sum - sum_square)
    # Deep part (shared second-order embeddings)
    h = v2.reshape((v2.shape[0], -1))
    Ws = [W0, W1, W2, W3, W4]
    bs = [b0, b1, b2, b3, b4]
    for i in range(5):
        h = h @ Ws[i] + bs[i]
        if i != 4:
            h = _leaky_relu(h)
    deep_score = h[:, 0]
    return fm_score + deep_score

if __name__ == "__main__":
    import jax
    _d = setup_inputs()
    print(jax.jit(kernel)(*tuple(_d.values())))

</pallas_src>

<mosaic_0001>
#map = affine_map<(d0, d1) -> (0)>
#map1 = affine_map<(d0, d1) -> (0, 0)>
module attributes {stable_mosaic.version = 14 : i64} {
  func.func @_sc_gather_body(%arg0: i32, %arg1: i32, %arg2: memref<212992xi32, #tpu.memory_space<hbm>>, %arg3: memref<212992xi32, #tpu.memory_space<hbm>>, %arg4: memref<212992xi32, #tpu.memory_space<hbm>>, %arg5: memref<212992xi32, #tpu.memory_space<hbm>>, %arg6: memref<162500x128xf32, #tpu.memory_space<hbm>>, %arg7: memref<162500x128xf32, #tpu.memory_space<hbm>>, %arg8: memref<1300000xf32, #tpu.memory_space<hbm>>, %arg9: memref<1300000xf32, #tpu.memory_space<hbm>>, %arg10: memref<212992x128xf32, #tpu.memory_space<hbm>>, %arg11: memref<212992x128xf32, #tpu.memory_space<hbm>>, %arg12: memref<212992xf32, #tpu.memory_space<hbm>>, %arg13: memref<212992xf32, #tpu.memory_space<hbm>>, %arg14: memref<416xi32, #tpu.memory_space<vmem>>, %arg15: memref<416x128xf32, #tpu.memory_space<vmem>>, %arg16: memref<416xi32, #tpu.memory_space<vmem>>, %arg17: memref<416x128xf32, #tpu.memory_space<vmem>>, %arg18: memref<832xi32, #tpu.memory_space<vmem>>, %arg19: memref<832xf32, #tpu.memory_space<vmem>>, %arg20: memref<!tpu.dma_semaphore, #tpu.memory_space<semaphore_mem>>, %arg21: memref<!tpu.dma_semaphore, #tpu.memory_space<semaphore_mem>>) attributes {dimension_semantics = [#tpu.dimension_semantics<core_parallel>, #tpu.dimension_semantics<subcore_parallel>], iteration_bounds = array<i64: 2, 16>, scalar_prefetch = 0 : i64, scratch_operands = 8 : i64, tpu.core_type = #tpu.core_type<sc_vector_subcore>, window_params = [{transform_indices = #map}, {transform_indices = #map}, {transform_indices = #map}, {transform_indices = #map}, {transform_indices = #map1}, {transform_indices = #map1}, {transform_indices = #map}, {transform_indices = #map}, {transform_indices = #map1}, {transform_indices = #map1}, {transform_indices = #map}, {transform_indices = #map}]} {
    %mul3A = arith.constant 2 : i32
    %mul3A_0 = arith.muli %arg1, %mul3A : i32
    %add3A = arith.addi %mul3A_0, %arg0 : i32
    %mul3A_1 = arith.constant 6656 : i32
    %mul3A_2 = arith.muli %add3A, %mul3A_1 : i32
    %add3A_3 = arith.constant 0 : i32
    %add3A_4 = arith.addi %mul3A_2, %add3A_3 : i32
    "tpu.region"() ({
      %run_scoped3A = tpu.sem_alloc : memref<!tpu.dma_semaphore, #tpu.memory_space<semaphore_mem>>
      %dma_start3A_543 = tpu.memref_slice %arg2[%add3A_4] : memref<212992xi32, #tpu.memory_space<hbm>> -> memref<416xi32, #tpu.memory_space<hbm>>
      %dma_start3A_544 = tpu.memref_slice %arg2[%add3A_4] : memref<212992xi32, #tpu.memory_space<hbm>> -> memref<416xi32, #tpu.memory_space<hbm>>
      tpu.enqueue_dma source(%dma_start3A_544 : memref<416xi32, #tpu.memory_space<hbm>>) target(%arg14 : memref<416xi32, #tpu.memory_space<vmem>>) target_semaphore(%run_scoped3A : memref<!tpu.dma_semaphore, #tpu.memory_space<semaphore_mem>>)
      %dma_wait3A_545 = tpu.memref_slice %arg2[%add3A_4] : memref<212992xi32, #tpu.memory_space<hbm>> -> memref<416xi32, #tpu.memory_space<hbm>>
      %dma_wait3A_546 = tpu.memref_slice %arg2[%add3A_4] : memref<212992xi32, #tpu.memory_space<hbm>> -> memref<416xi32, #tpu.memory_space<hbm>>
      tpu.wait_dma2 semaphore(%run_scoped3A : memref<!tpu.dma_semaphore, #tpu.memory_space<semaphore_mem>>) src(%dma_wait3A_546 : memref<416xi32, #tpu.memory_space<hbm>>) dst(%arg14 : memref<416xi32, #tpu.memory_space<vmem>>)
      tpu.yield
    }) : () -> ()
    %dma_start3A = arith.constant 0 : i32
    %dma_start3A_5 = arith.constant 0 : i32
    %dma_start3A_6 = tpu.memref_slice %arg6[%dma_start3A, %dma_start3A_5] : memref<162500x128xf32, #tpu.memory_space<hbm>> -> memref<162500x128xf32, #tpu.memory_space<hbm>>
    tpu.enqueue_indirect_dma source(%dma_start3A_6 : memref<162500x128xf32, #tpu.memory_space<hbm>>) target(%arg15 : memref<416x128xf32, #tpu.memory_space<vmem>>) offsets(%arg14 : memref<416xi32, #tpu.memory_space<vmem>>) semaphore(%arg20 : memref<!tpu.dma_semaphore, #tpu.memory_space<semaphore_mem>>)
    %mul3A_7 = arith.constant 6656 : i32
    %mul3A_8 = arith.muli %add3A, %mul3A_7 : i32
    %add3A_9 = arith.constant 0 : i32
    %add3A_10 = arith.addi %mul3A_8, %add3A_9 : i32
    "tpu.region"() ({
      %run_scoped3A = tpu.sem_alloc : memref<!tpu.dma_semaphore, #tpu.memory_space<semaphore_mem>>
      %dma_start3A_543 = tpu.memref_slice %arg3[%add3A_10] : memref<212992xi32, #tpu.memory_space<hbm>> -> memref<416xi32, #tpu.memory_space<hbm>>
      %dma_start3A_544 = tpu.memref_slice %arg3[%add3A_10] : memref<212992xi32, #tpu.memory_space<hbm>> -> memref<416xi32, #tpu.memory_space<hbm>>
      tpu.enqueue_dma source(%dma_start3A_544 : memref<416xi32, #tpu.memory_space<hbm>>) target(%arg16 : memref<416xi32, #tpu.memory_space<vmem>>) target_semaphore(%run_scoped3A : memref<!tpu.dma_semaphore, #tpu.memory_space<semaphore_mem>>)
      %dma_wait3A_545 = tpu.memref_slice %arg3[%add3A_10] : memref<212992xi32, #tpu.memory_space<hbm>> -> memref<416xi32, #tpu.memory_space<hbm>>
      %dma_wait3A_546 = tpu.memref_slice %arg3[%add3A_10] : memref<212992xi32, #tpu.memory_space<hbm>> -> memref<416xi32, #tpu.memory_space<hbm>>
      tpu.wait_dma2 semaphore(%run_scoped3A : memref<!tpu.dma_semaphore, #tpu.memory_space<semaphore_mem>>) src(%dma_wait3A_546 : memref<416xi32, #tpu.memory_space<hbm>>) dst(%arg16 : memref<416xi32, #tpu.memory_space<vmem>>)
      tpu.yield
    }) : () -> ()
    %dma_start3A_11 = arith.constant 0 : i32
    %dma_start3A_12 = arith.constant 0 : i32
    %dma_start3A_13 = tpu.memref_slice %arg7[%dma_start3A_11, %dma_start3A_12] : memref<162500x128xf32, #tpu.memory_space<hbm>> -> memref<162500x128xf32, #tpu.memory_space<hbm>>
    tpu.enqueue_indirect_dma source(%dma_start3A_13 : memref<162500x128xf32, #tpu.memory_space<hbm>>) target(%arg17 : memref<416x128xf32, #tpu.memory_space<vmem>>) offsets(%arg16 : memref<416xi32, #tpu.memory_space<vmem>>) semaphore(%arg21 : memref<!tpu.dma_semaphore, #tpu.memory_space<semaphore_mem>>)
    %dma_wait3A = arith.constant 0 : i32
    %dma_wait3A_14 = arith.constant 0 : i32
    %dma_wait3A_15 = tpu.memref_slice %arg6[%dma_wait3A, %dma_wait3A_14] : memref<162500x128xf32, #tpu.memory_space<hbm>> -> memref<162500x128xf32, #tpu.memory_space<hbm>>
    tpu.wait_indirect_dma semaphore(%arg20 : memref<!tpu.dma_semaphore, #tpu.memory_space<semaphore_mem>>) src(%dma_wait3A_15 : memref<162500x128xf32, #tpu.memory_space<hbm>>) dst(%arg15 : memref<416x128xf32, #tpu.memory_space<vmem>>)
    %mul3A_16 = arith.constant 6656 : i32
    %mul3A_17 = arith.muli %add3A, %mul3A_16 : i32
    %add3A_18 = arith.constant 0 : i32
    %add3A_19 = arith.addi %mul3A_17, %add3A_18 : i32
    "tpu.region"() ({
      %run_scoped3A = tpu.sem_alloc : memref<!tpu.dma_semaphore, #tpu.memory_space<semaphore_mem>>
      %dma_start3A_543 = arith.constant 0 : i32
      %dma_start3A_544 = tpu.memref_slice %arg10[%add3A_19, %dma_start3A_543] : memref<212992x128xf32, #tpu.memory_space<hbm>> -> memref<416x128xf32, #tpu.memory_space<hbm>>
      %dma_start3A_545 = arith.constant 0 : i32
      %dma_start3A_546 = tpu.memref_slice %arg10[%add3A_19, %dma_start3A_545] : memref<212992x128xf32, #tpu.memory_space<hbm>> -> memref<416x128xf32, #tpu.memory_space<hbm>>
      tpu.enqueue_dma source(%arg15 : memref<416x128xf32, #tpu.memory_space<vmem>>) target(%dma_start3A_546 : memref<416x128xf32, #tpu.memory_space<hbm>>) target_semaphore(%run_scoped3A : memref<!tpu.dma_semaphore, #tpu.memory_space<semaphore_mem>>)
      %dma_wait3A_547 = arith.constant 0 : i32
      %dma_wait3A_548 = tpu.memref_slice %arg10[%add3A_19, %dma_wait3A_547] : memref<212992x128xf32, #tpu.memory_space<hbm>> -> memref<416x128xf32, #tpu.memory_space<hbm>>
      %dma_wait3A_549 = arith.constant 0 : i32
      %dma_wait3A_550 = tpu.memref_slice %arg10[%add3A_19, %dma_wait3A_549] : memref<212992x128xf32, #tpu.memory_space<hbm>> -> memref<416x128xf32, #tpu.memory_space<hbm>>
      tpu.wait_dma2 semaphore(%run_scoped3A : memref<!tpu.dma_semaphore, #tpu.memory_space<semaphore_mem>>) src(%arg15 : memref<416x128xf32, #tpu.memory_space<vmem>>) dst(%dma_wait3A_550 : memref<416x128xf32, #tpu.memory_space<hbm>>)
      tpu.yield
    }) : () -> ()
    %mul3A_20 = arith.constant 6656 : i32
    %mul3A_21 = arith.muli %add3A, %mul3A_20 : i32
    %add3A_22 = arith.constant 416 : i32
    %add3A_23 = arith.addi %mul3A_21, %add3A_22 : i32
    "tpu.region"() ({
      %run_scoped3A = tpu.sem_alloc : memref<!tpu.dma_semaphore, #tpu.memory_space<semaphore_mem>>
      %dma_start3A_543 = tpu.memref_slice %arg2[%add3A_23] : memref<212992xi32, #tpu.memory_space<hbm>> -> memref<416xi32, #tpu.memory_space<hbm>>
      %dma_start3A_544 = tpu.memref_slice %arg2[%add3A_23] : memref<212992xi32, #tpu.memory_space<hbm>> -> memref<416xi32, #tpu.memory_space<hbm>>
      tpu.enqueue_dma source(%dma_start3A_544 : memref<416xi32, #tpu.memory_space<hbm>>) target(%arg14 : memref<416xi32, #tpu.memory_space<vmem>>) target_semaphore(%run_scoped3A : memref<!tpu.dma_semaphore, #tpu.memory_space<semaphore_mem>>)
      %dma_wait3A_545 = tpu.memref_slice %arg2[%add3A_23] : memref<212992xi32, #tpu.memory_space<hbm>> -> memref<416xi32, #tpu.memory_space<hbm>>
      %dma_wait3A_546 = tpu.memref_slice %arg2[%add3A_23] : memref<212992xi32, #tpu.memory_space<hbm>> -> memref<416xi32, #tpu.memory_space<hbm>>
      tpu.wait_dma2 semaphore(%run_scoped3A : memref<!tpu.dma_semaphore, #tpu.memory_space<semaphore_mem>>) src(%dma_wait3A_546 : memref<416xi32, #tpu.memory_space<hbm>>) dst(%arg14 : memref<416xi32, #tpu.memory_space<vmem>>)
      tpu.yield
    }) : () -> ()
    %dma_start3A_24 = arith.constant 0 : i32
    %dma_start3A_25 = arith.constant 0 : i32
    %dma_start3A_26 = tpu.memref_slice %arg6[%dma_start3A_24, %dma_start3A_25] : memref<162500x128xf32, #tpu.memory_space<hbm>> -> memref<162500x128xf32, #tpu.memory_space<hbm>>
    tpu.enqueue_indirect_dma source(%dma_start3A_26 : memref<162500x128xf32, #tpu.memory_space<hbm>>) target(%arg15 : memref<416x128xf32, #tpu.memory_space<vmem>>) offsets(%arg14 : memref<416xi32, #tpu.memory_space<vmem>>) semaphore(%arg20 : memref<!tpu.dma_semaphore, #tpu.memory_space<semaphore_mem>>)
    %dma_wait3A_27 = arith.constant 0 : i32
    %dma_wait3A_28 = arith.constant 0 : i32
    %dma_wait3A_29 = tpu.memref_slice %arg7[%dma_wait3A_27, %dma_wait3A_28] : memref<162500x128xf32, #tpu.memory_space<hbm>> -> memref<162500x128xf32, #tpu.memory_space<hbm>>
    tpu.wait_indirect_dma semaphore(%arg21 : memref<!tpu.dma_semaphore, #tpu.memory_space<semaphore_mem>>) src(%dma_wait3A_29 : memref<162500x128xf32, #tpu.memory_space<hbm>>) dst(%arg17 : memref<416x128xf32, #tpu.memory_space<vmem>>)
    %mul3A_30 = arith.constant 6656 : i32
    %mul3A_31 = arith.muli %add3A, %mul3A_30 : i32
    %add3A_32 = arith.constant 0 : i32
    %add3A_33 = arith.addi %mul3A_31, %add3A_32 : i32
    "tpu.region"() ({
      %run_scoped3A = tpu.sem_alloc : memref<!tpu.dma_semaphore, #tpu.memory_space<semaphore_mem>>
      %dma_start3A_543 = arith.constant 0 : i32
      %dma_start3A_544 = tpu.memref_slice %arg11[%add3A_33, %dma_start3A_543] : memref<212992x128xf32, #tpu.memory_space<hbm>> -> memref<416x128xf32, #tpu.memory_space<hbm>>
      %dma_start3A_545 = arith.constant 0 : i32
      %dma_start3A_546 = tpu.memref_slice %arg11[%add3A_33, %dma_start3A_545] : memref<212992x128xf32, #tpu.memory_space<hbm>> -> memref<416x128xf32, #tpu.memory_space<hbm>>
      tpu.enqueue_dma source(%arg17 : memref<416x128xf32, #tpu.memory_space<vmem>>) target(%dma_start3A_546 : memref<416x128xf32, #tpu.memory_space<hbm>>) target_semaphore(%run_scoped3A : memref<!tpu.dma_semaphore, #tpu.memory_space<semaphore_mem>>)
      %dma_wait3A_547 = arith.constant 0 : i32
      %dma_wait3A_548 = tpu.memref_slice %arg11[%add3A_33, %dma_wait3A_547] : memref<212992x128xf32, #tpu.memory_space<hbm>> -> memref<416x128xf32, #tpu.memory_space<hbm>>
      %dma_wait3A_549 = arith.constant 0 : i32
      %dma_wait3A_550 = tpu.memref_slice %arg11[%add3A_33, %dma_wait3A_549] : memref<212992x128xf32, #tpu.memory_space<hbm>> -> memref<416x128xf32, #tpu.memory_space<hbm>>
      tpu.wait_dma2 semaphore(%run_scoped3A : memref<!tpu.dma_semaphore, #tpu.memory_space<semaphore_mem>>) src(%arg17 : memref<416x128xf32, #tpu.memory_space<vmem>>) dst(%dma_wait3A_550 : memref<416x128xf32, #tpu.memory_space<hbm>>)
      tpu.yield
    }) : () -> ()
    %mul3A_34 = arith.constant 6656 : i32
    %mul3A_35 = arith.muli %add3A, %mul3A_34 : i32
    %add3A_36 = arith.constant 416 : i32
    %add3A_37 = arith.addi %mul3A_35, %add3A_36 : i32
    "tpu.region"() ({
      %run_scoped3A = tpu.sem_alloc : memref<!tpu.dma_semaphore, #tpu.memory_space<semaphore_mem>>
      %dma_start3A_543 = tpu.memref_slice %arg3[%add3A_37] : memref<212992xi32, #tpu.memory_space<hbm>> -> memref<416xi32, #tpu.memory_space<hbm>>
      %dma_start3A_544 = tpu.memref_slice %arg3[%add3A_37] : memref<212992xi32, #tpu.memory_space<hbm>> -> memref<416xi32, #tpu.memory_space<hbm>>
      tpu.enqueue_dma source(%dma_start3A_544 : memref<416xi32, #tpu.memory_space<hbm>>) target(%arg16 : memref<416xi32, #tpu.memory_space<vmem>>) target_semaphore(%run_scoped3A : memref<!tpu.dma_semaphore, #tpu.memory_space<semaphore_mem>>)
      %dma_wait3A_545 = tpu.memref_slice %arg3[%add3A_37] : memref<212992xi32, #tpu.memory_space<hbm>> -> memref<416xi32, #tpu.memory_space<hbm>>
      %dma_wait3A_546 = tpu.memref_slice %arg3[%add3A_37] : memref<212992xi32, #tpu.memory_space<hbm>> -> memref<416xi32, #tpu.memory_space<hbm>>
      tpu.wait_dma2 semaphore(%run_scoped3A : memref<!tpu.dma_semaphore, #tpu.memory_space<semaphore_mem>>) src(%dma_wait3A_546 : memref<416xi32, #tpu.memory_space<hbm>>) dst(%arg16 : memref<416xi32, #tpu.memory_space<vmem>>)
      tpu.yield
    }) : () -> ()
    %dma_start3A_38 = arith.constant 0 : i32
    %dma_start3A_39 = arith.constant 0 : i32
    %dma_start3A_40 = tpu.memref_slice %arg7[%dma_start3A_38, %dma_start3A_39] : memref<162500x128xf32, #tpu.memory_space<hbm>> -> memref<162500x128xf32, #tpu.memory_space<hbm>>
    tpu.enqueue_indirect_dma source(%dma_start3A_40 : memref<162500x128xf32, #tpu.memory_space<hbm>>) target(%arg17 : memref<416x128xf32, #tpu.memory_space<vmem>>) offsets(%arg16 : memref<416xi32, #tpu.memory_space<vmem>>) semaphore(%arg21 : memref<!tpu.dma_semaphore, #tpu.memory_space<semaphore_mem>>)
    %dma_wait3A_41 = arith.constant 0 : i32
    %dma_wait3A_42 = arith.constant 0 : i32
    %dma_wait3A_43 = tpu.memref_slice %arg6[%dma_wait3A_41, %dma_wait3A_42] : memref<162500x128xf32, #tpu.memory_space<hbm>> -> memref<162500x128xf32, #tpu.memory_space<hbm>>
    tpu.wait_indirect_dma semaphore(%arg20 : memref<!tpu.dma_semaphore, #tpu.memory_space<semaphore_mem>>) src(%dma_wait3A_43 : memref<162500x128xf32, #tpu.memory_space<hbm>>) dst(%arg15 : memref<416x128xf32, #tpu.memory_space<vmem>>)
    %mul3A_44 = arith.constant 6656 : i32
    %mul3A_45 = arith.muli %add3A, %mul3A_44 : i32
    %add3A_46 = arith.constant 416 : i32
    %add3A_47 = arith.addi %mul3A_45, %add3A_46 : i32
    "tpu.region"() ({
      %run_scoped3A = tpu.sem_alloc : memref<!tpu.dma_semaphore, #tpu.memory_space<semaphore_mem>>
      %dma_start3A_543 = arith.constant 0 : i32
      %dma_start3A_544 = tpu.memref_slice %arg10[%add3A_47, %dma_start3A_543] : memref<212992x128xf32, #tpu.memory_space<hbm>> -> memref<416x128xf32, #tpu.memory_space<hbm>>
      %dma_start3A_545 = arith.constant 0 : i32
      %dma_start3A_546 = tpu.memref_slice %arg10[%add3A_47, %dma_start3A_545] : memref<212992x128xf32, #tpu.memory_space<hbm>> -> memref<416x128xf32, #tpu.memory_space<hbm>>
      tpu.enqueue_dma source(%arg15 : memref<416x128xf32, #tpu.memory_space<vmem>>) target(%dma_start3A_546 : memref<416x128xf32, #tpu.memory_space<hbm>>) target_semaphore(%run_scoped3A : memref<!tpu.dma_semaphore, #tpu.memory_space<semaphore_mem>>)
      %dma_wait3A_547 = arith.constant 0 : i32
      %dma_wait3A_548 = tpu.memref_slice %arg10[%add3A_47, %dma_wait3A_547] : memref<212992x128xf32, #tpu.memory_space<hbm>> -> memref<416x128xf32, #tpu.memory_space<hbm>>
      %dma_wait3A_549 = arith.constant 0 : i32
      %dma_wait3A_550 = tpu.memref_slice %arg10[%add3A_47, %dma_wait3A_549] : memref<212992x128xf32, #tpu.memory_space<hbm>> -> memref<416x128xf32, #tpu.memory_space<hbm>>
      tpu.wait_dma2 semaphore(%run_scoped3A : memref<!tpu.dma_semaphore, #tpu.memory_space<semaphore_mem>>) src(%arg15 : memref<416x128xf32, #tpu.memory_space<vmem>>) dst(%dma_wait3A_550 : memref<416x128xf32, #tpu.memory_space<hbm>>)
      tpu.yield
    }) : () -> ()
    %mul3A_48 = arith.constant 6656 : i32
    %mul3A_49 = arith.muli %add3A, %mul3A_48 : i32
    %add3A_50 = arith.constant 832 : i32
    %add3A_51 = arith.addi %mul3A_49, %add3A_50 : i32
    "tpu.region"() ({
      %run_scoped3A = tpu.sem_alloc : memref<!tpu.dma_semaphore, #tpu.memory_space<semaphore_mem>>
      %dma_start3A_543 = tpu.memref_slice %arg2[%add3A_51] : memref<212992xi32, #tpu.memory_space<hbm>> -> memref<416xi32, #tpu.memory_space<hbm>>
      %dma_start3A_544 = tpu.memref_slice %arg2[%add3A_51] : memref<212992xi32, #tpu.memory_space<hbm>> -> memref<416xi32, #tpu.memory_space<hbm>>
      tpu.enqueue_dma source(%dma_start3A_544 : memref<416xi32, #tpu.memory_space<hbm>>) target(%arg14 : memref<416xi32, #tpu.memory_space<vmem>>) target_semaphore(%run_scoped3A : memref<!tpu.dma_semaphore, #tpu.memory_space<semaphore_mem>>)
      %dma_wait3A_545 = tpu.memref_slice %arg2[%add3A_51] : memref<212992xi32, #tpu.memory_space<hbm>> -> memref<416xi32, #tpu.memory_space<hbm>>
      %dma_wait3A_546 = tpu.memref_slice %arg2[%add3A_51] : memref<212992xi32, #tpu.memory_space<hbm>> -> memref<416xi32, #tpu.memory_space<hbm>>
      tpu.wait_dma2 semaphore(%run_scoped3A : memref<!tpu.dma_semaphore, #tpu.memory_space<semaphore_mem>>) src(%dma_wait3A_546 : memref<416xi32, #tpu.memory_space<hbm>>) dst(%arg14 : memref<416xi32, #tpu.memory_space<vmem>>)
      tpu.yield
    }) : () -> ()
    %dma_start3A_52 = arith.constant 0 : i32
    %dma_start3A_53 = arith.constant 0 : i32
    %dma_start3A_54 = tpu.memref_slice %arg6[%dma_start3A_52, %dma_start3A_53] : memref<162500x128xf32, #tpu.memory_space<hbm>> -> memref<162500x128xf32, #tpu.memory_space<hbm>>
    tpu.enqueue_indirect_dma source(%dma_start3A_54 : memref<162500x128xf32, #tpu.memory_space<hbm>>) target(%arg15 : memref<416x128xf32, #tpu.memory_space<vmem>>) offsets(%arg14 : memref<416xi32, #tpu.memory_space<vmem>>) semaphore(%arg20 : memref<!tpu.dma_semaphore, #tpu.memory_space<semaphore_mem>>)
    %dma_wait3A_55 = arith.constant 0 : i32
    %dma_wait3A_56 = arith.constant 0 : i32
    %dma_wait3A_57 = tpu.memref_slice %arg7[%dma_wait3A_55, %dma_wait3A_56] : memref<162500x128xf32, #tpu.memory_space<hbm>> -> memref<162500x128xf32, #tpu.memory_space<hbm>>
    tpu.wait_indirect_dma semaphore(%arg21 : memref<!tpu.dma_semaphore, #tpu.memory_space<semaphore_mem>>) src(%dma_wait3A_57 : memref<162500x128xf32, #tpu.memory_space<hbm>>) dst(%arg17 : memref<416x128xf32, #tpu.memory_space<vmem>>)
    %mul3A_58 = arith.constant 6656 : i32
    %mul3A_59 = arith.muli %add3A, %mul3A_58 : i32
    %add3A_60 = arith.constant 416 : i32
    %add3A_61 = arith.addi %mul3A_59, %add3A_60 : i32
    "tpu.region"() ({
      %run_scoped3A = tpu.sem_alloc : memref<!tpu.dma_semaphore, #tpu.memory_space<semaphore_mem>>
      %dma_start3A_543 = arith.constant 0 : i32
      %dma_start3A_544 = tpu.memref_slice %arg11[%add3A_61, %dma_start3A_543] : memref<212992x128xf32, #tpu.memory_space<hbm>> -> memref<416x128xf32, #tpu.memory_space<hbm>>
      %dma_start3A_545 = arith.constant 0 : i32
      %dma_start3A_546 = tpu.memref_slice %arg11[%add3A_61, %dma_start3A_545] : memref<212992x128xf32, #tpu.memory_space<hbm>> -> memref<416x128xf32, #tpu.memory_space<hbm>>
      tpu.enqueue_dma source(%arg17 : memref<416x128xf32, #tpu.memory_space<vmem>>) target(%dma_start3A_546 : memref<416x128xf32, #tpu.memory_space<hbm>>) target_semaphore(%run_scoped3A : memref<!tpu.dma_semaphore, #tpu.memory_space<semaphore_mem>>)
      %dma_wait3A_547 = arith.constant 0 : i32
      %dma_wait3A_548 = tpu.memref_slice %arg11[%add3A_61, %dma_wait3A_547] : memref<212992x128xf32, #tpu.memory_space<hbm>> -> memref<416x128xf32, #tpu.memory_space<hbm>>
      %dma_wait3A_549 = arith.constant 0 : i32
      %dma_wait3A_550 = tpu.memref_slice %arg11[%add3A_61, %dma_wait3A_549] : memref<212992x128xf32, #tpu.memory_space<hbm>> -> memref<416x128xf32, #tpu.memory_space<hbm>>
      tpu.wait_dma2 semaphore(%run_scoped3A : memref<!tpu.dma_semaphore, #tpu.memory_space<semaphore_mem>>) src(%arg17 : memref<416x128xf32, #tpu.memory_space<vmem>>) dst(%dma_wait3A_550 : memref<416x128xf32, #tpu.memory_space<hbm>>)
      tpu.yield
    }) : () -> ()
    %mul3A_62 = arith.constant 6656 : i32
    %mul3A_63 = arith.muli %add3A, %mul3A_62 : i32
    %add3A_64 = arith.constant 832 : i32
    %add3A_65 = arith.addi %mul3A_63, %add3A_64 : i32
    "tpu.region"() ({
      %run_scoped3A = tpu.sem_alloc : memref<!tpu.dma_semaphore, #tpu.memory_space<semaphore_mem>>
      %dma_start3A_543 = tpu.memref_slice %arg3[%add3A_65] : memref<212992xi32, #tpu.memory_space<hbm>> -> memref<416xi32, #tpu.memory_space<hbm>>
      %dma_start3A_544 = tpu.memref_slice %arg3[%add3A_65] : memref<212992xi32, #tpu.memory_space<hbm>> -> memref<416xi32, #tpu.memory_space<hbm>>
      tpu.enqueue_dma source(%dma_start3A_544 : memref<416xi32, #tpu.memory_space<hbm>>) target(%arg16 : memref<416xi32, #tpu.memory_space<vmem>>) target_semaphore(%run_scoped3A : memref<!tpu.dma_semaphore, #tpu.memory_space<semaphore_mem>>)
      %dma_wait3A_545 = tpu.memref_slice %arg3[%add3A_65] : memref<212992xi32, #tpu.memory_space<hbm>> -> memref<416xi32, #tpu.memory_space<hbm>>
      %dma_wait3A_546 = tpu.memref_slice %arg3[%add3A_65] : memref<212992xi32, #tpu.memory_space<hbm>> -> memref<416xi32, #tpu.memory_space<hbm>>
      tpu.wait_dma2 semaphore(%run_scoped3A : memref<!tpu.dma_semaphore, #tpu.memory_space<semaphore_mem>>) src(%dma_wait3A_546 : memref<416xi32, #tpu.memory_space<hbm>>) dst(%arg16 : memref<416xi32, #tpu.memory_space<vmem>>)
      tpu.yield
    }) : () -> ()
    %dma_start3A_66 = arith.constant 0 : i32
    %dma_start3A_67 = arith.constant 0 : i32
    %dma_start3A_68 = tpu.memref_slice %arg7[%dma_start3A_66, %dma_start3A_67] : memref<162500x128xf32, #tpu.memory_space<hbm>> -> memref<162500x128xf32, #tpu.memory_space<hbm>>
    tpu.enqueue_indirect_dma source(%dma_start3A_68 : memref<162500x128xf32, #tpu.memory_space<hbm>>) target(%arg17 : memref<416x128xf32, #tpu.memory_space<vmem>>) offsets(%arg16 : memref<416xi32, #tpu.memory_space<vmem>>) semaphore(%arg21 : memref<!tpu.dma_semaphore, #tpu.memory_space<semaphore_mem>>)
    %dma_wait3A_69 = arith.constant 0 : i32
    %dma_wait3A_70 = arith.constant 0 : i32
    %dma_wait3A_71 = tpu.memref_slice %arg6[%dma_wait3A_69, %dma_wait3A_70] : memref<162500x128xf32, #tpu.memory_space<hbm>> -> memref<162500x128xf32, #tpu.memory_space<hbm>>
    tpu.wait_indirect_dma semaphore(%arg20 : memref<!tpu.dma_semaphore, #tpu.memory_space<semaphore_mem>>) src(%dma_wait3A_71 : memref<162500x128xf32, #tpu.memory_space<hbm>>) dst(%arg15 : memref<416x128xf32, #tpu.memory_space<vmem>>)
    %mul3A_72 = arith.constant 6656 : i32
    %mul3A_73 = arith.muli %add3A, %mul3A_72 : i32
    %add3A_74 = arith.constant 832 : i32
    %add3A_75 = arith.addi %mul3A_73, %add3A_74 : i32
    "tpu.region"() ({
      %run_scoped3A = tpu.sem_alloc : memref<!tpu.dma_semaphore, #tpu.memory_space<semaphore_mem>>
      %dma_start3A_543 = arith.constant 0 : i32
      %dma_start3A_544 = tpu.memref_slice %arg10[%add3A_75, %dma_start3A_543] : memref<212992x128xf32, #tpu.memory_space<hbm>> -> memref<416x128xf32, #tpu.memory_space<hbm>>
      %dma_start3A_545 = arith.constant 0 : i32
      %dma_start3A_546 = tpu.memref_slice %arg10[%add3A_75, %dma_start3A_545] : memref<212992x128xf32, #tpu.memory_space<hbm>> -> memref<416x128xf32, #tpu.memory_space<hbm>>
      tpu.enqueue_dma source(%arg15 : memref<416x128xf32, #tpu.memory_space<vmem>>) target(%dma_start3A_546 : memref<416x128xf32, #tpu.memory_space<hbm>>) target_semaphore(%run_scoped3A : memref<!tpu.dma_semaphore, #tpu.memory_space<semaphore_mem>>)
      %dma_wait3A_547 = arith.constant 0 : i32
      %dma_wait3A_548 = tpu.memref_slice %arg10[%add3A_75, %dma_wait3A_547] : memref<212992x128xf32, #tpu.memory_space<hbm>> -> memref<416x128xf32, #tpu.memory_space<hbm>>
      %dma_wait3A_549 = arith.constant 0 : i32
      %dma_wait3A_550 = tpu.memref_slice %arg10[%add3A_75, %dma_wait3A_549] : memref<212992x128xf32, #tpu.memory_space<hbm>> -> memref<416x128xf32, #tpu.memory_space<hbm>>
      tpu.wait_dma2 semaphore(%run_scoped3A : memref<!tpu.dma_semaphore, #tpu.memory_space<semaphore_mem>>) src(%arg15 : memref<416x128xf32, #tpu.memory_space<vmem>>) dst(%dma_wait3A_550 : memref<416x128xf32, #tpu.memory_space<hbm>>)
      tpu.yield
    }) : () -> ()
    %mul3A_76 = arith.constant 6656 : i32
    %mul3A_77 = arith.muli %add3A, %mul3A_76 : i32
    %add3A_78 = arith.constant 1248 : i32
    %add3A_79 = arith.addi %mul3A_77, %add3A_78 : i32
    "tpu.region"() ({
      %run_scoped3A = tpu.sem_alloc : memref<!tpu.dma_semaphore, #tpu.memory_space<semaphore_mem>>
      %dma_start3A_543 = tpu.memref_slice %arg2[%add3A_79] : memref<212992xi32, #tpu.memory_space<hbm>> -> memref<416xi32, #tpu.memory_space<hbm>>
      %dma_start3A_544 = tpu.memref_slice %arg2[%add3A_79] : memref<212992xi32, #tpu.memory_space<hbm>> -> memref<416xi32, #tpu.memory_space<hbm>>
      tpu.enqueue_dma source(%dma_start3A_544 : memref<416xi32, #tpu.memory_space<hbm>>) target(%arg14 : memref<416xi32, #tpu.memory_space<vmem>>) target_semaphore(%run_scoped3A : memref<!tpu.dma_semaphore, #tpu.memory_space<semaphore_mem>>)
      %dma_wait3A_545 = tpu.memref_slice %arg2[%add3A_79] : memref<212992xi32, #tpu.memory_space<hbm>> -> memref<416xi32, #tpu.memory_space<hbm>>
      %dma_wait3A_546 = tpu.memref_slice %arg2[%add3A_79] : memref<212992xi32, #tpu.memory_space<hbm>> -> memref<416xi32, #tpu.memory_space<hbm>>
      tpu.wait_dma2 semaphore(%run_scoped3A : memref<!tpu.dma_semaphore, #tpu.memory_space<semaphore_mem>>) src(%dma_wait3A_546 : memref<416xi32, #tpu.memory_space<hbm>>) dst(%arg14 : memref<416xi32, #tpu.memory_space<vmem>>)
      tpu.yield
    }) : () -> ()
    %dma_start3A_80 = arith.constant 0 : i32
    %dma_start3A_81 = arith.constant 0 : i32
    %dma_start3A_82 = tpu.memref_slice %arg6[%dma_start3A_80, %dma_start3A_81] : memref<162500x128xf32, #tpu.memory_space<hbm>> -> memref<162500x128xf32, #tpu.memory_space<hbm>>
    tpu.enqueue_indirect_dma source(%dma_start3A_82 : memref<162500x128xf32, #tpu.memory_space<hbm>>) target(%arg15 : memref<416x128xf32, #tpu.memory_space<vmem>>) offsets(%arg14 : memref<416xi32, #tpu.memory_space<vmem>>) semaphore(%arg20 : memref<!tpu.dma_semaphore, #tpu.memory_space<semaphore_mem>>)
    %dma_wait3A_83 = arith.constant 0 : i32
    %dma_wait3A_84 = arith.constant 0 : i32
    %dma_wait3A_85 = tpu.memref_slice %arg7[%dma_wait3A_83, %dma_wait3A_84] : memref<162500x128xf32, #tpu.memory_space<hbm>> -> memref<162500x128xf32, #tpu.memory_space<hbm>>
    tpu.wait_indirect_dma semaphore(%arg21 : memref<!tpu.dma_semaphore, #tpu.memory_space<semaphore_mem>>) src(%dma_wait3A_85 : memref<162500x128xf32, #tpu.memory_space<hbm>>) dst(%arg17 : memref<416x128xf32, #tpu.memory_space<vmem>>)
    %mul3A_86 = arith.constant 6656 : i32
    %mul3A_87 = arith.muli %add3A, %mul3A_86 : i32
    %add3A_88 = arith.constant 832 : i32
    %add3A_89 = arith.addi %mul3A_87, %add3A_88 : i32
    "tpu.region"() ({
      %run_scoped3A = tpu.sem_alloc : memref<!tpu.dma_semaphore, #tpu.memory_space<semaphore_mem>>
      %dma_start3A_543 = arith.constant 0 : i32
      %dma_start3A_544 = tpu.memref_slice %arg11[%add3A_89, %dma_start3A_543] : memref<212992x128xf32, #tpu.memory_space<hbm>> -> memref<416x128xf32, #tpu.memory_space<hbm>>
      %dma_start3A_545 = arith.constant 0 : i32
      %dma_start3A_546 = tpu.memref_slice %arg11[%add3A_89, %dma_start3A_545] : memref<212992x128xf32, #tpu.memory_space<hbm>> -> memref<416x128xf32, #tpu.memory_space<hbm>>
      tpu.enqueue_dma source(%arg17 : memref<416x128xf32, #tpu.memory_space<vmem>>) target(%dma_start3A_546 : memref<416x128xf32, #tpu.memory_space<hbm>>) target_semaphore(%run_scoped3A : memref<!tpu.dma_semaphore, #tpu.memory_space<semaphore_mem>>)
      %dma_wait3A_547 = arith.constant 0 : i32
      %dma_wait3A_548 = tpu.memref_slice %arg11[%add3A_89, %dma_wait3A_547] : memref<212992x128xf32, #tpu.memory_space<hbm>> -> memref<416x128xf32, #tpu.memory_space<hbm>>
      %dma_wait3A_549 = arith.constant 0 : i32
      %dma_wait3A_550 = tpu.memref_slice %arg11[%add3A_89, %dma_wait3A_549] : memref<212992x128xf32, #tpu.memory_space<hbm>> -> memref<416x128xf32, #tpu.memory_space<hbm>>
      tpu.wait_dma2 semaphore(%run_scoped3A : memref<!tpu.dma_semaphore, #tpu.memory_space<semaphore_mem>>) src(%arg17 : memref<416x128xf32, #tpu.memory_space<vmem>>) dst(%dma_wait3A_550 : memref<416x128xf32, #tpu.memory_space<hbm>>)
      tpu.yield
    }) : () -> ()
    %mul3A_90 = arith.constant 6656 : i32
    %mul3A_91 = arith.muli %add3A, %mul3A_90 : i32
    %add3A_92 = arith.constant 1248 : i32
    %add3A_93 = arith.addi %mul3A_91, %add3A_92 : i32
    "tpu.region"() ({
      %run_scoped3A = tpu.sem_alloc : memref<!tpu.dma_semaphore, #tpu.memory_space<semaphore_mem>>
      %dma_start3A_543 = tpu.memref_slice %arg3[%add3A_93] : memref<212992xi32, #tpu.memory_space<hbm>> -> memref<416xi32, #tpu.memory_space<hbm>>
      %dma_start3A_544 = tpu.memref_slice %arg3[%add3A_93] : memref<212992xi32, #tpu.memory_space<hbm>> -> memref<416xi32, #tpu.memory_space<hbm>>
      tpu.enqueue_dma source(%dma_start3A_544 : memref<416xi32, #tpu.memory_space<hbm>>) target(%arg16 : memref<416xi32, #tpu.memory_space<vmem>>) target_semaphore(%run_scoped3A : memref<!tpu.dma_semaphore, #tpu.memory_space<semaphore_mem>>)
      %dma_wait3A_545 = tpu.memref_slice %arg3[%add3A_93] : memref<212992xi32, #tpu.memory_space<hbm>> -> memref<416xi32, #tpu.memory_space<hbm>>
      %dma_wait3A_546 = tpu.memref_slice %arg3[%add3A_93] : memref<212992xi32, #tpu.memory_space<hbm>> -> memref<416xi32, #tpu.memory_space<hbm>>
      tpu.wait_dma2 semaphore(%run_scoped3A : memref<!tpu.dma_semaphore, #tpu.memory_space<semaphore_mem>>) src(%dma_wait3A_546 : memref<416xi32, #tpu.memory_space<hbm>>) dst(%arg16 : memref<416xi32, #tpu.memory_space<vmem>>)
      tpu.yield
    }) : () -> ()
    %dma_start3A_94 = arith.constant 0 : i32
    %dma_start3A_95 = arith.constant 0 : i32
    %dma_start3A_96 = tpu.memref_slice %arg7[%dma_start3A_94, %dma_start3A_95] : memref<162500x128xf32, #tpu.memory_space<hbm>> -> memref<162500x128xf32, #tpu.memory_space<hbm>>
    tpu.enqueue_indirect_dma source(%dma_start3A_96 : memref<162500x128xf32, #tpu.memory_space<hbm>>) target(%arg17 : memref<416x128xf32, #tpu.memory_space<vmem>>) offsets(%arg16 : memref<416xi32, #tpu.memory_space<vmem>>) semaphore(%arg21 : memref<!tpu.dma_semaphore, #tpu.memory_space<semaphore_mem>>)
    %dma_wait3A_97 = arith.constant 0 : i32
    %dma_wait3A_98 = arith.constant 0 : i32
    %dma_wait3A_99 = tpu.memref_slice %arg6[%dma_wait3A_97, %dma_wait3A_98] : memref<162500x128xf32, #tpu.memory_space<hbm>> -> memref<162500x128xf32, #tpu.memory_space<hbm>>
    tpu.wait_indirect_dma semaphore(%arg20 : memref<!tpu.dma_semaphore, #tpu.memory_space<semaphore_mem>>) src(%dma_wait3A_99 : memref<162500x128xf32, #tpu.memory_space<hbm>>) dst(%arg15 : memref<416x128xf32, #tpu.memory_space<vmem>>)
    %mul3A_100 = arith.constant 6656 : i32
    %mul3A_101 = arith.muli %add3A, %mul3A_100 : i32
    %add3A_102 = arith.constant 1248 : i32
    %add3A_103 = arith.addi %mul3A_101, %add3A_102 : i32
    "tpu.region"() ({
      %run_scoped3A = tpu.sem_alloc : memref<!tpu.dma_semaphore, #tpu.memory_space<semaphore_mem>>
      %dma_start3A_543 = arith.constant 0 : i32
      %dma_start3A_544 = tpu.memref_slice %arg10[%add3A_103, %dma_start3A_543] : memref<212992x128xf32, #tpu.memory_space<hbm>> -> memref<416x128xf32, #tpu.memory_space<hbm>>
      %dma_start3A_545 = arith.constant 0 : i32
      %dma_start3A_546 = tpu.memref_slice %arg10[%add3A_103, %dma_start3A_545] : memref<212992x128xf32, #tpu.memory_space<hbm>> -> memref<416x128xf32, #tpu.memory_space<hbm>>
      tpu.enqueue_dma source(%arg15 : memref<416x128xf32, #tpu.memory_space<vmem>>) target(%dma_start3A_546 : memref<416x128xf32, #tpu.memory_space<hbm>>) target_semaphore(%run_scoped3A : memref<!tpu.dma_semaphore, #tpu.memory_space<semaphore_mem>>)
      %dma_wait3A_547 = arith.constant 0 : i32
      %dma_wait3A_548 = tpu.memref_slice %arg10[%add3A_103, %dma_wait3A_547] : memref<212992x128xf32, #tpu.memory_space<hbm>> -> memref<416x128xf32, #tpu.memory_space<hbm>>
      %dma_wait3A_549 = arith.constant 0 : i32
      %dma_wait3A_550 = tpu.memref_slice %arg10[%add3A_103, %dma_wait3A_549] : memref<212992x128xf32, #tpu.memory_space<hbm>> -> memref<416x128xf32, #tpu.memory_space<hbm>>
      tpu.wait_dma2 semaphore(%run_scoped3A : memref<!tpu.dma_semaphore, #tpu.memory_space<semaphore_mem>>) src(%arg15 : memref<416x128xf32, #tpu.memory_space<vmem>>) dst(%dma_wait3A_550 : memref<416x128xf32, #tpu.memory_space<hbm>>)
      tpu.yield
    }) : () -> ()
    %mul3A_104 = arith.constant 6656 : i32
    %mul3A_105 = arith.muli %add3A, %mul3A_104 : i32
    %add3A_106 = arith.constant 1664 : i32
    %add3A_107 = arith.addi %mul3A_105, %add3A_106 : i32
    "tpu.region"() ({
      %run_scoped3A = tpu.sem_alloc : memref<!tpu.dma_semaphore, #tpu.memory_space<semaphore_mem>>
      %dma_start3A_543 = tpu.memref_slice %arg2[%add3A_107] : memref<212992xi32, #tpu.memory_space<hbm>> -> memref<416xi32, #tpu.memory_space<hbm>>
      %dma_start3A_544 = tpu.memref_slice %arg2[%add3A_107] : memref<212992xi32, #tpu.memory_space<hbm>> -> memref<416xi32, #tpu.memory_space<hbm>>
      tpu.enqueue_dma source(%dma_start3A_544 : memref<416xi32, #tpu.memory_space<hbm>>) target(%arg14 : memref<416xi32, #tpu.memory_space<vmem>>) target_semaphore(%run_scoped3A : memref<!tpu.dma_semaphore, #tpu.memory_space<semaphore_mem>>)
      %dma_wait3A_545 = tpu.memref_slice %arg2[%add3A_107] : memref<212992xi32, #tpu.memory_space<hbm>> -> memref<416xi32, #tpu.memory_space<hbm>>
      %dma_wait3A_546 = tpu.memref_slice %arg2[%add3A_107] : memref<212992xi32, #tpu.memory_space<hbm>> -> memref<416xi32, #tpu.memory_space<hbm>>
      tpu.wait_dma2 semaphore(%run_scoped3A : memref<!tpu.dma_semaphore, #tpu.memory_space<semaphore_mem>>) src(%dma_wait3A_546 : memref<416xi32, #tpu.memory_space<hbm>>) dst(%arg14 : memref<416xi32, #tpu.memory_space<vmem>>)
      tpu.yield
    }) : () -> ()
    %dma_start3A_108 = arith.constant 0 : i32
    %dma_start3A_109 = arith.constant 0 : i32
    %dma_start3A_110 = tpu.memref_slice %arg6[%dma_start3A_108, %dma_start3A_109] : memref<162500x128xf32, #tpu.memory_space<hbm>> -> memref<162500x128xf32, #tpu.memory_space<hbm>>
    tpu.enqueue_indirect_dma source(%dma_start3A_110 : memref<162500x128xf32, #tpu.memory_space<hbm>>) target(%arg15 : memref<416x128xf32, #tpu.memory_space<vmem>>) offsets(%arg14 : memref<416xi32, #tpu.memory_space<vmem>>) semaphore(%arg20 : memref<!tpu.dma_semaphore, #tpu.memory_space<semaphore_mem>>)
    %dma_wait3A_111 = arith.constant 0 : i32
    %dma_wait3A_112 = arith.constant 0 : i32
    %dma_wait3A_113 = tpu.memref_slice %arg7[%dma_wait3A_111, %dma_wait3A_112] : memref<162500x128xf32, #tpu.memory_space<hbm>> -> memref<162500x128xf32, #tpu.memory_space<hbm>>
    tpu.wait_indirect_dma semaphore(%arg21 : memref<!tpu.dma_semaphore, #tpu.memory_space<semaphore_mem>>) src(%dma_wait3A_113 : memref<162500x128xf32, #tpu.memory_space<hbm>>) dst(%arg17 : memref<416x128xf32, #tpu.memory_space<vmem>>)
    %mul3A_114 = arith.constant 6656 : i32
    %mul3A_115 = arith.muli %add3A, %mul3A_114 : i32
    %add3A_116 = arith.constant 1248 : i32
    %add3A_117 = arith.addi %mul3A_115, %add3A_116 : i32
    "tpu.region"() ({
      %run_scoped3A = tpu.sem_alloc : memref<!tpu.dma_semaphore, #tpu.memory_space<semaphore_mem>>
      %dma_start3A_543 = arith.constant 0 : i32
      %dma_start3A_544 = tpu.memref_slice %arg11[%add3A_117, %dma_start3A_543] : memref<212992x128xf32, #tpu.memory_space<hbm>> -> memref<416x128xf32, #tpu.memory_space<hbm>>
      %dma_start3A_545 = arith.constant 0 : i32
      %dma_start3A_546 = tpu.memref_slice %arg11[%add3A_117, %dma_start3A_545] : memref<212992x128xf32, #tpu.memory_space<hbm>> -> memref<416x128xf32, #tpu.memory_space<hbm>>
      tpu.enqueue_dma source(%arg17 : memref<416x128xf32, #tpu.memory_space<vmem>>) target(%dma_start3A_546 : memref<416x128xf32, #tpu.memory_space<hbm>>) target_semaphore(%run_scoped3A : memref<!tpu.dma_semaphore, #tpu.memory_space<semaphore_mem>>)
      %dma_wait3A_547 = arith.constant 0 : i32
      %dma_wait3A_548 = tpu.memref_slice %arg11[%add3A_117, %dma_wait3A_547] : memref<212992x128xf32, #tpu.memory_space<hbm>> -> memref<416x128xf32, #tpu.memory_space<hbm>>
      %dma_wait3A_549 = arith.constant 0 : i32
      %dma_wait3A_550 = tpu.memref_slice %arg11[%add3A_117, %dma_wait3A_549] : memref<212992x128xf32, #tpu.memory_space<hbm>> -> memref<416x128xf32, #tpu.memory_space<hbm>>
      tpu.wait_dma2 semaphore(%run_scoped3A : memref<!tpu.dma_semaphore, #tpu.memory_space<semaphore_mem>>) src(%arg17 : memref<416x128xf32, #tpu.memory_space<vmem>>) dst(%dma_wait3A_550 : memref<416x128xf32, #tpu.memory_space<hbm>>)
      tpu.yield
    }) : () -> ()
    %mul3A_118 = arith.constant 6656 : i32
    %mul3A_119 = arith.muli %add3A, %mul3A_118 : i32
    %add3A_120 = arith.constant 1664 : i32
    %add3A_121 = arith.addi %mul3A_119, %add3A_120 : i32
    "tpu.region"() ({
      %run_scoped3A = tpu.sem_alloc : memref<!tpu.dma_semaphore, #tpu.memory_space<semaphore_mem>>
      %dma_start3A_543 = tpu.memref_slice %arg3[%add3A_121] : memref<212992xi32, #tpu.memory_space<hbm>> -> memref<416xi32, #tpu.memory_space<hbm>>
      %dma_start3A_544 = tpu.memref_slice %arg3[%add3A_121] : memref<212992xi32, #tpu.memory_space<hbm>> -> memref<416xi32, #tpu.memory_space<hbm>>
      tpu.enqueue_dma source(%dma_start3A_544 : memref<416xi32, #tpu.memory_space<hbm>>) target(%arg16 : memref<416xi32, #tpu.memory_space<vmem>>) target_semaphore(%run_scoped3A : memref<!tpu.dma_semaphore, #tpu.memory_space<semaphore_mem>>)
      %dma_wait3A_545 = tpu.memref_slice %arg3[%add3A_121] : memref<212992xi32, #tpu.memory_space<hbm>> -> memref<416xi32, #tpu.memory_space<hbm>>
      %dma_wait3A_546 = tpu.memref_slice %arg3[%add3A_121] : memref<212992xi32, #tpu.memory_space<hbm>> -> memref<416xi32, #tpu.memory_space<hbm>>
      tpu.wait_dma2 semaphore(%run_scoped3A : memref<!tpu.dma_semaphore, #tpu.memory_space<semaphore_mem>>) src(%dma_wait3A_546 : memref<416xi32, #tpu.memory_space<hbm>>) dst(%arg16 : memref<416xi32, #tpu.memory_space<vmem>>)
      tpu.yield
    }) : () -> ()
    %dma_start3A_122 = arith.constant 0 : i32
    %dma_start3A_123 = arith.constant 0 : i32
    %dma_start3A_124 = tpu.memref_slice %arg7[%dma_start3A_122, %dma_start3A_123] : memref<162500x128xf32, #tpu.memory_space<hbm>> -> memref<162500x128xf32, #tpu.memory_space<hbm>>
    tpu.enqueue_indirect_dma source(%dma_start3A_124 : memref<162500x128xf32, #tpu.memory_space<hbm>>) target(%arg17 : memref<416x128xf32, #tpu.memory_space<vmem>>) offsets(%arg16 : memref<416xi32, #tpu.memory_space<vmem>>) semaphore(%arg21 : memref<!tpu.dma_semaphore, #tpu.memory_space<semaphore_mem>>)
    %dma_wait3A_125 = arith.constant 0 : i32
    %dma_wait3A_126 = arith.constant 0 : i32
    %dma_wait3A_127 = tpu.memref_slice %arg6[%dma_wait3A_125, %dma_wait3A_126] : memref<162500x128xf32, #tpu.memory_space<hbm>> -> memref<162500x128xf32, #tpu.memory_space<hbm>>
    tpu.wait_indirect_dma semaphore(%arg20 : memref<!tpu.dma_semaphore, #tpu.memory_space<semaphore_mem>>) src(%dma_wait3A_127 : memref<162500x128xf32, #tpu.memory_space<hbm>>) dst(%arg15 : memref<416x128xf32, #tpu.memory_space<vmem>>)
    %mul3A_128 = arith.constant 6656 : i32
    %mul3A_129 = arith.muli %add3A, %mul3A_128 : i32
    %add3A_130 = arith.constant 1664 : i32
    %add3A_131 = arith.addi %mul3A_129, %add3A_130 : i32
    "tpu.region"() ({
      %run_scoped3A = tpu.sem_alloc : memref<!tpu.dma_semaphore, #tpu.memory_space<semaphore_mem>>
      %dma_start3A_543 = arith.constant 0 : i32
      %dma_start3A_544 = tpu.memref_slice %arg10[%add3A_131, %dma_start3A_543] : memref<212992x128xf32, #tpu.memory_space<hbm>> -> memref<416x128xf32, #tpu.memory_space<hbm>>
      %dma_start3A_545 = arith.constant 0 : i32
      %dma_start3A_546 = tpu.memref_slice %arg10[%add3A_131, %dma_start3A_545] : memref<212992x128xf32, #tpu.memory_space<hbm>> -> memref<416x128xf32, #tpu.memory_space<hbm>>
      tpu.enqueue_dma source(%arg15 : memref<416x128xf32, #tpu.memory_space<vmem>>) target(%dma_start3A_546 : memref<416x128xf32, #tpu.memory_space<hbm>>) target_semaphore(%run_scoped3A : memref<!tpu.dma_semaphore, #tpu.memory_space<semaphore_mem>>)
      %dma_wait3A_547 = arith.constant 0 : i32
      %dma_wait3A_548 = tpu.memref_slice %arg10[%add3A_131, %dma_wait3A_547] : memref<212992x128xf32, #tpu.memory_space<hbm>> -> memref<416x128xf32, #tpu.memory_space<hbm>>
      %dma_wait3A_549 = arith.constant 0 : i32
      %dma_wait3A_550 = tpu.memref_slice %arg10[%add3A_131, %dma_wait3A_549] : memref<212992x128xf32, #tpu.memory_space<hbm>> -> memref<416x128xf32, #tpu.memory_space<hbm>>
      tpu.wait_dma2 semaphore(%run_scoped3A : memref<!tpu.dma_semaphore, #tpu.memory_space<semaphore_mem>>) src(%arg15 : memref<416x128xf32, #tpu.memory_space<vmem>>) dst(%dma_wait3A_550 : memref<416x128xf32, #tpu.memory_space<hbm>>)
      tpu.yield
    }) : () -> ()
    %mul3A_132 = arith.constant 6656 : i32
    %mul3A_133 = arith.muli %add3A, %mul3A_132 : i32
    %add3A_134 = arith.constant 2080 : i32
    %add3A_135 = arith.addi %mul3A_133, %add3A_134 : i32
    "tpu.region"() ({
      %run_scoped3A = tpu.sem_alloc : memref<!tpu.dma_semaphore, #tpu.memory_space<semaphore_mem>>
      %dma_start3A_543 = tpu.memref_slice %arg2[%add3A_135] : memref<212992xi32, #tpu.memory_space<hbm>> -> memref<416xi32, #tpu.memory_space<hbm>>
      %dma_start3A_544 = tpu.memref_slice %arg2[%add3A_135] : memref<212992xi32, #tpu.memory_space<hbm>> -> memref<416xi32, #tpu.memory_space<hbm>>
      tpu.enqueue_dma source(%dma_start3A_544 : memref<416xi32, #tpu.memory_space<hbm>>) target(%arg14 : memref<416xi32, #tpu.memory_space<vmem>>) target_semaphore(%run_scoped3A : memref<!tpu.dma_semaphore, #tpu.memory_space<semaphore_mem>>)
      %dma_wait3A_545 = tpu.memref_slice %arg2[%add3A_135] : memref<212992xi32, #tpu.memory_space<hbm>> -> memref<416xi32, #tpu.memory_space<hbm>>
      %dma_wait3A_546 = tpu.memref_slice %arg2[%add3A_135] : memref<212992xi32, #tpu.memory_space<hbm>> -> memref<416xi32, #tpu.memory_space<hbm>>
      tpu.wait_dma2 semaphore(%run_scoped3A : memref<!tpu.dma_semaphore, #tpu.memory_space<semaphore_mem>>) src(%dma_wait3A_546 : memref<416xi32, #tpu.memory_space<hbm>>) dst(%arg14 : memref<416xi32, #tpu.memory_space<vmem>>)
      tpu.yield
    }) : () -> ()
    %dma_start3A_136 = arith.constant 0 : i32
    %dma_start3A_137 = arith.constant 0 : i32
    %dma_start3A_138 = tpu.memref_slice %arg6[%dma_start3A_136, %dma_start3A_137] : memref<162500x128xf32, #tpu.memory_space<hbm>> -> memref<162500x128xf32, #tpu.memory_space<hbm>>
    tpu.enqueue_indirect_dma source(%dma_start3A_138 : memref<162500x128xf32, #tpu.memory_space<hbm>>) target(%arg15 : memref<416x128xf32, #tpu.memory_space<vmem>>) offsets(%arg14 : memref<416xi32, #tpu.memory_space<vmem>>) semaphore(%arg20 : memref<!tpu.dma_semaphore, #tpu.memory_space<semaphore_mem>>)
    %dma_wait3A_139 = arith.constant 0 : i32
    %dma_wait3A_140 = arith.constant 0 : i32
    %dma_wait3A_141 = tpu.memref_slice %arg7[%dma_wait3A_139, %dma_wait3A_140] : memref<162500x128xf32, #tpu.memory_space<hbm>> -> memref<162500x128xf32, #tpu.memory_space<hbm>>
    tpu.wait_indirect_dma semaphore(%arg21 : memref<!tpu.dma_semaphore, #tpu.memory_space<semaphore_mem>>) src(%dma_wait3A_141 : memref<162500x128xf32, #tpu.memory_space<hbm>>) dst(%arg17 : memref<416x128xf32, #tpu.memory_space<vmem>>)
    %mul3A_142 = arith.constant 6656 : i32
    %mul3A_143 = arith.muli %add3A, %mul3A_142 : i32
    %add3A_144 = arith.constant 1664 : i32
    %add3A_145 = arith.addi %mul3A_143, %add3A_144 : i32
    "tpu.region"() ({
      %run_scoped3A = tpu.sem_alloc : memref<!tpu.dma_semaphore, #tpu.memory_space<semaphore_mem>>
      %dma_start3A_543 = arith.constant 0 : i32
      %dma_start3A_544 = tpu.memref_slice %arg11[%add3A_145, %dma_start3A_543] : memref<212992x128xf32, #tpu.memory_space<hbm>> -> memref<416x128xf32, #tpu.memory_space<hbm>>
      %dma_start3A_545 = arith.constant 0 : i32
      %dma_start3A_546 = tpu.memref_slice %arg11[%add3A_145, %dma_start3A_545] : memref<212992x128xf32, #tpu.memory_space<hbm>> -> memref<416x128xf32, #tpu.memory_space<hbm>>
      tpu.enqueue_dma source(%arg17 : memref<416x128xf32, #tpu.memory_space<vmem>>) target(%dma_start3A_546 : memref<416x128xf32, #tpu.memory_space<hbm>>) target_semaphore(%run_scoped3A : memref<!tpu.dma_semaphore, #tpu.memory_space<semaphore_mem>>)
      %dma_wait3A_547 = arith.constant 0 : i32
      %dma_wait3A_548 = tpu.memref_slice %arg11[%add3A_145, %dma_wait3A_547] : memref<212992x128xf32, #tpu.memory_space<hbm>> -> memref<416x128xf32, #tpu.memory_space<hbm>>
      %dma_wait3A_549 = arith.constant 0 : i32
      %dma_wait3A_550 = tpu.memref_slice %arg11[%add3A_145, %dma_wait3A_549] : memref<212992x128xf32, #tpu.memory_space<hbm>> -> memref<416x128xf32, #tpu.memory_space<hbm>>
      tpu.wait_dma2 semaphore(%run_scoped3A : memref<!tpu.dma_semaphore, #tpu.memory_space<semaphore_mem>>) src(%arg17 : memref<416x128xf32, #tpu.memory_space<vmem>>) dst(%dma_wait3A_550 : memref<416x128xf32, #tpu.memory_space<hbm>>)
      tpu.yield
    }) : () -> ()
    %mul3A_146 = arith.constant 6656 : i32
    %mul3A_147 = arith.muli %add3A, %mul3A_146 : i32
    %add3A_148 = arith.constant 2080 : i32
    %add3A_149 = arith.addi %mul3A_147, %add3A_148 : i32
    "tpu.region"() ({
      %run_scoped3A = tpu.sem_alloc : memref<!tpu.dma_semaphore, #tpu.memory_space<semaphore_mem>>
      %dma_start3A_543 = tpu.memref_slice %arg3[%add3A_149] : memref<212992xi32, #tpu.memory_space<hbm>> -> memref<416xi32, #tpu.memory_space<hbm>>
      %dma_start3A_544 = tpu.memref_slice %arg3[%add3A_149] : memref<212992xi32, #tpu.memory_space<hbm>> -> memref<416xi32, #tpu.memory_space<hbm>>
      tpu.enqueue_dma source(%dma_start3A_544 : memref<416xi32, #tpu.memory_space<hbm>>) target(%arg16 : memref<416xi32, #tpu.memory_space<vmem>>) target_semaphore(%run_scoped3A : memref<!tpu.dma_semaphore, #tpu.memory_space<semaphore_mem>>)
      %dma_wait3A_545 = tpu.memref_slice %arg3[%add3A_149] : memref<212992xi32, #tpu.memory_space<hbm>> -> memref<416xi32, #tpu.memory_space<hbm>>
      %dma_wait3A_546 = tpu.memref_slice %arg3[%add3A_149] : memref<212992xi32, #tpu.memory_space<hbm>> -> memref<416xi32, #tpu.memory_space<hbm>>
      tpu.wait_dma2 semaphore(%run_scoped3A : memref<!tpu.dma_semaphore, #tpu.memory_space<semaphore_mem>>) src(%dma_wait3A_546 : memref<416xi32, #tpu.memory_space<hbm>>) dst(%arg16 : memref<416xi32, #tpu.memory_space<vmem>>)
      tpu.yield
    }) : () -> ()
    %dma_start3A_150 = arith.constant 0 : i32
    %dma_start3A_151 = arith.constant 0 : i32
    %dma_start3A_152 = tpu.memref_slice %arg7[%dma_start3A_150, %dma_start3A_151] : memref<162500x128xf32, #tpu.memory_space<hbm>> -> memref<162500x128xf32, #tpu.memory_space<hbm>>
    tpu.enqueue_indirect_dma source(%dma_start3A_152 : memref<162500x128xf32, #tpu.memory_space<hbm>>) target(%arg17 : memref<416x128xf32, #tpu.memory_space<vmem>>) offsets(%arg16 : memref<416xi32, #tpu.memory_space<vmem>>) semaphore(%arg21 : memref<!tpu.dma_semaphore, #tpu.memory_space<semaphore_mem>>)
    %dma_wait3A_153 = arith.constant 0 : i32
    %dma_wait3A_154 = arith.constant 0 : i32
    %dma_wait3A_155 = tpu.memref_slice %arg6[%dma_wait3A_153, %dma_wait3A_154] : memref<162500x128xf32, #tpu.memory_space<hbm>> -> memref<162500x128xf32, #tpu.memory_space<hbm>>
    tpu.wait_indirect_dma semaphore(%arg20 : memref<!tpu.dma_semaphore, #tpu.memory_space<semaphore_mem>>) src(%dma_wait3A_155 : memref<162500x128xf32, #tpu.memory_space<hbm>>) dst(%arg15 : memref<416x128xf32, #tpu.memory_space<vmem>>)
    %mul3A_156 = arith.constant 6656 : i32
    %mul3A_157 = arith.muli %add3A, %mul3A_156 : i32
    %add3A_158 = arith.constant 2080 : i32
    %add3A_159 = arith.addi %mul3A_157, %add3A_158 : i32
    "tpu.region"() ({
      %run_scoped3A = tpu.sem_alloc : memref<!tpu.dma_semaphore, #tpu.memory_space<semaphore_mem>>
      %dma_start3A_543 = arith.constant 0 : i32
      %dma_start3A_544 = tpu.memref_slice %arg10[%add3A_159, %dma_start3A_543] : memref<212992x128xf32, #tpu.memory_space<hbm>> -> memref<416x128xf32, #tpu.memory_space<hbm>>
      %dma_start3A_545 = arith.constant 0 : i32
      %dma_start3A_546 = tpu.memref_slice %arg10[%add3A_159, %dma_start3A_545] : memref<212992x128xf32, #tpu.memory_space<hbm>> -> memref<416x128xf32, #tpu.memory_space<hbm>>
      tpu.enqueue_dma source(%arg15 : memref<416x128xf32, #tpu.memory_space<vmem>>) target(%dma_start3A_546 : memref<416x128xf32, #tpu.memory_space<hbm>>) target_semaphore(%run_scoped3A : memref<!tpu.dma_semaphore, #tpu.memory_space<semaphore_mem>>)
      %dma_wait3A_547 = arith.constant 0 : i32
      %dma_wait3A_548 = tpu.memref_slice %arg10[%add3A_159, %dma_wait3A_547] : memref<212992x128xf32, #tpu.memory_space<hbm>> -> memref<416x128xf32, #tpu.memory_space<hbm>>
      %dma_wait3A_549 = arith.constant 0 : i32
      %dma_wait3A_550 = tpu.memref_slice %arg10[%add3A_159, %dma_wait3A_549] : memref<212992x128xf32, #tpu.memory_space<hbm>> -> memref<416x128xf32, #tpu.memory_space<hbm>>
      tpu.wait_dma2 semaphore(%run_scoped3A : memref<!tpu.dma_semaphore, #tpu.memory_space<semaphore_mem>>) src(%arg15 : memref<416x128xf32, #tpu.memory_space<vmem>>) dst(%dma_wait3A_550 : memref<416x128xf32, #tpu.memory_space<hbm>>)
      tpu.yield
    }) : () -> ()
    %mul3A_160 = arith.constant 6656 : i32
    %mul3A_161 = arith.muli %add3A, %mul3A_160 : i32
    %add3A_162 = arith.constant 2496 : i32
    %add3A_163 = arith.addi %mul3A_161, %add3A_162 : i32
    "tpu.region"() ({
      %run_scoped3A = tpu.sem_alloc : memref<!tpu.dma_semaphore, #tpu.memory_space<semaphore_mem>>
      %dma_start3A_543 = tpu.memref_slice %arg2[%add3A_163] : memref<212992xi32, #tpu.memory_space<hbm>> -> memref<416xi32, #tpu.memory_space<hbm>>
      %dma_start3A_544 = tpu.memref_slice %arg2[%add3A_163] : memref<212992xi32, #tpu.memory_space<hbm>> -> memref<416xi32, #tpu.memory_space<hbm>>
      tpu.enqueue_dma source(%dma_start3A_544 : memref<416xi32, #tpu.memory_space<hbm>>) target(%arg14 : memref<416xi32, #tpu.memory_space<vmem>>) target_semaphore(%run_scoped3A : memref<!tpu.dma_semaphore, #tpu.memory_space<semaphore_mem>>)
      %dma_wait3A_545 = tpu.memref_slice %arg2[%add3A_163] : memref<212992xi32, #tpu.memory_space<hbm>> -> memref<416xi32, #tpu.memory_space<hbm>>
      %dma_wait3A_546 = tpu.memref_slice %arg2[%add3A_163] : memref<212992xi32, #tpu.memory_space<hbm>> -> memref<416xi32, #tpu.memory_space<hbm>>
      tpu.wait_dma2 semaphore(%run_scoped3A : memref<!tpu.dma_semaphore, #tpu.memory_space<semaphore_mem>>) src(%dma_wait3A_546 : memref<416xi32, #tpu.memory_space<hbm>>) dst(%arg14 : memref<416xi32, #tpu.memory_space<vmem>>)
      tpu.yield
    }) : () -> ()
    %dma_start3A_164 = arith.constant 0 : i32
    %dma_start3A_165 = arith.constant 0 : i32
    %dma_start3A_166 = tpu.memref_slice %arg6[%dma_start3A_164, %dma_start3A_165] : memref<162500x128xf32, #tpu.memory_space<hbm>> -> memref<162500x128xf32, #tpu.memory_space<hbm>>
    tpu.enqueue_indirect_dma source(%dma_start3A_166 : memref<162500x128xf32, #tpu.memory_space<hbm>>) target(%arg15 : memref<416x128xf32, #tpu.memory_space<vmem>>) offsets(%arg14 : memref<416xi32, #tpu.memory_space<vmem>>) semaphore(%arg20 : memref<!tpu.dma_semaphore, #tpu.memory_space<semaphore_mem>>)
    %dma_wait3A_167 = arith.constant 0 : i32
    %dma_wait3A_168 = arith.constant 0 : i32
    %dma_wait3A_169 = tpu.memref_slice %arg7[%dma_wait3A_167, %dma_wait3A_168] : memref<162500x128xf32, #tpu.memory_space<hbm>> -> memref<162500x128xf32, #tpu.memory_space<hbm>>
    tpu.wait_indirect_dma semaphore(%arg21 : memref<!tpu.dma_semaphore, #tpu.memory_space<semaphore_mem>>) src(%dma_wait3A_169 : memref<162500x128xf32, #tpu.memory_space<hbm>>) dst(%arg17 : memref<416x128xf32, #tpu.memory_space<vmem>>)
    %mul3A_170 = arith.constant 6656 : i32
    %mul3A_171 = arith.muli %add3A, %mul3A_170 : i32
    %add3A_172 = arith.constant 2080 : i32
    %add3A_173 = arith.addi %mul3A_171, %add3A_172 : i32
    "tpu.region"() ({
      %run_scoped3A = tpu.sem_alloc : memref<!tpu.dma_semaphore, #tpu.memory_space<semaphore_mem>>
      %dma_start3A_543 = arith.constant 0 : i32
      %dma_start3A_544 = tpu.memref_slice %arg11[%add3A_173, %dma_start3A_543] : memref<212992x128xf32, #tpu.memory_space<hbm>> -> memref<416x128xf32, #tpu.memory_space<hbm>>
      %dma_start3A_545 = arith.constant 0 : i32
      %dma_start3A_546 = tpu.memref_slice %arg11[%add3A_173, %dma_start3A_545] : memref<212992x128xf32, #tpu.memory_space<hbm>> -> memref<416x128xf32, #tpu.memory_space<hbm>>
      tpu.enqueue_dma source(%arg17 : memref<416x128xf32, #tpu.memory_space<vmem>>) target(%dma_start3A_546 : memref<416x128xf32, #tpu.memory_space<hbm>>) target_semaphore(%run_scoped3A : memref<!tpu.dma_semaphore, #tpu.memory_space<semaphore_mem>>)
      %dma_wait3A_547 = arith.constant 0 : i32
      %dma_wait3A_548 = tpu.memref_slice %arg11[%add3A_173, %dma_wait3A_547] : memref<212992x128xf32, #tpu.memory_space<hbm>> -> memref<416x128xf32, #tpu.memory_space<hbm>>
      %dma_wait3A_549 = arith.constant 0 : i32
      %dma_wait3A_550 = tpu.memref_slice %arg11[%add3A_173, %dma_wait3A_549] : memref<212992x128xf32, #tpu.memory_space<hbm>> -> memref<416x128xf32, #tpu.memory_space<hbm>>
      tpu.wait_dma2 semaphore(%run_scoped3A : memref<!tpu.dma_semaphore, #tpu.memory_space<semaphore_mem>>) src(%arg17 : memref<416x128xf32, #tpu.memory_space<vmem>>) dst(%dma_wait3A_550 : memref<416x128xf32, #tpu.memory_space<hbm>>)
      tpu.yield
    }) : () -> ()
    %mul3A_174 = arith.constant 6656 : i32
    %mul3A_175 = arith.muli %add3A, %mul3A_174 : i32
    %add3A_176 = arith.constant 2496 : i32
    %add3A_177 = arith.addi %mul3A_175, %add3A_176 : i32
    "tpu.region"() ({
      %run_scoped3A = tpu.sem_alloc : memref<!tpu.dma_semaphore, #tpu.memory_space<semaphore_mem>>
      %dma_start3A_543 = tpu.memref_slice %arg3[%add3A_177] : memref<212992xi32, #tpu.memory_space<hbm>> -> memref<416xi32, #tpu.memory_space<hbm>>
      %dma_start3A_544 = tpu.memref_slice %arg3[%add3A_177] : memref<212992xi32, #tpu.memory_space<hbm>> -> memref<416xi32, #tpu.memory_space<hbm>>
      tpu.enqueue_dma source(%dma_start3A_544 : memref<416xi32, #tpu.memory_space<hbm>>) target(%arg16 : memref<416xi32, #tpu.memory_space<vmem>>) target_semaphore(%run_scoped3A : memref<!tpu.dma_semaphore, #tpu.memory_space<semaphore_mem>>)
      %dma_wait3A_545 = tpu.memref_slice %arg3[%add3A_177] : memref<212992xi32, #tpu.memory_space<hbm>> -> memref<416xi32, #tpu.memory_space<hbm>>
      %dma_wait3A_546 = tpu.memref_slice %arg3[%add3A_177] : memref<212992xi32, #tpu.memory_space<hbm>> -> memref<416xi32, #tpu.memory_space<hbm>>
      tpu.wait_dma2 semaphore(%run_scoped3A : memref<!tpu.dma_semaphore, #tpu.memory_space<semaphore_mem>>) src(%dma_wait3A_546 : memref<416xi32, #tpu.memory_space<hbm>>) dst(%arg16 : memref<416xi32, #tpu.memory_space<vmem>>)
      tpu.yield
    }) : () -> ()
    %dma_start3A_178 = arith.constant 0 : i32
    %dma_start3A_179 = arith.constant 0 : i32
    %dma_start3A_180 = tpu.memref_slice %arg7[%dma_start3A_178, %dma_start3A_179] : memref<162500x128xf32, #tpu.memory_space<hbm>> -> memref<162500x128xf32, #tpu.memory_space<hbm>>
    tpu.enqueue_indirect_dma source(%dma_start3A_180 : memref<162500x128xf32, #tpu.memory_space<hbm>>) target(%arg17 : memref<416x128xf32, #tpu.memory_space<vmem>>) offsets(%arg16 : memref<416xi32, #tpu.memory_space<vmem>>) semaphore(%arg21 : memref<!tpu.dma_semaphore, #tpu.memory_space<semaphore_mem>>)
    %dma_wait3A_181 = arith.constant 0 : i32
    %dma_wait3A_182 = arith.constant 0 : i32
    %dma_wait3A_183 = tpu.memref_slice %arg6[%dma_wait3A_181, %dma_wait3A_182] : memref<162500x128xf32, #tpu.memory_space<hbm>> -> memref<162500x128xf32, #tpu.memory_space<hbm>>
    tpu.wait_indirect_dma semaphore(%arg20 : memref<!tpu.dma_semaphore, #tpu.memory_space<semaphore_mem>>) src(%dma_wait3A_183 : memref<162500x128xf32, #tpu.memory_space<hbm>>) dst(%arg15 : memref<416x128xf32, #tpu.memory_space<vmem>>)
    %mul3A_184 = arith.constant 6656 : i32
    %mul3A_185 = arith.muli %add3A, %mul3A_184 : i32
    %add3A_186 = arith.constant 2496 : i32
    %add3A_187 = arith.addi %mul3A_185, %add3A_186 : i32
    "tpu.region"() ({
      %run_scoped3A = tpu.sem_alloc : memref<!tpu.dma_semaphore, #tpu.memory_space<semaphore_mem>>
      %dma_start3A_543 = arith.constant 0 : i32
      %dma_start3A_544 = tpu.memref_slice %arg10[%add3A_187, %dma_start3A_543] : memref<212992x128xf32, #tpu.memory_space<hbm>> -> memref<416x128xf32, #tpu.memory_space<hbm>>
      %dma_start3A_545 = arith.constant 0 : i32
      %dma_start3A_546 = tpu.memref_slice %arg10[%add3A_187, %dma_start3A_545] : memref<212992x128xf32, #tpu.memory_space<hbm>> -> memref<416x128xf32, #tpu.memory_space<hbm>>
      tpu.enqueue_dma source(%arg15 : memref<416x128xf32, #tpu.memory_space<vmem>>) target(%dma_start3A_546 : memref<416x128xf32, #tpu.memory_space<hbm>>) target_semaphore(%run_scoped3A : memref<!tpu.dma_semaphore, #tpu.memory_space<semaphore_mem>>)
      %dma_wait3A_547 = arith.constant 0 : i32
      %dma_wait3A_548 = tpu.memref_slice %arg10[%add3A_187, %dma_wait3A_547] : memref<212992x128xf32, #tpu.memory_space<hbm>> -> memref<416x128xf32, #tpu.memory_space<hbm>>
      %dma_wait3A_549 = arith.constant 0 : i32
      %dma_wait3A_550 = tpu.memref_slice %arg10[%add3A_187, %dma_wait3A_549] : memref<212992x128xf32, #tpu.memory_space<hbm>> -> memref<416x128xf32, #tpu.memory_space<hbm>>
      tpu.wait_dma2 semaphore(%run_scoped3A : memref<!tpu.dma_semaphore, #tpu.memory_space<semaphore_mem>>) src(%arg15 : memref<416x128xf32, #tpu.memory_space<vmem>>) dst(%dma_wait3A_550 : memref<416x128xf32, #tpu.memory_space<hbm>>)
      tpu.yield
    }) : () -> ()
    %mul3A_188 = arith.constant 6656 : i32
    %mul3A_189 = arith.muli %add3A, %mul3A_188 : i32
    %add3A_190 = arith.constant 2912 : i32
    %add3A_191 = arith.addi %mul3A_189, %add3A_190 : i32
    "tpu.region"() ({
      %run_scoped3A = tpu.sem_alloc : memref<!tpu.dma_semaphore, #tpu.memory_space<semaphore_mem>>
      %dma_start3A_543 = tpu.memref_slice %arg2[%add3A_191] : memref<212992xi32, #tpu.memory_space<hbm>> -> memref<416xi32, #tpu.memory_space<hbm>>
      %dma_start3A_544 = tpu.memref_slice %arg2[%add3A_191] : memref<212992xi32, #tpu.memory_space<hbm>> -> memref<416xi32, #tpu.memory_space<hbm>>
      tpu.enqueue_dma source(%dma_start3A_544 : memref<416xi32, #tpu.memory_space<hbm>>) target(%arg14 : memref<416xi32, #tpu.memory_space<vmem>>) target_semaphore(%run_scoped3A : memref<!tpu.dma_semaphore, #tpu.memory_space<semaphore_mem>>)
      %dma_wait3A_545 = tpu.memref_slice %arg2[%add3A_191] : memref<212992xi32, #tpu.memory_space<hbm>> -> memref<416xi32, #tpu.memory_space<hbm>>
      %dma_wait3A_546 = tpu.memref_slice %arg2[%add3A_191] : memref<212992xi32, #tpu.memory_space<hbm>> -> memref<416xi32, #tpu.memory_space<hbm>>
      tpu.wait_dma2 semaphore(%run_scoped3A : memref<!tpu.dma_semaphore, #tpu.memory_space<semaphore_mem>>) src(%dma_wait3A_546 : memref<416xi32, #tpu.memory_space<hbm>>) dst(%arg14 : memref<416xi32, #tpu.memory_space<vmem>>)
      tpu.yield
    }) : () -> ()
    %dma_start3A_192 = arith.constant 0 : i32
    %dma_start3A_193 = arith.constant 0 : i32
    %dma_start3A_194 = tpu.memref_slice %arg6[%dma_start3A_192, %dma_start3A_193] : memref<162500x128xf32, #tpu.memory_space<hbm>> -> memref<162500x128xf32, #tpu.memory_space<hbm>>
    tpu.enqueue_indirect_dma source(%dma_start3A_194 : memref<162500x128xf32, #tpu.memory_space<hbm>>) target(%arg15 : memref<416x128xf32, #tpu.memory_space<vmem>>) offsets(%arg14 : memref<416xi32, #tpu.memory_space<vmem>>) semaphore(%arg20 : memref<!tpu.dma_semaphore, #tpu.memory_space<semaphore_mem>>)
    %dma_wait3A_195 = arith.constant 0 : i32
    %dma_wait3A_196 = arith.constant 0 : i32
    %dma_wait3A_197 = tpu.memref_slice %arg7[%dma_wait3A_195, %dma_wait3A_196] : memref<162500x128xf32, #tpu.memory_space<hbm>> -> memref<162500x128xf32, #tpu.memory_space<hbm>>
    tpu.wait_indirect_dma semaphore(%arg21 : memref<!tpu.dma_semaphore, #tpu.memory_space<semaphore_mem>>) src(%dma_wait3A_197 : memref<162500x128xf32, #tpu.memory_space<hbm>>) dst(%arg17 : memref<416x128xf32, #tpu.memory_space<vmem>>)
    %mul3A_198 = arith.constant 6656 : i32
    %mul3A_199 = arith.muli %add3A, %mul3A_198 : i32
    %add3A_200 = arith.constant 2496 : i32
    %add3A_201 = arith.addi %mul3A_199, %add3A_200 : i32
    "tpu.region"() ({
      %run_scoped3A = tpu.sem_alloc : memref<!tpu.dma_semaphore, #tpu.memory_space<semaphore_mem>>
      %dma_start3A_543 = arith.constant 0 : i32
      %dma_start3A_544 = tpu.memref_slice %arg11[%add3A_201, %dma_start3A_543] : memref<212992x128xf32, #tpu.memory_space<hbm>> -> memref<416x128xf32, #tpu.memory_space<hbm>>
      %dma_start3A_545 = arith.constant 0 : i32
      %dma_start3A_546 = tpu.memref_slice %arg11[%add3A_201, %dma_start3A_545] : memref<212992x128xf32, #tpu.memory_space<hbm>> -> memref<416x128xf32, #tpu.memory_space<hbm>>
      tpu.enqueue_dma source(%arg17 : memref<416x128xf32, #tpu.memory_space<vmem>>) target(%dma_start3A_546 : memref<416x128xf32, #tpu.memory_space<hbm>>) target_semaphore(%run_scoped3A : memref<!tpu.dma_semaphore, #tpu.memory_space<semaphore_mem>>)
      %dma_wait3A_547 = arith.constant 0 : i32
      %dma_wait3A_548 = tpu.memref_slice %arg11[%add3A_201, %dma_wait3A_547] : memref<212992x128xf32, #tpu.memory_space<hbm>> -> memref<416x128xf32, #tpu.memory_space<hbm>>
      %dma_wait3A_549 = arith.constant 0 : i32
      %dma_wait3A_550 = tpu.memref_slice %arg11[%add3A_201, %dma_wait3A_549] : memref<212992x128xf32, #tpu.memory_space<hbm>> -> memref<416x128xf32, #tpu.memory_space<hbm>>
      tpu.wait_dma2 semaphore(%run_scoped3A : memref<!tpu.dma_semaphore, #tpu.memory_space<semaphore_mem>>) src(%arg17 : memref<416x128xf32, #tpu.memory_space<vmem>>) dst(%dma_wait3A_550 : memref<416x128xf32, #tpu.memory_space<hbm>>)
      tpu.yield
    }) : () -> ()
    %mul3A_202 = arith.constant 6656 : i32
    %mul3A_203 = arith.muli %add3A, %mul3A_202 : i32
    %add3A_204 = arith.constant 2912 : i32
    %add3A_205 = arith.addi %mul3A_203, %add3A_204 : i32
    "tpu.region"() ({
      %run_scoped3A = tpu.sem_alloc : memref<!tpu.dma_semaphore, #tpu.memory_space<semaphore_mem>>
      %dma_start3A_543 = tpu.memref_slice %arg3[%add3A_205] : memref<212992xi32, #tpu.memory_space<hbm>> -> memref<416xi32, #tpu.memory_space<hbm>>
      %dma_start3A_544 = tpu.memref_slice %arg3[%add3A_205] : memref<212992xi32, #tpu.memory_space<hbm>> -> memref<416xi32, #tpu.memory_space<hbm>>
      tpu.enqueue_dma source(%dma_start3A_544 : memref<416xi32, #tpu.memory_space<hbm>>) target(%arg16 : memref<416xi32, #tpu.memory_space<vmem>>) target_semaphore(%run_scoped3A : memref<!tpu.dma_semaphore, #tpu.memory_space<semaphore_mem>>)
      %dma_wait3A_545 = tpu.memref_slice %arg3[%add3A_205] : memref<212992xi32, #tpu.memory_space<hbm>> -> memref<416xi32, #tpu.memory_space<hbm>>
      %dma_wait3A_546 = tpu.memref_slice %arg3[%add3A_205] : memref<212992xi32, #tpu.memory_space<hbm>> -> memref<416xi32, #tpu.memory_space<hbm>>
      tpu.wait_dma2 semaphore(%run_scoped3A : memref<!tpu.dma_semaphore, #tpu.memory_space<semaphore_mem>>) src(%dma_wait3A_546 : memref<416xi32, #tpu.memory_space<hbm>>) dst(%arg16 : memref<416xi32, #tpu.memory_space<vmem>>)
      tpu.yield
    }) : () -> ()
    %dma_start3A_206 = arith.constant 0 : i32
    %dma_start3A_207 = arith.constant 0 : i32
    %dma_start3A_208 = tpu.memref_slice %arg7[%dma_start3A_206, %dma_start3A_207] : memref<162500x128xf32, #tpu.memory_space<hbm>> -> memref<162500x128xf32, #tpu.memory_space<hbm>>
    tpu.enqueue_indirect_dma source(%dma_start3A_208 : memref<162500x128xf32, #tpu.memory_space<hbm>>) target(%arg17 : memref<416x128xf32, #tpu.memory_space<vmem>>) offsets(%arg16 : memref<416xi32, #tpu.memory_space<vmem>>) semaphore(%arg21 : memref<!tpu.dma_semaphore, #tpu.memory_space<semaphore_mem>>)
    %dma_wait3A_209 = arith.constant 0 : i32
    %dma_wait3A_210 = arith.constant 0 : i32
    %dma_wait3A_211 = tpu.memref_slice %arg6[%dma_wait3A_209, %dma_wait3A_210] : memref<162500x128xf32, #tpu.memory_space<hbm>> -> memref<162500x128xf32, #tpu.memory_space<hbm>>
    tpu.wait_indirect_dma semaphore(%arg20 : memref<!tpu.dma_semaphore, #tpu.memory_space<semaphore_mem>>) src(%dma_wait3A_211 : memref<162500x128xf32, #tpu.memory_space<hbm>>) dst(%arg15 : memref<416x128xf32, #tpu.memory_space<vmem>>)
    %mul3A_212 = arith.constant 6656 : i32
    %mul3A_213 = arith.muli %add3A, %mul3A_212 : i32
    %add3A_214 = arith.constant 2912 : i32
    %add3A_215 = arith.addi %mul3A_213, %add3A_214 : i32
    "tpu.region"() ({
      %run_scoped3A = tpu.sem_alloc : memref<!tpu.dma_semaphore, #tpu.memory_space<semaphore_mem>>
      %dma_start3A_543 = arith.constant 0 : i32
      %dma_start3A_544 = tpu.memref_slice %arg10[%add3A_215, %dma_start3A_543] : memref<212992x128xf32, #tpu.memory_space<hbm>> -> memref<416x128xf32, #tpu.memory_space<hbm>>
      %dma_start3A_545 = arith.constant 0 : i32
      %dma_start3A_546 = tpu.memref_slice %arg10[%add3A_215, %dma_start3A_545] : memref<212992x128xf32, #tpu.memory_space<hbm>> -> memref<416x128xf32, #tpu.memory_space<hbm>>
      tpu.enqueue_dma source(%arg15 : memref<416x128xf32, #tpu.memory_space<vmem>>) target(%dma_start3A_546 : memref<416x128xf32, #tpu.memory_space<hbm>>) target_semaphore(%run_scoped3A : memref<!tpu.dma_semaphore, #tpu.memory_space<semaphore_mem>>)
      %dma_wait3A_547 = arith.constant 0 : i32
      %dma_wait3A_548 = tpu.memref_slice %arg10[%add3A_215, %dma_wait3A_547] : memref<212992x128xf32, #tpu.memory_space<hbm>> -> memref<416x128xf32, #tpu.memory_space<hbm>>
      %dma_wait3A_549 = arith.constant 0 : i32
      %dma_wait3A_550 = tpu.memref_slice %arg10[%add3A_215, %dma_wait3A_549] : memref<212992x128xf32, #tpu.memory_space<hbm>> -> memref<416x128xf32, #tpu.memory_space<hbm>>
      tpu.wait_dma2 semaphore(%run_scoped3A : memref<!tpu.dma_semaphore, #tpu.memory_space<semaphore_mem>>) src(%arg15 : memref<416x128xf32, #tpu.memory_space<vmem>>) dst(%dma_wait3A_550 : memref<416x128xf32, #tpu.memory_space<hbm>>)
      tpu.yield
    }) : () -> ()
    %mul3A_216 = arith.constant 6656 : i32
    %mul3A_217 = arith.muli %add3A, %mul3A_216 : i32
    %add3A_218 = arith.constant 3328 : i32
    %add3A_219 = arith.addi %mul3A_217, %add3A_218 : i32
    "tpu.region"() ({
      %run_scoped3A = tpu.sem_alloc : memref<!tpu.dma_semaphore, #tpu.memory_space<semaphore_mem>>
      %dma_start3A_543 = tpu.memref_slice %arg2[%add3A_219] : memref<212992xi32, #tpu.memory_space<hbm>> -> memref<416xi32, #tpu.memory_space<hbm>>
      %dma_start3A_544 = tpu.memref_slice %arg2[%add3A_219] : memref<212992xi32, #tpu.memory_space<hbm>> -> memref<416xi32, #tpu.memory_space<hbm>>
      tpu.enqueue_dma source(%dma_start3A_544 : memref<416xi32, #tpu.memory_space<hbm>>) target(%arg14 : memref<416xi32, #tpu.memory_space<vmem>>) target_semaphore(%run_scoped3A : memref<!tpu.dma_semaphore, #tpu.memory_space<semaphore_mem>>)
      %dma_wait3A_545 = tpu.memref_slice %arg2[%add3A_219] : memref<212992xi32, #tpu.memory_space<hbm>> -> memref<416xi32, #tpu.memory_space<hbm>>
      %dma_wait3A_546 = tpu.memref_slice %arg2[%add3A_219] : memref<212992xi32, #tpu.memory_space<hbm>> -> memref<416xi32, #tpu.memory_space<hbm>>
      tpu.wait_dma2 semaphore(%run_scoped3A : memref<!tpu.dma_semaphore, #tpu.memory_space<semaphore_mem>>) src(%dma_wait3A_546 : memref<416xi32, #tpu.memory_space<hbm>>) dst(%arg14 : memref<416xi32, #tpu.memory_space<vmem>>)
      tpu.yield
    }) : () -> ()
    %dma_start3A_220 = arith.constant 0 : i32
    %dma_start3A_221 = arith.constant 0 : i32
    %dma_start3A_222 = tpu.memref_slice %arg6[%dma_start3A_220, %dma_start3A_221] : memref<162500x128xf32, #tpu.memory_space<hbm>> -> memref<162500x128xf32, #tpu.memory_space<hbm>>
    tpu.enqueue_indirect_dma source(%dma_start3A_222 : memref<162500x128xf32, #tpu.memory_space<hbm>>) target(%arg15 : memref<416x128xf32, #tpu.memory_space<vmem>>) offsets(%arg14 : memref<416xi32, #tpu.memory_space<vmem>>) semaphore(%arg20 : memref<!tpu.dma_semaphore, #tpu.memory_space<semaphore_mem>>)
    %dma_wait3A_223 = arith.constant 0 : i32
    %dma_wait3A_224 = arith.constant 0 : i32
    %dma_wait3A_225 = tpu.memref_slice %arg7[%dma_wait3A_223, %dma_wait3A_224] : memref<162500x128xf32, #tpu.memory_space<hbm>> -> memref<162500x128xf32, #tpu.memory_space<hbm>>
    tpu.wait_indirect_dma semaphore(%arg21 : memref<!tpu.dma_semaphore, #tpu.memory_space<semaphore_mem>>) src(%dma_wait3A_225 : memref<162500x128xf32, #tpu.memory_space<hbm>>) dst(%arg17 : memref<416x128xf32, #tpu.memory_space<vmem>>)
    %mul3A_226 = arith.constant 6656 : i32
    %mul3A_227 = arith.muli %add3A, %mul3A_226 : i32
    %add3A_228 = arith.constant 2912 : i32
    %add3A_229 = arith.addi %mul3A_227, %add3A_228 : i32
    "tpu.region"() ({
      %run_scoped3A = tpu.sem_alloc : memref<!tpu.dma_semaphore, #tpu.memory_space<semaphore_mem>>
      %dma_start3A_543 = arith.constant 0 : i32
      %dma_start3A_544 = tpu.memref_slice %arg11[%add3A_229, %dma_start3A_543] : memref<212992x128xf32, #tpu.memory_space<hbm>> -> memref<416x128xf32, #tpu.memory_space<hbm>>
      %dma_start3A_545 = arith.constant 0 : i32
      %dma_start3A_546 = tpu.memref_slice %arg11[%add3A_229, %dma_start3A_545] : memref<212992x128xf32, #tpu.memory_space<hbm>> -> memref<416x128xf32, #tpu.memory_space<hbm>>
      tpu.enqueue_dma source(%arg17 : memref<416x128xf32, #tpu.memory_space<vmem>>) target(%dma_start3A_546 : memref<416x128xf32, #tpu.memory_space<hbm>>) target_semaphore(%run_scoped3A : memref<!tpu.dma_semaphore, #tpu.memory_space<semaphore_mem>>)
      %dma_wait3A_547 = arith.constant 0 : i32
      %dma_wait3A_548 = tpu.memref_slice %arg11[%add3A_229, %dma_wait3A_547] : memref<212992x128xf32, #tpu.memory_space<hbm>> -> memref<416x128xf32, #tpu.memory_space<hbm>>
      %dma_wait3A_549 = arith.constant 0 : i32
      %dma_wait3A_550 = tpu.memref_slice %arg11[%add3A_229, %dma_wait3A_549] : memref<212992x128xf32, #tpu.memory_space<hbm>> -> memref<416x128xf32, #tpu.memory_space<hbm>>
      tpu.wait_dma2 semaphore(%run_scoped3A : memref<!tpu.dma_semaphore, #tpu.memory_space<semaphore_mem>>) src(%arg17 : memref<416x128xf32, #tpu.memory_space<vmem>>) dst(%dma_wait3A_550 : memref<416x128xf32, #tpu.memory_space<hbm>>)
      tpu.yield
    }) : () -> ()
    %mul3A_230 = arith.constant 6656 : i32
    %mul3A_231 = arith.muli %add3A, %mul3A_230 : i32
    %add3A_232 = arith.constant 3328 : i32
    %add3A_233 = arith.addi %mul3A_231, %add3A_232 : i32
    "tpu.region"() ({
      %run_scoped3A = tpu.sem_alloc : memref<!tpu.dma_semaphore, #tpu.memory_space<semaphore_mem>>
      %dma_start3A_543 = tpu.memref_slice %arg3[%add3A_233] : memref<212992xi32, #tpu.memory_space<hbm>> -> memref<416xi32, #tpu.memory_space<hbm>>
      %dma_start3A_544 = tpu.memref_slice %arg3[%add3A_233] : memref<212992xi32, #tpu.memory_space<hbm>> -> memref<416xi32, #tpu.memory_space<hbm>>
      tpu.enqueue_dma source(%dma_start3A_544 : memref<416xi32, #tpu.memory_space<hbm>>) target(%arg16 : memref<416xi32, #tpu.memory_space<vmem>>) target_semaphore(%run_scoped3A : memref<!tpu.dma_semaphore, #tpu.memory_space<semaphore_mem>>)
      %dma_wait3A_545 = tpu.memref_slice %arg3[%add3A_233] : memref<212992xi32, #tpu.memory_space<hbm>> -> memref<416xi32, #tpu.memory_space<hbm>>
      %dma_wait3A_546 = tpu.memref_slice %arg3[%add3A_233] : memref<212992xi32, #tpu.memory_space<hbm>> -> memref<416xi32, #tpu.memory_space<hbm>>
      tpu.wait_dma2 semaphore(%run_scoped3A : memref<!tpu.dma_semaphore, #tpu.memory_space<semaphore_mem>>) src(%dma_wait3A_546 : memref<416xi32, #tpu.memory_space<hbm>>) dst(%arg16 : memref<416xi32, #tpu.memory_space<vmem>>)
      tpu.yield
    }) : () -> ()
    %dma_start3A_234 = arith.constant 0 : i32
    %dma_start3A_235 = arith.constant 0 : i32
    %dma_start3A_236 = tpu.memref_slice %arg7[%dma_start3A_234, %dma_start3A_235] : memref<162500x128xf32, #tpu.memory_space<hbm>> -> memref<162500x128xf32, #tpu.memory_space<hbm>>
    tpu.enqueue_indirect_dma source(%dma_start3A_236 : memref<162500x128xf32, #tpu.memory_space<hbm>>) target(%arg17 : memref<416x128xf32, #tpu.memory_space<vmem>>) offsets(%arg16 : memref<416xi32, #tpu.memory_space<vmem>>) semaphore(%arg21 : memref<!tpu.dma_semaphore, #tpu.memory_space<semaphore_mem>>)
    %dma_wait3A_237 = arith.constant 0 : i32
    %dma_wait3A_238 = arith.constant 0 : i32
    %dma_wait3A_239 = tpu.memref_slice %arg6[%dma_wait3A_237, %dma_wait3A_238] : memref<162500x128xf32, #tpu.memory_space<hbm>> -> memref<162500x128xf32, #tpu.memory_space<hbm>>
    tpu.wait_indirect_dma semaphore(%arg20 : memref<!tpu.dma_semaphore, #tpu.memory_space<semaphore_mem>>) src(%dma_wait3A_239 : memref<162500x128xf32, #tpu.memory_space<hbm>>) dst(%arg15 : memref<416x128xf32, #tpu.memory_space<vmem>>)
    %mul3A_240 = arith.constant 6656 : i32
    %mul3A_241 = arith.muli %add3A, %mul3A_240 : i32
    %add3A_242 = arith.constant 3328 : i32
    %add3A_243 = arith.addi %mul3A_241, %add3A_242 : i32
    "tpu.region"() ({
      %run_scoped3A = tpu.sem_alloc : memref<!tpu.dma_semaphore, #tpu.memory_space<semaphore_mem>>
      %dma_start3A_543 = arith.constant 0 : i32
      %dma_start3A_544 = tpu.memref_slice %arg10[%add3A_243, %dma_start3A_543] : memref<212992x128xf32, #tpu.memory_space<hbm>> -> memref<416x128xf32, #tpu.memory_space<hbm>>
      %dma_start3A_545 = arith.constant 0 : i32
      %dma_start3A_546 = tpu.memref_slice %arg10[%add3A_243, %dma_start3A_545] : memref<212992x128xf32, #tpu.memory_space<hbm>> -> memref<416x128xf32, #tpu.memory_space<hbm>>
      tpu.enqueue_dma source(%arg15 : memref<416x128xf32, #tpu.memory_space<vmem>>) target(%dma_start3A_546 : memref<416x128xf32, #tpu.memory_space<hbm>>) target_semaphore(%run_scoped3A : memref<!tpu.dma_semaphore, #tpu.memory_space<semaphore_mem>>)
      %dma_wait3A_547 = arith.constant 0 : i32
      %dma_wait3A_548 = tpu.memref_slice %arg10[%add3A_243, %dma_wait3A_547] : memref<212992x128xf32, #tpu.memory_space<hbm>> -> memref<416x128xf32, #tpu.memory_space<hbm>>
      %dma_wait3A_549 = arith.constant 0 : i32
      %dma_wait3A_550 = tpu.memref_slice %arg10[%add3A_243, %dma_wait3A_549] : memref<212992x128xf32, #tpu.memory_space<hbm>> -> memref<416x128xf32, #tpu.memory_space<hbm>>
      tpu.wait_dma2 semaphore(%run_scoped3A : memref<!tpu.dma_semaphore, #tpu.memory_space<semaphore_mem>>) src(%arg15 : memref<416x128xf32, #tpu.memory_space<vmem>>) dst(%dma_wait3A_550 : memref<416x128xf32, #tpu.memory_space<hbm>>)
      tpu.yield
    }) : () -> ()
    %mul3A_244 = arith.constant 6656 : i32
    %mul3A_245 = arith.muli %add3A, %mul3A_244 : i32
    %add3A_246 = arith.constant 3744 : i32
    %add3A_247 = arith.addi %mul3A_245, %add3A_246 : i32
    "tpu.region"() ({
      %run_scoped3A = tpu.sem_alloc : memref<!tpu.dma_semaphore, #tpu.memory_space<semaphore_mem>>
      %dma_start3A_543 = tpu.memref_slice %arg2[%add3A_247] : memref<212992xi32, #tpu.memory_space<hbm>> -> memref<416xi32, #tpu.memory_space<hbm>>
      %dma_start3A_544 = tpu.memref_slice %arg2[%add3A_247] : memref<212992xi32, #tpu.memory_space<hbm>> -> memref<416xi32, #tpu.memory_space<hbm>>
      tpu.enqueue_dma source(%dma_start3A_544 : memref<416xi32, #tpu.memory_space<hbm>>) target(%arg14 : memref<416xi32, #tpu.memory_space<vmem>>) target_semaphore(%run_scoped3A : memref<!tpu.dma_semaphore, #tpu.memory_space<semaphore_mem>>)
      %dma_wait3A_545 = tpu.memref_slice %arg2[%add3A_247] : memref<212992xi32, #tpu.memory_space<hbm>> -> memref<416xi32, #tpu.memory_space<hbm>>
      %dma_wait3A_546 = tpu.memref_slice %arg2[%add3A_247] : memref<212992xi32, #tpu.memory_space<hbm>> -> memref<416xi32, #tpu.memory_space<hbm>>
      tpu.wait_dma2 semaphore(%run_scoped3A : memref<!tpu.dma_semaphore, #tpu.memory_space<semaphore_mem>>) src(%dma_wait3A_546 : memref<416xi32, #tpu.memory_space<hbm>>) dst(%arg14 : memref<416xi32, #tpu.memory_space<vmem>>)
      tpu.yield
    }) : () -> ()
    %dma_start3A_248 = arith.constant 0 : i32
    %dma_start3A_249 = arith.constant 0 : i32
    %dma_start3A_250 = tpu.memref_slice %arg6[%dma_start3A_248, %dma_start3A_249] : memref<162500x128xf32, #tpu.memory_space<hbm>> -> memref<162500x128xf32, #tpu.memory_space<hbm>>
    tpu.enqueue_indirect_dma source(%dma_start3A_250 : memref<162500x128xf32, #tpu.memory_space<hbm>>) target(%arg15 : memref<416x128xf32, #tpu.memory_space<vmem>>) offsets(%arg14 : memref<416xi32, #tpu.memory_space<vmem>>) semaphore(%arg20 : memref<!tpu.dma_semaphore, #tpu.memory_space<semaphore_mem>>)
    %dma_wait3A_251 = arith.constant 0 : i32
    %dma_wait3A_252 = arith.constant 0 : i32
    %dma_wait3A_253 = tpu.memref_slice %arg7[%dma_wait3A_251, %dma_wait3A_252] : memref<162500x128xf32, #tpu.memory_space<hbm>> -> memref<162500x128xf32, #tpu.memory_space<hbm>>
    tpu.wait_indirect_dma semaphore(%arg21 : memref<!tpu.dma_semaphore, #tpu.memory_space<semaphore_mem>>) src(%dma_wait3A_253 : memref<162500x128xf32, #tpu.memory_space<hbm>>) dst(%arg17 : memref<416x128xf32, #tpu.memory_space<vmem>>)
    %mul3A_254 = arith.constant 6656 : i32
    %mul3A_255 = arith.muli %add3A, %mul3A_254 : i32
    %add3A_256 = arith.constant 3328 : i32
    %add3A_257 = arith.addi %mul3A_255, %add3A_256 : i32
    "tpu.region"() ({
      %run_scoped3A = tpu.sem_alloc : memref<!tpu.dma_semaphore, #tpu.memory_space<semaphore_mem>>
      %dma_start3A_543 = arith.constant 0 : i32
      %dma_start3A_544 = tpu.memref_slice %arg11[%add3A_257, %dma_start3A_543] : memref<212992x128xf32, #tpu.memory_space<hbm>> -> memref<416x128xf32, #tpu.memory_space<hbm>>
      %dma_start3A_545 = arith.constant 0 : i32
      %dma_start3A_546 = tpu.memref_slice %arg11[%add3A_257, %dma_start3A_545] : memref<212992x128xf32, #tpu.memory_space<hbm>> -> memref<416x128xf32, #tpu.memory_space<hbm>>
      tpu.enqueue_dma source(%arg17 : memref<416x128xf32, #tpu.memory_space<vmem>>) target(%dma_start3A_546 : memref<416x128xf32, #tpu.memory_space<hbm>>) target_semaphore(%run_scoped3A : memref<!tpu.dma_semaphore, #tpu.memory_space<semaphore_mem>>)
      %dma_wait3A_547 = arith.constant 0 : i32
      %dma_wait3A_548 = tpu.memref_slice %arg11[%add3A_257, %dma_wait3A_547] : memref<212992x128xf32, #tpu.memory_space<hbm>> -> memref<416x128xf32, #tpu.memory_space<hbm>>
      %dma_wait3A_549 = arith.constant 0 : i32
      %dma_wait3A_550 = tpu.memref_slice %arg11[%add3A_257, %dma_wait3A_549] : memref<212992x128xf32, #tpu.memory_space<hbm>> -> memref<416x128xf32, #tpu.memory_space<hbm>>
      tpu.wait_dma2 semaphore(%run_scoped3A : memref<!tpu.dma_semaphore, #tpu.memory_space<semaphore_mem>>) src(%arg17 : memref<416x128xf32, #tpu.memory_space<vmem>>) dst(%dma_wait3A_550 : memref<416x128xf32, #tpu.memory_space<hbm>>)
      tpu.yield
    }) : () -> ()
    %mul3A_258 = arith.constant 6656 : i32
    %mul3A_259 = arith.muli %add3A, %mul3A_258 : i32
    %add3A_260 = arith.constant 3744 : i32
    %add3A_261 = arith.addi %mul3A_259, %add3A_260 : i32
    "tpu.region"() ({
      %run_scoped3A = tpu.sem_alloc : memref<!tpu.dma_semaphore, #tpu.memory_space<semaphore_mem>>
      %dma_start3A_543 = tpu.memref_slice %arg3[%add3A_261] : memref<212992xi32, #tpu.memory_space<hbm>> -> memref<416xi32, #tpu.memory_space<hbm>>
      %dma_start3A_544 = tpu.memref_slice %arg3[%add3A_261] : memref<212992xi32, #tpu.memory_space<hbm>> -> memref<416xi32, #tpu.memory_space<hbm>>
      tpu.enqueue_dma source(%dma_start3A_544 : memref<416xi32, #tpu.memory_space<hbm>>) target(%arg16 : memref<416xi32, #tpu.memory_space<vmem>>) target_semaphore(%run_scoped3A : memref<!tpu.dma_semaphore, #tpu.memory_space<semaphore_mem>>)
      %dma_wait3A_545 = tpu.memref_slice %arg3[%add3A_261] : memref<212992xi32, #tpu.memory_space<hbm>> -> memref<416xi32, #tpu.memory_space<hbm>>
      %dma_wait3A_546 = tpu.memref_slice %arg3[%add3A_261] : memref<212992xi32, #tpu.memory_space<hbm>> -> memref<416xi32, #tpu.memory_space<hbm>>
      tpu.wait_dma2 semaphore(%run_scoped3A : memref<!tpu.dma_semaphore, #tpu.memory_space<semaphore_mem>>) src(%dma_wait3A_546 : memref<416xi32, #tpu.memory_space<hbm>>) dst(%arg16 : memref<416xi32, #tpu.memory_space<vmem>>)
      tpu.yield
    }) : () -> ()
    %dma_start3A_262 = arith.constant 0 : i32
    %dma_start3A_263 = arith.constant 0 : i32
    %dma_start3A_264 = tpu.memref_slice %arg7[%dma_start3A_262, %dma_start3A_263] : memref<162500x128xf32, #tpu.memory_space<hbm>> -> memref<162500x128xf32, #tpu.memory_space<hbm>>
    tpu.enqueue_indirect_dma source(%dma_start3A_264 : memref<162500x128xf32, #tpu.memory_space<hbm>>) target(%arg17 : memref<416x128xf32, #tpu.memory_space<vmem>>) offsets(%arg16 : memref<416xi32, #tpu.memory_space<vmem>>) semaphore(%arg21 : memref<!tpu.dma_semaphore, #tpu.memory_space<semaphore_mem>>)
    %dma_wait3A_265 = arith.constant 0 : i32
    %dma_wait3A_266 = arith.constant 0 : i32
    %dma_wait3A_267 = tpu.memref_slice %arg6[%dma_wait3A_265, %dma_wait3A_266] : memref<162500x128xf32, #tpu.memory_space<hbm>> -> memref<162500x128xf32, #tpu.memory_space<hbm>>
    tpu.wait_indirect_dma semaphore(%arg20 : memref<!tpu.dma_semaphore, #tpu.memory_space<semaphore_mem>>) src(%dma_wait3A_267 : memref<162500x128xf32, #tpu.memory_space<hbm>>) dst(%arg15 : memref<416x128xf32, #tpu.memory_space<vmem>>)
    %mul3A_268 = arith.constant 6656 : i32
    %mul3A_269 = arith.muli %add3A, %mul3A_268 : i32
    %add3A_270 = arith.constant 3744 : i32
    %add3A_271 = arith.addi %mul3A_269, %add3A_270 : i32
    "tpu.region"() ({
      %run_scoped3A = tpu.sem_alloc : memref<!tpu.dma_semaphore, #tpu.memory_space<semaphore_mem>>
      %dma_start3A_543 = arith.constant 0 : i32
      %dma_start3A_544 = tpu.memref_slice %arg10[%add3A_271, %dma_start3A_543] : memref<212992x128xf32, #tpu.memory_space<hbm>> -> memref<416x128xf32, #tpu.memory_space<hbm>>
      %dma_start3A_545 = arith.constant 0 : i32
      %dma_start3A_546 = tpu.memref_slice %arg10[%add3A_271, %dma_start3A_545] : memref<212992x128xf32, #tpu.memory_space<hbm>> -> memref<416x128xf32, #tpu.memory_space<hbm>>
      tpu.enqueue_dma source(%arg15 : memref<416x128xf32, #tpu.memory_space<vmem>>) target(%dma_start3A_546 : memref<416x128xf32, #tpu.memory_space<hbm>>) target_semaphore(%run_scoped3A : memref<!tpu.dma_semaphore, #tpu.memory_space<semaphore_mem>>)
      %dma_wait3A_547 = arith.constant 0 : i32
      %dma_wait3A_548 = tpu.memref_slice %arg10[%add3A_271, %dma_wait3A_547] : memref<212992x128xf32, #tpu.memory_space<hbm>> -> memref<416x128xf32, #tpu.memory_space<hbm>>
      %dma_wait3A_549 = arith.constant 0 : i32
      %dma_wait3A_550 = tpu.memref_slice %arg10[%add3A_271, %dma_wait3A_549] : memref<212992x128xf32, #tpu.memory_space<hbm>> -> memref<416x128xf32, #tpu.memory_space<hbm>>
      tpu.wait_dma2 semaphore(%run_scoped3A : memref<!tpu.dma_semaphore, #tpu.memory_space<semaphore_mem>>) src(%arg15 : memref<416x128xf32, #tpu.memory_space<vmem>>) dst(%dma_wait3A_550 : memref<416x128xf32, #tpu.memory_space<hbm>>)
      tpu.yield
    }) : () -> ()
    %mul3A_272 = arith.constant 6656 : i32
    %mul3A_273 = arith.muli %add3A, %mul3A_272 : i32
    %add3A_274 = arith.constant 4160 : i32
    %add3A_275 = arith.addi %mul3A_273, %add3A_274 : i32
    "tpu.region"() ({
      %run_scoped3A = tpu.sem_alloc : memref<!tpu.dma_semaphore, #tpu.memory_space<semaphore_mem>>
      %dma_start3A_543 = tpu.memref_slice %arg2[%add3A_275] : memref<212992xi32, #tpu.memory_space<hbm>> -> memref<416xi32, #tpu.memory_space<hbm>>
      %dma_start3A_544 = tpu.memref_slice %arg2[%add3A_275] : memref<212992xi32, #tpu.memory_space<hbm>> -> memref<416xi32, #tpu.memory_space<hbm>>
      tpu.enqueue_dma source(%dma_start3A_544 : memref<416xi32, #tpu.memory_space<hbm>>) target(%arg14 : memref<416xi32, #tpu.memory_space<vmem>>) target_semaphore(%run_scoped3A : memref<!tpu.dma_semaphore, #tpu.memory_space<semaphore_mem>>)
      %dma_wait3A_545 = tpu.memref_slice %arg2[%add3A_275] : memref<212992xi32, #tpu.memory_space<hbm>> -> memref<416xi32, #tpu.memory_space<hbm>>
      %dma_wait3A_546 = tpu.memref_slice %arg2[%add3A_275] : memref<212992xi32, #tpu.memory_space<hbm>> -> memref<416xi32, #tpu.memory_space<hbm>>
      tpu.wait_dma2 semaphore(%run_scoped3A : memref<!tpu.dma_semaphore, #tpu.memory_space<semaphore_mem>>) src(%dma_wait3A_546 : memref<416xi32, #tpu.memory_space<hbm>>) dst(%arg14 : memref<416xi32, #tpu.memory_space<vmem>>)
      tpu.yield
    }) : () -> ()
    %dma_start3A_276 = arith.constant 0 : i32
    %dma_start3A_277 = arith.constant 0 : i32
    %dma_start3A_278 = tpu.memref_slice %arg6[%dma_start3A_276, %dma_start3A_277] : memref<162500x128xf32, #tpu.memory_space<hbm>> -> memref<162500x128xf32, #tpu.memory_space<hbm>>
    tpu.enqueue_indirect_dma source(%dma_start3A_278 : memref<162500x128xf32, #tpu.memory_space<hbm>>) target(%arg15 : memref<416x128xf32, #tpu.memory_space<vmem>>) offsets(%arg14 : memref<416xi32, #tpu.memory_space<vmem>>) semaphore(%arg20 : memref<!tpu.dma_semaphore, #tpu.memory_space<semaphore_mem>>)
    %dma_wait3A_279 = arith.constant 0 : i32
    %dma_wait3A_280 = arith.constant 0 : i32
    %dma_wait3A_281 = tpu.memref_slice %arg7[%dma_wait3A_279, %dma_wait3A_280] : memref<162500x128xf32, #tpu.memory_space<hbm>> -> memref<162500x128xf32, #tpu.memory_space<hbm>>
    tpu.wait_indirect_dma semaphore(%arg21 : memref<!tpu.dma_semaphore, #tpu.memory_space<semaphore_mem>>) src(%dma_wait3A_281 : memref<162500x128xf32, #tpu.memory_space<hbm>>) dst(%arg17 : memref<416x128xf32, #tpu.memory_space<vmem>>)
    %mul3A_282 = arith.constant 6656 : i32
    %mul3A_283 = arith.muli %add3A, %mul3A_282 : i32
    %add3A_284 = arith.constant 3744 : i32
    %add3A_285 = arith.addi %mul3A_283, %add3A_284 : i32
    "tpu.region"() ({
      %run_scoped3A = tpu.sem_alloc : memref<!tpu.dma_semaphore, #tpu.memory_space<semaphore_mem>>
      %dma_start3A_543 = arith.constant 0 : i32
      %dma_start3A_544 = tpu.memref_slice %arg11[%add3A_285, %dma_start3A_543] : memref<212992x128xf32, #tpu.memory_space<hbm>> -> memref<416x128xf32, #tpu.memory_space<hbm>>
      %dma_start3A_545 = arith.constant 0 : i32
      %dma_start3A_546 = tpu.memref_slice %arg11[%add3A_285, %dma_start3A_545] : memref<212992x128xf32, #tpu.memory_space<hbm>> -> memref<416x128xf32, #tpu.memory_space<hbm>>
      tpu.enqueue_dma source(%arg17 : memref<416x128xf32, #tpu.memory_space<vmem>>) target(%dma_start3A_546 : memref<416x128xf32, #tpu.memory_space<hbm>>) target_semaphore(%run_scoped3A : memref<!tpu.dma_semaphore, #tpu.memory_space<semaphore_mem>>)
      %dma_wait3A_547 = arith.constant 0 : i32
      %dma_wait3A_548 = tpu.memref_slice %arg11[%add3A_285, %dma_wait3A_547] : memref<212992x128xf32, #tpu.memory_space<hbm>> -> memref<416x128xf32, #tpu.memory_space<hbm>>
      %dma_wait3A_549 = arith.constant 0 : i32
      %dma_wait3A_550 = tpu.memref_slice %arg11[%add3A_285, %dma_wait3A_549] : memref<212992x128xf32, #tpu.memory_space<hbm>> -> memref<416x128xf32, #tpu.memory_space<hbm>>
      tpu.wait_dma2 semaphore(%run_scoped3A : memref<!tpu.dma_semaphore, #tpu.memory_space<semaphore_mem>>) src(%arg17 : memref<416x128xf32, #tpu.memory_space<vmem>>) dst(%dma_wait3A_550 : memref<416x128xf32, #tpu.memory_space<hbm>>)
      tpu.yield
    }) : () -> ()
    %mul3A_286 = arith.constant 6656 : i32
    %mul3A_287 = arith.muli %add3A, %mul3A_286 : i32
    %add3A_288 = arith.constant 4160 : i32
    %add3A_289 = arith.addi %mul3A_287, %add3A_288 : i32
    "tpu.region"() ({
      %run_scoped3A = tpu.sem_alloc : memref<!tpu.dma_semaphore, #tpu.memory_space<semaphore_mem>>
      %dma_start3A_543 = tpu.memref_slice %arg3[%add3A_289] : memref<212992xi32, #tpu.memory_space<hbm>> -> memref<416xi32, #tpu.memory_space<hbm>>
      %dma_start3A_544 = tpu.memref_slice %arg3[%add3A_289] : memref<212992xi32, #tpu.memory_space<hbm>> -> memref<416xi32, #tpu.memory_space<hbm>>
      tpu.enqueue_dma source(%dma_start3A_544 : memref<416xi32, #tpu.memory_space<hbm>>) target(%arg16 : memref<416xi32, #tpu.memory_space<vmem>>) target_semaphore(%run_scoped3A : memref<!tpu.dma_semaphore, #tpu.memory_space<semaphore_mem>>)
      %dma_wait3A_545 = tpu.memref_slice %arg3[%add3A_289] : memref<212992xi32, #tpu.memory_space<hbm>> -> memref<416xi32, #tpu.memory_space<hbm>>
      %dma_wait3A_546 = tpu.memref_slice %arg3[%add3A_289] : memref<212992xi32, #tpu.memory_space<hbm>> -> memref<416xi32, #tpu.memory_space<hbm>>
      tpu.wait_dma2 semaphore(%run_scoped3A : memref<!tpu.dma_semaphore, #tpu.memory_space<semaphore_mem>>) src(%dma_wait3A_546 : memref<416xi32, #tpu.memory_space<hbm>>) dst(%arg16 : memref<416xi32, #tpu.memory_space<vmem>>)
      tpu.yield
    }) : () -> ()
    %dma_start3A_290 = arith.constant 0 : i32
    %dma_start3A_291 = arith.constant 0 : i32
    %dma_start3A_292 = tpu.memref_slice %arg7[%dma_start3A_290, %dma_start3A_291] : memref<162500x128xf32, #tpu.memory_space<hbm>> -> memref<162500x128xf32, #tpu.memory_space<hbm>>
    tpu.enqueue_indirect_dma source(%dma_start3A_292 : memref<162500x128xf32, #tpu.memory_space<hbm>>) target(%arg17 : memref<416x128xf32, #tpu.memory_space<vmem>>) offsets(%arg16 : memref<416xi32, #tpu.memory_space<vmem>>) semaphore(%arg21 : memref<!tpu.dma_semaphore, #tpu.memory_space<semaphore_mem>>)
    %dma_wait3A_293 = arith.constant 0 : i32
    %dma_wait3A_294 = arith.constant 0 : i32
    %dma_wait3A_295 = tpu.memref_slice %arg6[%dma_wait3A_293, %dma_wait3A_294] : memref<162500x128xf32, #tpu.memory_space<hbm>> -> memref<162500x128xf32, #tpu.memory_space<hbm>>
    tpu.wait_indirect_dma semaphore(%arg20 : memref<!tpu.dma_semaphore, #tpu.memory_space<semaphore_mem>>) src(%dma_wait3A_295 : memref<162500x128xf32, #tpu.memory_space<hbm>>) dst(%arg15 : memref<416x128xf32, #tpu.memory_space<vmem>>)
    %mul3A_296 = arith.constant 6656 : i32
    %mul3A_297 = arith.muli %add3A, %mul3A_296 : i32
    %add3A_298 = arith.constant 4160 : i32
    %add3A_299 = arith.addi %mul3A_297, %add3A_298 : i32
    "tpu.region"() ({
      %run_scoped3A = tpu.sem_alloc : memref<!tpu.dma_semaphore, #tpu.memory_space<semaphore_mem>>
      %dma_start3A_543 = arith.constant 0 : i32
      %dma_start3A_544 = tpu.memref_slice %arg10[%add3A_299, %dma_start3A_543] : memref<212992x128xf32, #tpu.memory_space<hbm>> -> memref<416x128xf32, #tpu.memory_space<hbm>>
      %dma_start3A_545 = arith.constant 0 : i32
      %dma_start3A_546 = tpu.memref_slice %arg10[%add3A_299, %dma_start3A_545] : memref<212992x128xf32, #tpu.memory_space<hbm>> -> memref<416x128xf32, #tpu.memory_space<hbm>>
      tpu.enqueue_dma source(%arg15 : memref<416x128xf32, #tpu.memory_space<vmem>>) target(%dma_start3A_546 : memref<416x128xf32, #tpu.memory_space<hbm>>) target_semaphore(%run_scoped3A : memref<!tpu.dma_semaphore, #tpu.memory_space<semaphore_mem>>)
      %dma_wait3A_547 = arith.constant 0 : i32
      %dma_wait3A_548 = tpu.memref_slice %arg10[%add3A_299, %dma_wait3A_547] : memref<212992x128xf32, #tpu.memory_space<hbm>> -> memref<416x128xf32, #tpu.memory_space<hbm>>
      %dma_wait3A_549 = arith.constant 0 : i32
      %dma_wait3A_550 = tpu.memref_slice %arg10[%add3A_299, %dma_wait3A_549] : memref<212992x128xf32, #tpu.memory_space<hbm>> -> memref<416x128xf32, #tpu.memory_space<hbm>>
      tpu.wait_dma2 semaphore(%run_scoped3A : memref<!tpu.dma_semaphore, #tpu.memory_space<semaphore_mem>>) src(%arg15 : memref<416x128xf32, #tpu.memory_space<vmem>>) dst(%dma_wait3A_550 : memref<416x128xf32, #tpu.memory_space<hbm>>)
      tpu.yield
    }) : () -> ()
    %mul3A_300 = arith.constant 6656 : i32
    %mul3A_301 = arith.muli %add3A, %mul3A_300 : i32
    %add3A_302 = arith.constant 4576 : i32
    %add3A_303 = arith.addi %mul3A_301, %add3A_302 : i32
    "tpu.region"() ({
      %run_scoped3A = tpu.sem_alloc : memref<!tpu.dma_semaphore, #tpu.memory_space<semaphore_mem>>
      %dma_start3A_543 = tpu.memref_slice %arg2[%add3A_303] : memref<212992xi32, #tpu.memory_space<hbm>> -> memref<416xi32, #tpu.memory_space<hbm>>
      %dma_start3A_544 = tpu.memref_slice %arg2[%add3A_303] : memref<212992xi32, #tpu.memory_space<hbm>> -> memref<416xi32, #tpu.memory_space<hbm>>
      tpu.enqueue_dma source(%dma_start3A_544 : memref<416xi32, #tpu.memory_space<hbm>>) target(%arg14 : memref<416xi32, #tpu.memory_space<vmem>>) target_semaphore(%run_scoped3A : memref<!tpu.dma_semaphore, #tpu.memory_space<semaphore_mem>>)
      %dma_wait3A_545 = tpu.memref_slice %arg2[%add3A_303] : memref<212992xi32, #tpu.memory_space<hbm>> -> memref<416xi32, #tpu.memory_space<hbm>>
      %dma_wait3A_546 = tpu.memref_slice %arg2[%add3A_303] : memref<212992xi32, #tpu.memory_space<hbm>> -> memref<416xi32, #tpu.memory_space<hbm>>
      tpu.wait_dma2 semaphore(%run_scoped3A : memref<!tpu.dma_semaphore, #tpu.memory_space<semaphore_mem>>) src(%dma_wait3A_546 : memref<416xi32, #tpu.memory_space<hbm>>) dst(%arg14 : memref<416xi32, #tpu.memory_space<vmem>>)
      tpu.yield
    }) : () -> ()
    %dma_start3A_304 = arith.constant 0 : i32
    %dma_start3A_305 = arith.constant 0 : i32
    %dma_start3A_306 = tpu.memref_slice %arg6[%dma_start3A_304, %dma_start3A_305] : memref<162500x128xf32, #tpu.memory_space<hbm>> -> memref<162500x128xf32, #tpu.memory_space<hbm>>
    tpu.enqueue_indirect_dma source(%dma_start3A_306 : memref<162500x128xf32, #tpu.memory_space<hbm>>) target(%arg15 : memref<416x128xf32, #tpu.memory_space<vmem>>) offsets(%arg14 : memref<416xi32, #tpu.memory_space<vmem>>) semaphore(%arg20 : memref<!tpu.dma_semaphore, #tpu.memory_space<semaphore_mem>>)
    %dma_wait3A_307 = arith.constant 0 : i32
    %dma_wait3A_308 = arith.constant 0 : i32
    %dma_wait3A_309 = tpu.memref_slice %arg7[%dma_wait3A_307, %dma_wait3A_308] : memref<162500x128xf32, #tpu.memory_space<hbm>> -> memref<162500x128xf32, #tpu.memory_space<hbm>>
    tpu.wait_indirect_dma semaphore(%arg21 : memref<!tpu.dma_semaphore, #tpu.memory_space<semaphore_mem>>) src(%dma_wait3A_309 : memref<162500x128xf32, #tpu.memory_space<hbm>>) dst(%arg17 : memref<416x128xf32, #tpu.memory_space<vmem>>)
    %mul3A_310 = arith.constant 6656 : i32
    %mul3A_311 = arith.muli %add3A, %mul3A_310 : i32
    %add3A_312 = arith.constant 4160 : i32
    %add3A_313 = arith.addi %mul3A_311, %add3A_312 : i32
    "tpu.region"() ({
      %run_scoped3A = tpu.sem_alloc : memref<!tpu.dma_semaphore, #tpu.memory_space<semaphore_mem>>
      %dma_start3A_543 = arith.constant 0 : i32
      %dma_start3A_544 = tpu.memref_slice %arg11[%add3A_313, %dma_start3A_543] : memref<212992x128xf32, #tpu.memory_space<hbm>> -> memref<416x128xf32, #tpu.memory_space<hbm>>
      %dma_start3A_545 = arith.constant 0 : i32
      %dma_start3A_546 = tpu.memref_slice %arg11[%add3A_313, %dma_start3A_545] : memref<212992x128xf32, #tpu.memory_space<hbm>> -> memref<416x128xf32, #tpu.memory_space<hbm>>
      tpu.enqueue_dma source(%arg17 : memref<416x128xf32, #tpu.memory_space<vmem>>) target(%dma_start3A_546 : memref<416x128xf32, #tpu.memory_space<hbm>>) target_semaphore(%run_scoped3A : memref<!tpu.dma_semaphore, #tpu.memory_space<semaphore_mem>>)
      %dma_wait3A_547 = arith.constant 0 : i32
      %dma_wait3A_548 = tpu.memref_slice %arg11[%add3A_313, %dma_wait3A_547] : memref<212992x128xf32, #tpu.memory_space<hbm>> -> memref<416x128xf32, #tpu.memory_space<hbm>>
      %dma_wait3A_549 = arith.constant 0 : i32
      %dma_wait3A_550 = tpu.memref_slice %arg11[%add3A_313, %dma_wait3A_549] : memref<212992x128xf32, #tpu.memory_space<hbm>> -> memref<416x128xf32, #tpu.memory_space<hbm>>
      tpu.wait_dma2 semaphore(%run_scoped3A : memref<!tpu.dma_semaphore, #tpu.memory_space<semaphore_mem>>) src(%arg17 : memref<416x128xf32, #tpu.memory_space<vmem>>) dst(%dma_wait3A_550 : memref<416x128xf32, #tpu.memory_space<hbm>>)
      tpu.yield
    }) : () -> ()
    %mul3A_314 = arith.constant 6656 : i32
    %mul3A_315 = arith.muli %add3A, %mul3A_314 : i32
    %add3A_316 = arith.constant 4576 : i32
    %add3A_317 = arith.addi %mul3A_315, %add3A_316 : i32
    "tpu.region"() ({
      %run_scoped3A = tpu.sem_alloc : memref<!tpu.dma_semaphore, #tpu.memory_space<semaphore_mem>>
      %dma_start3A_543 = tpu.memref_slice %arg3[%add3A_317] : memref<212992xi32, #tpu.memory_space<hbm>> -> memref<416xi32, #tpu.memory_space<hbm>>
      %dma_start3A_544 = tpu.memref_slice %arg3[%add3A_317] : memref<212992xi32, #tpu.memory_space<hbm>> -> memref<416xi32, #tpu.memory_space<hbm>>
      tpu.enqueue_dma source(%dma_start3A_544 : memref<416xi32, #tpu.memory_space<hbm>>) target(%arg16 : memref<416xi32, #tpu.memory_space<vmem>>) target_semaphore(%run_scoped3A : memref<!tpu.dma_semaphore, #tpu.memory_space<semaphore_mem>>)
      %dma_wait3A_545 = tpu.memref_slice %arg3[%add3A_317] : memref<212992xi32, #tpu.memory_space<hbm>> -> memref<416xi32, #tpu.memory_space<hbm>>
      %dma_wait3A_546 = tpu.memref_slice %arg3[%add3A_317] : memref<212992xi32, #tpu.memory_space<hbm>> -> memref<416xi32, #tpu.memory_space<hbm>>
      tpu.wait_dma2 semaphore(%run_scoped3A : memref<!tpu.dma_semaphore, #tpu.memory_space<semaphore_mem>>) src(%dma_wait3A_546 : memref<416xi32, #tpu.memory_space<hbm>>) dst(%arg16 : memref<416xi32, #tpu.memory_space<vmem>>)
      tpu.yield
    }) : () -> ()
    %dma_start3A_318 = arith.constant 0 : i32
    %dma_start3A_319 = arith.constant 0 : i32
    %dma_start3A_320 = tpu.memref_slice %arg7[%dma_start3A_318, %dma_start3A_319] : memref<162500x128xf32, #tpu.memory_space<hbm>> -> memref<162500x128xf32, #tpu.memory_space<hbm>>
    tpu.enqueue_indirect_dma source(%dma_start3A_320 : memref<162500x128xf32, #tpu.memory_space<hbm>>) target(%arg17 : memref<416x128xf32, #tpu.memory_space<vmem>>) offsets(%arg16 : memref<416xi32, #tpu.memory_space<vmem>>) semaphore(%arg21 : memref<!tpu.dma_semaphore, #tpu.memory_space<semaphore_mem>>)
    %dma_wait3A_321 = arith.constant 0 : i32
    %dma_wait3A_322 = arith.constant 0 : i32
    %dma_wait3A_323 = tpu.memref_slice %arg6[%dma_wait3A_321, %dma_wait3A_322] : memref<162500x128xf32, #tpu.memory_space<hbm>> -> memref<162500x128xf32, #tpu.memory_space<hbm>>
    tpu.wait_indirect_dma semaphore(%arg20 : memref<!tpu.dma_semaphore, #tpu.memory_space<semaphore_mem>>) src(%dma_wait3A_323 : memref<162500x128xf32, #tpu.memory_space<hbm>>) dst(%arg15 : memref<416x128xf32, #tpu.memory_space<vmem>>)
    %mul3A_324 = arith.constant 6656 : i32
    %mul3A_325 = arith.muli %add3A, %mul3A_324 : i32
    %add3A_326 = arith.constant 4576 : i32
    %add3A_327 = arith.addi %mul3A_325, %add3A_326 : i32
    "tpu.region"() ({
      %run_scoped3A = tpu.sem_alloc : memref<!tpu.dma_semaphore, #tpu.memory_space<semaphore_mem>>
      %dma_start3A_543 = arith.constant 0 : i32
      %dma_start3A_544 = tpu.memref_slice %arg10[%add3A_327, %dma_start3A_543] : memref<212992x128xf32, #tpu.memory_space<hbm>> -> memref<416x128xf32, #tpu.memory_space<hbm>>
      %dma_start3A_545 = arith.constant 0 : i32
      %dma_start3A_546 = tpu.memref_slice %arg10[%add3A_327, %dma_start3A_545] : memref<212992x128xf32, #tpu.memory_space<hbm>> -> memref<416x128xf32, #tpu.memory_space<hbm>>
      tpu.enqueue_dma source(%arg15 : memref<416x128xf32, #tpu.memory_space<vmem>>) target(%dma_start3A_546 : memref<416x128xf32, #tpu.memory_space<hbm>>) target_semaphore(%run_scoped3A : memref<!tpu.dma_semaphore, #tpu.memory_space<semaphore_mem>>)
      %dma_wait3A_547 = arith.constant 0 : i32
      %dma_wait3A_548 = tpu.memref_slice %arg10[%add3A_327, %dma_wait3A_547] : memref<212992x128xf32, #tpu.memory_space<hbm>> -> memref<416x128xf32, #tpu.memory_space<hbm>>
      %dma_wait3A_549 = arith.constant 0 : i32
      %dma_wait3A_550 = tpu.memref_slice %arg10[%add3A_327, %dma_wait3A_549] : memref<212992x128xf32, #tpu.memory_space<hbm>> -> memref<416x128xf32, #tpu.memory_space<hbm>>
      tpu.wait_dma2 semaphore(%run_scoped3A : memref<!tpu.dma_semaphore, #tpu.memory_space<semaphore_mem>>) src(%arg15 : memref<416x128xf32, #tpu.memory_space<vmem>>) dst(%dma_wait3A_550 : memref<416x128xf32, #tpu.memory_space<hbm>>)
      tpu.yield
    }) : () -> ()
    %mul3A_328 = arith.constant 6656 : i32
    %mul3A_329 = arith.muli %add3A, %mul3A_328 : i32
    %add3A_330 = arith.constant 4992 : i32
    %add3A_331 = arith.addi %mul3A_329, %add3A_330 : i32
    "tpu.region"() ({
      %run_scoped3A = tpu.sem_alloc : memref<!tpu.dma_semaphore, #tpu.memory_space<semaphore_mem>>
      %dma_start3A_543 = tpu.memref_slice %arg2[%add3A_331] : memref<212992xi32, #tpu.memory_space<hbm>> -> memref<416xi32, #tpu.memory_space<hbm>>
      %dma_start3A_544 = tpu.memref_slice %arg2[%add3A_331] : memref<212992xi32, #tpu.memory_space<hbm>> -> memref<416xi32, #tpu.memory_space<hbm>>
      tpu.enqueue_dma source(%dma_start3A_544 : memref<416xi32, #tpu.memory_space<hbm>>) target(%arg14 : memref<416xi32, #tpu.memory_space<vmem>>) target_semaphore(%run_scoped3A : memref<!tpu.dma_semaphore, #tpu.memory_space<semaphore_mem>>)
      %dma_wait3A_545 = tpu.memref_slice %arg2[%add3A_331] : memref<212992xi32, #tpu.memory_space<hbm>> -> memref<416xi32, #tpu.memory_space<hbm>>
      %dma_wait3A_546 = tpu.memref_slice %arg2[%add3A_331] : memref<212992xi32, #tpu.memory_space<hbm>> -> memref<416xi32, #tpu.memory_space<hbm>>
      tpu.wait_dma2 semaphore(%run_scoped3A : memref<!tpu.dma_semaphore, #tpu.memory_space<semaphore_mem>>) src(%dma_wait3A_546 : memref<416xi32, #tpu.memory_space<hbm>>) dst(%arg14 : memref<416xi32, #tpu.memory_space<vmem>>)
      tpu.yield
    }) : () -> ()
    %dma_start3A_332 = arith.constant 0 : i32
    %dma_start3A_333 = arith.constant 0 : i32
    %dma_start3A_334 = tpu.memref_slice %arg6[%dma_start3A_332, %dma_start3A_333] : memref<162500x128xf32, #tpu.memory_space<hbm>> -> memref<162500x128xf32, #tpu.memory_space<hbm>>
    tpu.enqueue_indirect_dma source(%dma_start3A_334 : memref<162500x128xf32, #tpu.memory_space<hbm>>) target(%arg15 : memref<416x128xf32, #tpu.memory_space<vmem>>) offsets(%arg14 : memref<416xi32, #tpu.memory_space<vmem>>) semaphore(%arg20 : memref<!tpu.dma_semaphore, #tpu.memory_space<semaphore_mem>>)
    %dma_wait3A_335 = arith.constant 0 : i32
    %dma_wait3A_336 = arith.constant 0 : i32
    %dma_wait3A_337 = tpu.memref_slice %arg7[%dma_wait3A_335, %dma_wait3A_336] : memref<162500x128xf32, #tpu.memory_space<hbm>> -> memref<162500x128xf32, #tpu.memory_space<hbm>>
    tpu.wait_indirect_dma semaphore(%arg21 : memref<!tpu.dma_semaphore, #tpu.memory_space<semaphore_mem>>) src(%dma_wait3A_337 : memref<162500x128xf32, #tpu.memory_space<hbm>>) dst(%arg17 : memref<416x128xf32, #tpu.memory_space<vmem>>)
    %mul3A_338 = arith.constant 6656 : i32
    %mul3A_339 = arith.muli %add3A, %mul3A_338 : i32
    %add3A_340 = arith.constant 4576 : i32
    %add3A_341 = arith.addi %mul3A_339, %add3A_340 : i32
    "tpu.region"() ({
      %run_scoped3A = tpu.sem_alloc : memref<!tpu.dma_semaphore, #tpu.memory_space<semaphore_mem>>
      %dma_start3A_543 = arith.constant 0 : i32
      %dma_start3A_544 = tpu.memref_slice %arg11[%add3A_341, %dma_start3A_543] : memref<212992x128xf32, #tpu.memory_space<hbm>> -> memref<416x128xf32, #tpu.memory_space<hbm>>
      %dma_start3A_545 = arith.constant 0 : i32
      %dma_start3A_546 = tpu.memref_slice %arg11[%add3A_341, %dma_start3A_545] : memref<212992x128xf32, #tpu.memory_space<hbm>> -> memref<416x128xf32, #tpu.memory_space<hbm>>
      tpu.enqueue_dma source(%arg17 : memref<416x128xf32, #tpu.memory_space<vmem>>) target(%dma_start3A_546 : memref<416x128xf32, #tpu.memory_space<hbm>>) target_semaphore(%run_scoped3A : memref<!tpu.dma_semaphore, #tpu.memory_space<semaphore_mem>>)
      %dma_wait3A_547 = arith.constant 0 : i32
      %dma_wait3A_548 = tpu.memref_slice %arg11[%add3A_341, %dma_wait3A_547] : memref<212992x128xf32, #tpu.memory_space<hbm>> -> memref<416x128xf32, #tpu.memory_space<hbm>>
      %dma_wait3A_549 = arith.constant 0 : i32
      %dma_wait3A_550 = tpu.memref_slice %arg11[%add3A_341, %dma_wait3A_549] : memref<212992x128xf32, #tpu.memory_space<hbm>> -> memref<416x128xf32, #tpu.memory_space<hbm>>
      tpu.wait_dma2 semaphore(%run_scoped3A : memref<!tpu.dma_semaphore, #tpu.memory_space<semaphore_mem>>) src(%arg17 : memref<416x128xf32, #tpu.memory_space<vmem>>) dst(%dma_wait3A_550 : memref<416x128xf32, #tpu.memory_space<hbm>>)
      tpu.yield
    }) : () -> ()
    %mul3A_342 = arith.constant 6656 : i32
    %mul3A_343 = arith.muli %add3A, %mul3A_342 : i32
    %add3A_344 = arith.constant 4992 : i32
    %add3A_345 = arith.addi %mul3A_343, %add3A_344 : i32
    "tpu.region"() ({
      %run_scoped3A = tpu.sem_alloc : memref<!tpu.dma_semaphore, #tpu.memory_space<semaphore_mem>>
      %dma_start3A_543 = tpu.memref_slice %arg3[%add3A_345] : memref<212992xi32, #tpu.memory_space<hbm>> -> memref<416xi32, #tpu.memory_space<hbm>>
      %dma_start3A_544 = tpu.memref_slice %arg3[%add3A_345] : memref<212992xi32, #tpu.memory_space<hbm>> -> memref<416xi32, #tpu.memory_space<hbm>>
      tpu.enqueue_dma source(%dma_start3A_544 : memref<416xi32, #tpu.memory_space<hbm>>) target(%arg16 : memref<416xi32, #tpu.memory_space<vmem>>) target_semaphore(%run_scoped3A : memref<!tpu.dma_semaphore, #tpu.memory_space<semaphore_mem>>)
      %dma_wait3A_545 = tpu.memref_slice %arg3[%add3A_345] : memref<212992xi32, #tpu.memory_space<hbm>> -> memref<416xi32, #tpu.memory_space<hbm>>
      %dma_wait3A_546 = tpu.memref_slice %arg3[%add3A_345] : memref<212992xi32, #tpu.memory_space<hbm>> -> memref<416xi32, #tpu.memory_space<hbm>>
      tpu.wait_dma2 semaphore(%run_scoped3A : memref<!tpu.dma_semaphore, #tpu.memory_space<semaphore_mem>>) src(%dma_wait3A_546 : memref<416xi32, #tpu.memory_space<hbm>>) dst(%arg16 : memref<416xi32, #tpu.memory_space<vmem>>)
      tpu.yield
    }) : () -> ()
    %dma_start3A_346 = arith.constant 0 : i32
    %dma_start3A_347 = arith.constant 0 : i32
    %dma_start3A_348 = tpu.memref_slice %arg7[%dma_start3A_346, %dma_start3A_347] : memref<162500x128xf32, #tpu.memory_space<hbm>> -> memref<162500x128xf32, #tpu.memory_space<hbm>>
    tpu.enqueue_indirect_dma source(%dma_start3A_348 : memref<162500x128xf32, #tpu.memory_space<hbm>>) target(%arg17 : memref<416x128xf32, #tpu.memory_space<vmem>>) offsets(%arg16 : memref<416xi32, #tpu.memory_space<vmem>>) semaphore(%arg21 : memref<!tpu.dma_semaphore, #tpu.memory_space<semaphore_mem>>)
    %dma_wait3A_349 = arith.constant 0 : i32
    %dma_wait3A_350 = arith.constant 0 : i32
    %dma_wait3A_351 = tpu.memref_slice %arg6[%dma_wait3A_349, %dma_wait3A_350] : memref<162500x128xf32, #tpu.memory_space<hbm>> -> memref<162500x128xf32, #tpu.memory_space<hbm>>
    tpu.wait_indirect_dma semaphore(%arg20 : memref<!tpu.dma_semaphore, #tpu.memory_space<semaphore_mem>>) src(%dma_wait3A_351 : memref<162500x128xf32, #tpu.memory_space<hbm>>) dst(%arg15 : memref<416x128xf32, #tpu.memory_space<vmem>>)
    %mul3A_352 = arith.constant 6656 : i32
    %mul3A_353 = arith.muli %add3A, %mul3A_352 : i32
    %add3A_354 = arith.constant 4992 : i32
    %add3A_355 = arith.addi %mul3A_353, %add3A_354 : i32
    "tpu.region"() ({
      %run_scoped3A = tpu.sem_alloc : memref<!tpu.dma_semaphore, #tpu.memory_space<semaphore_mem>>
      %dma_start3A_543 = arith.constant 0 : i32
      %dma_start3A_544 = tpu.memref_slice %arg10[%add3A_355, %dma_start3A_543] : memref<212992x128xf32, #tpu.memory_space<hbm>> -> memref<416x128xf32, #tpu.memory_space<hbm>>
      %dma_start3A_545 = arith.constant 0 : i32
      %dma_start3A_546 = tpu.memref_slice %arg10[%add3A_355, %dma_start3A_545] : memref<212992x128xf32, #tpu.memory_space<hbm>> -> memref<416x128xf32, #tpu.memory_space<hbm>>
      tpu.enqueue_dma source(%arg15 : memref<416x128xf32, #tpu.memory_space<vmem>>) target(%dma_start3A_546 : memref<416x128xf32, #tpu.memory_space<hbm>>) target_semaphore(%run_scoped3A : memref<!tpu.dma_semaphore, #tpu.memory_space<semaphore_mem>>)
      %dma_wait3A_547 = arith.constant 0 : i32
      %dma_wait3A_548 = tpu.memref_slice %arg10[%add3A_355, %dma_wait3A_547] : memref<212992x128xf32, #tpu.memory_space<hbm>> -> memref<416x128xf32, #tpu.memory_space<hbm>>
      %dma_wait3A_549 = arith.constant 0 : i32
      %dma_wait3A_550 = tpu.memref_slice %arg10[%add3A_355, %dma_wait3A_549] : memref<212992x128xf32, #tpu.memory_space<hbm>> -> memref<416x128xf32, #tpu.memory_space<hbm>>
      tpu.wait_dma2 semaphore(%run_scoped3A : memref<!tpu.dma_semaphore, #tpu.memory_space<semaphore_mem>>) src(%arg15 : memref<416x128xf32, #tpu.memory_space<vmem>>) dst(%dma_wait3A_550 : memref<416x128xf32, #tpu.memory_space<hbm>>)
      tpu.yield
    }) : () -> ()
    %mul3A_356 = arith.constant 6656 : i32
    %mul3A_357 = arith.muli %add3A, %mul3A_356 : i32
    %add3A_358 = arith.constant 5408 : i32
    %add3A_359 = arith.addi %mul3A_357, %add3A_358 : i32
    "tpu.region"() ({
      %run_scoped3A = tpu.sem_alloc : memref<!tpu.dma_semaphore, #tpu.memory_space<semaphore_mem>>
      %dma_start3A_543 = tpu.memref_slice %arg2[%add3A_359] : memref<212992xi32, #tpu.memory_space<hbm>> -> memref<416xi32, #tpu.memory_space<hbm>>
      %dma_start3A_544 = tpu.memref_slice %arg2[%add3A_359] : memref<212992xi32, #tpu.memory_space<hbm>> -> memref<416xi32, #tpu.memory_space<hbm>>
      tpu.enqueue_dma source(%dma_start3A_544 : memref<416xi32, #tpu.memory_space<hbm>>) target(%arg14 : memref<416xi32, #tpu.memory_space<vmem>>) target_semaphore(%run_scoped3A : memref<!tpu.dma_semaphore, #tpu.memory_space<semaphore_mem>>)
      %dma_wait3A_545 = tpu.memref_slice %arg2[%add3A_359] : memref<212992xi32, #tpu.memory_space<hbm>> -> memref<416xi32, #tpu.memory_space<hbm>>
      %dma_wait3A_546 = tpu.memref_slice %arg2[%add3A_359] : memref<212992xi32, #tpu.memory_space<hbm>> -> memref<416xi32, #tpu.memory_space<hbm>>
      tpu.wait_dma2 semaphore(%run_scoped3A : memref<!tpu.dma_semaphore, #tpu.memory_space<semaphore_mem>>) src(%dma_wait3A_546 : memref<416xi32, #tpu.memory_space<hbm>>) dst(%arg14 : memref<416xi32, #tpu.memory_space<vmem>>)
      tpu.yield
    }) : () -> ()
    %dma_start3A_360 = arith.constant 0 : i32
    %dma_start3A_361 = arith.constant 0 : i32
    %dma_start3A_362 = tpu.memref_slice %arg6[%dma_start3A_360, %dma_start3A_361] : memref<162500x128xf32, #tpu.memory_space<hbm>> -> memref<162500x128xf32, #tpu.memory_space<hbm>>
    tpu.enqueue_indirect_dma source(%dma_start3A_362 : memref<162500x128xf32, #tpu.memory_space<hbm>>) target(%arg15 : memref<416x128xf32, #tpu.memory_space<vmem>>) offsets(%arg14 : memref<416xi32, #tpu.memory_space<vmem>>) semaphore(%arg20 : memref<!tpu.dma_semaphore, #tpu.memory_space<semaphore_mem>>)
    %dma_wait3A_363 = arith.constant 0 : i32
    %dma_wait3A_364 = arith.constant 0 : i32
    %dma_wait3A_365 = tpu.memref_slice %arg7[%dma_wait3A_363, %dma_wait3A_364] : memref<162500x128xf32, #tpu.memory_space<hbm>> -> memref<162500x128xf32, #tpu.memory_space<hbm>>
    tpu.wait_indirect_dma semaphore(%arg21 : memref<!tpu.dma_semaphore, #tpu.memory_space<semaphore_mem>>) src(%dma_wait3A_365 : memref<162500x128xf32, #tpu.memory_space<hbm>>) dst(%arg17 : memref<416x128xf32, #tpu.memory_space<vmem>>)
    %mul3A_366 = arith.constant 6656 : i32
    %mul3A_367 = arith.muli %add3A, %mul3A_366 : i32
    %add3A_368 = arith.constant 4992 : i32
    %add3A_369 = arith.addi %mul3A_367, %add3A_368 : i32
    "tpu.region"() ({
      %run_scoped3A = tpu.sem_alloc : memref<!tpu.dma_semaphore, #tpu.memory_space<semaphore_mem>>
      %dma_start3A_543 = arith.constant 0 : i32
      %dma_start3A_544 = tpu.memref_slice %arg11[%add3A_369, %dma_start3A_543] : memref<212992x128xf32, #tpu.memory_space<hbm>> -> memref<416x128xf32, #tpu.memory_space<hbm>>
      %dma_start3A_545 = arith.constant 0 : i32
      %dma_start3A_546 = tpu.memref_slice %arg11[%add3A_369, %dma_start3A_545] : memref<212992x128xf32, #tpu.memory_space<hbm>> -> memref<416x128xf32, #tpu.memory_space<hbm>>
      tpu.enqueue_dma source(%arg17 : memref<416x128xf32, #tpu.memory_space<vmem>>) target(%dma_start3A_546 : memref<416x128xf32, #tpu.memory_space<hbm>>) target_semaphore(%run_scoped3A : memref<!tpu.dma_semaphore, #tpu.memory_space<semaphore_mem>>)
      %dma_wait3A_547 = arith.constant 0 : i32
      %dma_wait3A_548 = tpu.memref_slice %arg11[%add3A_369, %dma_wait3A_547] : memref<212992x128xf32, #tpu.memory_space<hbm>> -> memref<416x128xf32, #tpu.memory_space<hbm>>
      %dma_wait3A_549 = arith.constant 0 : i32
      %dma_wait3A_550 = tpu.memref_slice %arg11[%add3A_369, %dma_wait3A_549] : memref<212992x128xf32, #tpu.memory_space<hbm>> -> memref<416x128xf32, #tpu.memory_space<hbm>>
      tpu.wait_dma2 semaphore(%run_scoped3A : memref<!tpu.dma_semaphore, #tpu.memory_space<semaphore_mem>>) src(%arg17 : memref<416x128xf32, #tpu.memory_space<vmem>>) dst(%dma_wait3A_550 : memref<416x128xf32, #tpu.memory_space<hbm>>)
      tpu.yield
    }) : () -> ()
    %mul3A_370 = arith.constant 6656 : i32
    %mul3A_371 = arith.muli %add3A, %mul3A_370 : i32
    %add3A_372 = arith.constant 5408 : i32
    %add3A_373 = arith.addi %mul3A_371, %add3A_372 : i32
    "tpu.region"() ({
      %run_scoped3A = tpu.sem_alloc : memref<!tpu.dma_semaphore, #tpu.memory_space<semaphore_mem>>
      %dma_start3A_543 = tpu.memref_slice %arg3[%add3A_373] : memref<212992xi32, #tpu.memory_space<hbm>> -> memref<416xi32, #tpu.memory_space<hbm>>
      %dma_start3A_544 = tpu.memref_slice %arg3[%add3A_373] : memref<212992xi32, #tpu.memory_space<hbm>> -> memref<416xi32, #tpu.memory_space<hbm>>
      tpu.enqueue_dma source(%dma_start3A_544 : memref<416xi32, #tpu.memory_space<hbm>>) target(%arg16 : memref<416xi32, #tpu.memory_space<vmem>>) target_semaphore(%run_scoped3A : memref<!tpu.dma_semaphore, #tpu.memory_space<semaphore_mem>>)
      %dma_wait3A_545 = tpu.memref_slice %arg3[%add3A_373] : memref<212992xi32, #tpu.memory_space<hbm>> -> memref<416xi32, #tpu.memory_space<hbm>>
      %dma_wait3A_546 = tpu.memref_slice %arg3[%add3A_373] : memref<212992xi32, #tpu.memory_space<hbm>> -> memref<416xi32, #tpu.memory_space<hbm>>
      tpu.wait_dma2 semaphore(%run_scoped3A : memref<!tpu.dma_semaphore, #tpu.memory_space<semaphore_mem>>) src(%dma_wait3A_546 : memref<416xi32, #tpu.memory_space<hbm>>) dst(%arg16 : memref<416xi32, #tpu.memory_space<vmem>>)
      tpu.yield
    }) : () -> ()
    %dma_start3A_374 = arith.constant 0 : i32
    %dma_start3A_375 = arith.constant 0 : i32
    %dma_start3A_376 = tpu.memref_slice %arg7[%dma_start3A_374, %dma_start3A_375] : memref<162500x128xf32, #tpu.memory_space<hbm>> -> memref<162500x128xf32, #tpu.memory_space<hbm>>
    tpu.enqueue_indirect_dma source(%dma_start3A_376 : memref<162500x128xf32, #tpu.memory_space<hbm>>) target(%arg17 : memref<416x128xf32, #tpu.memory_space<vmem>>) offsets(%arg16 : memref<416xi32, #tpu.memory_space<vmem>>) semaphore(%arg21 : memref<!tpu.dma_semaphore, #tpu.memory_space<semaphore_mem>>)
    %dma_wait3A_377 = arith.constant 0 : i32
    %dma_wait3A_378 = arith.constant 0 : i32
    %dma_wait3A_379 = tpu.memref_slice %arg6[%dma_wait3A_377, %dma_wait3A_378] : memref<162500x128xf32, #tpu.memory_space<hbm>> -> memref<162500x128xf32, #tpu.memory_space<hbm>>
    tpu.wait_indirect_dma semaphore(%arg20 : memref<!tpu.dma_semaphore, #tpu.memory_space<semaphore_mem>>) src(%dma_wait3A_379 : memref<162500x128xf32, #tpu.memory_space<hbm>>) dst(%arg15 : memref<416x128xf32, #tpu.memory_space<vmem>>)
    %mul3A_380 = arith.constant 6656 : i32
    %mul3A_381 = arith.muli %add3A, %mul3A_380 : i32
    %add3A_382 = arith.constant 5408 : i32
    %add3A_383 = arith.addi %mul3A_381, %add3A_382 : i32
    "tpu.region"() ({
      %run_scoped3A = tpu.sem_alloc : memref<!tpu.dma_semaphore, #tpu.memory_space<semaphore_mem>>
      %dma_start3A_543 = arith.constant 0 : i32
      %dma_start3A_544 = tpu.memref_slice %arg10[%add3A_383, %dma_start3A_543] : memref<212992x128xf32, #tpu.memory_space<hbm>> -> memref<416x128xf32, #tpu.memory_space<hbm>>
      %dma_start3A_545 = arith.constant 0 : i32
      %dma_start3A_546 = tpu.memref_slice %arg10[%add3A_383, %dma_start3A_545] : memref<212992x128xf32, #tpu.memory_space<hbm>> -> memref<416x128xf32, #tpu.memory_space<hbm>>
      tpu.enqueue_dma source(%arg15 : memref<416x128xf32, #tpu.memory_space<vmem>>) target(%dma_start3A_546 : memref<416x128xf32, #tpu.memory_space<hbm>>) target_semaphore(%run_scoped3A : memref<!tpu.dma_semaphore, #tpu.memory_space<semaphore_mem>>)
      %dma_wait3A_547 = arith.constant 0 : i32
      %dma_wait3A_548 = tpu.memref_slice %arg10[%add3A_383, %dma_wait3A_547] : memref<212992x128xf32, #tpu.memory_space<hbm>> -> memref<416x128xf32, #tpu.memory_space<hbm>>
      %dma_wait3A_549 = arith.constant 0 : i32
      %dma_wait3A_550 = tpu.memref_slice %arg10[%add3A_383, %dma_wait3A_549] : memref<212992x128xf32, #tpu.memory_space<hbm>> -> memref<416x128xf32, #tpu.memory_space<hbm>>
      tpu.wait_dma2 semaphore(%run_scoped3A : memref<!tpu.dma_semaphore, #tpu.memory_space<semaphore_mem>>) src(%arg15 : memref<416x128xf32, #tpu.memory_space<vmem>>) dst(%dma_wait3A_550 : memref<416x128xf32, #tpu.memory_space<hbm>>)
      tpu.yield
    }) : () -> ()
    %mul3A_384 = arith.constant 6656 : i32
    %mul3A_385 = arith.muli %add3A, %mul3A_384 : i32
    %add3A_386 = arith.constant 5824 : i32
    %add3A_387 = arith.addi %mul3A_385, %add3A_386 : i32
    "tpu.region"() ({
      %run_scoped3A = tpu.sem_alloc : memref<!tpu.dma_semaphore, #tpu.memory_space<semaphore_mem>>
      %dma_start3A_543 = tpu.memref_slice %arg2[%add3A_387] : memref<212992xi32, #tpu.memory_space<hbm>> -> memref<416xi32, #tpu.memory_space<hbm>>
      %dma_start3A_544 = tpu.memref_slice %arg2[%add3A_387] : memref<212992xi32, #tpu.memory_space<hbm>> -> memref<416xi32, #tpu.memory_space<hbm>>
      tpu.enqueue_dma source(%dma_start3A_544 : memref<416xi32, #tpu.memory_space<hbm>>) target(%arg14 : memref<416xi32, #tpu.memory_space<vmem>>) target_semaphore(%run_scoped3A : memref<!tpu.dma_semaphore, #tpu.memory_space<semaphore_mem>>)
      %dma_wait3A_545 = tpu.memref_slice %arg2[%add3A_387] : memref<212992xi32, #tpu.memory_space<hbm>> -> memref<416xi32, #tpu.memory_space<hbm>>
      %dma_wait3A_546 = tpu.memref_slice %arg2[%add3A_387] : memref<212992xi32, #tpu.memory_space<hbm>> -> memref<416xi32, #tpu.memory_space<hbm>>
      tpu.wait_dma2 semaphore(%run_scoped3A : memref<!tpu.dma_semaphore, #tpu.memory_space<semaphore_mem>>) src(%dma_wait3A_546 : memref<416xi32, #tpu.memory_space<hbm>>) dst(%arg14 : memref<416xi32, #tpu.memory_space<vmem>>)
      tpu.yield
    }) : () -> ()
    %dma_start3A_388 = arith.constant 0 : i32
    %dma_start3A_389 = arith.constant 0 : i32
    %dma_start3A_390 = tpu.memref_slice %arg6[%dma_start3A_388, %dma_start3A_389] : memref<162500x128xf32, #tpu.memory_space<hbm>> -> memref<162500x128xf32, #tpu.memory_space<hbm>>
    tpu.enqueue_indirect_dma source(%dma_start3A_390 : memref<162500x128xf32, #tpu.memory_space<hbm>>) target(%arg15 : memref<416x128xf32, #tpu.memory_space<vmem>>) offsets(%arg14 : memref<416xi32, #tpu.memory_space<vmem>>) semaphore(%arg20 : memref<!tpu.dma_semaphore, #tpu.memory_space<semaphore_mem>>)
    %dma_wait3A_391 = arith.constant 0 : i32
    %dma_wait3A_392 = arith.constant 0 : i32
    %dma_wait3A_393 = tpu.memref_slice %arg7[%dma_wait3A_391, %dma_wait3A_392] : memref<162500x128xf32, #tpu.memory_space<hbm>> -> memref<162500x128xf32, #tpu.memory_space<hbm>>
    tpu.wait_indirect_dma semaphore(%arg21 : memref<!tpu.dma_semaphore, #tpu.memory_space<semaphore_mem>>) src(%dma_wait3A_393 : memref<162500x128xf32, #tpu.memory_space<hbm>>) dst(%arg17 : memref<416x128xf32, #tpu.memory_space<vmem>>)
    %mul3A_394 = arith.constant 6656 : i32
    %mul3A_395 = arith.muli %add3A, %mul3A_394 : i32
    %add3A_396 = arith.constant 5408 : i32
    %add3A_397 = arith.addi %mul3A_395, %add3A_396 : i32
    "tpu.region"() ({
      %run_scoped3A = tpu.sem_alloc : memref<!tpu.dma_semaphore, #tpu.memory_space<semaphore_mem>>
      %dma_start3A_543 = arith.constant 0 : i32
      %dma_start3A_544 = tpu.memref_slice %arg11[%add3A_397, %dma_start3A_543] : memref<212992x128xf32, #tpu.memory_space<hbm>> -> memref<416x128xf32, #tpu.memory_space<hbm>>
      %dma_start3A_545 = arith.constant 0 : i32
      %dma_start3A_546 = tpu.memref_slice %arg11[%add3A_397, %dma_start3A_545] : memref<212992x128xf32, #tpu.memory_space<hbm>> -> memref<416x128xf32, #tpu.memory_space<hbm>>
      tpu.enqueue_dma source(%arg17 : memref<416x128xf32, #tpu.memory_space<vmem>>) target(%dma_start3A_546 : memref<416x128xf32, #tpu.memory_space<hbm>>) target_semaphore(%run_scoped3A : memref<!tpu.dma_semaphore, #tpu.memory_space<semaphore_mem>>)
      %dma_wait3A_547 = arith.constant 0 : i32
      %dma_wait3A_548 = tpu.memref_slice %arg11[%add3A_397, %dma_wait3A_547] : memref<212992x128xf32, #tpu.memory_space<hbm>> -> memref<416x128xf32, #tpu.memory_space<hbm>>
      %dma_wait3A_549 = arith.constant 0 : i32
      %dma_wait3A_550 = tpu.memref_slice %arg11[%add3A_397, %dma_wait3A_549] : memref<212992x128xf32, #tpu.memory_space<hbm>> -> memref<416x128xf32, #tpu.memory_space<hbm>>
      tpu.wait_dma2 semaphore(%run_scoped3A : memref<!tpu.dma_semaphore, #tpu.memory_space<semaphore_mem>>) src(%arg17 : memref<416x128xf32, #tpu.memory_space<vmem>>) dst(%dma_wait3A_550 : memref<416x128xf32, #tpu.memory_space<hbm>>)
      tpu.yield
    }) : () -> ()
    %mul3A_398 = arith.constant 6656 : i32
    %mul3A_399 = arith.muli %add3A, %mul3A_398 : i32
    %add3A_400 = arith.constant 5824 : i32
    %add3A_401 = arith.addi %mul3A_399, %add3A_400 : i32
    "tpu.region"() ({
      %run_scoped3A = tpu.sem_alloc : memref<!tpu.dma_semaphore, #tpu.memory_space<semaphore_mem>>
      %dma_start3A_543 = tpu.memref_slice %arg3[%add3A_401] : memref<212992xi32, #tpu.memory_space<hbm>> -> memref<416xi32, #tpu.memory_space<hbm>>
      %dma_start3A_544 = tpu.memref_slice %arg3[%add3A_401] : memref<212992xi32, #tpu.memory_space<hbm>> -> memref<416xi32, #tpu.memory_space<hbm>>
      tpu.enqueue_dma source(%dma_start3A_544 : memref<416xi32, #tpu.memory_space<hbm>>) target(%arg16 : memref<416xi32, #tpu.memory_space<vmem>>) target_semaphore(%run_scoped3A : memref<!tpu.dma_semaphore, #tpu.memory_space<semaphore_mem>>)
      %dma_wait3A_545 = tpu.memref_slice %arg3[%add3A_401] : memref<212992xi32, #tpu.memory_space<hbm>> -> memref<416xi32, #tpu.memory_space<hbm>>
      %dma_wait3A_546 = tpu.memref_slice %arg3[%add3A_401] : memref<212992xi32, #tpu.memory_space<hbm>> -> memref<416xi32, #tpu.memory_space<hbm>>
      tpu.wait_dma2 semaphore(%run_scoped3A : memref<!tpu.dma_semaphore, #tpu.memory_space<semaphore_mem>>) src(%dma_wait3A_546 : memref<416xi32, #tpu.memory_space<hbm>>) dst(%arg16 : memref<416xi32, #tpu.memory_space<vmem>>)
      tpu.yield
    }) : () -> ()
    %dma_start3A_402 = arith.constant 0 : i32
    %dma_start3A_403 = arith.constant 0 : i32
    %dma_start3A_404 = tpu.memref_slice %arg7[%dma_start3A_402, %dma_start3A_403] : memref<162500x128xf32, #tpu.memory_space<hbm>> -> memref<162500x128xf32, #tpu.memory_space<hbm>>
    tpu.enqueue_indirect_dma source(%dma_start3A_404 : memref<162500x128xf32, #tpu.memory_space<hbm>>) target(%arg17 : memref<416x128xf32, #tpu.memory_space<vmem>>) offsets(%arg16 : memref<416xi32, #tpu.memory_space<vmem>>) semaphore(%arg21 : memref<!tpu.dma_semaphore, #tpu.memory_space<semaphore_mem>>)
    %dma_wait3A_405 = arith.constant 0 : i32
    %dma_wait3A_406 = arith.constant 0 : i32
    %dma_wait3A_407 = tpu.memref_slice %arg6[%dma_wait3A_405, %dma_wait3A_406] : memref<162500x128xf32, #tpu.memory_space<hbm>> -> memref<162500x128xf32, #tpu.memory_space<hbm>>
    tpu.wait_indirect_dma semaphore(%arg20 : memref<!tpu.dma_semaphore, #tpu.memory_space<semaphore_mem>>) src(%dma_wait3A_407 : memref<162500x128xf32, #tpu.memory_space<hbm>>) dst(%arg15 : memref<416x128xf32, #tpu.memory_space<vmem>>)
    %mul3A_408 = arith.constant 6656 : i32
    %mul3A_409 = arith.muli %add3A, %mul3A_408 : i32
    %add3A_410 = arith.constant 5824 : i32
    %add3A_411 = arith.addi %mul3A_409, %add3A_410 : i32
    "tpu.region"() ({
      %run_scoped3A = tpu.sem_alloc : memref<!tpu.dma_semaphore, #tpu.memory_space<semaphore_mem>>
      %dma_start3A_543 = arith.constant 0 : i32
      %dma_start3A_544 = tpu.memref_slice %arg10[%add3A_411, %dma_start3A_543] : memref<212992x128xf32, #tpu.memory_space<hbm>> -> memref<416x128xf32, #tpu.memory_space<hbm>>
      %dma_start3A_545 = arith.constant 0 : i32
      %dma_start3A_546 = tpu.memref_slice %arg10[%add3A_411, %dma_start3A_545] : memref<212992x128xf32, #tpu.memory_space<hbm>> -> memref<416x128xf32, #tpu.memory_space<hbm>>
      tpu.enqueue_dma source(%arg15 : memref<416x128xf32, #tpu.memory_space<vmem>>) target(%dma_start3A_546 : memref<416x128xf32, #tpu.memory_space<hbm>>) target_semaphore(%run_scoped3A : memref<!tpu.dma_semaphore, #tpu.memory_space<semaphore_mem>>)
      %dma_wait3A_547 = arith.constant 0 : i32
      %dma_wait3A_548 = tpu.memref_slice %arg10[%add3A_411, %dma_wait3A_547] : memref<212992x128xf32, #tpu.memory_space<hbm>> -> memref<416x128xf32, #tpu.memory_space<hbm>>
      %dma_wait3A_549 = arith.constant 0 : i32
      %dma_wait3A_550 = tpu.memref_slice %arg10[%add3A_411, %dma_wait3A_549] : memref<212992x128xf32, #tpu.memory_space<hbm>> -> memref<416x128xf32, #tpu.memory_space<hbm>>
      tpu.wait_dma2 semaphore(%run_scoped3A : memref<!tpu.dma_semaphore, #tpu.memory_space<semaphore_mem>>) src(%arg15 : memref<416x128xf32, #tpu.memory_space<vmem>>) dst(%dma_wait3A_550 : memref<416x128xf32, #tpu.memory_space<hbm>>)
      tpu.yield
    }) : () -> ()
    %mul3A_412 = arith.constant 6656 : i32
    %mul3A_413 = arith.muli %add3A, %mul3A_412 : i32
    %add3A_414 = arith.constant 6240 : i32
    %add3A_415 = arith.addi %mul3A_413, %add3A_414 : i32
    "tpu.region"() ({
      %run_scoped3A = tpu.sem_alloc : memref<!tpu.dma_semaphore, #tpu.memory_space<semaphore_mem>>
      %dma_start3A_543 = tpu.memref_slice %arg2[%add3A_415] : memref<212992xi32, #tpu.memory_space<hbm>> -> memref<416xi32, #tpu.memory_space<hbm>>
      %dma_start3A_544 = tpu.memref_slice %arg2[%add3A_415] : memref<212992xi32, #tpu.memory_space<hbm>> -> memref<416xi32, #tpu.memory_space<hbm>>
      tpu.enqueue_dma source(%dma_start3A_544 : memref<416xi32, #tpu.memory_space<hbm>>) target(%arg14 : memref<416xi32, #tpu.memory_space<vmem>>) target_semaphore(%run_scoped3A : memref<!tpu.dma_semaphore, #tpu.memory_space<semaphore_mem>>)
      %dma_wait3A_545 = tpu.memref_slice %arg2[%add3A_415] : memref<212992xi32, #tpu.memory_space<hbm>> -> memref<416xi32, #tpu.memory_space<hbm>>
      %dma_wait3A_546 = tpu.memref_slice %arg2[%add3A_415] : memref<212992xi32, #tpu.memory_space<hbm>> -> memref<416xi32, #tpu.memory_space<hbm>>
      tpu.wait_dma2 semaphore(%run_scoped3A : memref<!tpu.dma_semaphore, #tpu.memory_space<semaphore_mem>>) src(%dma_wait3A_546 : memref<416xi32, #tpu.memory_space<hbm>>) dst(%arg14 : memref<416xi32, #tpu.memory_space<vmem>>)
      tpu.yield
    }) : () -> ()
    %dma_start3A_416 = arith.constant 0 : i32
    %dma_start3A_417 = arith.constant 0 : i32
    %dma_start3A_418 = tpu.memref_slice %arg6[%dma_start3A_416, %dma_start3A_417] : memref<162500x128xf32, #tpu.memory_space<hbm>> -> memref<162500x128xf32, #tpu.memory_space<hbm>>
    tpu.enqueue_indirect_dma source(%dma_start3A_418 : memref<162500x128xf32, #tpu.memory_space<hbm>>) target(%arg15 : memref<416x128xf32, #tpu.memory_space<vmem>>) offsets(%arg14 : memref<416xi32, #tpu.memory_space<vmem>>) semaphore(%arg20 : memref<!tpu.dma_semaphore, #tpu.memory_space<semaphore_mem>>)
    %dma_wait3A_419 = arith.constant 0 : i32
    %dma_wait3A_420 = arith.constant 0 : i32
    %dma_wait3A_421 = tpu.memref_slice %arg7[%dma_wait3A_419, %dma_wait3A_420] : memref<162500x128xf32, #tpu.memory_space<hbm>> -> memref<162500x128xf32, #tpu.memory_space<hbm>>
    tpu.wait_indirect_dma semaphore(%arg21 : memref<!tpu.dma_semaphore, #tpu.memory_space<semaphore_mem>>) src(%dma_wait3A_421 : memref<162500x128xf32, #tpu.memory_space<hbm>>) dst(%arg17 : memref<416x128xf32, #tpu.memory_space<vmem>>)
    %mul3A_422 = arith.constant 6656 : i32
    %mul3A_423 = arith.muli %add3A, %mul3A_422 : i32
    %add3A_424 = arith.constant 5824 : i32
    %add3A_425 = arith.addi %mul3A_423, %add3A_424 : i32
    "tpu.region"() ({
      %run_scoped3A = tpu.sem_alloc : memref<!tpu.dma_semaphore, #tpu.memory_space<semaphore_mem>>
      %dma_start3A_543 = arith.constant 0 : i32
      %dma_start3A_544 = tpu.memref_slice %arg11[%add3A_425, %dma_start3A_543] : memref<212992x128xf32, #tpu.memory_space<hbm>> -> memref<416x128xf32, #tpu.memory_space<hbm>>
      %dma_start3A_545 = arith.constant 0 : i32
      %dma_start3A_546 = tpu.memref_slice %arg11[%add3A_425, %dma_start3A_545] : memref<212992x128xf32, #tpu.memory_space<hbm>> -> memref<416x128xf32, #tpu.memory_space<hbm>>
      tpu.enqueue_dma source(%arg17 : memref<416x128xf32, #tpu.memory_space<vmem>>) target(%dma_start3A_546 : memref<416x128xf32, #tpu.memory_space<hbm>>) target_semaphore(%run_scoped3A : memref<!tpu.dma_semaphore, #tpu.memory_space<semaphore_mem>>)
      %dma_wait3A_547 = arith.constant 0 : i32
      %dma_wait3A_548 = tpu.memref_slice %arg11[%add3A_425, %dma_wait3A_547] : memref<212992x128xf32, #tpu.memory_space<hbm>> -> memref<416x128xf32, #tpu.memory_space<hbm>>
      %dma_wait3A_549 = arith.constant 0 : i32
      %dma_wait3A_550 = tpu.memref_slice %arg11[%add3A_425, %dma_wait3A_549] : memref<212992x128xf32, #tpu.memory_space<hbm>> -> memref<416x128xf32, #tpu.memory_space<hbm>>
      tpu.wait_dma2 semaphore(%run_scoped3A : memref<!tpu.dma_semaphore, #tpu.memory_space<semaphore_mem>>) src(%arg17 : memref<416x128xf32, #tpu.memory_space<vmem>>) dst(%dma_wait3A_550 : memref<416x128xf32, #tpu.memory_space<hbm>>)
      tpu.yield
    }) : () -> ()
    %mul3A_426 = arith.constant 6656 : i32
    %mul3A_427 = arith.muli %add3A, %mul3A_426 : i32
    %add3A_428 = arith.constant 6240 : i32
    %add3A_429 = arith.addi %mul3A_427, %add3A_428 : i32
    "tpu.region"() ({
      %run_scoped3A = tpu.sem_alloc : memref<!tpu.dma_semaphore, #tpu.memory_space<semaphore_mem>>
      %dma_start3A_543 = tpu.memref_slice %arg3[%add3A_429] : memref<212992xi32, #tpu.memory_space<hbm>> -> memref<416xi32, #tpu.memory_space<hbm>>
      %dma_start3A_544 = tpu.memref_slice %arg3[%add3A_429] : memref<212992xi32, #tpu.memory_space<hbm>> -> memref<416xi32, #tpu.memory_space<hbm>>
      tpu.enqueue_dma source(%dma_start3A_544 : memref<416xi32, #tpu.memory_space<hbm>>) target(%arg16 : memref<416xi32, #tpu.memory_space<vmem>>) target_semaphore(%run_scoped3A : memref<!tpu.dma_semaphore, #tpu.memory_space<semaphore_mem>>)
      %dma_wait3A_545 = tpu.memref_slice %arg3[%add3A_429] : memref<212992xi32, #tpu.memory_space<hbm>> -> memref<416xi32, #tpu.memory_space<hbm>>
      %dma_wait3A_546 = tpu.memref_slice %arg3[%add3A_429] : memref<212992xi32, #tpu.memory_space<hbm>> -> memref<416xi32, #tpu.memory_space<hbm>>
      tpu.wait_dma2 semaphore(%run_scoped3A : memref<!tpu.dma_semaphore, #tpu.memory_space<semaphore_mem>>) src(%dma_wait3A_546 : memref<416xi32, #tpu.memory_space<hbm>>) dst(%arg16 : memref<416xi32, #tpu.memory_space<vmem>>)
      tpu.yield
    }) : () -> ()
    %dma_start3A_430 = arith.constant 0 : i32
    %dma_start3A_431 = arith.constant 0 : i32
    %dma_start3A_432 = tpu.memref_slice %arg7[%dma_start3A_430, %dma_start3A_431] : memref<162500x128xf32, #tpu.memory_space<hbm>> -> memref<162500x128xf32, #tpu.memory_space<hbm>>
    tpu.enqueue_indirect_dma source(%dma_start3A_432 : memref<162500x128xf32, #tpu.memory_space<hbm>>) target(%arg17 : memref<416x128xf32, #tpu.memory_space<vmem>>) offsets(%arg16 : memref<416xi32, #tpu.memory_space<vmem>>) semaphore(%arg21 : memref<!tpu.dma_semaphore, #tpu.memory_space<semaphore_mem>>)
    %dma_wait3A_433 = arith.constant 0 : i32
    %dma_wait3A_434 = arith.constant 0 : i32
    %dma_wait3A_435 = tpu.memref_slice %arg6[%dma_wait3A_433, %dma_wait3A_434] : memref<162500x128xf32, #tpu.memory_space<hbm>> -> memref<162500x128xf32, #tpu.memory_space<hbm>>
    tpu.wait_indirect_dma semaphore(%arg20 : memref<!tpu.dma_semaphore, #tpu.memory_space<semaphore_mem>>) src(%dma_wait3A_435 : memref<162500x128xf32, #tpu.memory_space<hbm>>) dst(%arg15 : memref<416x128xf32, #tpu.memory_space<vmem>>)
    %mul3A_436 = arith.constant 6656 : i32
    %mul3A_437 = arith.muli %add3A, %mul3A_436 : i32
    %add3A_438 = arith.constant 6240 : i32
    %add3A_439 = arith.addi %mul3A_437, %add3A_438 : i32
    "tpu.region"() ({
      %run_scoped3A = tpu.sem_alloc : memref<!tpu.dma_semaphore, #tpu.memory_space<semaphore_mem>>
      %dma_start3A_543 = arith.constant 0 : i32
      %dma_start3A_544 = tpu.memref_slice %arg10[%add3A_439, %dma_start3A_543] : memref<212992x128xf32, #tpu.memory_space<hbm>> -> memref<416x128xf32, #tpu.memory_space<hbm>>
      %dma_start3A_545 = arith.constant 0 : i32
      %dma_start3A_546 = tpu.memref_slice %arg10[%add3A_439, %dma_start3A_545] : memref<212992x128xf32, #tpu.memory_space<hbm>> -> memref<416x128xf32, #tpu.memory_space<hbm>>
      tpu.enqueue_dma source(%arg15 : memref<416x128xf32, #tpu.memory_space<vmem>>) target(%dma_start3A_546 : memref<416x128xf32, #tpu.memory_space<hbm>>) target_semaphore(%run_scoped3A : memref<!tpu.dma_semaphore, #tpu.memory_space<semaphore_mem>>)
      %dma_wait3A_547 = arith.constant 0 : i32
      %dma_wait3A_548 = tpu.memref_slice %arg10[%add3A_439, %dma_wait3A_547] : memref<212992x128xf32, #tpu.memory_space<hbm>> -> memref<416x128xf32, #tpu.memory_space<hbm>>
      %dma_wait3A_549 = arith.constant 0 : i32
      %dma_wait3A_550 = tpu.memref_slice %arg10[%add3A_439, %dma_wait3A_549] : memref<212992x128xf32, #tpu.memory_space<hbm>> -> memref<416x128xf32, #tpu.memory_space<hbm>>
      tpu.wait_dma2 semaphore(%run_scoped3A : memref<!tpu.dma_semaphore, #tpu.memory_space<semaphore_mem>>) src(%arg15 : memref<416x128xf32, #tpu.memory_space<vmem>>) dst(%dma_wait3A_550 : memref<416x128xf32, #tpu.memory_space<hbm>>)
      tpu.yield
    }) : () -> ()
    %dma_wait3A_440 = arith.constant 0 : i32
    %dma_wait3A_441 = arith.constant 0 : i32
    %dma_wait3A_442 = tpu.memref_slice %arg7[%dma_wait3A_440, %dma_wait3A_441] : memref<162500x128xf32, #tpu.memory_space<hbm>> -> memref<162500x128xf32, #tpu.memory_space<hbm>>
    tpu.wait_indirect_dma semaphore(%arg21 : memref<!tpu.dma_semaphore, #tpu.memory_space<semaphore_mem>>) src(%dma_wait3A_442 : memref<162500x128xf32, #tpu.memory_space<hbm>>) dst(%arg17 : memref<416x128xf32, #tpu.memory_space<vmem>>)
    %mul3A_443 = arith.constant 6656 : i32
    %mul3A_444 = arith.muli %add3A, %mul3A_443 : i32
    %add3A_445 = arith.constant 6240 : i32
    %add3A_446 = arith.addi %mul3A_444, %add3A_445 : i32
    "tpu.region"() ({
      %run_scoped3A = tpu.sem_alloc : memref<!tpu.dma_semaphore, #tpu.memory_space<semaphore_mem>>
      %dma_start3A_543 = arith.constant 0 : i32
      %dma_start3A_544 = tpu.memref_slice %arg11[%add3A_446, %dma_start3A_543] : memref<212992x128xf32, #tpu.memory_space<hbm>> -> memref<416x128xf32, #tpu.memory_space<hbm>>
      %dma_start3A_545 = arith.constant 0 : i32
      %dma_start3A_546 = tpu.memref_slice %arg11[%add3A_446, %dma_start3A_545] : memref<212992x128xf32, #tpu.memory_space<hbm>> -> memref<416x128xf32, #tpu.memory_space<hbm>>
      tpu.enqueue_dma source(%arg17 : memref<416x128xf32, #tpu.memory_space<vmem>>) target(%dma_start3A_546 : memref<416x128xf32, #tpu.memory_space<hbm>>) target_semaphore(%run_scoped3A : memref<!tpu.dma_semaphore, #tpu.memory_space<semaphore_mem>>)
      %dma_wait3A_547 = arith.constant 0 : i32
      %dma_wait3A_548 = tpu.memref_slice %arg11[%add3A_446, %dma_wait3A_547] : memref<212992x128xf32, #tpu.memory_space<hbm>> -> memref<416x128xf32, #tpu.memory_space<hbm>>
      %dma_wait3A_549 = arith.constant 0 : i32
      %dma_wait3A_550 = tpu.memref_slice %arg11[%add3A_446, %dma_wait3A_549] : memref<212992x128xf32, #tpu.memory_space<hbm>> -> memref<416x128xf32, #tpu.memory_space<hbm>>
      tpu.wait_dma2 semaphore(%run_scoped3A : memref<!tpu.dma_semaphore, #tpu.memory_space<semaphore_mem>>) src(%arg17 : memref<416x128xf32, #tpu.memory_space<vmem>>) dst(%dma_wait3A_550 : memref<416x128xf32, #tpu.memory_space<hbm>>)
      tpu.yield
    }) : () -> ()
    %mul3A_447 = arith.constant 6656 : i32
    %mul3A_448 = arith.muli %add3A, %mul3A_447 : i32
    %add3A_449 = arith.constant 0 : i32
    %add3A_450 = arith.addi %mul3A_448, %add3A_449 : i32
    "tpu.region"() ({
      %run_scoped3A = tpu.sem_alloc : memref<!tpu.dma_semaphore, #tpu.memory_space<semaphore_mem>>
      %dma_start3A_543 = tpu.memref_slice %arg4[%add3A_450] : memref<212992xi32, #tpu.memory_space<hbm>> -> memref<832xi32, #tpu.memory_space<hbm>>
      %dma_start3A_544 = tpu.memref_slice %arg4[%add3A_450] : memref<212992xi32, #tpu.memory_space<hbm>> -> memref<832xi32, #tpu.memory_space<hbm>>
      tpu.enqueue_dma source(%dma_start3A_544 : memref<832xi32, #tpu.memory_space<hbm>>) target(%arg18 : memref<832xi32, #tpu.memory_space<vmem>>) target_semaphore(%run_scoped3A : memref<!tpu.dma_semaphore, #tpu.memory_space<semaphore_mem>>)
      %dma_wait3A_545 = tpu.memref_slice %arg4[%add3A_450] : memref<212992xi32, #tpu.memory_space<hbm>> -> memref<832xi32, #tpu.memory_space<hbm>>
      %dma_wait3A_546 = tpu.memref_slice %arg4[%add3A_450] : memref<212992xi32, #tpu.memory_space<hbm>> -> memref<832xi32, #tpu.memory_space<hbm>>
      tpu.wait_dma2 semaphore(%run_scoped3A : memref<!tpu.dma_semaphore, #tpu.memory_space<semaphore_mem>>) src(%dma_wait3A_546 : memref<832xi32, #tpu.memory_space<hbm>>) dst(%arg18 : memref<832xi32, #tpu.memory_space<vmem>>)
      tpu.yield
    }) : () -> ()
    %dma_start3A_451 = arith.constant 0 : i32
    %dma_start3A_452 = tpu.memref_slice %arg8[%dma_start3A_451] : memref<1300000xf32, #tpu.memory_space<hbm>> -> memref<1300000xf32, #tpu.memory_space<hbm>>
    tpu.enqueue_indirect_dma source(%dma_start3A_452 : memref<1300000xf32, #tpu.memory_space<hbm>>) target(%arg19 : memref<832xf32, #tpu.memory_space<vmem>>) offsets(%arg18 : memref<832xi32, #tpu.memory_space<vmem>>) semaphore(%arg20 : memref<!tpu.dma_semaphore, #tpu.memory_space<semaphore_mem>>)
    %dma_wait3A_453 = arith.constant 0 : i32
    %dma_wait3A_454 = tpu.memref_slice %arg8[%dma_wait3A_453] : memref<1300000xf32, #tpu.memory_space<hbm>> -> memref<1300000xf32, #tpu.memory_space<hbm>>
    tpu.wait_indirect_dma semaphore(%arg20 : memref<!tpu.dma_semaphore, #tpu.memory_space<semaphore_mem>>) src(%dma_wait3A_454 : memref<1300000xf32, #tpu.memory_space<hbm>>) dst(%arg19 : memref<832xf32, #tpu.memory_space<vmem>>)
    "tpu.region"() ({
      %run_scoped3A = tpu.sem_alloc : memref<!tpu.dma_semaphore, #tpu.memory_space<semaphore_mem>>
      %dma_start3A_543 = tpu.memref_slice %arg12[%add3A_450] : memref<212992xf32, #tpu.memory_space<hbm>> -> memref<832xf32, #tpu.memory_space<hbm>>
      %dma_start3A_544 = tpu.memref_slice %arg12[%add3A_450] : memref<212992xf32, #tpu.memory_space<hbm>> -> memref<832xf32, #tpu.memory_space<hbm>>
      tpu.enqueue_dma source(%arg19 : memref<832xf32, #tpu.memory_space<vmem>>) target(%dma_start3A_544 : memref<832xf32, #tpu.memory_space<hbm>>) target_semaphore(%run_scoped3A : memref<!tpu.dma_semaphore, #tpu.memory_space<semaphore_mem>>)
      %dma_wait3A_545 = tpu.memref_slice %arg12[%add3A_450] : memref<212992xf32, #tpu.memory_space<hbm>> -> memref<832xf32, #tpu.memory_space<hbm>>
      %dma_wait3A_546 = tpu.memref_slice %arg12[%add3A_450] : memref<212992xf32, #tpu.memory_space<hbm>> -> memref<832xf32, #tpu.memory_space<hbm>>
      tpu.wait_dma2 semaphore(%run_scoped3A : memref<!tpu.dma_semaphore, #tpu.memory_space<semaphore_mem>>) src(%arg19 : memref<832xf32, #tpu.memory_space<vmem>>) dst(%dma_wait3A_546 : memref<832xf32, #tpu.memory_space<hbm>>)
      tpu.yield
    }) : () -> ()
    "tpu.region"() ({
      %run_scoped3A = tpu.sem_alloc : memref<!tpu.dma_semaphore, #tpu.memory_space<semaphore_mem>>
      %dma_start3A_543 = tpu.memref_slice %arg5[%add3A_450] : memref<212992xi32, #tpu.memory_space<hbm>> -> memref<832xi32, #tpu.memory_space<hbm>>
      %dma_start3A_544 = tpu.memref_slice %arg5[%add3A_450] : memref<212992xi32, #tpu.memory_space<hbm>> -> memref<832xi32, #tpu.memory_space<hbm>>
      tpu.enqueue_dma source(%dma_start3A_544 : memref<832xi32, #tpu.memory_space<hbm>>) target(%arg18 : memref<832xi32, #tpu.memory_space<vmem>>) target_semaphore(%run_scoped3A : memref<!tpu.dma_semaphore, #tpu.memory_space<semaphore_mem>>)
      %dma_wait3A_545 = tpu.memref_slice %arg5[%add3A_450] : memref<212992xi32, #tpu.memory_space<hbm>> -> memref<832xi32, #tpu.memory_space<hbm>>
      %dma_wait3A_546 = tpu.memref_slice %arg5[%add3A_450] : memref<212992xi32, #tpu.memory_space<hbm>> -> memref<832xi32, #tpu.memory_space<hbm>>
      tpu.wait_dma2 semaphore(%run_scoped3A : memref<!tpu.dma_semaphore, #tpu.memory_space<semaphore_mem>>) src(%dma_wait3A_546 : memref<832xi32, #tpu.memory_space<hbm>>) dst(%arg18 : memref<832xi32, #tpu.memory_space<vmem>>)
      tpu.yield
    }) : () -> ()
    %dma_start3A_455 = arith.constant 0 : i32
    %dma_start3A_456 = tpu.memref_slice %arg9[%dma_start3A_455] : memref<1300000xf32, #tpu.memory_space<hbm>> -> memref<1300000xf32, #tpu.memory_space<hbm>>
    tpu.enqueue_indirect_dma source(%dma_start3A_456 : memref<1300000xf32, #tpu.memory_space<hbm>>) target(%arg19 : memref<832xf32, #tpu.memory_space<vmem>>) offsets(%arg18 : memref<832xi32, #tpu.memory_space<vmem>>) semaphore(%arg20 : memref<!tpu.dma_semaphore, #tpu.memory_space<semaphore_mem>>)
    %dma_wait3A_457 = arith.constant 0 : i32
    %dma_wait3A_458 = tpu.memref_slice %arg9[%dma_wait3A_457] : memref<1300000xf32, #tpu.memory_space<hbm>> -> memref<1300000xf32, #tpu.memory_space<hbm>>
    tpu.wait_indirect_dma semaphore(%arg20 : memref<!tpu.dma_semaphore, #tpu.memory_space<semaphore_mem>>) src(%dma_wait3A_458 : memref<1300000xf32, #tpu.memory_space<hbm>>) dst(%arg19 : memref<832xf32, #tpu.memory_space<vmem>>)
    "tpu.region"() ({
      %run_scoped3A = tpu.sem_alloc : memref<!tpu.dma_semaphore, #tpu.memory_space<semaphore_mem>>
      %dma_start3A_543 = tpu.memref_slice %arg13[%add3A_450] : memref<212992xf32, #tpu.memory_space<hbm>> -> memref<832xf32, #tpu.memory_space<hbm>>
      %dma_start3A_544 = tpu.memref_slice %arg13[%add3A_450] : memref<212992xf32, #tpu.memory_space<hbm>> -> memref<832xf32, #tpu.memory_space<hbm>>
      tpu.enqueue_dma source(%arg19 : memref<832xf32, #tpu.memory_space<vmem>>) target(%dma_start3A_544 : memref<832xf32, #tpu.memory_space<hbm>>) target_semaphore(%run_scoped3A : memref<!tpu.dma_semaphore, #tpu.memory_space<semaphore_mem>>)
      %dma_wait3A_545 = tpu.memref_slice %arg13[%add3A_450] : memref<212992xf32, #tpu.memory_space<hbm>> -> memref<832xf32, #tpu.memory_space<hbm>>
      %dma_wait3A_546 = tpu.memref_slice %arg13[%add3A_450] : memref<212992xf32, #tpu.memory_space<hbm>> -> memref<832xf32, #tpu.memory_space<hbm>>
      tpu.wait_dma2 semaphore(%run_scoped3A : memref<!tpu.dma_semaphore, #tpu.memory_space<semaphore_mem>>) src(%arg19 : memref<832xf32, #tpu.memory_space<vmem>>) dst(%dma_wait3A_546 : memref<832xf32, #tpu.memory_space<hbm>>)
      tpu.yield
    }) : () -> ()
    %mul3A_459 = arith.constant 6656 : i32
    %mul3A_460 = arith.muli %add3A, %mul3A_459 : i32
    %add3A_461 = arith.constant 832 : i32
    %add3A_462 = arith.addi %mul3A_460, %add3A_461 : i32
    "tpu.region"() ({
      %run_scoped3A = tpu.sem_alloc : memref<!tpu.dma_semaphore, #tpu.memory_space<semaphore_mem>>
      %dma_start3A_543 = tpu.memref_slice %arg4[%add3A_462] : memref<212992xi32, #tpu.memory_space<hbm>> -> memref<832xi32, #tpu.memory_space<hbm>>
      %dma_start3A_544 = tpu.memref_slice %arg4[%add3A_462] : memref<212992xi32, #tpu.memory_space<hbm>> -> memref<832xi32, #tpu.memory_space<hbm>>
      tpu.enqueue_dma source(%dma_start3A_544 : memref<832xi32, #tpu.memory_space<hbm>>) target(%arg18 : memref<832xi32, #tpu.memory_space<vmem>>) target_semaphore(%run_scoped3A : memref<!tpu.dma_semaphore, #tpu.memory_space<semaphore_mem>>)
      %dma_wait3A_545 = tpu.memref_slice %arg4[%add3A_462] : memref<212992xi32, #tpu.memory_space<hbm>> -> memref<832xi32, #tpu.memory_space<hbm>>
      %dma_wait3A_546 = tpu.memref_slice %arg4[%add3A_462] : memref<212992xi32, #tpu.memory_space<hbm>> -> memref<832xi32, #tpu.memory_space<hbm>>
      tpu.wait_dma2 semaphore(%run_scoped3A : memref<!tpu.dma_semaphore, #tpu.memory_space<semaphore_mem>>) src(%dma_wait3A_546 : memref<832xi32, #tpu.memory_space<hbm>>) dst(%arg18 : memref<832xi32, #tpu.memory_space<vmem>>)
      tpu.yield
    }) : () -> ()
    %dma_start3A_463 = arith.constant 0 : i32
    %dma_start3A_464 = tpu.memref_slice %arg8[%dma_start3A_463] : memref<1300000xf32, #tpu.memory_space<hbm>> -> memref<1300000xf32, #tpu.memory_space<hbm>>
    tpu.enqueue_indirect_dma source(%dma_start3A_464 : memref<1300000xf32, #tpu.memory_space<hbm>>) target(%arg19 : memref<832xf32, #tpu.memory_space<vmem>>) offsets(%arg18 : memref<832xi32, #tpu.memory_space<vmem>>) semaphore(%arg20 : memref<!tpu.dma_semaphore, #tpu.memory_space<semaphore_mem>>)
    %dma_wait3A_465 = arith.constant 0 : i32
    %dma_wait3A_466 = tpu.memref_slice %arg8[%dma_wait3A_465] : memref<1300000xf32, #tpu.memory_space<hbm>> -> memref<1300000xf32, #tpu.memory_space<hbm>>
    tpu.wait_indirect_dma semaphore(%arg20 : memref<!tpu.dma_semaphore, #tpu.memory_space<semaphore_mem>>) src(%dma_wait3A_466 : memref<1300000xf32, #tpu.memory_space<hbm>>) dst(%arg19 : memref<832xf32, #tpu.memory_space<vmem>>)
    "tpu.region"() ({
      %run_scoped3A = tpu.sem_alloc : memref<!tpu.dma_semaphore, #tpu.memory_space<semaphore_mem>>
      %dma_start3A_543 = tpu.memref_slice %arg12[%add3A_462] : memref<212992xf32, #tpu.memory_space<hbm>> -> memref<832xf32, #tpu.memory_space<hbm>>
      %dma_start3A_544 = tpu.memref_slice %arg12[%add3A_462] : memref<212992xf32, #tpu.memory_space<hbm>> -> memref<832xf32, #tpu.memory_space<hbm>>
      tpu.enqueue_dma source(%arg19 : memref<832xf32, #tpu.memory_space<vmem>>) target(%dma_start3A_544 : memref<832xf32, #tpu.memory_space<hbm>>) target_semaphore(%run_scoped3A : memref<!tpu.dma_semaphore, #tpu.memory_space<semaphore_mem>>)
      %dma_wait3A_545 = tpu.memref_slice %arg12[%add3A_462] : memref<212992xf32, #tpu.memory_space<hbm>> -> memref<832xf32, #tpu.memory_space<hbm>>
      %dma_wait3A_546 = tpu.memref_slice %arg12[%add3A_462] : memref<212992xf32, #tpu.memory_space<hbm>> -> memref<832xf32, #tpu.memory_space<hbm>>
      tpu.wait_dma2 semaphore(%run_scoped3A : memref<!tpu.dma_semaphore, #tpu.memory_space<semaphore_mem>>) src(%arg19 : memref<832xf32, #tpu.memory_space<vmem>>) dst(%dma_wait3A_546 : memref<832xf32, #tpu.memory_space<hbm>>)
      tpu.yield
    }) : () -> ()
    "tpu.region"() ({
      %run_scoped3A = tpu.sem_alloc : memref<!tpu.dma_semaphore, #tpu.memory_space<semaphore_mem>>
      %dma_start3A_543 = tpu.memref_slice %arg5[%add3A_462] : memref<212992xi32, #tpu.memory_space<hbm>> -> memref<832xi32, #tpu.memory_space<hbm>>
      %dma_start3A_544 = tpu.memref_slice %arg5[%add3A_462] : memref<212992xi32, #tpu.memory_space<hbm>> -> memref<832xi32, #tpu.memory_space<hbm>>
      tpu.enqueue_dma source(%dma_start3A_544 : memref<832xi32, #tpu.memory_space<hbm>>) target(%arg18 : memref<832xi32, #tpu.memory_space<vmem>>) target_semaphore(%run_scoped3A : memref<!tpu.dma_semaphore, #tpu.memory_space<semaphore_mem>>)
      %dma_wait3A_545 = tpu.memref_slice %arg5[%add3A_462] : memref<212992xi32, #tpu.memory_space<hbm>> -> memref<832xi32, #tpu.memory_space<hbm>>
      %dma_wait3A_546 = tpu.memref_slice %arg5[%add3A_462] : memref<212992xi32, #tpu.memory_space<hbm>> -> memref<832xi32, #tpu.memory_space<hbm>>
      tpu.wait_dma2 semaphore(%run_scoped3A : memref<!tpu.dma_semaphore, #tpu.memory_space<semaphore_mem>>) src(%dma_wait3A_546 : memref<832xi32, #tpu.memory_space<hbm>>) dst(%arg18 : memref<832xi32, #tpu.memory_space<vmem>>)
      tpu.yield
    }) : () -> ()
    %dma_start3A_467 = arith.constant 0 : i32
    %dma_start3A_468 = tpu.memref_slice %arg9[%dma_start3A_467] : memref<1300000xf32, #tpu.memory_space<hbm>> -> memref<1300000xf32, #tpu.memory_space<hbm>>
    tpu.enqueue_indirect_dma source(%dma_start3A_468 : memref<1300000xf32, #tpu.memory_space<hbm>>) target(%arg19 : memref<832xf32, #tpu.memory_space<vmem>>) offsets(%arg18 : memref<832xi32, #tpu.memory_space<vmem>>) semaphore(%arg20 : memref<!tpu.dma_semaphore, #tpu.memory_space<semaphore_mem>>)
    %dma_wait3A_469 = arith.constant 0 : i32
    %dma_wait3A_470 = tpu.memref_slice %arg9[%dma_wait3A_469] : memref<1300000xf32, #tpu.memory_space<hbm>> -> memref<1300000xf32, #tpu.memory_space<hbm>>
    tpu.wait_indirect_dma semaphore(%arg20 : memref<!tpu.dma_semaphore, #tpu.memory_space<semaphore_mem>>) src(%dma_wait3A_470 : memref<1300000xf32, #tpu.memory_space<hbm>>) dst(%arg19 : memref<832xf32, #tpu.memory_space<vmem>>)
    "tpu.region"() ({
      %run_scoped3A = tpu.sem_alloc : memref<!tpu.dma_semaphore, #tpu.memory_space<semaphore_mem>>
      %dma_start3A_543 = tpu.memref_slice %arg13[%add3A_462] : memref<212992xf32, #tpu.memory_space<hbm>> -> memref<832xf32, #tpu.memory_space<hbm>>
      %dma_start3A_544 = tpu.memref_slice %arg13[%add3A_462] : memref<212992xf32, #tpu.memory_space<hbm>> -> memref<832xf32, #tpu.memory_space<hbm>>
      tpu.enqueue_dma source(%arg19 : memref<832xf32, #tpu.memory_space<vmem>>) target(%dma_start3A_544 : memref<832xf32, #tpu.memory_space<hbm>>) target_semaphore(%run_scoped3A : memref<!tpu.dma_semaphore, #tpu.memory_space<semaphore_mem>>)
      %dma_wait3A_545 = tpu.memref_slice %arg13[%add3A_462] : memref<212992xf32, #tpu.memory_space<hbm>> -> memref<832xf32, #tpu.memory_space<hbm>>
      %dma_wait3A_546 = tpu.memref_slice %arg13[%add3A_462] : memref<212992xf32, #tpu.memory_space<hbm>> -> memref<832xf32, #tpu.memory_space<hbm>>
      tpu.wait_dma2 semaphore(%run_scoped3A : memref<!tpu.dma_semaphore, #tpu.memory_space<semaphore_mem>>) src(%arg19 : memref<832xf32, #tpu.memory_space<vmem>>) dst(%dma_wait3A_546 : memref<832xf32, #tpu.memory_space<hbm>>)
      tpu.yield
    }) : () -> ()
    %mul3A_471 = arith.constant 6656 : i32
    %mul3A_472 = arith.muli %add3A, %mul3A_471 : i32
    %add3A_473 = arith.constant 1664 : i32
    %add3A_474 = arith.addi %mul3A_472, %add3A_473 : i32
    "tpu.region"() ({
      %run_scoped3A = tpu.sem_alloc : memref<!tpu.dma_semaphore, #tpu.memory_space<semaphore_mem>>
      %dma_start3A_543 = tpu.memref_slice %arg4[%add3A_474] : memref<212992xi32, #tpu.memory_space<hbm>> -> memref<832xi32, #tpu.memory_space<hbm>>
      %dma_start3A_544 = tpu.memref_slice %arg4[%add3A_474] : memref<212992xi32, #tpu.memory_space<hbm>> -> memref<832xi32, #tpu.memory_space<hbm>>
      tpu.enqueue_dma source(%dma_start3A_544 : memref<832xi32, #tpu.memory_space<hbm>>) target(%arg18 : memref<832xi32, #tpu.memory_space<vmem>>) target_semaphore(%run_scoped3A : memref<!tpu.dma_semaphore, #tpu.memory_space<semaphore_mem>>)
      %dma_wait3A_545 = tpu.memref_slice %arg4[%add3A_474] : memref<212992xi32, #tpu.memory_space<hbm>> -> memref<832xi32, #tpu.memory_space<hbm>>
      %dma_wait3A_546 = tpu.memref_slice %arg4[%add3A_474] : memref<212992xi32, #tpu.memory_space<hbm>> -> memref<832xi32, #tpu.memory_space<hbm>>
      tpu.wait_dma2 semaphore(%run_scoped3A : memref<!tpu.dma_semaphore, #tpu.memory_space<semaphore_mem>>) src(%dma_wait3A_546 : memref<832xi32, #tpu.memory_space<hbm>>) dst(%arg18 : memref<832xi32, #tpu.memory_space<vmem>>)
      tpu.yield
    }) : () -> ()
    %dma_start3A_475 = arith.constant 0 : i32
    %dma_start3A_476 = tpu.memref_slice %arg8[%dma_start3A_475] : memref<1300000xf32, #tpu.memory_space<hbm>> -> memref<1300000xf32, #tpu.memory_space<hbm>>
    tpu.enqueue_indirect_dma source(%dma_start3A_476 : memref<1300000xf32, #tpu.memory_space<hbm>>) target(%arg19 : memref<832xf32, #tpu.memory_space<vmem>>) offsets(%arg18 : memref<832xi32, #tpu.memory_space<vmem>>) semaphore(%arg20 : memref<!tpu.dma_semaphore, #tpu.memory_space<semaphore_mem>>)
    %dma_wait3A_477 = arith.constant 0 : i32
    %dma_wait3A_478 = tpu.memref_slice %arg8[%dma_wait3A_477] : memref<1300000xf32, #tpu.memory_space<hbm>> -> memref<1300000xf32, #tpu.memory_space<hbm>>
    tpu.wait_indirect_dma semaphore(%arg20 : memref<!tpu.dma_semaphore, #tpu.memory_space<semaphore_mem>>) src(%dma_wait3A_478 : memref<1300000xf32, #tpu.memory_space<hbm>>) dst(%arg19 : memref<832xf32, #tpu.memory_space<vmem>>)
    "tpu.region"() ({
      %run_scoped3A = tpu.sem_alloc : memref<!tpu.dma_semaphore, #tpu.memory_space<semaphore_mem>>
      %dma_start3A_543 = tpu.memref_slice %arg12[%add3A_474] : memref<212992xf32, #tpu.memory_space<hbm>> -> memref<832xf32, #tpu.memory_space<hbm>>
      %dma_start3A_544 = tpu.memref_slice %arg12[%add3A_474] : memref<212992xf32, #tpu.memory_space<hbm>> -> memref<832xf32, #tpu.memory_space<hbm>>
      tpu.enqueue_dma source(%arg19 : memref<832xf32, #tpu.memory_space<vmem>>) target(%dma_start3A_544 : memref<832xf32, #tpu.memory_space<hbm>>) target_semaphore(%run_scoped3A : memref<!tpu.dma_semaphore, #tpu.memory_space<semaphore_mem>>)
      %dma_wait3A_545 = tpu.memref_slice %arg12[%add3A_474] : memref<212992xf32, #tpu.memory_space<hbm>> -> memref<832xf32, #tpu.memory_space<hbm>>
      %dma_wait3A_546 = tpu.memref_slice %arg12[%add3A_474] : memref<212992xf32, #tpu.memory_space<hbm>> -> memref<832xf32, #tpu.memory_space<hbm>>
      tpu.wait_dma2 semaphore(%run_scoped3A : memref<!tpu.dma_semaphore, #tpu.memory_space<semaphore_mem>>) src(%arg19 : memref<832xf32, #tpu.memory_space<vmem>>) dst(%dma_wait3A_546 : memref<832xf32, #tpu.memory_space<hbm>>)
      tpu.yield
    }) : () -> ()
    "tpu.region"() ({
      %run_scoped3A = tpu.sem_alloc : memref<!tpu.dma_semaphore, #tpu.memory_space<semaphore_mem>>
      %dma_start3A_543 = tpu.memref_slice %arg5[%add3A_474] : memref<212992xi32, #tpu.memory_space<hbm>> -> memref<832xi32, #tpu.memory_space<hbm>>
      %dma_start3A_544 = tpu.memref_slice %arg5[%add3A_474] : memref<212992xi32, #tpu.memory_space<hbm>> -> memref<832xi32, #tpu.memory_space<hbm>>
      tpu.enqueue_dma source(%dma_start3A_544 : memref<832xi32, #tpu.memory_space<hbm>>) target(%arg18 : memref<832xi32, #tpu.memory_space<vmem>>) target_semaphore(%run_scoped3A : memref<!tpu.dma_semaphore, #tpu.memory_space<semaphore_mem>>)
      %dma_wait3A_545 = tpu.memref_slice %arg5[%add3A_474] : memref<212992xi32, #tpu.memory_space<hbm>> -> memref<832xi32, #tpu.memory_space<hbm>>
      %dma_wait3A_546 = tpu.memref_slice %arg5[%add3A_474] : memref<212992xi32, #tpu.memory_space<hbm>> -> memref<832xi32, #tpu.memory_space<hbm>>
      tpu.wait_dma2 semaphore(%run_scoped3A : memref<!tpu.dma_semaphore, #tpu.memory_space<semaphore_mem>>) src(%dma_wait3A_546 : memref<832xi32, #tpu.memory_space<hbm>>) dst(%arg18 : memref<832xi32, #tpu.memory_space<vmem>>)
      tpu.yield
    }) : () -> ()
    %dma_start3A_479 = arith.constant 0 : i32
    %dma_start3A_480 = tpu.memref_slice %arg9[%dma_start3A_479] : memref<1300000xf32, #tpu.memory_space<hbm>> -> memref<1300000xf32, #tpu.memory_space<hbm>>
    tpu.enqueue_indirect_dma source(%dma_start3A_480 : memref<1300000xf32, #tpu.memory_space<hbm>>) target(%arg19 : memref<832xf32, #tpu.memory_space<vmem>>) offsets(%arg18 : memref<832xi32, #tpu.memory_space<vmem>>) semaphore(%arg20 : memref<!tpu.dma_semaphore, #tpu.memory_space<semaphore_mem>>)
    %dma_wait3A_481 = arith.constant 0 : i32
    %dma_wait3A_482 = tpu.memref_slice %arg9[%dma_wait3A_481] : memref<1300000xf32, #tpu.memory_space<hbm>> -> memref<1300000xf32, #tpu.memory_space<hbm>>
    tpu.wait_indirect_dma semaphore(%arg20 : memref<!tpu.dma_semaphore, #tpu.memory_space<semaphore_mem>>) src(%dma_wait3A_482 : memref<1300000xf32, #tpu.memory_space<hbm>>) dst(%arg19 : memref<832xf32, #tpu.memory_space<vmem>>)
    "tpu.region"() ({
      %run_scoped3A = tpu.sem_alloc : memref<!tpu.dma_semaphore, #tpu.memory_space<semaphore_mem>>
      %dma_start3A_543 = tpu.memref_slice %arg13[%add3A_474] : memref<212992xf32, #tpu.memory_space<hbm>> -> memref<832xf32, #tpu.memory_space<hbm>>
      %dma_start3A_544 = tpu.memref_slice %arg13[%add3A_474] : memref<212992xf32, #tpu.memory_space<hbm>> -> memref<832xf32, #tpu.memory_space<hbm>>
      tpu.enqueue_dma source(%arg19 : memref<832xf32, #tpu.memory_space<vmem>>) target(%dma_start3A_544 : memref<832xf32, #tpu.memory_space<hbm>>) target_semaphore(%run_scoped3A : memref<!tpu.dma_semaphore, #tpu.memory_space<semaphore_mem>>)
      %dma_wait3A_545 = tpu.memref_slice %arg13[%add3A_474] : memref<212992xf32, #tpu.memory_space<hbm>> -> memref<832xf32, #tpu.memory_space<hbm>>
      %dma_wait3A_546 = tpu.memref_slice %arg13[%add3A_474] : memref<212992xf32, #tpu.memory_space<hbm>> -> memref<832xf32, #tpu.memory_space<hbm>>
      tpu.wait_dma2 semaphore(%run_scoped3A : memref<!tpu.dma_semaphore, #tpu.memory_space<semaphore_mem>>) src(%arg19 : memref<832xf32, #tpu.memory_space<vmem>>) dst(%dma_wait3A_546 : memref<832xf32, #tpu.memory_space<hbm>>)
      tpu.yield
    }) : () -> ()
    %mul3A_483 = arith.constant 6656 : i32
    %mul3A_484 = arith.muli %add3A, %mul3A_483 : i32
    %add3A_485 = arith.constant 2496 : i32
    %add3A_486 = arith.addi %mul3A_484, %add3A_485 : i32
    "tpu.region"() ({
      %run_scoped3A = tpu.sem_alloc : memref<!tpu.dma_semaphore, #tpu.memory_space<semaphore_mem>>
      %dma_start3A_543 = tpu.memref_slice %arg4[%add3A_486] : memref<212992xi32, #tpu.memory_space<hbm>> -> memref<832xi32, #tpu.memory_space<hbm>>
      %dma_start3A_544 = tpu.memref_slice %arg4[%add3A_486] : memref<212992xi32, #tpu.memory_space<hbm>> -> memref<832xi32, #tpu.memory_space<hbm>>
      tpu.enqueue_dma source(%dma_start3A_544 : memref<832xi32, #tpu.memory_space<hbm>>) target(%arg18 : memref<832xi32, #tpu.memory_space<vmem>>) target_semaphore(%run_scoped3A : memref<!tpu.dma_semaphore, #tpu.memory_space<semaphore_mem>>)
      %dma_wait3A_545 = tpu.memref_slice %arg4[%add3A_486] : memref<212992xi32, #tpu.memory_space<hbm>> -> memref<832xi32, #tpu.memory_space<hbm>>
      %dma_wait3A_546 = tpu.memref_slice %arg4[%add3A_486] : memref<212992xi32, #tpu.memory_space<hbm>> -> memref<832xi32, #tpu.memory_space<hbm>>
      tpu.wait_dma2 semaphore(%run_scoped3A : memref<!tpu.dma_semaphore, #tpu.memory_space<semaphore_mem>>) src(%dma_wait3A_546 : memref<832xi32, #tpu.memory_space<hbm>>) dst(%arg18 : memref<832xi32, #tpu.memory_space<vmem>>)
      tpu.yield
    }) : () -> ()
    %dma_start3A_487 = arith.constant 0 : i32
    %dma_start3A_488 = tpu.memref_slice %arg8[%dma_start3A_487] : memref<1300000xf32, #tpu.memory_space<hbm>> -> memref<1300000xf32, #tpu.memory_space<hbm>>
    tpu.enqueue_indirect_dma source(%dma_start3A_488 : memref<1300000xf32, #tpu.memory_space<hbm>>) target(%arg19 : memref<832xf32, #tpu.memory_space<vmem>>) offsets(%arg18 : memref<832xi32, #tpu.memory_space<vmem>>) semaphore(%arg20 : memref<!tpu.dma_semaphore, #tpu.memory_space<semaphore_mem>>)
    %dma_wait3A_489 = arith.constant 0 : i32
    %dma_wait3A_490 = tpu.memref_slice %arg8[%dma_wait3A_489] : memref<1300000xf32, #tpu.memory_space<hbm>> -> memref<1300000xf32, #tpu.memory_space<hbm>>
    tpu.wait_indirect_dma semaphore(%arg20 : memref<!tpu.dma_semaphore, #tpu.memory_space<semaphore_mem>>) src(%dma_wait3A_490 : memref<1300000xf32, #tpu.memory_space<hbm>>) dst(%arg19 : memref<832xf32, #tpu.memory_space<vmem>>)
    "tpu.region"() ({
      %run_scoped3A = tpu.sem_alloc : memref<!tpu.dma_semaphore, #tpu.memory_space<semaphore_mem>>
      %dma_start3A_543 = tpu.memref_slice %arg12[%add3A_486] : memref<212992xf32, #tpu.memory_space<hbm>> -> memref<832xf32, #tpu.memory_space<hbm>>
      %dma_start3A_544 = tpu.memref_slice %arg12[%add3A_486] : memref<212992xf32, #tpu.memory_space<hbm>> -> memref<832xf32, #tpu.memory_space<hbm>>
      tpu.enqueue_dma source(%arg19 : memref<832xf32, #tpu.memory_space<vmem>>) target(%dma_start3A_544 : memref<832xf32, #tpu.memory_space<hbm>>) target_semaphore(%run_scoped3A : memref<!tpu.dma_semaphore, #tpu.memory_space<semaphore_mem>>)
      %dma_wait3A_545 = tpu.memref_slice %arg12[%add3A_486] : memref<212992xf32, #tpu.memory_space<hbm>> -> memref<832xf32, #tpu.memory_space<hbm>>
      %dma_wait3A_546 = tpu.memref_slice %arg12[%add3A_486] : memref<212992xf32, #tpu.memory_space<hbm>> -> memref<832xf32, #tpu.memory_space<hbm>>
      tpu.wait_dma2 semaphore(%run_scoped3A : memref<!tpu.dma_semaphore, #tpu.memory_space<semaphore_mem>>) src(%arg19 : memref<832xf32, #tpu.memory_space<vmem>>) dst(%dma_wait3A_546 : memref<832xf32, #tpu.memory_space<hbm>>)
      tpu.yield
    }) : () -> ()
    "tpu.region"() ({
      %run_scoped3A = tpu.sem_alloc : memref<!tpu.dma_semaphore, #tpu.memory_space<semaphore_mem>>
      %dma_start3A_543 = tpu.memref_slice %arg5[%add3A_486] : memref<212992xi32, #tpu.memory_space<hbm>> -> memref<832xi32, #tpu.memory_space<hbm>>
      %dma_start3A_544 = tpu.memref_slice %arg5[%add3A_486] : memref<212992xi32, #tpu.memory_space<hbm>> -> memref<832xi32, #tpu.memory_space<hbm>>
      tpu.enqueue_dma source(%dma_start3A_544 : memref<832xi32, #tpu.memory_space<hbm>>) target(%arg18 : memref<832xi32, #tpu.memory_space<vmem>>) target_semaphore(%run_scoped3A : memref<!tpu.dma_semaphore, #tpu.memory_space<semaphore_mem>>)
      %dma_wait3A_545 = tpu.memref_slice %arg5[%add3A_486] : memref<212992xi32, #tpu.memory_space<hbm>> -> memref<832xi32, #tpu.memory_space<hbm>>
      %dma_wait3A_546 = tpu.memref_slice %arg5[%add3A_486] : memref<212992xi32, #tpu.memory_space<hbm>> -> memref<832xi32, #tpu.memory_space<hbm>>
      tpu.wait_dma2 semaphore(%run_scoped3A : memref<!tpu.dma_semaphore, #tpu.memory_space<semaphore_mem>>) src(%dma_wait3A_546 : memref<832xi32, #tpu.memory_space<hbm>>) dst(%arg18 : memref<832xi32, #tpu.memory_space<vmem>>)
      tpu.yield
    }) : () -> ()
    %dma_start3A_491 = arith.constant 0 : i32
    %dma_start3A_492 = tpu.memref_slice %arg9[%dma_start3A_491] : memref<1300000xf32, #tpu.memory_space<hbm>> -> memref<1300000xf32, #tpu.memory_space<hbm>>
    tpu.enqueue_indirect_dma source(%dma_start3A_492 : memref<1300000xf32, #tpu.memory_space<hbm>>) target(%arg19 : memref<832xf32, #tpu.memory_space<vmem>>) offsets(%arg18 : memref<832xi32, #tpu.memory_space<vmem>>) semaphore(%arg20 : memref<!tpu.dma_semaphore, #tpu.memory_space<semaphore_mem>>)
    %dma_wait3A_493 = arith.constant 0 : i32
    %dma_wait3A_494 = tpu.memref_slice %arg9[%dma_wait3A_493] : memref<1300000xf32, #tpu.memory_space<hbm>> -> memref<1300000xf32, #tpu.memory_space<hbm>>
    tpu.wait_indirect_dma semaphore(%arg20 : memref<!tpu.dma_semaphore, #tpu.memory_space<semaphore_mem>>) src(%dma_wait3A_494 : memref<1300000xf32, #tpu.memory_space<hbm>>) dst(%arg19 : memref<832xf32, #tpu.memory_space<vmem>>)
    "tpu.region"() ({
      %run_scoped3A = tpu.sem_alloc : memref<!tpu.dma_semaphore, #tpu.memory_space<semaphore_mem>>
      %dma_start3A_543 = tpu.memref_slice %arg13[%add3A_486] : memref<212992xf32, #tpu.memory_space<hbm>> -> memref<832xf32, #tpu.memory_space<hbm>>
      %dma_start3A_544 = tpu.memref_slice %arg13[%add3A_486] : memref<212992xf32, #tpu.memory_space<hbm>> -> memref<832xf32, #tpu.memory_space<hbm>>
      tpu.enqueue_dma source(%arg19 : memref<832xf32, #tpu.memory_space<vmem>>) target(%dma_start3A_544 : memref<832xf32, #tpu.memory_space<hbm>>) target_semaphore(%run_scoped3A : memref<!tpu.dma_semaphore, #tpu.memory_space<semaphore_mem>>)
      %dma_wait3A_545 = tpu.memref_slice %arg13[%add3A_486] : memref<212992xf32, #tpu.memory_space<hbm>> -> memref<832xf32, #tpu.memory_space<hbm>>
      %dma_wait3A_546 = tpu.memref_slice %arg13[%add3A_486] : memref<212992xf32, #tpu.memory_space<hbm>> -> memref<832xf32, #tpu.memory_space<hbm>>
      tpu.wait_dma2 semaphore(%run_scoped3A : memref<!tpu.dma_semaphore, #tpu.memory_space<semaphore_mem>>) src(%arg19 : memref<832xf32, #tpu.memory_space<vmem>>) dst(%dma_wait3A_546 : memref<832xf32, #tpu.memory_space<hbm>>)
      tpu.yield
    }) : () -> ()
    %mul3A_495 = arith.constant 6656 : i32
    %mul3A_496 = arith.muli %add3A, %mul3A_495 : i32
    %add3A_497 = arith.constant 3328 : i32
    %add3A_498 = arith.addi %mul3A_496, %add3A_497 : i32
    "tpu.region"() ({
      %run_scoped3A = tpu.sem_alloc : memref<!tpu.dma_semaphore, #tpu.memory_space<semaphore_mem>>
      %dma_start3A_543 = tpu.memref_slice %arg4[%add3A_498] : memref<212992xi32, #tpu.memory_space<hbm>> -> memref<832xi32, #tpu.memory_space<hbm>>
      %dma_start3A_544 = tpu.memref_slice %arg4[%add3A_498] : memref<212992xi32, #tpu.memory_space<hbm>> -> memref<832xi32, #tpu.memory_space<hbm>>
      tpu.enqueue_dma source(%dma_start3A_544 : memref<832xi32, #tpu.memory_space<hbm>>) target(%arg18 : memref<832xi32, #tpu.memory_space<vmem>>) target_semaphore(%run_scoped3A : memref<!tpu.dma_semaphore, #tpu.memory_space<semaphore_mem>>)
      %dma_wait3A_545 = tpu.memref_slice %arg4[%add3A_498] : memref<212992xi32, #tpu.memory_space<hbm>> -> memref<832xi32, #tpu.memory_space<hbm>>
      %dma_wait3A_546 = tpu.memref_slice %arg4[%add3A_498] : memref<212992xi32, #tpu.memory_space<hbm>> -> memref<832xi32, #tpu.memory_space<hbm>>
      tpu.wait_dma2 semaphore(%run_scoped3A : memref<!tpu.dma_semaphore, #tpu.memory_space<semaphore_mem>>) src(%dma_wait3A_546 : memref<832xi32, #tpu.memory_space<hbm>>) dst(%arg18 : memref<832xi32, #tpu.memory_space<vmem>>)
      tpu.yield
    }) : () -> ()
    %dma_start3A_499 = arith.constant 0 : i32
    %dma_start3A_500 = tpu.memref_slice %arg8[%dma_start3A_499] : memref<1300000xf32, #tpu.memory_space<hbm>> -> memref<1300000xf32, #tpu.memory_space<hbm>>
    tpu.enqueue_indirect_dma source(%dma_start3A_500 : memref<1300000xf32, #tpu.memory_space<hbm>>) target(%arg19 : memref<832xf32, #tpu.memory_space<vmem>>) offsets(%arg18 : memref<832xi32, #tpu.memory_space<vmem>>) semaphore(%arg20 : memref<!tpu.dma_semaphore, #tpu.memory_space<semaphore_mem>>)
    %dma_wait3A_501 = arith.constant 0 : i32
    %dma_wait3A_502 = tpu.memref_slice %arg8[%dma_wait3A_501] : memref<1300000xf32, #tpu.memory_space<hbm>> -> memref<1300000xf32, #tpu.memory_space<hbm>>
    tpu.wait_indirect_dma semaphore(%arg20 : memref<!tpu.dma_semaphore, #tpu.memory_space<semaphore_mem>>) src(%dma_wait3A_502 : memref<1300000xf32, #tpu.memory_space<hbm>>) dst(%arg19 : memref<832xf32, #tpu.memory_space<vmem>>)
    "tpu.region"() ({
      %run_scoped3A = tpu.sem_alloc : memref<!tpu.dma_semaphore, #tpu.memory_space<semaphore_mem>>
      %dma_start3A_543 = tpu.memref_slice %arg12[%add3A_498] : memref<212992xf32, #tpu.memory_space<hbm>> -> memref<832xf32, #tpu.memory_space<hbm>>
      %dma_start3A_544 = tpu.memref_slice %arg12[%add3A_498] : memref<212992xf32, #tpu.memory_space<hbm>> -> memref<832xf32, #tpu.memory_space<hbm>>
      tpu.enqueue_dma source(%arg19 : memref<832xf32, #tpu.memory_space<vmem>>) target(%dma_start3A_544 : memref<832xf32, #tpu.memory_space<hbm>>) target_semaphore(%run_scoped3A : memref<!tpu.dma_semaphore, #tpu.memory_space<semaphore_mem>>)
      %dma_wait3A_545 = tpu.memref_slice %arg12[%add3A_498] : memref<212992xf32, #tpu.memory_space<hbm>> -> memref<832xf32, #tpu.memory_space<hbm>>
      %dma_wait3A_546 = tpu.memref_slice %arg12[%add3A_498] : memref<212992xf32, #tpu.memory_space<hbm>> -> memref<832xf32, #tpu.memory_space<hbm>>
      tpu.wait_dma2 semaphore(%run_scoped3A : memref<!tpu.dma_semaphore, #tpu.memory_space<semaphore_mem>>) src(%arg19 : memref<832xf32, #tpu.memory_space<vmem>>) dst(%dma_wait3A_546 : memref<832xf32, #tpu.memory_space<hbm>>)
      tpu.yield
    }) : () -> ()
    "tpu.region"() ({
      %run_scoped3A = tpu.sem_alloc : memref<!tpu.dma_semaphore, #tpu.memory_space<semaphore_mem>>
      %dma_start3A_543 = tpu.memref_slice %arg5[%add3A_498] : memref<212992xi32, #tpu.memory_space<hbm>> -> memref<832xi32, #tpu.memory_space<hbm>>
      %dma_start3A_544 = tpu.memref_slice %arg5[%add3A_498] : memref<212992xi32, #tpu.memory_space<hbm>> -> memref<832xi32, #tpu.memory_space<hbm>>
      tpu.enqueue_dma source(%dma_start3A_544 : memref<832xi32, #tpu.memory_space<hbm>>) target(%arg18 : memref<832xi32, #tpu.memory_space<vmem>>) target_semaphore(%run_scoped3A : memref<!tpu.dma_semaphore, #tpu.memory_space<semaphore_mem>>)
      %dma_wait3A_545 = tpu.memref_slice %arg5[%add3A_498] : memref<212992xi32, #tpu.memory_space<hbm>> -> memref<832xi32, #tpu.memory_space<hbm>>
      %dma_wait3A_546 = tpu.memref_slice %arg5[%add3A_498] : memref<212992xi32, #tpu.memory_space<hbm>> -> memref<832xi32, #tpu.memory_space<hbm>>
      tpu.wait_dma2 semaphore(%run_scoped3A : memref<!tpu.dma_semaphore, #tpu.memory_space<semaphore_mem>>) src(%dma_wait3A_546 : memref<832xi32, #tpu.memory_space<hbm>>) dst(%arg18 : memref<832xi32, #tpu.memory_space<vmem>>)
      tpu.yield
    }) : () -> ()
    %dma_start3A_503 = arith.constant 0 : i32
    %dma_start3A_504 = tpu.memref_slice %arg9[%dma_start3A_503] : memref<1300000xf32, #tpu.memory_space<hbm>> -> memref<1300000xf32, #tpu.memory_space<hbm>>
    tpu.enqueue_indirect_dma source(%dma_start3A_504 : memref<1300000xf32, #tpu.memory_space<hbm>>) target(%arg19 : memref<832xf32, #tpu.memory_space<vmem>>) offsets(%arg18 : memref<832xi32, #tpu.memory_space<vmem>>) semaphore(%arg20 : memref<!tpu.dma_semaphore, #tpu.memory_space<semaphore_mem>>)
    %dma_wait3A_505 = arith.constant 0 : i32
    %dma_wait3A_506 = tpu.memref_slice %arg9[%dma_wait3A_505] : memref<1300000xf32, #tpu.memory_space<hbm>> -> memref<1300000xf32, #tpu.memory_space<hbm>>
    tpu.wait_indirect_dma semaphore(%arg20 : memref<!tpu.dma_semaphore, #tpu.memory_space<semaphore_mem>>) src(%dma_wait3A_506 : memref<1300000xf32, #tpu.memory_space<hbm>>) dst(%arg19 : memref<832xf32, #tpu.memory_space<vmem>>)
    "tpu.region"() ({
      %run_scoped3A = tpu.sem_alloc : memref<!tpu.dma_semaphore, #tpu.memory_space<semaphore_mem>>
      %dma_start3A_543 = tpu.memref_slice %arg13[%add3A_498] : memref<212992xf32, #tpu.memory_space<hbm>> -> memref<832xf32, #tpu.memory_space<hbm>>
      %dma_start3A_544 = tpu.memref_slice %arg13[%add3A_498] : memref<212992xf32, #tpu.memory_space<hbm>> -> memref<832xf32, #tpu.memory_space<hbm>>
      tpu.enqueue_dma source(%arg19 : memref<832xf32, #tpu.memory_space<vmem>>) target(%dma_start3A_544 : memref<832xf32, #tpu.memory_space<hbm>>) target_semaphore(%run_scoped3A : memref<!tpu.dma_semaphore, #tpu.memory_space<semaphore_mem>>)
      %dma_wait3A_545 = tpu.memref_slice %arg13[%add3A_498] : memref<212992xf32, #tpu.memory_space<hbm>> -> memref<832xf32, #tpu.memory_space<hbm>>
      %dma_wait3A_546 = tpu.memref_slice %arg13[%add3A_498] : memref<212992xf32, #tpu.memory_space<hbm>> -> memref<832xf32, #tpu.memory_space<hbm>>
      tpu.wait_dma2 semaphore(%run_scoped3A : memref<!tpu.dma_semaphore, #tpu.memory_space<semaphore_mem>>) src(%arg19 : memref<832xf32, #tpu.memory_space<vmem>>) dst(%dma_wait3A_546 : memref<832xf32, #tpu.memory_space<hbm>>)
      tpu.yield
    }) : () -> ()
    %mul3A_507 = arith.constant 6656 : i32
    %mul3A_508 = arith.muli %add3A, %mul3A_507 : i32
    %add3A_509 = arith.constant 4160 : i32
    %add3A_510 = arith.addi %mul3A_508, %add3A_509 : i32
    "tpu.region"() ({
      %run_scoped3A = tpu.sem_alloc : memref<!tpu.dma_semaphore, #tpu.memory_space<semaphore_mem>>
      %dma_start3A_543 = tpu.memref_slice %arg4[%add3A_510] : memref<212992xi32, #tpu.memory_space<hbm>> -> memref<832xi32, #tpu.memory_space<hbm>>
      %dma_start3A_544 = tpu.memref_slice %arg4[%add3A_510] : memref<212992xi32, #tpu.memory_space<hbm>> -> memref<832xi32, #tpu.memory_space<hbm>>
      tpu.enqueue_dma source(%dma_start3A_544 : memref<832xi32, #tpu.memory_space<hbm>>) target(%arg18 : memref<832xi32, #tpu.memory_space<vmem>>) target_semaphore(%run_scoped3A : memref<!tpu.dma_semaphore, #tpu.memory_space<semaphore_mem>>)
      %dma_wait3A_545 = tpu.memref_slice %arg4[%add3A_510] : memref<212992xi32, #tpu.memory_space<hbm>> -> memref<832xi32, #tpu.memory_space<hbm>>
      %dma_wait3A_546 = tpu.memref_slice %arg4[%add3A_510] : memref<212992xi32, #tpu.memory_space<hbm>> -> memref<832xi32, #tpu.memory_space<hbm>>
      tpu.wait_dma2 semaphore(%run_scoped3A : memref<!tpu.dma_semaphore, #tpu.memory_space<semaphore_mem>>) src(%dma_wait3A_546 : memref<832xi32, #tpu.memory_space<hbm>>) dst(%arg18 : memref<832xi32, #tpu.memory_space<vmem>>)
      tpu.yield
    }) : () -> ()
    %dma_start3A_511 = arith.constant 0 : i32
    %dma_start3A_512 = tpu.memref_slice %arg8[%dma_start3A_511] : memref<1300000xf32, #tpu.memory_space<hbm>> -> memref<1300000xf32, #tpu.memory_space<hbm>>
    tpu.enqueue_indirect_dma source(%dma_start3A_512 : memref<1300000xf32, #tpu.memory_space<hbm>>) target(%arg19 : memref<832xf32, #tpu.memory_space<vmem>>) offsets(%arg18 : memref<832xi32, #tpu.memory_space<vmem>>) semaphore(%arg20 : memref<!tpu.dma_semaphore, #tpu.memory_space<semaphore_mem>>)
    %dma_wait3A_513 = arith.constant 0 : i32
    %dma_wait3A_514 = tpu.memref_slice %arg8[%dma_wait3A_513] : memref<1300000xf32, #tpu.memory_space<hbm>> -> memref<1300000xf32, #tpu.memory_space<hbm>>
    tpu.wait_indirect_dma semaphore(%arg20 : memref<!tpu.dma_semaphore, #tpu.memory_space<semaphore_mem>>) src(%dma_wait3A_514 : memref<1300000xf32, #tpu.memory_space<hbm>>) dst(%arg19 : memref<832xf32, #tpu.memory_space<vmem>>)
    "tpu.region"() ({
      %run_scoped3A = tpu.sem_alloc : memref<!tpu.dma_semaphore, #tpu.memory_space<semaphore_mem>>
      %dma_start3A_543 = tpu.memref_slice %arg12[%add3A_510] : memref<212992xf32, #tpu.memory_space<hbm>> -> memref<832xf32, #tpu.memory_space<hbm>>
      %dma_start3A_544 = tpu.memref_slice %arg12[%add3A_510] : memref<212992xf32, #tpu.memory_space<hbm>> -> memref<832xf32, #tpu.memory_space<hbm>>
      tpu.enqueue_dma source(%arg19 : memref<832xf32, #tpu.memory_space<vmem>>) target(%dma_start3A_544 : memref<832xf32, #tpu.memory_space<hbm>>) target_semaphore(%run_scoped3A : memref<!tpu.dma_semaphore, #tpu.memory_space<semaphore_mem>>)
      %dma_wait3A_545 = tpu.memref_slice %arg12[%add3A_510] : memref<212992xf32, #tpu.memory_space<hbm>> -> memref<832xf32, #tpu.memory_space<hbm>>
      %dma_wait3A_546 = tpu.memref_slice %arg12[%add3A_510] : memref<212992xf32, #tpu.memory_space<hbm>> -> memref<832xf32, #tpu.memory_space<hbm>>
      tpu.wait_dma2 semaphore(%run_scoped3A : memref<!tpu.dma_semaphore, #tpu.memory_space<semaphore_mem>>) src(%arg19 : memref<832xf32, #tpu.memory_space<vmem>>) dst(%dma_wait3A_546 : memref<832xf32, #tpu.memory_space<hbm>>)
      tpu.yield
    }) : () -> ()
    "tpu.region"() ({
      %run_scoped3A = tpu.sem_alloc : memref<!tpu.dma_semaphore, #tpu.memory_space<semaphore_mem>>
      %dma_start3A_543 = tpu.memref_slice %arg5[%add3A_510] : memref<212992xi32, #tpu.memory_space<hbm>> -> memref<832xi32, #tpu.memory_space<hbm>>
      %dma_start3A_544 = tpu.memref_slice %arg5[%add3A_510] : memref<212992xi32, #tpu.memory_space<hbm>> -> memref<832xi32, #tpu.memory_space<hbm>>
      tpu.enqueue_dma source(%dma_start3A_544 : memref<832xi32, #tpu.memory_space<hbm>>) target(%arg18 : memref<832xi32, #tpu.memory_space<vmem>>) target_semaphore(%run_scoped3A : memref<!tpu.dma_semaphore, #tpu.memory_space<semaphore_mem>>)
      %dma_wait3A_545 = tpu.memref_slice %arg5[%add3A_510] : memref<212992xi32, #tpu.memory_space<hbm>> -> memref<832xi32, #tpu.memory_space<hbm>>
      %dma_wait3A_546 = tpu.memref_slice %arg5[%add3A_510] : memref<212992xi32, #tpu.memory_space<hbm>> -> memref<832xi32, #tpu.memory_space<hbm>>
      tpu.wait_dma2 semaphore(%run_scoped3A : memref<!tpu.dma_semaphore, #tpu.memory_space<semaphore_mem>>) src(%dma_wait3A_546 : memref<832xi32, #tpu.memory_space<hbm>>) dst(%arg18 : memref<832xi32, #tpu.memory_space<vmem>>)
      tpu.yield
    }) : () -> ()
    %dma_start3A_515 = arith.constant 0 : i32
    %dma_start3A_516 = tpu.memref_slice %arg9[%dma_start3A_515] : memref<1300000xf32, #tpu.memory_space<hbm>> -> memref<1300000xf32, #tpu.memory_space<hbm>>
    tpu.enqueue_indirect_dma source(%dma_start3A_516 : memref<1300000xf32, #tpu.memory_space<hbm>>) target(%arg19 : memref<832xf32, #tpu.memory_space<vmem>>) offsets(%arg18 : memref<832xi32, #tpu.memory_space<vmem>>) semaphore(%arg20 : memref<!tpu.dma_semaphore, #tpu.memory_space<semaphore_mem>>)
    %dma_wait3A_517 = arith.constant 0 : i32
    %dma_wait3A_518 = tpu.memref_slice %arg9[%dma_wait3A_517] : memref<1300000xf32, #tpu.memory_space<hbm>> -> memref<1300000xf32, #tpu.memory_space<hbm>>
    tpu.wait_indirect_dma semaphore(%arg20 : memref<!tpu.dma_semaphore, #tpu.memory_space<semaphore_mem>>) src(%dma_wait3A_518 : memref<1300000xf32, #tpu.memory_space<hbm>>) dst(%arg19 : memref<832xf32, #tpu.memory_space<vmem>>)
    "tpu.region"() ({
      %run_scoped3A = tpu.sem_alloc : memref<!tpu.dma_semaphore, #tpu.memory_space<semaphore_mem>>
      %dma_start3A_543 = tpu.memref_slice %arg13[%add3A_510] : memref<212992xf32, #tpu.memory_space<hbm>> -> memref<832xf32, #tpu.memory_space<hbm>>
      %dma_start3A_544 = tpu.memref_slice %arg13[%add3A_510] : memref<212992xf32, #tpu.memory_space<hbm>> -> memref<832xf32, #tpu.memory_space<hbm>>
      tpu.enqueue_dma source(%arg19 : memref<832xf32, #tpu.memory_space<vmem>>) target(%dma_start3A_544 : memref<832xf32, #tpu.memory_space<hbm>>) target_semaphore(%run_scoped3A : memref<!tpu.dma_semaphore, #tpu.memory_space<semaphore_mem>>)
      %dma_wait3A_545 = tpu.memref_slice %arg13[%add3A_510] : memref<212992xf32, #tpu.memory_space<hbm>> -> memref<832xf32, #tpu.memory_space<hbm>>
      %dma_wait3A_546 = tpu.memref_slice %arg13[%add3A_510] : memref<212992xf32, #tpu.memory_space<hbm>> -> memref<832xf32, #tpu.memory_space<hbm>>
      tpu.wait_dma2 semaphore(%run_scoped3A : memref<!tpu.dma_semaphore, #tpu.memory_space<semaphore_mem>>) src(%arg19 : memref<832xf32, #tpu.memory_space<vmem>>) dst(%dma_wait3A_546 : memref<832xf32, #tpu.memory_space<hbm>>)
      tpu.yield
    }) : () -> ()
    %mul3A_519 = arith.constant 6656 : i32
    %mul3A_520 = arith.muli %add3A, %mul3A_519 : i32
    %add3A_521 = arith.constant 4992 : i32
    %add3A_522 = arith.addi %mul3A_520, %add3A_521 : i32
    "tpu.region"() ({
      %run_scoped3A = tpu.sem_alloc : memref<!tpu.dma_semaphore, #tpu.memory_space<semaphore_mem>>
      %dma_start3A_543 = tpu.memref_slice %arg4[%add3A_522] : memref<212992xi32, #tpu.memory_space<hbm>> -> memref<832xi32, #tpu.memory_space<hbm>>
      %dma_start3A_544 = tpu.memref_slice %arg4[%add3A_522] : memref<212992xi32, #tpu.memory_space<hbm>> -> memref<832xi32, #tpu.memory_space<hbm>>
      tpu.enqueue_dma source(%dma_start3A_544 : memref<832xi32, #tpu.memory_space<hbm>>) target(%arg18 : memref<832xi32, #tpu.memory_space<vmem>>) target_semaphore(%run_scoped3A : memref<!tpu.dma_semaphore, #tpu.memory_space<semaphore_mem>>)
      %dma_wait3A_545 = tpu.memref_slice %arg4[%add3A_522] : memref<212992xi32, #tpu.memory_space<hbm>> -> memref<832xi32, #tpu.memory_space<hbm>>
      %dma_wait3A_546 = tpu.memref_slice %arg4[%add3A_522] : memref<212992xi32, #tpu.memory_space<hbm>> -> memref<832xi32, #tpu.memory_space<hbm>>
      tpu.wait_dma2 semaphore(%run_scoped3A : memref<!tpu.dma_semaphore, #tpu.memory_space<semaphore_mem>>) src(%dma_wait3A_546 : memref<832xi32, #tpu.memory_space<hbm>>) dst(%arg18 : memref<832xi32, #tpu.memory_space<vmem>>)
      tpu.yield
    }) : () -> ()
    %dma_start3A_523 = arith.constant 0 : i32
    %dma_start3A_524 = tpu.memref_slice %arg8[%dma_start3A_523] : memref<1300000xf32, #tpu.memory_space<hbm>> -> memref<1300000xf32, #tpu.memory_space<hbm>>
    tpu.enqueue_indirect_dma source(%dma_start3A_524 : memref<1300000xf32, #tpu.memory_space<hbm>>) target(%arg19 : memref<832xf32, #tpu.memory_space<vmem>>) offsets(%arg18 : memref<832xi32, #tpu.memory_space<vmem>>) semaphore(%arg20 : memref<!tpu.dma_semaphore, #tpu.memory_space<semaphore_mem>>)
    %dma_wait3A_525 = arith.constant 0 : i32
    %dma_wait3A_526 = tpu.memref_slice %arg8[%dma_wait3A_525] : memref<1300000xf32, #tpu.memory_space<hbm>> -> memref<1300000xf32, #tpu.memory_space<hbm>>
    tpu.wait_indirect_dma semaphore(%arg20 : memref<!tpu.dma_semaphore, #tpu.memory_space<semaphore_mem>>) src(%dma_wait3A_526 : memref<1300000xf32, #tpu.memory_space<hbm>>) dst(%arg19 : memref<832xf32, #tpu.memory_space<vmem>>)
    "tpu.region"() ({
      %run_scoped3A = tpu.sem_alloc : memref<!tpu.dma_semaphore, #tpu.memory_space<semaphore_mem>>
      %dma_start3A_543 = tpu.memref_slice %arg12[%add3A_522] : memref<212992xf32, #tpu.memory_space<hbm>> -> memref<832xf32, #tpu.memory_space<hbm>>
      %dma_start3A_544 = tpu.memref_slice %arg12[%add3A_522] : memref<212992xf32, #tpu.memory_space<hbm>> -> memref<832xf32, #tpu.memory_space<hbm>>
      tpu.enqueue_dma source(%arg19 : memref<832xf32, #tpu.memory_space<vmem>>) target(%dma_start3A_544 : memref<832xf32, #tpu.memory_space<hbm>>) target_semaphore(%run_scoped3A : memref<!tpu.dma_semaphore, #tpu.memory_space<semaphore_mem>>)
      %dma_wait3A_545 = tpu.memref_slice %arg12[%add3A_522] : memref<212992xf32, #tpu.memory_space<hbm>> -> memref<832xf32, #tpu.memory_space<hbm>>
      %dma_wait3A_546 = tpu.memref_slice %arg12[%add3A_522] : memref<212992xf32, #tpu.memory_space<hbm>> -> memref<832xf32, #tpu.memory_space<hbm>>
      tpu.wait_dma2 semaphore(%run_scoped3A : memref<!tpu.dma_semaphore, #tpu.memory_space<semaphore_mem>>) src(%arg19 : memref<832xf32, #tpu.memory_space<vmem>>) dst(%dma_wait3A_546 : memref<832xf32, #tpu.memory_space<hbm>>)
      tpu.yield
    }) : () -> ()
    "tpu.region"() ({
      %run_scoped3A = tpu.sem_alloc : memref<!tpu.dma_semaphore, #tpu.memory_space<semaphore_mem>>
      %dma_start3A_543 = tpu.memref_slice %arg5[%add3A_522] : memref<212992xi32, #tpu.memory_space<hbm>> -> memref<832xi32, #tpu.memory_space<hbm>>
      %dma_start3A_544 = tpu.memref_slice %arg5[%add3A_522] : memref<212992xi32, #tpu.memory_space<hbm>> -> memref<832xi32, #tpu.memory_space<hbm>>
      tpu.enqueue_dma source(%dma_start3A_544 : memref<832xi32, #tpu.memory_space<hbm>>) target(%arg18 : memref<832xi32, #tpu.memory_space<vmem>>) target_semaphore(%run_scoped3A : memref<!tpu.dma_semaphore, #tpu.memory_space<semaphore_mem>>)
      %dma_wait3A_545 = tpu.memref_slice %arg5[%add3A_522] : memref<212992xi32, #tpu.memory_space<hbm>> -> memref<832xi32, #tpu.memory_space<hbm>>
      %dma_wait3A_546 = tpu.memref_slice %arg5[%add3A_522] : memref<212992xi32, #tpu.memory_space<hbm>> -> memref<832xi32, #tpu.memory_space<hbm>>
      tpu.wait_dma2 semaphore(%run_scoped3A : memref<!tpu.dma_semaphore, #tpu.memory_space<semaphore_mem>>) src(%dma_wait3A_546 : memref<832xi32, #tpu.memory_space<hbm>>) dst(%arg18 : memref<832xi32, #tpu.memory_space<vmem>>)
      tpu.yield
    }) : () -> ()
    %dma_start3A_527 = arith.constant 0 : i32
    %dma_start3A_528 = tpu.memref_slice %arg9[%dma_start3A_527] : memref<1300000xf32, #tpu.memory_space<hbm>> -> memref<1300000xf32, #tpu.memory_space<hbm>>
    tpu.enqueue_indirect_dma source(%dma_start3A_528 : memref<1300000xf32, #tpu.memory_space<hbm>>) target(%arg19 : memref<832xf32, #tpu.memory_space<vmem>>) offsets(%arg18 : memref<832xi32, #tpu.memory_space<vmem>>) semaphore(%arg20 : memref<!tpu.dma_semaphore, #tpu.memory_space<semaphore_mem>>)
    %dma_wait3A_529 = arith.constant 0 : i32
    %dma_wait3A_530 = tpu.memref_slice %arg9[%dma_wait3A_529] : memref<1300000xf32, #tpu.memory_space<hbm>> -> memref<1300000xf32, #tpu.memory_space<hbm>>
    tpu.wait_indirect_dma semaphore(%arg20 : memref<!tpu.dma_semaphore, #tpu.memory_space<semaphore_mem>>) src(%dma_wait3A_530 : memref<1300000xf32, #tpu.memory_space<hbm>>) dst(%arg19 : memref<832xf32, #tpu.memory_space<vmem>>)
    "tpu.region"() ({
      %run_scoped3A = tpu.sem_alloc : memref<!tpu.dma_semaphore, #tpu.memory_space<semaphore_mem>>
      %dma_start3A_543 = tpu.memref_slice %arg13[%add3A_522] : memref<212992xf32, #tpu.memory_space<hbm>> -> memref<832xf32, #tpu.memory_space<hbm>>
      %dma_start3A_544 = tpu.memref_slice %arg13[%add3A_522] : memref<212992xf32, #tpu.memory_space<hbm>> -> memref<832xf32, #tpu.memory_space<hbm>>
      tpu.enqueue_dma source(%arg19 : memref<832xf32, #tpu.memory_space<vmem>>) target(%dma_start3A_544 : memref<832xf32, #tpu.memory_space<hbm>>) target_semaphore(%run_scoped3A : memref<!tpu.dma_semaphore, #tpu.memory_space<semaphore_mem>>)
      %dma_wait3A_545 = tpu.memref_slice %arg13[%add3A_522] : memref<212992xf32, #tpu.memory_space<hbm>> -> memref<832xf32, #tpu.memory_space<hbm>>
      %dma_wait3A_546 = tpu.memref_slice %arg13[%add3A_522] : memref<212992xf32, #tpu.memory_space<hbm>> -> memref<832xf32, #tpu.memory_space<hbm>>
      tpu.wait_dma2 semaphore(%run_scoped3A : memref<!tpu.dma_semaphore, #tpu.memory_space<semaphore_mem>>) src(%arg19 : memref<832xf32, #tpu.memory_space<vmem>>) dst(%dma_wait3A_546 : memref<832xf32, #tpu.memory_space<hbm>>)
      tpu.yield
    }) : () -> ()
    %mul3A_531 = arith.constant 6656 : i32
    %mul3A_532 = arith.muli %add3A, %mul3A_531 : i32
    %add3A_533 = arith.constant 5824 : i32
    %add3A_534 = arith.addi %mul3A_532, %add3A_533 : i32
    "tpu.region"() ({
      %run_scoped3A = tpu.sem_alloc : memref<!tpu.dma_semaphore, #tpu.memory_space<semaphore_mem>>
      %dma_start3A_543 = tpu.memref_slice %arg4[%add3A_534] : memref<212992xi32, #tpu.memory_space<hbm>> -> memref<832xi32, #tpu.memory_space<hbm>>
      %dma_start3A_544 = tpu.memref_slice %arg4[%add3A_534] : memref<212992xi32, #tpu.memory_space<hbm>> -> memref<832xi32, #tpu.memory_space<hbm>>
      tpu.enqueue_dma source(%dma_start3A_544 : memref<832xi32, #tpu.memory_space<hbm>>) target(%arg18 : memref<832xi32, #tpu.memory_space<vmem>>) target_semaphore(%run_scoped3A : memref<!tpu.dma_semaphore, #tpu.memory_space<semaphore_mem>>)
      %dma_wait3A_545 = tpu.memref_slice %arg4[%add3A_534] : memref<212992xi32, #tpu.memory_space<hbm>> -> memref<832xi32, #tpu.memory_space<hbm>>
      %dma_wait3A_546 = tpu.memref_slice %arg4[%add3A_534] : memref<212992xi32, #tpu.memory_space<hbm>> -> memref<832xi32, #tpu.memory_space<hbm>>
      tpu.wait_dma2 semaphore(%run_scoped3A : memref<!tpu.dma_semaphore, #tpu.memory_space<semaphore_mem>>) src(%dma_wait3A_546 : memref<832xi32, #tpu.memory_space<hbm>>) dst(%arg18 : memref<832xi32, #tpu.memory_space<vmem>>)
      tpu.yield
    }) : () -> ()
    %dma_start3A_535 = arith.constant 0 : i32
    %dma_start3A_536 = tpu.memref_slice %arg8[%dma_start3A_535] : memref<1300000xf32, #tpu.memory_space<hbm>> -> memref<1300000xf32, #tpu.memory_space<hbm>>
    tpu.enqueue_indirect_dma source(%dma_start3A_536 : memref<1300000xf32, #tpu.memory_space<hbm>>) target(%arg19 : memref<832xf32, #tpu.memory_space<vmem>>) offsets(%arg18 : memref<832xi32, #tpu.memory_space<vmem>>) semaphore(%arg20 : memref<!tpu.dma_semaphore, #tpu.memory_space<semaphore_mem>>)
    %dma_wait3A_537 = arith.constant 0 : i32
    %dma_wait3A_538 = tpu.memref_slice %arg8[%dma_wait3A_537] : memref<1300000xf32, #tpu.memory_space<hbm>> -> memref<1300000xf32, #tpu.memory_space<hbm>>
    tpu.wait_indirect_dma semaphore(%arg20 : memref<!tpu.dma_semaphore, #tpu.memory_space<semaphore_mem>>) src(%dma_wait3A_538 : memref<1300000xf32, #tpu.memory_space<hbm>>) dst(%arg19 : memref<832xf32, #tpu.memory_space<vmem>>)
    "tpu.region"() ({
      %run_scoped3A = tpu.sem_alloc : memref<!tpu.dma_semaphore, #tpu.memory_space<semaphore_mem>>
      %dma_start3A_543 = tpu.memref_slice %arg12[%add3A_534] : memref<212992xf32, #tpu.memory_space<hbm>> -> memref<832xf32, #tpu.memory_space<hbm>>
      %dma_start3A_544 = tpu.memref_slice %arg12[%add3A_534] : memref<212992xf32, #tpu.memory_space<hbm>> -> memref<832xf32, #tpu.memory_space<hbm>>
      tpu.enqueue_dma source(%arg19 : memref<832xf32, #tpu.memory_space<vmem>>) target(%dma_start3A_544 : memref<832xf32, #tpu.memory_space<hbm>>) target_semaphore(%run_scoped3A : memref<!tpu.dma_semaphore, #tpu.memory_space<semaphore_mem>>)
      %dma_wait3A_545 = tpu.memref_slice %arg12[%add3A_534] : memref<212992xf32, #tpu.memory_space<hbm>> -> memref<832xf32, #tpu.memory_space<hbm>>
      %dma_wait3A_546 = tpu.memref_slice %arg12[%add3A_534] : memref<212992xf32, #tpu.memory_space<hbm>> -> memref<832xf32, #tpu.memory_space<hbm>>
      tpu.wait_dma2 semaphore(%run_scoped3A : memref<!tpu.dma_semaphore, #tpu.memory_space<semaphore_mem>>) src(%arg19 : memref<832xf32, #tpu.memory_space<vmem>>) dst(%dma_wait3A_546 : memref<832xf32, #tpu.memory_space<hbm>>)
      tpu.yield
    }) : () -> ()
    "tpu.region"() ({
      %run_scoped3A = tpu.sem_alloc : memref<!tpu.dma_semaphore, #tpu.memory_space<semaphore_mem>>
      %dma_start3A_543 = tpu.memref_slice %arg5[%add3A_534] : memref<212992xi32, #tpu.memory_space<hbm>> -> memref<832xi32, #tpu.memory_space<hbm>>
      %dma_start3A_544 = tpu.memref_slice %arg5[%add3A_534] : memref<212992xi32, #tpu.memory_space<hbm>> -> memref<832xi32, #tpu.memory_space<hbm>>
      tpu.enqueue_dma source(%dma_start3A_544 : memref<832xi32, #tpu.memory_space<hbm>>) target(%arg18 : memref<832xi32, #tpu.memory_space<vmem>>) target_semaphore(%run_scoped3A : memref<!tpu.dma_semaphore, #tpu.memory_space<semaphore_mem>>)
      %dma_wait3A_545 = tpu.memref_slice %arg5[%add3A_534] : memref<212992xi32, #tpu.memory_space<hbm>> -> memref<832xi32, #tpu.memory_space<hbm>>
      %dma_wait3A_546 = tpu.memref_slice %arg5[%add3A_534] : memref<212992xi32, #tpu.memory_space<hbm>> -> memref<832xi32, #tpu.memory_space<hbm>>
      tpu.wait_dma2 semaphore(%run_scoped3A : memref<!tpu.dma_semaphore, #tpu.memory_space<semaphore_mem>>) src(%dma_wait3A_546 : memref<832xi32, #tpu.memory_space<hbm>>) dst(%arg18 : memref<832xi32, #tpu.memory_space<vmem>>)
      tpu.yield
    }) : () -> ()
    %dma_start3A_539 = arith.constant 0 : i32
    %dma_start3A_540 = tpu.memref_slice %arg9[%dma_start3A_539] : memref<1300000xf32, #tpu.memory_space<hbm>> -> memref<1300000xf32, #tpu.memory_space<hbm>>
    tpu.enqueue_indirect_dma source(%dma_start3A_540 : memref<1300000xf32, #tpu.memory_space<hbm>>) target(%arg19 : memref<832xf32, #tpu.memory_space<vmem>>) offsets(%arg18 : memref<832xi32, #tpu.memory_space<vmem>>) semaphore(%arg20 : memref<!tpu.dma_semaphore, #tpu.memory_space<semaphore_mem>>)
    %dma_wait3A_541 = arith.constant 0 : i32
    %dma_wait3A_542 = tpu.memref_slice %arg9[%dma_wait3A_541] : memref<1300000xf32, #tpu.memory_space<hbm>> -> memref<1300000xf32, #tpu.memory_space<hbm>>
    tpu.wait_indirect_dma semaphore(%arg20 : memref<!tpu.dma_semaphore, #tpu.memory_space<semaphore_mem>>) src(%dma_wait3A_542 : memref<1300000xf32, #tpu.memory_space<hbm>>) dst(%arg19 : memref<832xf32, #tpu.memory_space<vmem>>)
    "tpu.region"() ({
      %run_scoped3A = tpu.sem_alloc : memref<!tpu.dma_semaphore, #tpu.memory_space<semaphore_mem>>
      %dma_start3A_543 = tpu.memref_slice %arg13[%add3A_534] : memref<212992xf32, #tpu.memory_space<hbm>> -> memref<832xf32, #tpu.memory_space<hbm>>
      %dma_start3A_544 = tpu.memref_slice %arg13[%add3A_534] : memref<212992xf32, #tpu.memory_space<hbm>> -> memref<832xf32, #tpu.memory_space<hbm>>
      tpu.enqueue_dma source(%arg19 : memref<832xf32, #tpu.memory_space<vmem>>) target(%dma_start3A_544 : memref<832xf32, #tpu.memory_space<hbm>>) target_semaphore(%run_scoped3A : memref<!tpu.dma_semaphore, #tpu.memory_space<semaphore_mem>>)
      %dma_wait3A_545 = tpu.memref_slice %arg13[%add3A_534] : memref<212992xf32, #tpu.memory_space<hbm>> -> memref<832xf32, #tpu.memory_space<hbm>>
      %dma_wait3A_546 = tpu.memref_slice %arg13[%add3A_534] : memref<212992xf32, #tpu.memory_space<hbm>> -> memref<832xf32, #tpu.memory_space<hbm>>
      tpu.wait_dma2 semaphore(%run_scoped3A : memref<!tpu.dma_semaphore, #tpu.memory_space<semaphore_mem>>) src(%arg19 : memref<832xf32, #tpu.memory_space<vmem>>) dst(%dma_wait3A_546 : memref<832xf32, #tpu.memory_space<hbm>>)
      tpu.yield
    }) : () -> ()
    return
  }
}

module attributes {stable_mosaic.version = 14 : i64} {
  func.func @_tc_body(%arg0: i32, %arg1: memref<6656x128xf32, #tpu.memory_space<vmem>>, %arg2: memref<6656x128xf32, #tpu.memory_space<vmem>>, %arg3: memref<512x13xi32, #tpu.memory_space<vmem>>, %arg4: memref<512x13xi32, #tpu.memory_space<vmem>>, %arg5: memref<512x13xf32, #tpu.memory_space<vmem>>, %arg6: memref<512x13xf32, #tpu.memory_space<vmem>>, %arg7: memref<512x13xf32, #tpu.memory_space<vmem>>, %arg8: memref<512x13xf32, #tpu.memory_space<vmem>>, %arg9: memref<128x16xf32, #tpu.memory_space<vmem>>, %arg10: memref<1664x256xf32, #tpu.memory_space<vmem>>, %arg11: memref<1664x256xf32, #tpu.memory_space<vmem>>, %arg12: memref<13x256xf32, #tpu.memory_space<vmem>>, %arg13: memref<13x256xf32, #tpu.memory_space<vmem>>, %arg14: memref<13x16xf32, #tpu.memory_space<vmem>>, %arg15: memref<13x16xf32, #tpu.memory_space<vmem>>, %arg16: memref<1x13xf32, #tpu.memory_space<vmem>>, %arg17: memref<1x13xf32, #tpu.memory_space<vmem>>, %arg18: memref<1x13xf32, #tpu.memory_space<vmem>>, %arg19: memref<1x13xf32, #tpu.memory_space<vmem>>, %arg20: memref<1x256xf32, #tpu.memory_space<vmem>>, %arg21: memref<256x128xf32, #tpu.memory_space<vmem>>, %arg22: memref<1x128xf32, #tpu.memory_space<vmem>>, %arg23: memref<128x64xf32, #tpu.memory_space<vmem>>, %arg24: memref<1x64xf32, #tpu.memory_space<vmem>>, %arg25: memref<64x32xf32, #tpu.memory_space<vmem>>, %arg26: memref<1x32xf32, #tpu.memory_space<vmem>>, %arg27: memref<32x1xf32, #tpu.memory_space<vmem>>, %arg28: memref<1x1xf32, #tpu.memory_space<vmem>>, %arg29: memref<512x1xf32, #tpu.memory_space<vmem>>) attributes {dimension_semantics = [#tpu.dimension_semantics<arbitrary>], iteration_bounds = array<i64: 32>, scalar_prefetch = 0 : i64, scratch_operands = 0 : i64, tpu.core_type = #tpu.core_type<tc>, window_params = [{transform_indices = @transform_0, window_bounds = array<i64: 6656, 128>}, {transform_indices = @transform_1, window_bounds = array<i64: 6656, 128>}, {transform_indices = @transform_2, window_bounds = array<i64: 512, 13>}, {transform_indices = @transform_3, window_bounds = array<i64: 512, 13>}, {transform_indices = @transform_4, window_bounds = array<i64: 512, 13>}, {transform_indices = @transform_5, window_bounds = array<i64: 512, 13>}, {transform_indices = @transform_6, window_bounds = array<i64: 512, 13>}, {transform_indices = @transform_7, window_bounds = array<i64: 512, 13>}, {pipeline_mode = #tpu.pipeline_mode<synchronous>, transform_indices = @transform_8, window_bounds = array<i64: 128, 16>}, {pipeline_mode = #tpu.pipeline_mode<synchronous>, transform_indices = @transform_9, window_bounds = array<i64: 1664, 256>}, {pipeline_mode = #tpu.pipeline_mode<synchronous>, transform_indices = @transform_10, window_bounds = array<i64: 1664, 256>}, {pipeline_mode = #tpu.pipeline_mode<synchronous>, transform_indices = @transform_11, window_bounds = array<i64: 13, 256>}, {pipeline_mode = #tpu.pipeline_mode<synchronous>, transform_indices = @transform_12, window_bounds = array<i64: 13, 256>}, {pipeline_mode = #tpu.pipeline_mode<synchronous>, transform_indices = @transform_13, window_bounds = array<i64: 13, 16>}, {pipeline_mode = #tpu.pipeline_mode<synchronous>, transform_indices = @transform_14, window_bounds = array<i64: 13, 16>}, {pipeline_mode = #tpu.pipeline_mode<synchronous>, transform_indices = @transform_15, window_bounds = array<i64: 1, 13>}, {pipeline_mode = #tpu.pipeline_mode<synchronous>, transform_indices = @transform_16, window_bounds = array<i64: 1, 13>}, {pipeline_mode = #tpu.pipeline_mode<synchronous>, transform_indices = @transform_17, window_bounds = array<i64: 1, 13>}, {pipeline_mode = #tpu.pipeline_mode<synchronous>, transform_indices = @transform_18, window_bounds = array<i64: 1, 13>}, {pipeline_mode = #tpu.pipeline_mode<synchronous>, transform_indices = @transform_19, window_bounds = array<i64: 1, 256>}, {pipeline_mode = #tpu.pipeline_mode<synchronous>, transform_indices = @transform_20, window_bounds = array<i64: 256, 128>}, {pipeline_mode = #tpu.pipeline_mode<synchronous>, transform_indices = @transform_21, window_bounds = array<i64: 1, 128>}, {pipeline_mode = #tpu.pipeline_mode<synchronous>, transform_indices = @transform_22, window_bounds = array<i64: 128, 64>}, {pipeline_mode = #tpu.pipeline_mode<synchronous>, transform_indices = @transform_23, window_bounds = array<i64: 1, 64>}, {pipeline_mode = #tpu.pipeline_mode<synchronous>, transform_indices = @transform_24, window_bounds = array<i64: 64, 32>}, {pipeline_mode = #tpu.pipeline_mode<synchronous>, transform_indices = @transform_25, window_bounds = array<i64: 1, 32>}, {pipeline_mode = #tpu.pipeline_mode<synchronous>, transform_indices = @transform_26, window_bounds = array<i64: 32, 1>}, {pipeline_mode = #tpu.pipeline_mode<synchronous>, transform_indices = @transform_27, window_bounds = array<i64: 1, 1>}, {transform_indices = @transform_28, window_bounds = array<i64: 512, 1>}]} {
    %get3A = arith.constant 0 : index
    %get3A_0 = arith.constant 0 : index
    %get3A_1 = vector.load %arg7[%get3A, %get3A_0] : memref<512x13xf32, #tpu.memory_space<vmem>>, vector<512x13xf32>
    %get3A_2 = arith.constant 0 : index
    %get3A_3 = arith.constant 0 : index
    %get3A_4 = vector.load %arg8[%get3A_2, %get3A_3] : memref<512x13xf32, #tpu.memory_space<vmem>>, vector<512x13xf32>
    %iota3A = tpu.iota {dimensions = array<i32: 1>} : vector<512x128xi32>
    %jit3A = arith.constant 16 : i32
    %div3A = vector.broadcast %jit3A : i32 to vector<512x128xi32>
    %div3A_5 = arith.divsi %iota3A, %div3A : vector<512x128xi32>
    %sign3A = arith.constant 0 : i32
    %sign3A_6 = vector.broadcast %sign3A : i32 to vector<512x128xi32>
    %sign3A_7 = arith.cmpi sgt, %iota3A, %sign3A_6 : vector<512x128xi32>
    %sign3A_8 = arith.extui %sign3A_7 : vector<512x128xi1> to vector<512x128xi32>
    %sign3A_9 = arith.constant 0 : i32
    %sign3A_10 = vector.broadcast %sign3A_9 : i32 to vector<512x128xi32>
    %sign3A_11 = arith.cmpi slt, %iota3A, %sign3A_10 : vector<512x128xi32>
    %sign3A_12 = arith.extui %sign3A_11 : vector<512x128xi1> to vector<512x128xi32>
    %sign3A_13 = arith.subi %sign3A_8, %sign3A_12 : vector<512x128xi32>
    %sign3A_14 = arith.constant 0 : i32
    %sign3A_15 = arith.cmpi sgt, %jit3A, %sign3A_14 : i32
    %sign3A_16 = arith.extui %sign3A_15 : i1 to i32
    %sign3A_17 = arith.constant 0 : i32
    %sign3A_18 = arith.cmpi slt, %jit3A, %sign3A_17 : i32
    %sign3A_19 = arith.extui %sign3A_18 : i1 to i32
    %sign3A_20 = arith.subi %sign3A_16, %sign3A_19 : i32
    %ne3A = vector.broadcast %sign3A_20 : i32 to vector<512x128xi32>
    %ne3A_21 = arith.cmpi ne, %sign3A_13, %ne3A : vector<512x128xi32>
    %rem3A = vector.broadcast %jit3A : i32 to vector<512x128xi32>
    %rem3A_22 = arith.remsi %iota3A, %rem3A : vector<512x128xi32>
    %ne3A_23 = arith.constant 0 : i32
    %ne3A_24 = vector.broadcast %ne3A_23 : i32 to vector<512x128xi32>
    %ne3A_25 = arith.cmpi ne, %rem3A_22, %ne3A_24 : vector<512x128xi32>
    %and3A = arith.andi %ne3A_21, %ne3A_25 : vector<512x128xi1>
    %sub3A = arith.constant 1 : i32
    %sub3A_26 = vector.broadcast %sub3A : i32 to vector<512x128xi32>
    %sub3A_27 = arith.subi %div3A_5, %sub3A_26 : vector<512x128xi32>
    %select_n3A = arith.select %and3A, %sub3A_27, %div3A_5 : vector<512x128xi1>, vector<512x128xi32>
    %get3A_28 = arith.constant 0 : index
    %get3A_29 = arith.constant 0 : index
    %get3A_30 = vector.load %arg12[%get3A_28, %get3A_29] : memref<13x256xf32, #tpu.memory_space<vmem>>, vector<13x256xf32>
    %dot_general3A = arith.constant dense<0.000000e+00> : vector<512x256xf32>
    %dot_general3A_31 = tpu.matmul %get3A_1, %get3A_30, %dot_general3A {dimension_numbers = #tpu.dot_dimension_numbers<[1], [0], [0], [1], [0, 0, 1, 1], [], []>, transpose_lhs_hint = false} : vector<512x13xf32>, vector<13x256xf32>, vector<512x256xf32> -> vector<512x256xf32>
    %get3A_32 = arith.constant 0 : index
    %get3A_33 = arith.constant 0 : index
    %get3A_34 = vector.load %arg13[%get3A_32, %get3A_33] : memref<13x256xf32, #tpu.memory_space<vmem>>, vector<13x256xf32>
    %dot_general3A_35 = arith.constant dense<0.000000e+00> : vector<512x256xf32>
    %dot_general3A_36 = tpu.matmul %get3A_4, %get3A_34, %dot_general3A_35 {dimension_numbers = #tpu.dot_dimension_numbers<[1], [0], [0], [1], [0, 0, 1, 1], [], []>, transpose_lhs_hint = false} : vector<512x13xf32>, vector<13x256xf32>, vector<512x256xf32> -> vector<512x256xf32>
    %add3A = arith.addf %dot_general3A_31, %dot_general3A_36 : vector<512x256xf32>
    %get3A_37 = arith.constant 0 : index
    %get3A_38 = arith.constant 0 : index
    %get3A_39 = vector.load %arg20[%get3A_37, %get3A_38] : memref<1x256xf32, #tpu.memory_space<vmem>>, vector<1x256xf32>
    %add3A_40 = vector.broadcast %get3A_39 : vector<1x256xf32> to vector<512x256xf32>
    %add3A_41 = arith.addf %add3A, %add3A_40 : vector<512x256xf32>
    %broadcast_in_dim3A = arith.constant 0.000000e+00 : f32
    %broadcast_in_dim3A_42 = vector.broadcast %broadcast_in_dim3A : f32 to vector<512x128xf32>
    %broadcast_in_dim3A_43 = arith.constant 0.000000e+00 : f32
    %broadcast_in_dim3A_44 = vector.broadcast %broadcast_in_dim3A_43 : f32 to vector<512x128xf32>
    %get3A_45 = arith.constant 0 : index
    %get3A_46 = arith.constant 0 : index
    %get3A_47 = vector.load %arg1[%get3A_45, %get3A_46] : memref<6656x128xf32, #tpu.memory_space<vmem>>, vector<512x128xf32>
    %get3A_48 = arith.constant 0 : index
    %get3A_49 = arith.constant 0 : index
    %get3A_50 = vector.load %arg3[%get3A_48, %get3A_49] : memref<512x13xi32, #tpu.memory_space<vmem>>, vector<512x1xi32>
    %get3A_51 = vector.shape_cast %get3A_50 : vector<512x1xi32> to vector<512xi32>
    %broadcast_in_dim3A_52 = vector.shape_cast %get3A_51 : vector<512xi32> to vector<512x1xi32>
    %eq3A = vector.broadcast %broadcast_in_dim3A_52 : vector<512x1xi32> to vector<512x128xi32>
    %eq3A_53 = arith.cmpi eq, %select_n3A, %eq3A : vector<512x128xi32>
    %jit3A_54 = arith.constant 0.000000e+00 : f32
    %broadcast_in_dim3A_55 = vector.broadcast %jit3A_54 : f32 to vector<512x128xf32>
    %select_n3A_56 = arith.select %eq3A_53, %get3A_47, %broadcast_in_dim3A_55 : vector<512x128xi1>, vector<512x128xf32>
    %get3A_57 = arith.constant 0 : index
    %get3A_58 = arith.constant 0 : index
    %get3A_59 = vector.load %arg10[%get3A_57, %get3A_58] : memref<1664x256xf32, #tpu.memory_space<vmem>>, vector<128x256xf32>
    %dot_general3A_60 = arith.constant dense<0.000000e+00> : vector<512x256xf32>
    %dot_general3A_61 = tpu.matmul %select_n3A_56, %get3A_59, %dot_general3A_60 {dimension_numbers = #tpu.dot_dimension_numbers<[1], [0], [0], [1], [0, 0, 1, 1], [], []>, transpose_lhs_hint = false} : vector<512x128xf32>, vector<128x256xf32>, vector<512x256xf32> -> vector<512x256xf32>
    %add3A_62 = arith.addf %add3A_41, %dot_general3A_61 : vector<512x256xf32>
    %add3A_63 = arith.addf %broadcast_in_dim3A_42, %select_n3A_56 : vector<512x128xf32>
    %mul3A = arith.mulf %select_n3A_56, %get3A_47 : vector<512x128xf32>
    %add3A_64 = arith.addf %broadcast_in_dim3A_44, %mul3A : vector<512x128xf32>
    %get3A_65 = arith.constant 0 : index
    %get3A_66 = arith.constant 0 : index
    %get3A_67 = vector.load %arg2[%get3A_65, %get3A_66] : memref<6656x128xf32, #tpu.memory_space<vmem>>, vector<512x128xf32>
    %get3A_68 = arith.constant 0 : index
    %get3A_69 = arith.constant 0 : index
    %get3A_70 = vector.load %arg4[%get3A_68, %get3A_69] : memref<512x13xi32, #tpu.memory_space<vmem>>, vector<512x1xi32>
    %get3A_71 = vector.shape_cast %get3A_70 : vector<512x1xi32> to vector<512xi32>
    %broadcast_in_dim3A_72 = vector.shape_cast %get3A_71 : vector<512xi32> to vector<512x1xi32>
    %eq3A_73 = vector.broadcast %broadcast_in_dim3A_72 : vector<512x1xi32> to vector<512x128xi32>
    %eq3A_74 = arith.cmpi eq, %select_n3A, %eq3A_73 : vector<512x128xi32>
    %jit3A_75 = arith.constant 0.000000e+00 : f32
    %broadcast_in_dim3A_76 = vector.broadcast %jit3A_75 : f32 to vector<512x128xf32>
    %select_n3A_77 = arith.select %eq3A_74, %get3A_67, %broadcast_in_dim3A_76 : vector<512x128xi1>, vector<512x128xf32>
    %get3A_78 = arith.constant 0 : index
    %get3A_79 = arith.constant 0 : index
    %get3A_80 = vector.load %arg11[%get3A_78, %get3A_79] : memref<1664x256xf32, #tpu.memory_space<vmem>>, vector<128x256xf32>
    %dot_general3A_81 = arith.constant dense<0.000000e+00> : vector<512x256xf32>
    %dot_general3A_82 = tpu.matmul %select_n3A_77, %get3A_80, %dot_general3A_81 {dimension_numbers = #tpu.dot_dimension_numbers<[1], [0], [0], [1], [0, 0, 1, 1], [], []>, transpose_lhs_hint = false} : vector<512x128xf32>, vector<128x256xf32>, vector<512x256xf32> -> vector<512x256xf32>
    %add3A_83 = arith.addf %add3A_62, %dot_general3A_82 : vector<512x256xf32>
    %add3A_84 = arith.addf %add3A_63, %select_n3A_77 : vector<512x128xf32>
    %mul3A_85 = arith.mulf %select_n3A_77, %get3A_67 : vector<512x128xf32>
    %add3A_86 = arith.addf %add3A_64, %mul3A_85 : vector<512x128xf32>
    %get3A_87 = arith.constant 512 : index
    %get3A_88 = arith.constant 0 : index
    %get3A_89 = vector.load %arg1[%get3A_87, %get3A_88] : memref<6656x128xf32, #tpu.memory_space<vmem>>, vector<512x128xf32>
    %get3A_90 = arith.constant 0 : index
    %get3A_91 = arith.constant 1 : index
    %get3A_92 = vector.load %arg3[%get3A_90, %get3A_91] : memref<512x13xi32, #tpu.memory_space<vmem>>, vector<512x1xi32>
    %get3A_93 = vector.shape_cast %get3A_92 : vector<512x1xi32> to vector<512xi32>
    %broadcast_in_dim3A_94 = vector.shape_cast %get3A_93 : vector<512xi32> to vector<512x1xi32>
    %eq3A_95 = vector.broadcast %broadcast_in_dim3A_94 : vector<512x1xi32> to vector<512x128xi32>
    %eq3A_96 = arith.cmpi eq, %select_n3A, %eq3A_95 : vector<512x128xi32>
    %jit3A_97 = arith.constant 0.000000e+00 : f32
    %broadcast_in_dim3A_98 = vector.broadcast %jit3A_97 : f32 to vector<512x128xf32>
    %select_n3A_99 = arith.select %eq3A_96, %get3A_89, %broadcast_in_dim3A_98 : vector<512x128xi1>, vector<512x128xf32>
    %get3A_100 = arith.constant 128 : index
    %get3A_101 = arith.constant 0 : index
    %get3A_102 = vector.load %arg10[%get3A_100, %get3A_101] : memref<1664x256xf32, #tpu.memory_space<vmem>>, vector<128x256xf32>
    %dot_general3A_103 = arith.constant dense<0.000000e+00> : vector<512x256xf32>
    %dot_general3A_104 = tpu.matmul %select_n3A_99, %get3A_102, %dot_general3A_103 {dimension_numbers = #tpu.dot_dimension_numbers<[1], [0], [0], [1], [0, 0, 1, 1], [], []>, transpose_lhs_hint = false} : vector<512x128xf32>, vector<128x256xf32>, vector<512x256xf32> -> vector<512x256xf32>
    %add3A_105 = arith.addf %add3A_83, %dot_general3A_104 : vector<512x256xf32>
    %add3A_106 = arith.addf %add3A_84, %select_n3A_99 : vector<512x128xf32>
    %mul3A_107 = arith.mulf %select_n3A_99, %get3A_89 : vector<512x128xf32>
    %add3A_108 = arith.addf %add3A_86, %mul3A_107 : vector<512x128xf32>
    %get3A_109 = arith.constant 512 : index
    %get3A_110 = arith.constant 0 : index
    %get3A_111 = vector.load %arg2[%get3A_109, %get3A_110] : memref<6656x128xf32, #tpu.memory_space<vmem>>, vector<512x128xf32>
    %get3A_112 = arith.constant 0 : index
    %get3A_113 = arith.constant 1 : index
    %get3A_114 = vector.load %arg4[%get3A_112, %get3A_113] : memref<512x13xi32, #tpu.memory_space<vmem>>, vector<512x1xi32>
    %get3A_115 = vector.shape_cast %get3A_114 : vector<512x1xi32> to vector<512xi32>
    %broadcast_in_dim3A_116 = vector.shape_cast %get3A_115 : vector<512xi32> to vector<512x1xi32>
    %eq3A_117 = vector.broadcast %broadcast_in_dim3A_116 : vector<512x1xi32> to vector<512x128xi32>
    %eq3A_118 = arith.cmpi eq, %select_n3A, %eq3A_117 : vector<512x128xi32>
    %jit3A_119 = arith.constant 0.000000e+00 : f32
    %broadcast_in_dim3A_120 = vector.broadcast %jit3A_119 : f32 to vector<512x128xf32>
    %select_n3A_121 = arith.select %eq3A_118, %get3A_111, %broadcast_in_dim3A_120 : vector<512x128xi1>, vector<512x128xf32>
    %get3A_122 = arith.constant 128 : index
    %get3A_123 = arith.constant 0 : index
    %get3A_124 = vector.load %arg11[%get3A_122, %get3A_123] : memref<1664x256xf32, #tpu.memory_space<vmem>>, vector<128x256xf32>
    %dot_general3A_125 = arith.constant dense<0.000000e+00> : vector<512x256xf32>
    %dot_general3A_126 = tpu.matmul %select_n3A_121, %get3A_124, %dot_general3A_125 {dimension_numbers = #tpu.dot_dimension_numbers<[1], [0], [0], [1], [0, 0, 1, 1], [], []>, transpose_lhs_hint = false} : vector<512x128xf32>, vector<128x256xf32>, vector<512x256xf32> -> vector<512x256xf32>
    %add3A_127 = arith.addf %add3A_105, %dot_general3A_126 : vector<512x256xf32>
    %add3A_128 = arith.addf %add3A_106, %select_n3A_121 : vector<512x128xf32>
    %mul3A_129 = arith.mulf %select_n3A_121, %get3A_111 : vector<512x128xf32>
    %add3A_130 = arith.addf %add3A_108, %mul3A_129 : vector<512x128xf32>
    %get3A_131 = arith.constant 1024 : index
    %get3A_132 = arith.constant 0 : index
    %get3A_133 = vector.load %arg1[%get3A_131, %get3A_132] : memref<6656x128xf32, #tpu.memory_space<vmem>>, vector<512x128xf32>
    %get3A_134 = arith.constant 0 : index
    %get3A_135 = arith.constant 2 : index
    %get3A_136 = vector.load %arg3[%get3A_134, %get3A_135] : memref<512x13xi32, #tpu.memory_space<vmem>>, vector<512x1xi32>
    %get3A_137 = vector.shape_cast %get3A_136 : vector<512x1xi32> to vector<512xi32>
    %broadcast_in_dim3A_138 = vector.shape_cast %get3A_137 : vector<512xi32> to vector<512x1xi32>
    %eq3A_139 = vector.broadcast %broadcast_in_dim3A_138 : vector<512x1xi32> to vector<512x128xi32>
    %eq3A_140 = arith.cmpi eq, %select_n3A, %eq3A_139 : vector<512x128xi32>
    %jit3A_141 = arith.constant 0.000000e+00 : f32
    %broadcast_in_dim3A_142 = vector.broadcast %jit3A_141 : f32 to vector<512x128xf32>
    %select_n3A_143 = arith.select %eq3A_140, %get3A_133, %broadcast_in_dim3A_142 : vector<512x128xi1>, vector<512x128xf32>
    %get3A_144 = arith.constant 256 : index
    %get3A_145 = arith.constant 0 : index
    %get3A_146 = vector.load %arg10[%get3A_144, %get3A_145] : memref<1664x256xf32, #tpu.memory_space<vmem>>, vector<128x256xf32>
    %dot_general3A_147 = arith.constant dense<0.000000e+00> : vector<512x256xf32>
    %dot_general3A_148 = tpu.matmul %select_n3A_143, %get3A_146, %dot_general3A_147 {dimension_numbers = #tpu.dot_dimension_numbers<[1], [0], [0], [1], [0, 0, 1, 1], [], []>, transpose_lhs_hint = false} : vector<512x128xf32>, vector<128x256xf32>, vector<512x256xf32> -> vector<512x256xf32>
    %add3A_149 = arith.addf %add3A_127, %dot_general3A_148 : vector<512x256xf32>
    %add3A_150 = arith.addf %add3A_128, %select_n3A_143 : vector<512x128xf32>
    %mul3A_151 = arith.mulf %select_n3A_143, %get3A_133 : vector<512x128xf32>
    %add3A_152 = arith.addf %add3A_130, %mul3A_151 : vector<512x128xf32>
    %get3A_153 = arith.constant 1024 : index
    %get3A_154 = arith.constant 0 : index
    %get3A_155 = vector.load %arg2[%get3A_153, %get3A_154] : memref<6656x128xf32, #tpu.memory_space<vmem>>, vector<512x128xf32>
    %get3A_156 = arith.constant 0 : index
    %get3A_157 = arith.constant 2 : index
    %get3A_158 = vector.load %arg4[%get3A_156, %get3A_157] : memref<512x13xi32, #tpu.memory_space<vmem>>, vector<512x1xi32>
    %get3A_159 = vector.shape_cast %get3A_158 : vector<512x1xi32> to vector<512xi32>
    %broadcast_in_dim3A_160 = vector.shape_cast %get3A_159 : vector<512xi32> to vector<512x1xi32>
    %eq3A_161 = vector.broadcast %broadcast_in_dim3A_160 : vector<512x1xi32> to vector<512x128xi32>
    %eq3A_162 = arith.cmpi eq, %select_n3A, %eq3A_161 : vector<512x128xi32>
    %jit3A_163 = arith.constant 0.000000e+00 : f32
    %broadcast_in_dim3A_164 = vector.broadcast %jit3A_163 : f32 to vector<512x128xf32>
    %select_n3A_165 = arith.select %eq3A_162, %get3A_155, %broadcast_in_dim3A_164 : vector<512x128xi1>, vector<512x128xf32>
    %get3A_166 = arith.constant 256 : index
    %get3A_167 = arith.constant 0 : index
    %get3A_168 = vector.load %arg11[%get3A_166, %get3A_167] : memref<1664x256xf32, #tpu.memory_space<vmem>>, vector<128x256xf32>
    %dot_general3A_169 = arith.constant dense<0.000000e+00> : vector<512x256xf32>
    %dot_general3A_170 = tpu.matmul %select_n3A_165, %get3A_168, %dot_general3A_169 {dimension_numbers = #tpu.dot_dimension_numbers<[1], [0], [0], [1], [0, 0, 1, 1], [], []>, transpose_lhs_hint = false} : vector<512x128xf32>, vector<128x256xf32>, vector<512x256xf32> -> vector<512x256xf32>
    %add3A_171 = arith.addf %add3A_149, %dot_general3A_170 : vector<512x256xf32>
    %add3A_172 = arith.addf %add3A_150, %select_n3A_165 : vector<512x128xf32>
    %mul3A_173 = arith.mulf %select_n3A_165, %get3A_155 : vector<512x128xf32>
    %add3A_174 = arith.addf %add3A_152, %mul3A_173 : vector<512x128xf32>
    %get3A_175 = arith.constant 1536 : index
    %get3A_176 = arith.constant 0 : index
    %get3A_177 = vector.load %arg1[%get3A_175, %get3A_176] : memref<6656x128xf32, #tpu.memory_space<vmem>>, vector<512x128xf32>
    %get3A_178 = arith.constant 0 : index
    %get3A_179 = arith.constant 3 : index
    %get3A_180 = vector.load %arg3[%get3A_178, %get3A_179] : memref<512x13xi32, #tpu.memory_space<vmem>>, vector<512x1xi32>
    %get3A_181 = vector.shape_cast %get3A_180 : vector<512x1xi32> to vector<512xi32>
    %broadcast_in_dim3A_182 = vector.shape_cast %get3A_181 : vector<512xi32> to vector<512x1xi32>
    %eq3A_183 = vector.broadcast %broadcast_in_dim3A_182 : vector<512x1xi32> to vector<512x128xi32>
    %eq3A_184 = arith.cmpi eq, %select_n3A, %eq3A_183 : vector<512x128xi32>
    %jit3A_185 = arith.constant 0.000000e+00 : f32
    %broadcast_in_dim3A_186 = vector.broadcast %jit3A_185 : f32 to vector<512x128xf32>
    %select_n3A_187 = arith.select %eq3A_184, %get3A_177, %broadcast_in_dim3A_186 : vector<512x128xi1>, vector<512x128xf32>
    %get3A_188 = arith.constant 384 : index
    %get3A_189 = arith.constant 0 : index
    %get3A_190 = vector.load %arg10[%get3A_188, %get3A_189] : memref<1664x256xf32, #tpu.memory_space<vmem>>, vector<128x256xf32>
    %dot_general3A_191 = arith.constant dense<0.000000e+00> : vector<512x256xf32>
    %dot_general3A_192 = tpu.matmul %select_n3A_187, %get3A_190, %dot_general3A_191 {dimension_numbers = #tpu.dot_dimension_numbers<[1], [0], [0], [1], [0, 0, 1, 1], [], []>, transpose_lhs_hint = false} : vector<512x128xf32>, vector<128x256xf32>, vector<512x256xf32> -> vector<512x256xf32>
    %add3A_193 = arith.addf %add3A_171, %dot_general3A_192 : vector<512x256xf32>
    %add3A_194 = arith.addf %add3A_172, %select_n3A_187 : vector<512x128xf32>
    %mul3A_195 = arith.mulf %select_n3A_187, %get3A_177 : vector<512x128xf32>
    %add3A_196 = arith.addf %add3A_174, %mul3A_195 : vector<512x128xf32>
    %get3A_197 = arith.constant 1536 : index
    %get3A_198 = arith.constant 0 : index
    %get3A_199 = vector.load %arg2[%get3A_197, %get3A_198] : memref<6656x128xf32, #tpu.memory_space<vmem>>, vector<512x128xf32>
    %get3A_200 = arith.constant 0 : index
    %get3A_201 = arith.constant 3 : index
    %get3A_202 = vector.load %arg4[%get3A_200, %get3A_201] : memref<512x13xi32, #tpu.memory_space<vmem>>, vector<512x1xi32>
    %get3A_203 = vector.shape_cast %get3A_202 : vector<512x1xi32> to vector<512xi32>
    %broadcast_in_dim3A_204 = vector.shape_cast %get3A_203 : vector<512xi32> to vector<512x1xi32>
    %eq3A_205 = vector.broadcast %broadcast_in_dim3A_204 : vector<512x1xi32> to vector<512x128xi32>
    %eq3A_206 = arith.cmpi eq, %select_n3A, %eq3A_205 : vector<512x128xi32>
    %jit3A_207 = arith.constant 0.000000e+00 : f32
    %broadcast_in_dim3A_208 = vector.broadcast %jit3A_207 : f32 to vector<512x128xf32>
    %select_n3A_209 = arith.select %eq3A_206, %get3A_199, %broadcast_in_dim3A_208 : vector<512x128xi1>, vector<512x128xf32>
    %get3A_210 = arith.constant 384 : index
    %get3A_211 = arith.constant 0 : index
    %get3A_212 = vector.load %arg11[%get3A_210, %get3A_211] : memref<1664x256xf32, #tpu.memory_space<vmem>>, vector<128x256xf32>
    %dot_general3A_213 = arith.constant dense<0.000000e+00> : vector<512x256xf32>
    %dot_general3A_214 = tpu.matmul %select_n3A_209, %get3A_212, %dot_general3A_213 {dimension_numbers = #tpu.dot_dimension_numbers<[1], [0], [0], [1], [0, 0, 1, 1], [], []>, transpose_lhs_hint = false} : vector<512x128xf32>, vector<128x256xf32>, vector<512x256xf32> -> vector<512x256xf32>
    %add3A_215 = arith.addf %add3A_193, %dot_general3A_214 : vector<512x256xf32>
    %add3A_216 = arith.addf %add3A_194, %select_n3A_209 : vector<512x128xf32>
    %mul3A_217 = arith.mulf %select_n3A_209, %get3A_199 : vector<512x128xf32>
    %add3A_218 = arith.addf %add3A_196, %mul3A_217 : vector<512x128xf32>
    %get3A_219 = arith.constant 2048 : index
    %get3A_220 = arith.constant 0 : index
    %get3A_221 = vector.load %arg1[%get3A_219, %get3A_220] : memref<6656x128xf32, #tpu.memory_space<vmem>>, vector<512x128xf32>
    %get3A_222 = arith.constant 0 : index
    %get3A_223 = arith.constant 4 : index
    %get3A_224 = vector.load %arg3[%get3A_222, %get3A_223] : memref<512x13xi32, #tpu.memory_space<vmem>>, vector<512x1xi32>
    %get3A_225 = vector.shape_cast %get3A_224 : vector<512x1xi32> to vector<512xi32>
    %broadcast_in_dim3A_226 = vector.shape_cast %get3A_225 : vector<512xi32> to vector<512x1xi32>
    %eq3A_227 = vector.broadcast %broadcast_in_dim3A_226 : vector<512x1xi32> to vector<512x128xi32>
    %eq3A_228 = arith.cmpi eq, %select_n3A, %eq3A_227 : vector<512x128xi32>
    %jit3A_229 = arith.constant 0.000000e+00 : f32
    %broadcast_in_dim3A_230 = vector.broadcast %jit3A_229 : f32 to vector<512x128xf32>
    %select_n3A_231 = arith.select %eq3A_228, %get3A_221, %broadcast_in_dim3A_230 : vector<512x128xi1>, vector<512x128xf32>
    %get3A_232 = arith.constant 512 : index
    %get3A_233 = arith.constant 0 : index
    %get3A_234 = vector.load %arg10[%get3A_232, %get3A_233] : memref<1664x256xf32, #tpu.memory_space<vmem>>, vector<128x256xf32>
    %dot_general3A_235 = arith.constant dense<0.000000e+00> : vector<512x256xf32>
    %dot_general3A_236 = tpu.matmul %select_n3A_231, %get3A_234, %dot_general3A_235 {dimension_numbers = #tpu.dot_dimension_numbers<[1], [0], [0], [1], [0, 0, 1, 1], [], []>, transpose_lhs_hint = false} : vector<512x128xf32>, vector<128x256xf32>, vector<512x256xf32> -> vector<512x256xf32>
    %add3A_237 = arith.addf %add3A_215, %dot_general3A_236 : vector<512x256xf32>
    %add3A_238 = arith.addf %add3A_216, %select_n3A_231 : vector<512x128xf32>
    %mul3A_239 = arith.mulf %select_n3A_231, %get3A_221 : vector<512x128xf32>
    %add3A_240 = arith.addf %add3A_218, %mul3A_239 : vector<512x128xf32>
    %get3A_241 = arith.constant 2048 : index
    %get3A_242 = arith.constant 0 : index
    %get3A_243 = vector.load %arg2[%get3A_241, %get3A_242] : memref<6656x128xf32, #tpu.memory_space<vmem>>, vector<512x128xf32>
    %get3A_244 = arith.constant 0 : index
    %get3A_245 = arith.constant 4 : index
    %get3A_246 = vector.load %arg4[%get3A_244, %get3A_245] : memref<512x13xi32, #tpu.memory_space<vmem>>, vector<512x1xi32>
    %get3A_247 = vector.shape_cast %get3A_246 : vector<512x1xi32> to vector<512xi32>
    %broadcast_in_dim3A_248 = vector.shape_cast %get3A_247 : vector<512xi32> to vector<512x1xi32>
    %eq3A_249 = vector.broadcast %broadcast_in_dim3A_248 : vector<512x1xi32> to vector<512x128xi32>
    %eq3A_250 = arith.cmpi eq, %select_n3A, %eq3A_249 : vector<512x128xi32>
    %jit3A_251 = arith.constant 0.000000e+00 : f32
    %broadcast_in_dim3A_252 = vector.broadcast %jit3A_251 : f32 to vector<512x128xf32>
    %select_n3A_253 = arith.select %eq3A_250, %get3A_243, %broadcast_in_dim3A_252 : vector<512x128xi1>, vector<512x128xf32>
    %get3A_254 = arith.constant 512 : index
    %get3A_255 = arith.constant 0 : index
    %get3A_256 = vector.load %arg11[%get3A_254, %get3A_255] : memref<1664x256xf32, #tpu.memory_space<vmem>>, vector<128x256xf32>
    %dot_general3A_257 = arith.constant dense<0.000000e+00> : vector<512x256xf32>
    %dot_general3A_258 = tpu.matmul %select_n3A_253, %get3A_256, %dot_general3A_257 {dimension_numbers = #tpu.dot_dimension_numbers<[1], [0], [0], [1], [0, 0, 1, 1], [], []>, transpose_lhs_hint = false} : vector<512x128xf32>, vector<128x256xf32>, vector<512x256xf32> -> vector<512x256xf32>
    %add3A_259 = arith.addf %add3A_237, %dot_general3A_258 : vector<512x256xf32>
    %add3A_260 = arith.addf %add3A_238, %select_n3A_253 : vector<512x128xf32>
    %mul3A_261 = arith.mulf %select_n3A_253, %get3A_243 : vector<512x128xf32>
    %add3A_262 = arith.addf %add3A_240, %mul3A_261 : vector<512x128xf32>
    %get3A_263 = arith.constant 2560 : index
    %get3A_264 = arith.constant 0 : index
    %get3A_265 = vector.load %arg1[%get3A_263, %get3A_264] : memref<6656x128xf32, #tpu.memory_space<vmem>>, vector<512x128xf32>
    %get3A_266 = arith.constant 0 : index
    %get3A_267 = arith.constant 5 : index
    %get3A_268 = vector.load %arg3[%get3A_266, %get3A_267] : memref<512x13xi32, #tpu.memory_space<vmem>>, vector<512x1xi32>
    %get3A_269 = vector.shape_cast %get3A_268 : vector<512x1xi32> to vector<512xi32>
    %broadcast_in_dim3A_270 = vector.shape_cast %get3A_269 : vector<512xi32> to vector<512x1xi32>
    %eq3A_271 = vector.broadcast %broadcast_in_dim3A_270 : vector<512x1xi32> to vector<512x128xi32>
    %eq3A_272 = arith.cmpi eq, %select_n3A, %eq3A_271 : vector<512x128xi32>
    %jit3A_273 = arith.constant 0.000000e+00 : f32
    %broadcast_in_dim3A_274 = vector.broadcast %jit3A_273 : f32 to vector<512x128xf32>
    %select_n3A_275 = arith.select %eq3A_272, %get3A_265, %broadcast_in_dim3A_274 : vector<512x128xi1>, vector<512x128xf32>
    %get3A_276 = arith.constant 640 : index
    %get3A_277 = arith.constant 0 : index
    %get3A_278 = vector.load %arg10[%get3A_276, %get3A_277] : memref<1664x256xf32, #tpu.memory_space<vmem>>, vector<128x256xf32>
    %dot_general3A_279 = arith.constant dense<0.000000e+00> : vector<512x256xf32>
    %dot_general3A_280 = tpu.matmul %select_n3A_275, %get3A_278, %dot_general3A_279 {dimension_numbers = #tpu.dot_dimension_numbers<[1], [0], [0], [1], [0, 0, 1, 1], [], []>, transpose_lhs_hint = false} : vector<512x128xf32>, vector<128x256xf32>, vector<512x256xf32> -> vector<512x256xf32>
    %add3A_281 = arith.addf %add3A_259, %dot_general3A_280 : vector<512x256xf32>
    %add3A_282 = arith.addf %add3A_260, %select_n3A_275 : vector<512x128xf32>
    %mul3A_283 = arith.mulf %select_n3A_275, %get3A_265 : vector<512x128xf32>
    %add3A_284 = arith.addf %add3A_262, %mul3A_283 : vector<512x128xf32>
    %get3A_285 = arith.constant 2560 : index
    %get3A_286 = arith.constant 0 : index
    %get3A_287 = vector.load %arg2[%get3A_285, %get3A_286] : memref<6656x128xf32, #tpu.memory_space<vmem>>, vector<512x128xf32>
    %get3A_288 = arith.constant 0 : index
    %get3A_289 = arith.constant 5 : index
    %get3A_290 = vector.load %arg4[%get3A_288, %get3A_289] : memref<512x13xi32, #tpu.memory_space<vmem>>, vector<512x1xi32>
    %get3A_291 = vector.shape_cast %get3A_290 : vector<512x1xi32> to vector<512xi32>
    %broadcast_in_dim3A_292 = vector.shape_cast %get3A_291 : vector<512xi32> to vector<512x1xi32>
    %eq3A_293 = vector.broadcast %broadcast_in_dim3A_292 : vector<512x1xi32> to vector<512x128xi32>
    %eq3A_294 = arith.cmpi eq, %select_n3A, %eq3A_293 : vector<512x128xi32>
    %jit3A_295 = arith.constant 0.000000e+00 : f32
    %broadcast_in_dim3A_296 = vector.broadcast %jit3A_295 : f32 to vector<512x128xf32>
    %select_n3A_297 = arith.select %eq3A_294, %get3A_287, %broadcast_in_dim3A_296 : vector<512x128xi1>, vector<512x128xf32>
    %get3A_298 = arith.constant 640 : index
    %get3A_299 = arith.constant 0 : index
    %get3A_300 = vector.load %arg11[%get3A_298, %get3A_299] : memref<1664x256xf32, #tpu.memory_space<vmem>>, vector<128x256xf32>
    %dot_general3A_301 = arith.constant dense<0.000000e+00> : vector<512x256xf32>
    %dot_general3A_302 = tpu.matmul %select_n3A_297, %get3A_300, %dot_general3A_301 {dimension_numbers = #tpu.dot_dimension_numbers<[1], [0], [0], [1], [0, 0, 1, 1], [], []>, transpose_lhs_hint = false} : vector<512x128xf32>, vector<128x256xf32>, vector<512x256xf32> -> vector<512x256xf32>
    %add3A_303 = arith.addf %add3A_281, %dot_general3A_302 : vector<512x256xf32>
    %add3A_304 = arith.addf %add3A_282, %select_n3A_297 : vector<512x128xf32>
    %mul3A_305 = arith.mulf %select_n3A_297, %get3A_287 : vector<512x128xf32>
    %add3A_306 = arith.addf %add3A_284, %mul3A_305 : vector<512x128xf32>
    %get3A_307 = arith.constant 3072 : index
    %get3A_308 = arith.constant 0 : index
    %get3A_309 = vector.load %arg1[%get3A_307, %get3A_308] : memref<6656x128xf32, #tpu.memory_space<vmem>>, vector<512x128xf32>
    %get3A_310 = arith.constant 0 : index
    %get3A_311 = arith.constant 6 : index
    %get3A_312 = vector.load %arg3[%get3A_310, %get3A_311] : memref<512x13xi32, #tpu.memory_space<vmem>>, vector<512x1xi32>
    %get3A_313 = vector.shape_cast %get3A_312 : vector<512x1xi32> to vector<512xi32>
    %broadcast_in_dim3A_314 = vector.shape_cast %get3A_313 : vector<512xi32> to vector<512x1xi32>
    %eq3A_315 = vector.broadcast %broadcast_in_dim3A_314 : vector<512x1xi32> to vector<512x128xi32>
    %eq3A_316 = arith.cmpi eq, %select_n3A, %eq3A_315 : vector<512x128xi32>
    %jit3A_317 = arith.constant 0.000000e+00 : f32
    %broadcast_in_dim3A_318 = vector.broadcast %jit3A_317 : f32 to vector<512x128xf32>
    %select_n3A_319 = arith.select %eq3A_316, %get3A_309, %broadcast_in_dim3A_318 : vector<512x128xi1>, vector<512x128xf32>
    %get3A_320 = arith.constant 768 : index
    %get3A_321 = arith.constant 0 : index
    %get3A_322 = vector.load %arg10[%get3A_320, %get3A_321] : memref<1664x256xf32, #tpu.memory_space<vmem>>, vector<128x256xf32>
    %dot_general3A_323 = arith.constant dense<0.000000e+00> : vector<512x256xf32>
    %dot_general3A_324 = tpu.matmul %select_n3A_319, %get3A_322, %dot_general3A_323 {dimension_numbers = #tpu.dot_dimension_numbers<[1], [0], [0], [1], [0, 0, 1, 1], [], []>, transpose_lhs_hint = false} : vector<512x128xf32>, vector<128x256xf32>, vector<512x256xf32> -> vector<512x256xf32>
    %add3A_325 = arith.addf %add3A_303, %dot_general3A_324 : vector<512x256xf32>
    %add3A_326 = arith.addf %add3A_304, %select_n3A_319 : vector<512x128xf32>
    %mul3A_327 = arith.mulf %select_n3A_319, %get3A_309 : vector<512x128xf32>
    %add3A_328 = arith.addf %add3A_306, %mul3A_327 : vector<512x128xf32>
    %get3A_329 = arith.constant 3072 : index
    %get3A_330 = arith.constant 0 : index
    %get3A_331 = vector.load %arg2[%get3A_329, %get3A_330] : memref<6656x128xf32, #tpu.memory_space<vmem>>, vector<512x128xf32>
    %get3A_332 = arith.constant 0 : index
    %get3A_333 = arith.constant 6 : index
    %get3A_334 = vector.load %arg4[%get3A_332, %get3A_333] : memref<512x13xi32, #tpu.memory_space<vmem>>, vector<512x1xi32>
    %get3A_335 = vector.shape_cast %get3A_334 : vector<512x1xi32> to vector<512xi32>
    %broadcast_in_dim3A_336 = vector.shape_cast %get3A_335 : vector<512xi32> to vector<512x1xi32>
    %eq3A_337 = vector.broadcast %broadcast_in_dim3A_336 : vector<512x1xi32> to vector<512x128xi32>
    %eq3A_338 = arith.cmpi eq, %select_n3A, %eq3A_337 : vector<512x128xi32>
    %jit3A_339 = arith.constant 0.000000e+00 : f32
    %broadcast_in_dim3A_340 = vector.broadcast %jit3A_339 : f32 to vector<512x128xf32>
    %select_n3A_341 = arith.select %eq3A_338, %get3A_331, %broadcast_in_dim3A_340 : vector<512x128xi1>, vector<512x128xf32>
    %get3A_342 = arith.constant 768 : index
    %get3A_343 = arith.constant 0 : index
    %get3A_344 = vector.load %arg11[%get3A_342, %get3A_343] : memref<1664x256xf32, #tpu.memory_space<vmem>>, vector<128x256xf32>
    %dot_general3A_345 = arith.constant dense<0.000000e+00> : vector<512x256xf32>
    %dot_general3A_346 = tpu.matmul %select_n3A_341, %get3A_344, %dot_general3A_345 {dimension_numbers = #tpu.dot_dimension_numbers<[1], [0], [0], [1], [0, 0, 1, 1], [], []>, transpose_lhs_hint = false} : vector<512x128xf32>, vector<128x256xf32>, vector<512x256xf32> -> vector<512x256xf32>
    %add3A_347 = arith.addf %add3A_325, %dot_general3A_346 : vector<512x256xf32>
    %add3A_348 = arith.addf %add3A_326, %select_n3A_341 : vector<512x128xf32>
    %mul3A_349 = arith.mulf %select_n3A_341, %get3A_331 : vector<512x128xf32>
    %add3A_350 = arith.addf %add3A_328, %mul3A_349 : vector<512x128xf32>
    %get3A_351 = arith.constant 3584 : index
    %get3A_352 = arith.constant 0 : index
    %get3A_353 = vector.load %arg1[%get3A_351, %get3A_352] : memref<6656x128xf32, #tpu.memory_space<vmem>>, vector<512x128xf32>
    %get3A_354 = arith.constant 0 : index
    %get3A_355 = arith.constant 7 : index
    %get3A_356 = vector.load %arg3[%get3A_354, %get3A_355] : memref<512x13xi32, #tpu.memory_space<vmem>>, vector<512x1xi32>
    %get3A_357 = vector.shape_cast %get3A_356 : vector<512x1xi32> to vector<512xi32>
    %broadcast_in_dim3A_358 = vector.shape_cast %get3A_357 : vector<512xi32> to vector<512x1xi32>
    %eq3A_359 = vector.broadcast %broadcast_in_dim3A_358 : vector<512x1xi32> to vector<512x128xi32>
    %eq3A_360 = arith.cmpi eq, %select_n3A, %eq3A_359 : vector<512x128xi32>
    %jit3A_361 = arith.constant 0.000000e+00 : f32
    %broadcast_in_dim3A_362 = vector.broadcast %jit3A_361 : f32 to vector<512x128xf32>
    %select_n3A_363 = arith.select %eq3A_360, %get3A_353, %broadcast_in_dim3A_362 : vector<512x128xi1>, vector<512x128xf32>
    %get3A_364 = arith.constant 896 : index
    %get3A_365 = arith.constant 0 : index
    %get3A_366 = vector.load %arg10[%get3A_364, %get3A_365] : memref<1664x256xf32, #tpu.memory_space<vmem>>, vector<128x256xf32>
    %dot_general3A_367 = arith.constant dense<0.000000e+00> : vector<512x256xf32>
    %dot_general3A_368 = tpu.matmul %select_n3A_363, %get3A_366, %dot_general3A_367 {dimension_numbers = #tpu.dot_dimension_numbers<[1], [0], [0], [1], [0, 0, 1, 1], [], []>, transpose_lhs_hint = false} : vector<512x128xf32>, vector<128x256xf32>, vector<512x256xf32> -> vector<512x256xf32>
    %add3A_369 = arith.addf %add3A_347, %dot_general3A_368 : vector<512x256xf32>
    %add3A_370 = arith.addf %add3A_348, %select_n3A_363 : vector<512x128xf32>
    %mul3A_371 = arith.mulf %select_n3A_363, %get3A_353 : vector<512x128xf32>
    %add3A_372 = arith.addf %add3A_350, %mul3A_371 : vector<512x128xf32>
    %get3A_373 = arith.constant 3584 : index
    %get3A_374 = arith.constant 0 : index
    %get3A_375 = vector.load %arg2[%get3A_373, %get3A_374] : memref<6656x128xf32, #tpu.memory_space<vmem>>, vector<512x128xf32>
    %get3A_376 = arith.constant 0 : index
    %get3A_377 = arith.constant 7 : index
    %get3A_378 = vector.load %arg4[%get3A_376, %get3A_377] : memref<512x13xi32, #tpu.memory_space<vmem>>, vector<512x1xi32>
    %get3A_379 = vector.shape_cast %get3A_378 : vector<512x1xi32> to vector<512xi32>
    %broadcast_in_dim3A_380 = vector.shape_cast %get3A_379 : vector<512xi32> to vector<512x1xi32>
    %eq3A_381 = vector.broadcast %broadcast_in_dim3A_380 : vector<512x1xi32> to vector<512x128xi32>
    %eq3A_382 = arith.cmpi eq, %select_n3A, %eq3A_381 : vector<512x128xi32>
    %jit3A_383 = arith.constant 0.000000e+00 : f32
    %broadcast_in_dim3A_384 = vector.broadcast %jit3A_383 : f32 to vector<512x128xf32>
    %select_n3A_385 = arith.select %eq3A_382, %get3A_375, %broadcast_in_dim3A_384 : vector<512x128xi1>, vector<512x128xf32>
    %get3A_386 = arith.constant 896 : index
    %get3A_387 = arith.constant 0 : index
    %get3A_388 = vector.load %arg11[%get3A_386, %get3A_387] : memref<1664x256xf32, #tpu.memory_space<vmem>>, vector<128x256xf32>
    %dot_general3A_389 = arith.constant dense<0.000000e+00> : vector<512x256xf32>
    %dot_general3A_390 = tpu.matmul %select_n3A_385, %get3A_388, %dot_general3A_389 {dimension_numbers = #tpu.dot_dimension_numbers<[1], [0], [0], [1], [0, 0, 1, 1], [], []>, transpose_lhs_hint = false} : vector<512x128xf32>, vector<128x256xf32>, vector<512x256xf32> -> vector<512x256xf32>
    %add3A_391 = arith.addf %add3A_369, %dot_general3A_390 : vector<512x256xf32>
    %add3A_392 = arith.addf %add3A_370, %select_n3A_385 : vector<512x128xf32>
    %mul3A_393 = arith.mulf %select_n3A_385, %get3A_375 : vector<512x128xf32>
    %add3A_394 = arith.addf %add3A_372, %mul3A_393 : vector<512x128xf32>
    %get3A_395 = arith.constant 4096 : index
    %get3A_396 = arith.constant 0 : index
    %get3A_397 = vector.load %arg1[%get3A_395, %get3A_396] : memref<6656x128xf32, #tpu.memory_space<vmem>>, vector<512x128xf32>
    %get3A_398 = arith.constant 0 : index
    %get3A_399 = arith.constant 8 : index
    %get3A_400 = vector.load %arg3[%get3A_398, %get3A_399] : memref<512x13xi32, #tpu.memory_space<vmem>>, vector<512x1xi32>
    %get3A_401 = vector.shape_cast %get3A_400 : vector<512x1xi32> to vector<512xi32>
    %broadcast_in_dim3A_402 = vector.shape_cast %get3A_401 : vector<512xi32> to vector<512x1xi32>
    %eq3A_403 = vector.broadcast %broadcast_in_dim3A_402 : vector<512x1xi32> to vector<512x128xi32>
    %eq3A_404 = arith.cmpi eq, %select_n3A, %eq3A_403 : vector<512x128xi32>
    %jit3A_405 = arith.constant 0.000000e+00 : f32
    %broadcast_in_dim3A_406 = vector.broadcast %jit3A_405 : f32 to vector<512x128xf32>
    %select_n3A_407 = arith.select %eq3A_404, %get3A_397, %broadcast_in_dim3A_406 : vector<512x128xi1>, vector<512x128xf32>
    %get3A_408 = arith.constant 1024 : index
    %get3A_409 = arith.constant 0 : index
    %get3A_410 = vector.load %arg10[%get3A_408, %get3A_409] : memref<1664x256xf32, #tpu.memory_space<vmem>>, vector<128x256xf32>
    %dot_general3A_411 = arith.constant dense<0.000000e+00> : vector<512x256xf32>
    %dot_general3A_412 = tpu.matmul %select_n3A_407, %get3A_410, %dot_general3A_411 {dimension_numbers = #tpu.dot_dimension_numbers<[1], [0], [0], [1], [0, 0, 1, 1], [], []>, transpose_lhs_hint = false} : vector<512x128xf32>, vector<128x256xf32>, vector<512x256xf32> -> vector<512x256xf32>
    %add3A_413 = arith.addf %add3A_391, %dot_general3A_412 : vector<512x256xf32>
    %add3A_414 = arith.addf %add3A_392, %select_n3A_407 : vector<512x128xf32>
    %mul3A_415 = arith.mulf %select_n3A_407, %get3A_397 : vector<512x128xf32>
    %add3A_416 = arith.addf %add3A_394, %mul3A_415 : vector<512x128xf32>
    %get3A_417 = arith.constant 4096 : index
    %get3A_418 = arith.constant 0 : index
    %get3A_419 = vector.load %arg2[%get3A_417, %get3A_418] : memref<6656x128xf32, #tpu.memory_space<vmem>>, vector<512x128xf32>
    %get3A_420 = arith.constant 0 : index
    %get3A_421 = arith.constant 8 : index
    %get3A_422 = vector.load %arg4[%get3A_420, %get3A_421] : memref<512x13xi32, #tpu.memory_space<vmem>>, vector<512x1xi32>
    %get3A_423 = vector.shape_cast %get3A_422 : vector<512x1xi32> to vector<512xi32>
    %broadcast_in_dim3A_424 = vector.shape_cast %get3A_423 : vector<512xi32> to vector<512x1xi32>
    %eq3A_425 = vector.broadcast %broadcast_in_dim3A_424 : vector<512x1xi32> to vector<512x128xi32>
    %eq3A_426 = arith.cmpi eq, %select_n3A, %eq3A_425 : vector<512x128xi32>
    %jit3A_427 = arith.constant 0.000000e+00 : f32
    %broadcast_in_dim3A_428 = vector.broadcast %jit3A_427 : f32 to vector<512x128xf32>
    %select_n3A_429 = arith.select %eq3A_426, %get3A_419, %broadcast_in_dim3A_428 : vector<512x128xi1>, vector<512x128xf32>
    %get3A_430 = arith.constant 1024 : index
    %get3A_431 = arith.constant 0 : index
    %get3A_432 = vector.load %arg11[%get3A_430, %get3A_431] : memref<1664x256xf32, #tpu.memory_space<vmem>>, vector<128x256xf32>
    %dot_general3A_433 = arith.constant dense<0.000000e+00> : vector<512x256xf32>
    %dot_general3A_434 = tpu.matmul %select_n3A_429, %get3A_432, %dot_general3A_433 {dimension_numbers = #tpu.dot_dimension_numbers<[1], [0], [0], [1], [0, 0, 1, 1], [], []>, transpose_lhs_hint = false} : vector<512x128xf32>, vector<128x256xf32>, vector<512x256xf32> -> vector<512x256xf32>
    %add3A_435 = arith.addf %add3A_413, %dot_general3A_434 : vector<512x256xf32>
    %add3A_436 = arith.addf %add3A_414, %select_n3A_429 : vector<512x128xf32>
    %mul3A_437 = arith.mulf %select_n3A_429, %get3A_419 : vector<512x128xf32>
    %add3A_438 = arith.addf %add3A_416, %mul3A_437 : vector<512x128xf32>
    %get3A_439 = arith.constant 4608 : index
    %get3A_440 = arith.constant 0 : index
    %get3A_441 = vector.load %arg1[%get3A_439, %get3A_440] : memref<6656x128xf32, #tpu.memory_space<vmem>>, vector<512x128xf32>
    %get3A_442 = arith.constant 0 : index
    %get3A_443 = arith.constant 9 : index
    %get3A_444 = vector.load %arg3[%get3A_442, %get3A_443] : memref<512x13xi32, #tpu.memory_space<vmem>>, vector<512x1xi32>
    %get3A_445 = vector.shape_cast %get3A_444 : vector<512x1xi32> to vector<512xi32>
    %broadcast_in_dim3A_446 = vector.shape_cast %get3A_445 : vector<512xi32> to vector<512x1xi32>
    %eq3A_447 = vector.broadcast %broadcast_in_dim3A_446 : vector<512x1xi32> to vector<512x128xi32>
    %eq3A_448 = arith.cmpi eq, %select_n3A, %eq3A_447 : vector<512x128xi32>
    %jit3A_449 = arith.constant 0.000000e+00 : f32
    %broadcast_in_dim3A_450 = vector.broadcast %jit3A_449 : f32 to vector<512x128xf32>
    %select_n3A_451 = arith.select %eq3A_448, %get3A_441, %broadcast_in_dim3A_450 : vector<512x128xi1>, vector<512x128xf32>
    %get3A_452 = arith.constant 1152 : index
    %get3A_453 = arith.constant 0 : index
    %get3A_454 = vector.load %arg10[%get3A_452, %get3A_453] : memref<1664x256xf32, #tpu.memory_space<vmem>>, vector<128x256xf32>
    %dot_general3A_455 = arith.constant dense<0.000000e+00> : vector<512x256xf32>
    %dot_general3A_456 = tpu.matmul %select_n3A_451, %get3A_454, %dot_general3A_455 {dimension_numbers = #tpu.dot_dimension_numbers<[1], [0], [0], [1], [0, 0, 1, 1], [], []>, transpose_lhs_hint = false} : vector<512x128xf32>, vector<128x256xf32>, vector<512x256xf32> -> vector<512x256xf32>
    %add3A_457 = arith.addf %add3A_435, %dot_general3A_456 : vector<512x256xf32>
    %add3A_458 = arith.addf %add3A_436, %select_n3A_451 : vector<512x128xf32>
    %mul3A_459 = arith.mulf %select_n3A_451, %get3A_441 : vector<512x128xf32>
    %add3A_460 = arith.addf %add3A_438, %mul3A_459 : vector<512x128xf32>
    %get3A_461 = arith.constant 4608 : index
    %get3A_462 = arith.constant 0 : index
    %get3A_463 = vector.load %arg2[%get3A_461, %get3A_462] : memref<6656x128xf32, #tpu.memory_space<vmem>>, vector<512x128xf32>
    %get3A_464 = arith.constant 0 : index
    %get3A_465 = arith.constant 9 : index
    %get3A_466 = vector.load %arg4[%get3A_464, %get3A_465] : memref<512x13xi32, #tpu.memory_space<vmem>>, vector<512x1xi32>
    %get3A_467 = vector.shape_cast %get3A_466 : vector<512x1xi32> to vector<512xi32>
    %broadcast_in_dim3A_468 = vector.shape_cast %get3A_467 : vector<512xi32> to vector<512x1xi32>
    %eq3A_469 = vector.broadcast %broadcast_in_dim3A_468 : vector<512x1xi32> to vector<512x128xi32>
    %eq3A_470 = arith.cmpi eq, %select_n3A, %eq3A_469 : vector<512x128xi32>
    %jit3A_471 = arith.constant 0.000000e+00 : f32
    %broadcast_in_dim3A_472 = vector.broadcast %jit3A_471 : f32 to vector<512x128xf32>
    %select_n3A_473 = arith.select %eq3A_470, %get3A_463, %broadcast_in_dim3A_472 : vector<512x128xi1>, vector<512x128xf32>
    %get3A_474 = arith.constant 1152 : index
    %get3A_475 = arith.constant 0 : index
    %get3A_476 = vector.load %arg11[%get3A_474, %get3A_475] : memref<1664x256xf32, #tpu.memory_space<vmem>>, vector<128x256xf32>
    %dot_general3A_477 = arith.constant dense<0.000000e+00> : vector<512x256xf32>
    %dot_general3A_478 = tpu.matmul %select_n3A_473, %get3A_476, %dot_general3A_477 {dimension_numbers = #tpu.dot_dimension_numbers<[1], [0], [0], [1], [0, 0, 1, 1], [], []>, transpose_lhs_hint = false} : vector<512x128xf32>, vector<128x256xf32>, vector<512x256xf32> -> vector<512x256xf32>
    %add3A_479 = arith.addf %add3A_457, %dot_general3A_478 : vector<512x256xf32>
    %add3A_480 = arith.addf %add3A_458, %select_n3A_473 : vector<512x128xf32>
    %mul3A_481 = arith.mulf %select_n3A_473, %get3A_463 : vector<512x128xf32>
    %add3A_482 = arith.addf %add3A_460, %mul3A_481 : vector<512x128xf32>
    %get3A_483 = arith.constant 5120 : index
    %get3A_484 = arith.constant 0 : index
    %get3A_485 = vector.load %arg1[%get3A_483, %get3A_484] : memref<6656x128xf32, #tpu.memory_space<vmem>>, vector<512x128xf32>
    %get3A_486 = arith.constant 0 : index
    %get3A_487 = arith.constant 10 : index
    %get3A_488 = vector.load %arg3[%get3A_486, %get3A_487] : memref<512x13xi32, #tpu.memory_space<vmem>>, vector<512x1xi32>
    %get3A_489 = vector.shape_cast %get3A_488 : vector<512x1xi32> to vector<512xi32>
    %broadcast_in_dim3A_490 = vector.shape_cast %get3A_489 : vector<512xi32> to vector<512x1xi32>
    %eq3A_491 = vector.broadcast %broadcast_in_dim3A_490 : vector<512x1xi32> to vector<512x128xi32>
    %eq3A_492 = arith.cmpi eq, %select_n3A, %eq3A_491 : vector<512x128xi32>
    %jit3A_493 = arith.constant 0.000000e+00 : f32
    %broadcast_in_dim3A_494 = vector.broadcast %jit3A_493 : f32 to vector<512x128xf32>
    %select_n3A_495 = arith.select %eq3A_492, %get3A_485, %broadcast_in_dim3A_494 : vector<512x128xi1>, vector<512x128xf32>
    %get3A_496 = arith.constant 1280 : index
    %get3A_497 = arith.constant 0 : index
    %get3A_498 = vector.load %arg10[%get3A_496, %get3A_497] : memref<1664x256xf32, #tpu.memory_space<vmem>>, vector<128x256xf32>
    %dot_general3A_499 = arith.constant dense<0.000000e+00> : vector<512x256xf32>
    %dot_general3A_500 = tpu.matmul %select_n3A_495, %get3A_498, %dot_general3A_499 {dimension_numbers = #tpu.dot_dimension_numbers<[1], [0], [0], [1], [0, 0, 1, 1], [], []>, transpose_lhs_hint = false} : vector<512x128xf32>, vector<128x256xf32>, vector<512x256xf32> -> vector<512x256xf32>
    %add3A_501 = arith.addf %add3A_479, %dot_general3A_500 : vector<512x256xf32>
    %add3A_502 = arith.addf %add3A_480, %select_n3A_495 : vector<512x128xf32>
    %mul3A_503 = arith.mulf %select_n3A_495, %get3A_485 : vector<512x128xf32>
    %add3A_504 = arith.addf %add3A_482, %mul3A_503 : vector<512x128xf32>
    %get3A_505 = arith.constant 5120 : index
    %get3A_506 = arith.constant 0 : index
    %get3A_507 = vector.load %arg2[%get3A_505, %get3A_506] : memref<6656x128xf32, #tpu.memory_space<vmem>>, vector<512x128xf32>
    %get3A_508 = arith.constant 0 : index
    %get3A_509 = arith.constant 10 : index
    %get3A_510 = vector.load %arg4[%get3A_508, %get3A_509] : memref<512x13xi32, #tpu.memory_space<vmem>>, vector<512x1xi32>
    %get3A_511 = vector.shape_cast %get3A_510 : vector<512x1xi32> to vector<512xi32>
    %broadcast_in_dim3A_512 = vector.shape_cast %get3A_511 : vector<512xi32> to vector<512x1xi32>
    %eq3A_513 = vector.broadcast %broadcast_in_dim3A_512 : vector<512x1xi32> to vector<512x128xi32>
    %eq3A_514 = arith.cmpi eq, %select_n3A, %eq3A_513 : vector<512x128xi32>
    %jit3A_515 = arith.constant 0.000000e+00 : f32
    %broadcast_in_dim3A_516 = vector.broadcast %jit3A_515 : f32 to vector<512x128xf32>
    %select_n3A_517 = arith.select %eq3A_514, %get3A_507, %broadcast_in_dim3A_516 : vector<512x128xi1>, vector<512x128xf32>
    %get3A_518 = arith.constant 1280 : index
    %get3A_519 = arith.constant 0 : index
    %get3A_520 = vector.load %arg11[%get3A_518, %get3A_519] : memref<1664x256xf32, #tpu.memory_space<vmem>>, vector<128x256xf32>
    %dot_general3A_521 = arith.constant dense<0.000000e+00> : vector<512x256xf32>
    %dot_general3A_522 = tpu.matmul %select_n3A_517, %get3A_520, %dot_general3A_521 {dimension_numbers = #tpu.dot_dimension_numbers<[1], [0], [0], [1], [0, 0, 1, 1], [], []>, transpose_lhs_hint = false} : vector<512x128xf32>, vector<128x256xf32>, vector<512x256xf32> -> vector<512x256xf32>
    %add3A_523 = arith.addf %add3A_501, %dot_general3A_522 : vector<512x256xf32>
    %add3A_524 = arith.addf %add3A_502, %select_n3A_517 : vector<512x128xf32>
    %mul3A_525 = arith.mulf %select_n3A_517, %get3A_507 : vector<512x128xf32>
    %add3A_526 = arith.addf %add3A_504, %mul3A_525 : vector<512x128xf32>
    %get3A_527 = arith.constant 5632 : index
    %get3A_528 = arith.constant 0 : index
    %get3A_529 = vector.load %arg1[%get3A_527, %get3A_528] : memref<6656x128xf32, #tpu.memory_space<vmem>>, vector<512x128xf32>
    %get3A_530 = arith.constant 0 : index
    %get3A_531 = arith.constant 11 : index
    %get3A_532 = vector.load %arg3[%get3A_530, %get3A_531] : memref<512x13xi32, #tpu.memory_space<vmem>>, vector<512x1xi32>
    %get3A_533 = vector.shape_cast %get3A_532 : vector<512x1xi32> to vector<512xi32>
    %broadcast_in_dim3A_534 = vector.shape_cast %get3A_533 : vector<512xi32> to vector<512x1xi32>
    %eq3A_535 = vector.broadcast %broadcast_in_dim3A_534 : vector<512x1xi32> to vector<512x128xi32>
    %eq3A_536 = arith.cmpi eq, %select_n3A, %eq3A_535 : vector<512x128xi32>
    %jit3A_537 = arith.constant 0.000000e+00 : f32
    %broadcast_in_dim3A_538 = vector.broadcast %jit3A_537 : f32 to vector<512x128xf32>
    %select_n3A_539 = arith.select %eq3A_536, %get3A_529, %broadcast_in_dim3A_538 : vector<512x128xi1>, vector<512x128xf32>
    %get3A_540 = arith.constant 1408 : index
    %get3A_541 = arith.constant 0 : index
    %get3A_542 = vector.load %arg10[%get3A_540, %get3A_541] : memref<1664x256xf32, #tpu.memory_space<vmem>>, vector<128x256xf32>
    %dot_general3A_543 = arith.constant dense<0.000000e+00> : vector<512x256xf32>
    %dot_general3A_544 = tpu.matmul %select_n3A_539, %get3A_542, %dot_general3A_543 {dimension_numbers = #tpu.dot_dimension_numbers<[1], [0], [0], [1], [0, 0, 1, 1], [], []>, transpose_lhs_hint = false} : vector<512x128xf32>, vector<128x256xf32>, vector<512x256xf32> -> vector<512x256xf32>
    %add3A_545 = arith.addf %add3A_523, %dot_general3A_544 : vector<512x256xf32>
    %add3A_546 = arith.addf %add3A_524, %select_n3A_539 : vector<512x128xf32>
    %mul3A_547 = arith.mulf %select_n3A_539, %get3A_529 : vector<512x128xf32>
    %add3A_548 = arith.addf %add3A_526, %mul3A_547 : vector<512x128xf32>
    %get3A_549 = arith.constant 5632 : index
    %get3A_550 = arith.constant 0 : index
    %get3A_551 = vector.load %arg2[%get3A_549, %get3A_550] : memref<6656x128xf32, #tpu.memory_space<vmem>>, vector<512x128xf32>
    %get3A_552 = arith.constant 0 : index
    %get3A_553 = arith.constant 11 : index
    %get3A_554 = vector.load %arg4[%get3A_552, %get3A_553] : memref<512x13xi32, #tpu.memory_space<vmem>>, vector<512x1xi32>
    %get3A_555 = vector.shape_cast %get3A_554 : vector<512x1xi32> to vector<512xi32>
    %broadcast_in_dim3A_556 = vector.shape_cast %get3A_555 : vector<512xi32> to vector<512x1xi32>
    %eq3A_557 = vector.broadcast %broadcast_in_dim3A_556 : vector<512x1xi32> to vector<512x128xi32>
    %eq3A_558 = arith.cmpi eq, %select_n3A, %eq3A_557 : vector<512x128xi32>
    %jit3A_559 = arith.constant 0.000000e+00 : f32
    %broadcast_in_dim3A_560 = vector.broadcast %jit3A_559 : f32 to vector<512x128xf32>
    %select_n3A_561 = arith.select %eq3A_558, %get3A_551, %broadcast_in_dim3A_560 : vector<512x128xi1>, vector<512x128xf32>
    %get3A_562 = arith.constant 1408 : index
    %get3A_563 = arith.constant 0 : index
    %get3A_564 = vector.load %arg11[%get3A_562, %get3A_563] : memref<1664x256xf32, #tpu.memory_space<vmem>>, vector<128x256xf32>
    %dot_general3A_565 = arith.constant dense<0.000000e+00> : vector<512x256xf32>
    %dot_general3A_566 = tpu.matmul %select_n3A_561, %get3A_564, %dot_general3A_565 {dimension_numbers = #tpu.dot_dimension_numbers<[1], [0], [0], [1], [0, 0, 1, 1], [], []>, transpose_lhs_hint = false} : vector<512x128xf32>, vector<128x256xf32>, vector<512x256xf32> -> vector<512x256xf32>
    %add3A_567 = arith.addf %add3A_545, %dot_general3A_566 : vector<512x256xf32>
    %add3A_568 = arith.addf %add3A_546, %select_n3A_561 : vector<512x128xf32>
    %mul3A_569 = arith.mulf %select_n3A_561, %get3A_551 : vector<512x128xf32>
    %add3A_570 = arith.addf %add3A_548, %mul3A_569 : vector<512x128xf32>
    %get3A_571 = arith.constant 6144 : index
    %get3A_572 = arith.constant 0 : index
    %get3A_573 = vector.load %arg1[%get3A_571, %get3A_572] : memref<6656x128xf32, #tpu.memory_space<vmem>>, vector<512x128xf32>
    %get3A_574 = arith.constant 0 : index
    %get3A_575 = arith.constant 12 : index
    %get3A_576 = vector.load %arg3[%get3A_574, %get3A_575] : memref<512x13xi32, #tpu.memory_space<vmem>>, vector<512x1xi32>
    %get3A_577 = vector.shape_cast %get3A_576 : vector<512x1xi32> to vector<512xi32>
    %broadcast_in_dim3A_578 = vector.shape_cast %get3A_577 : vector<512xi32> to vector<512x1xi32>
    %eq3A_579 = vector.broadcast %broadcast_in_dim3A_578 : vector<512x1xi32> to vector<512x128xi32>
    %eq3A_580 = arith.cmpi eq, %select_n3A, %eq3A_579 : vector<512x128xi32>
    %jit3A_581 = arith.constant 0.000000e+00 : f32
    %broadcast_in_dim3A_582 = vector.broadcast %jit3A_581 : f32 to vector<512x128xf32>
    %select_n3A_583 = arith.select %eq3A_580, %get3A_573, %broadcast_in_dim3A_582 : vector<512x128xi1>, vector<512x128xf32>
    %get3A_584 = arith.constant 1536 : index
    %get3A_585 = arith.constant 0 : index
    %get3A_586 = vector.load %arg10[%get3A_584, %get3A_585] : memref<1664x256xf32, #tpu.memory_space<vmem>>, vector<128x256xf32>
    %dot_general3A_587 = arith.constant dense<0.000000e+00> : vector<512x256xf32>
    %dot_general3A_588 = tpu.matmul %select_n3A_583, %get3A_586, %dot_general3A_587 {dimension_numbers = #tpu.dot_dimension_numbers<[1], [0], [0], [1], [0, 0, 1, 1], [], []>, transpose_lhs_hint = false} : vector<512x128xf32>, vector<128x256xf32>, vector<512x256xf32> -> vector<512x256xf32>
    %add3A_589 = arith.addf %add3A_567, %dot_general3A_588 : vector<512x256xf32>
    %add3A_590 = arith.addf %add3A_568, %select_n3A_583 : vector<512x128xf32>
    %mul3A_591 = arith.mulf %select_n3A_583, %get3A_573 : vector<512x128xf32>
    %add3A_592 = arith.addf %add3A_570, %mul3A_591 : vector<512x128xf32>
    %get3A_593 = arith.constant 6144 : index
    %get3A_594 = arith.constant 0 : index
    %get3A_595 = vector.load %arg2[%get3A_593, %get3A_594] : memref<6656x128xf32, #tpu.memory_space<vmem>>, vector<512x128xf32>
    %get3A_596 = arith.constant 0 : index
    %get3A_597 = arith.constant 12 : index
    %get3A_598 = vector.load %arg4[%get3A_596, %get3A_597] : memref<512x13xi32, #tpu.memory_space<vmem>>, vector<512x1xi32>
    %get3A_599 = vector.shape_cast %get3A_598 : vector<512x1xi32> to vector<512xi32>
    %broadcast_in_dim3A_600 = vector.shape_cast %get3A_599 : vector<512xi32> to vector<512x1xi32>
    %eq3A_601 = vector.broadcast %broadcast_in_dim3A_600 : vector<512x1xi32> to vector<512x128xi32>
    %eq3A_602 = arith.cmpi eq, %select_n3A, %eq3A_601 : vector<512x128xi32>
    %jit3A_603 = arith.constant 0.000000e+00 : f32
    %broadcast_in_dim3A_604 = vector.broadcast %jit3A_603 : f32 to vector<512x128xf32>
    %select_n3A_605 = arith.select %eq3A_602, %get3A_595, %broadcast_in_dim3A_604 : vector<512x128xi1>, vector<512x128xf32>
    %get3A_606 = arith.constant 1536 : index
    %get3A_607 = arith.constant 0 : index
    %get3A_608 = vector.load %arg11[%get3A_606, %get3A_607] : memref<1664x256xf32, #tpu.memory_space<vmem>>, vector<128x256xf32>
    %dot_general3A_609 = arith.constant dense<0.000000e+00> : vector<512x256xf32>
    %dot_general3A_610 = tpu.matmul %select_n3A_605, %get3A_608, %dot_general3A_609 {dimension_numbers = #tpu.dot_dimension_numbers<[1], [0], [0], [1], [0, 0, 1, 1], [], []>, transpose_lhs_hint = false} : vector<512x128xf32>, vector<128x256xf32>, vector<512x256xf32> -> vector<512x256xf32>
    %add3A_611 = arith.addf %add3A_589, %dot_general3A_610 : vector<512x256xf32>
    %add3A_612 = arith.addf %add3A_590, %select_n3A_605 : vector<512x128xf32>
    %mul3A_613 = arith.mulf %select_n3A_605, %get3A_595 : vector<512x128xf32>
    %add3A_614 = arith.addf %add3A_592, %mul3A_613 : vector<512x128xf32>
    %get3A_615 = arith.constant 0 : index
    %get3A_616 = arith.constant 0 : index
    %get3A_617 = vector.load %arg9[%get3A_615, %get3A_616] : memref<128x16xf32, #tpu.memory_space<vmem>>, vector<128x16xf32>
    %dot_general3A_618 = arith.constant dense<0.000000e+00> : vector<512x16xf32>
    %dot_general3A_619 = tpu.matmul %add3A_612, %get3A_617, %dot_general3A_618 {dimension_numbers = #tpu.dot_dimension_numbers<[1], [0], [0], [1], [0, 0, 1, 1], [], []>, transpose_lhs_hint = false} : vector<512x128xf32>, vector<128x16xf32>, vector<512x16xf32> -> vector<512x16xf32>
    %get3A_620 = arith.constant 0 : index
    %get3A_621 = arith.constant 0 : index
    %get3A_622 = vector.load %arg14[%get3A_620, %get3A_621] : memref<13x16xf32, #tpu.memory_space<vmem>>, vector<13x16xf32>
    %dot_general3A_623 = arith.constant dense<0.000000e+00> : vector<512x16xf32>
    %dot_general3A_624 = tpu.matmul %get3A_1, %get3A_622, %dot_general3A_623 {dimension_numbers = #tpu.dot_dimension_numbers<[1], [0], [0], [1], [0, 0, 1, 1], [], []>, transpose_lhs_hint = false} : vector<512x13xf32>, vector<13x16xf32>, vector<512x16xf32> -> vector<512x16xf32>
    %add3A_625 = arith.addf %dot_general3A_619, %dot_general3A_624 : vector<512x16xf32>
    %get3A_626 = arith.constant 0 : index
    %get3A_627 = arith.constant 0 : index
    %get3A_628 = vector.load %arg15[%get3A_626, %get3A_627] : memref<13x16xf32, #tpu.memory_space<vmem>>, vector<13x16xf32>
    %dot_general3A_629 = arith.constant dense<0.000000e+00> : vector<512x16xf32>
    %dot_general3A_630 = tpu.matmul %get3A_4, %get3A_628, %dot_general3A_629 {dimension_numbers = #tpu.dot_dimension_numbers<[1], [0], [0], [1], [0, 0, 1, 1], [], []>, transpose_lhs_hint = false} : vector<512x13xf32>, vector<13x16xf32>, vector<512x16xf32> -> vector<512x16xf32>
    %add3A_631 = arith.addf %add3A_625, %dot_general3A_630 : vector<512x16xf32>
    %reduce_sum3A = arith.constant dense<0.000000e+00> : vector<512xf32>
    %reduce_sum3A_632 = vector.multi_reduction <add>, %add3A_614, %reduce_sum3A [1] : vector<512x128xf32> to vector<512xf32>
    %broadcast_in_dim3A_633 = vector.shape_cast %reduce_sum3A_632 : vector<512xf32> to vector<512x1xf32>
    %mul3A_634 = arith.mulf %get3A_1, %get3A_1 : vector<512x13xf32>
    %get3A_635 = arith.constant 0 : index
    %get3A_636 = arith.constant 0 : index
    %get3A_637 = vector.load %arg16[%get3A_635, %get3A_636] : memref<1x13xf32, #tpu.memory_space<vmem>>, vector<1x13xf32>
    %mul3A_638 = vector.broadcast %get3A_637 : vector<1x13xf32> to vector<512x13xf32>
    %mul3A_639 = arith.mulf %mul3A_634, %mul3A_638 : vector<512x13xf32>
    %reduce_sum3A_640 = arith.constant dense<0.000000e+00> : vector<512xf32>
    %reduce_sum3A_641 = vector.multi_reduction <add>, %mul3A_639, %reduce_sum3A_640 [1] : vector<512x13xf32> to vector<512xf32>
    %broadcast_in_dim3A_642 = vector.shape_cast %reduce_sum3A_641 : vector<512xf32> to vector<512x1xf32>
    %add3A_643 = arith.addf %broadcast_in_dim3A_633, %broadcast_in_dim3A_642 : vector<512x1xf32>
    %mul3A_644 = arith.mulf %get3A_4, %get3A_4 : vector<512x13xf32>
    %get3A_645 = arith.constant 0 : index
    %get3A_646 = arith.constant 0 : index
    %get3A_647 = vector.load %arg17[%get3A_645, %get3A_646] : memref<1x13xf32, #tpu.memory_space<vmem>>, vector<1x13xf32>
    %mul3A_648 = vector.broadcast %get3A_647 : vector<1x13xf32> to vector<512x13xf32>
    %mul3A_649 = arith.mulf %mul3A_644, %mul3A_648 : vector<512x13xf32>
    %reduce_sum3A_650 = arith.constant dense<0.000000e+00> : vector<512xf32>
    %reduce_sum3A_651 = vector.multi_reduction <add>, %mul3A_649, %reduce_sum3A_650 [1] : vector<512x13xf32> to vector<512xf32>
    %broadcast_in_dim3A_652 = vector.shape_cast %reduce_sum3A_651 : vector<512xf32> to vector<512x1xf32>
    %add3A_653 = arith.addf %add3A_643, %broadcast_in_dim3A_652 : vector<512x1xf32>
    %ge3A = arith.constant 0.000000e+00 : f32
    %ge3A_654 = vector.broadcast %ge3A : f32 to vector<512x256xf32>
    %ge3A_655 = arith.cmpf oge, %add3A_611, %ge3A_654 : vector<512x256xf32>
    %mul3A_656 = arith.constant 0.00999999977 : f32
    %mul3A_657 = vector.broadcast %mul3A_656 : f32 to vector<512x256xf32>
    %mul3A_658 = arith.mulf %mul3A_657, %add3A_611 : vector<512x256xf32>
    %select_n3A_659 = arith.select %ge3A_655, %add3A_611, %mul3A_658 : vector<512x256xi1>, vector<512x256xf32>
    %get3A_660 = arith.constant 0 : index
    %get3A_661 = arith.constant 0 : index
    %get3A_662 = vector.load %arg21[%get3A_660, %get3A_661] : memref<256x128xf32, #tpu.memory_space<vmem>>, vector<256x128xf32>
    %dot_general3A_663 = arith.constant dense<0.000000e+00> : vector<512x128xf32>
    %dot_general3A_664 = tpu.matmul %select_n3A_659, %get3A_662, %dot_general3A_663 {dimension_numbers = #tpu.dot_dimension_numbers<[1], [0], [0], [1], [0, 0, 1, 1], [], []>, transpose_lhs_hint = false} : vector<512x256xf32>, vector<256x128xf32>, vector<512x128xf32> -> vector<512x128xf32>
    %get3A_665 = arith.constant 0 : index
    %get3A_666 = arith.constant 0 : index
    %get3A_667 = vector.load %arg22[%get3A_665, %get3A_666] : memref<1x128xf32, #tpu.memory_space<vmem>>, vector<1x128xf32>
    %add3A_668 = vector.broadcast %get3A_667 : vector<1x128xf32> to vector<512x128xf32>
    %add3A_669 = arith.addf %dot_general3A_664, %add3A_668 : vector<512x128xf32>
    %ge3A_670 = arith.constant 0.000000e+00 : f32
    %ge3A_671 = vector.broadcast %ge3A_670 : f32 to vector<512x128xf32>
    %ge3A_672 = arith.cmpf oge, %add3A_669, %ge3A_671 : vector<512x128xf32>
    %mul3A_673 = arith.constant 0.00999999977 : f32
    %mul3A_674 = vector.broadcast %mul3A_673 : f32 to vector<512x128xf32>
    %mul3A_675 = arith.mulf %mul3A_674, %add3A_669 : vector<512x128xf32>
    %select_n3A_676 = arith.select %ge3A_672, %add3A_669, %mul3A_675 : vector<512x128xi1>, vector<512x128xf32>
    %get3A_677 = arith.constant 0 : index
    %get3A_678 = arith.constant 0 : index
    %get3A_679 = vector.load %arg23[%get3A_677, %get3A_678] : memref<128x64xf32, #tpu.memory_space<vmem>>, vector<128x64xf32>
    %dot_general3A_680 = arith.constant dense<0.000000e+00> : vector<512x64xf32>
    %dot_general3A_681 = tpu.matmul %select_n3A_676, %get3A_679, %dot_general3A_680 {dimension_numbers = #tpu.dot_dimension_numbers<[1], [0], [0], [1], [0, 0, 1, 1], [], []>, transpose_lhs_hint = false} : vector<512x128xf32>, vector<128x64xf32>, vector<512x64xf32> -> vector<512x64xf32>
    %get3A_682 = arith.constant 0 : index
    %get3A_683 = arith.constant 0 : index
    %get3A_684 = vector.load %arg24[%get3A_682, %get3A_683] : memref<1x64xf32, #tpu.memory_space<vmem>>, vector<1x64xf32>
    %add3A_685 = vector.broadcast %get3A_684 : vector<1x64xf32> to vector<512x64xf32>
    %add3A_686 = arith.addf %dot_general3A_681, %add3A_685 : vector<512x64xf32>
    %ge3A_687 = arith.constant 0.000000e+00 : f32
    %ge3A_688 = vector.broadcast %ge3A_687 : f32 to vector<512x64xf32>
    %ge3A_689 = arith.cmpf oge, %add3A_686, %ge3A_688 : vector<512x64xf32>
    %mul3A_690 = arith.constant 0.00999999977 : f32
    %mul3A_691 = vector.broadcast %mul3A_690 : f32 to vector<512x64xf32>
    %mul3A_692 = arith.mulf %mul3A_691, %add3A_686 : vector<512x64xf32>
    %select_n3A_693 = arith.select %ge3A_689, %add3A_686, %mul3A_692 : vector<512x64xi1>, vector<512x64xf32>
    %get3A_694 = arith.constant 0 : index
    %get3A_695 = arith.constant 0 : index
    %get3A_696 = vector.load %arg25[%get3A_694, %get3A_695] : memref<64x32xf32, #tpu.memory_space<vmem>>, vector<64x32xf32>
    %dot_general3A_697 = arith.constant dense<0.000000e+00> : vector<512x32xf32>
    %dot_general3A_698 = tpu.matmul %select_n3A_693, %get3A_696, %dot_general3A_697 {dimension_numbers = #tpu.dot_dimension_numbers<[1], [0], [0], [1], [0, 0, 1, 1], [], []>, transpose_lhs_hint = false} : vector<512x64xf32>, vector<64x32xf32>, vector<512x32xf32> -> vector<512x32xf32>
    %get3A_699 = arith.constant 0 : index
    %get3A_700 = arith.constant 0 : index
    %get3A_701 = vector.load %arg26[%get3A_699, %get3A_700] : memref<1x32xf32, #tpu.memory_space<vmem>>, vector<1x32xf32>
    %add3A_702 = vector.broadcast %get3A_701 : vector<1x32xf32> to vector<512x32xf32>
    %add3A_703 = arith.addf %dot_general3A_698, %add3A_702 : vector<512x32xf32>
    %ge3A_704 = arith.constant 0.000000e+00 : f32
    %ge3A_705 = vector.broadcast %ge3A_704 : f32 to vector<512x32xf32>
    %ge3A_706 = arith.cmpf oge, %add3A_703, %ge3A_705 : vector<512x32xf32>
    %mul3A_707 = arith.constant 0.00999999977 : f32
    %mul3A_708 = vector.broadcast %mul3A_707 : f32 to vector<512x32xf32>
    %mul3A_709 = arith.mulf %mul3A_708, %add3A_703 : vector<512x32xf32>
    %select_n3A_710 = arith.select %ge3A_706, %add3A_703, %mul3A_709 : vector<512x32xi1>, vector<512x32xf32>
    %get3A_711 = arith.constant 0 : index
    %get3A_712 = arith.constant 0 : index
    %get3A_713 = vector.load %arg27[%get3A_711, %get3A_712] : memref<32x1xf32, #tpu.memory_space<vmem>>, vector<32x1xf32>
    %dot_general3A_714 = arith.constant dense<0.000000e+00> : vector<512x1xf32>
    %dot_general3A_715 = tpu.matmul %select_n3A_710, %get3A_713, %dot_general3A_714 {dimension_numbers = #tpu.dot_dimension_numbers<[1], [0], [0], [1], [0, 0, 1, 1], [], []>, transpose_lhs_hint = false} : vector<512x32xf32>, vector<32x1xf32>, vector<512x1xf32> -> vector<512x1xf32>
    %get3A_716 = arith.constant 0 : index
    %get3A_717 = arith.constant 0 : index
    %get3A_718 = vector.load %arg28[%get3A_716, %get3A_717] : memref<1x1xf32, #tpu.memory_space<vmem>>, vector<1x1xf32>
    %add3A_719 = vector.broadcast %get3A_718 : vector<1x1xf32> to vector<512x1xf32>
    %add3A_720 = arith.addf %dot_general3A_715, %add3A_719 : vector<512x1xf32>
    %mul3A_721 = arith.mulf %add3A_631, %add3A_631 : vector<512x16xf32>
    %reduce_sum3A_722 = arith.constant dense<0.000000e+00> : vector<512xf32>
    %reduce_sum3A_723 = vector.multi_reduction <add>, %mul3A_721, %reduce_sum3A_722 [1] : vector<512x16xf32> to vector<512xf32>
    %broadcast_in_dim3A_724 = vector.shape_cast %reduce_sum3A_723 : vector<512xf32> to vector<512x1xf32>
    %get3A_725 = arith.constant 0 : index
    %get3A_726 = arith.constant 0 : index
    %get3A_727 = vector.load %arg5[%get3A_725, %get3A_726] : memref<512x13xf32, #tpu.memory_space<vmem>>, vector<512x13xf32>
    %reduce_sum3A_728 = arith.constant dense<0.000000e+00> : vector<512xf32>
    %reduce_sum3A_729 = vector.multi_reduction <add>, %get3A_727, %reduce_sum3A_728 [1] : vector<512x13xf32> to vector<512xf32>
    %broadcast_in_dim3A_730 = vector.shape_cast %reduce_sum3A_729 : vector<512xf32> to vector<512x1xf32>
    %get3A_731 = arith.constant 0 : index
    %get3A_732 = arith.constant 0 : index
    %get3A_733 = vector.load %arg6[%get3A_731, %get3A_732] : memref<512x13xf32, #tpu.memory_space<vmem>>, vector<512x13xf32>
    %reduce_sum3A_734 = arith.constant dense<0.000000e+00> : vector<512xf32>
    %reduce_sum3A_735 = vector.multi_reduction <add>, %get3A_733, %reduce_sum3A_734 [1] : vector<512x13xf32> to vector<512xf32>
    %broadcast_in_dim3A_736 = vector.shape_cast %reduce_sum3A_735 : vector<512xf32> to vector<512x1xf32>
    %add3A_737 = arith.addf %broadcast_in_dim3A_730, %broadcast_in_dim3A_736 : vector<512x1xf32>
    %get3A_738 = arith.constant 0 : index
    %get3A_739 = arith.constant 0 : index
    %get3A_740 = vector.load %arg18[%get3A_738, %get3A_739] : memref<1x13xf32, #tpu.memory_space<vmem>>, vector<1x13xf32>
    %mul3A_741 = vector.broadcast %get3A_740 : vector<1x13xf32> to vector<512x13xf32>
    %mul3A_742 = arith.mulf %get3A_1, %mul3A_741 : vector<512x13xf32>
    %reduce_sum3A_743 = arith.constant dense<0.000000e+00> : vector<512xf32>
    %reduce_sum3A_744 = vector.multi_reduction <add>, %mul3A_742, %reduce_sum3A_743 [1] : vector<512x13xf32> to vector<512xf32>
    %broadcast_in_dim3A_745 = vector.shape_cast %reduce_sum3A_744 : vector<512xf32> to vector<512x1xf32>
    %add3A_746 = arith.addf %add3A_737, %broadcast_in_dim3A_745 : vector<512x1xf32>
    %get3A_747 = arith.constant 0 : index
    %get3A_748 = arith.constant 0 : index
    %get3A_749 = vector.load %arg19[%get3A_747, %get3A_748] : memref<1x13xf32, #tpu.memory_space<vmem>>, vector<1x13xf32>
    %mul3A_750 = vector.broadcast %get3A_749 : vector<1x13xf32> to vector<512x13xf32>
    %mul3A_751 = arith.mulf %get3A_4, %mul3A_750 : vector<512x13xf32>
    %reduce_sum3A_752 = arith.constant dense<0.000000e+00> : vector<512xf32>
    %reduce_sum3A_753 = vector.multi_reduction <add>, %mul3A_751, %reduce_sum3A_752 [1] : vector<512x13xf32> to vector<512xf32>
    %broadcast_in_dim3A_754 = vector.shape_cast %reduce_sum3A_753 : vector<512xf32> to vector<512x1xf32>
    %add3A_755 = arith.addf %add3A_746, %broadcast_in_dim3A_754 : vector<512x1xf32>
    %add3A_756 = arith.addf %add3A_720, %add3A_755 : vector<512x1xf32>
    %sub3A_757 = arith.subf %broadcast_in_dim3A_724, %add3A_653 : vector<512x1xf32>
    %mul3A_758 = arith.constant 5.000000e-01 : f32
    %mul3A_759 = vector.broadcast %mul3A_758 : f32 to vector<512x1xf32>
    %mul3A_760 = arith.mulf %mul3A_759, %sub3A_757 : vector<512x1xf32>
    %add3A_761 = arith.addf %add3A_756, %mul3A_760 : vector<512x1xf32>
    %swap3A = arith.constant 0 : index
    %swap3A_762 = arith.constant 0 : index
    %swap3A_763 = vector.load %arg29[%swap3A, %swap3A_762] : memref<512x1xf32, #tpu.memory_space<vmem>>, vector<512x1xf32>
    tpu.vector_store %arg29[%swap3A, %swap3A_762], %add3A_761 {strides = array<i32>} : memref<512x1xf32, #tpu.memory_space<vmem>>, vector<512x1xf32>,
    return
  }
  func.func @transform_0(%arg0: i32) -> (i32, i32) {
    %c0_i32 = arith.constant 0 : i32
    %c0_i32_0 = arith.constant 0 : i32
    return %arg0, %c0_i32 : i32, i32
  }
  func.func @transform_1(%arg0: i32) -> (i32, i32) {
    %c0_i32 = arith.constant 0 : i32
    %c0_i32_0 = arith.constant 0 : i32
    return %arg0, %c0_i32 : i32, i32
  }
  func.func @transform_2(%arg0: i32) -> (i32, i32) {
    %c0_i32 = arith.constant 0 : i32
    %c0_i32_0 = arith.constant 0 : i32
    return %arg0, %c0_i32 : i32, i32
  }
  func.func @transform_3(%arg0: i32) -> (i32, i32) {
    %c0_i32 = arith.constant 0 : i32
    %c0_i32_0 = arith.constant 0 : i32
    return %arg0, %c0_i32 : i32, i32
  }
  func.func @transform_4(%arg0: i32) -> (i32, i32) {
    %c0_i32 = arith.constant 0 : i32
    %c0_i32_0 = arith.constant 0 : i32
    return %arg0, %c0_i32 : i32, i32
  }
  func.func @transform_5(%arg0: i32) -> (i32, i32) {
    %c0_i32 = arith.constant 0 : i32
    %c0_i32_0 = arith.constant 0 : i32
    return %arg0, %c0_i32 : i32, i32
  }
  func.func @transform_6(%arg0: i32) -> (i32, i32) {
    %c0_i32 = arith.constant 0 : i32
    %c0_i32_0 = arith.constant 0 : i32
    return %arg0, %c0_i32 : i32, i32
  }
  func.func @transform_7(%arg0: i32) -> (i32, i32) {
    %c0_i32 = arith.constant 0 : i32
    %c0_i32_0 = arith.constant 0 : i32
    return %arg0, %c0_i32 : i32, i32
  }
  func.func @transform_8(%arg0: i32) -> (i32, i32) {
    %c0_i32 = arith.constant 0 : i32
    %c0_i32_0 = arith.constant 0 : i32
    %c0_i32_1 = arith.constant 0 : i32
    return %c0_i32, %c0_i32_0 : i32, i32
  }
  func.func @transform_9(%arg0: i32) -> (i32, i32) {
    %c0_i32 = arith.constant 0 : i32
    %c0_i32_0 = arith.constant 0 : i32
    %c0_i32_1 = arith.constant 0 : i32
    return %c0_i32, %c0_i32_0 : i32, i32
  }
  func.func @transform_10(%arg0: i32) -> (i32, i32) {
    %c0_i32 = arith.constant 0 : i32
    %c0_i32_0 = arith.constant 0 : i32
    %c0_i32_1 = arith.constant 0 : i32
    return %c0_i32, %c0_i32_0 : i32, i32
  }
  func.func @transform_11(%arg0: i32) -> (i32, i32) {
    %c0_i32 = arith.constant 0 : i32
    %c0_i32_0 = arith.constant 0 : i32
    %c0_i32_1 = arith.constant 0 : i32
    return %c0_i32, %c0_i32_0 : i32, i32
  }
  func.func @transform_12(%arg0: i32) -> (i32, i32) {
    %c0_i32 = arith.constant 0 : i32
    %c0_i32_0 = arith.constant 0 : i32
    %c0_i32_1 = arith.constant 0 : i32
    return %c0_i32, %c0_i32_0 : i32, i32
  }
  func.func @transform_13(%arg0: i32) -> (i32, i32) {
    %c0_i32 = arith.constant 0 : i32
    %c0_i32_0 = arith.constant 0 : i32
    %c0_i32_1 = arith.constant 0 : i32
    return %c0_i32, %c0_i32_0 : i32, i32
  }
  func.func @transform_14(%arg0: i32) -> (i32, i32) {
    %c0_i32 = arith.constant 0 : i32
    %c0_i32_0 = arith.constant 0 : i32
    %c0_i32_1 = arith.constant 0 : i32
    return %c0_i32, %c0_i32_0 : i32, i32
  }
  func.func @transform_15(%arg0: i32) -> (i32, i32) {
    %c0_i32 = arith.constant 0 : i32
    %c0_i32_0 = arith.constant 0 : i32
    %c0_i32_1 = arith.constant 0 : i32
    return %c0_i32, %c0_i32_0 : i32, i32
  }
  func.func @transform_16(%arg0: i32) -> (i32, i32) {
    %c0_i32 = arith.constant 0 : i32
    %c0_i32_0 = arith.constant 0 : i32
    %c0_i32_1 = arith.constant 0 : i32
    return %c0_i32, %c0_i32_0 : i32, i32
  }
  func.func @transform_17(%arg0: i32) -> (i32, i32) {
    %c0_i32 = arith.constant 0 : i32
    %c0_i32_0 = arith.constant 0 : i32
    %c0_i32_1 = arith.constant 0 : i32
    return %c0_i32, %c0_i32_0 : i32, i32
  }
  func.func @transform_18(%arg0: i32) -> (i32, i32) {
    %c0_i32 = arith.constant 0 : i32
    %c0_i32_0 = arith.constant 0 : i32
    %c0_i32_1 = arith.constant 0 : i32
    return %c0_i32, %c0_i32_0 : i32, i32
  }
  func.func @transform_19(%arg0: i32) -> (i32, i32) {
    %c0_i32 = arith.constant 0 : i32
    %c0_i32_0 = arith.constant 0 : i32
    %c0_i32_1 = arith.constant 0 : i32
    return %c0_i32, %c0_i32_0 : i32, i32
  }
  func.func @transform_20(%arg0: i32) -> (i32, i32) {
    %c0_i32 = arith.constant 0 : i32
    %c0_i32_0 = arith.constant 0 : i32
    %c0_i32_1 = arith.constant 0 : i32
    return %c0_i32, %c0_i32_0 : i32, i32
  }
  func.func @transform_21(%arg0: i32) -> (i32, i32) {
    %c0_i32 = arith.constant 0 : i32
    %c0_i32_0 = arith.constant 0 : i32
    %c0_i32_1 = arith.constant 0 : i32
    return %c0_i32, %c0_i32_0 : i32, i32
  }
  func.func @transform_22(%arg0: i32) -> (i32, i32) {
    %c0_i32 = arith.constant 0 : i32
    %c0_i32_0 = arith.constant 0 : i32
    %c0_i32_1 = arith.constant 0 : i32
    return %c0_i32, %c0_i32_0 : i32, i32
  }
  func.func @transform_23(%arg0: i32) -> (i32, i32) {
    %c0_i32 = arith.constant 0 : i32
    %c0_i32_0 = arith.constant 0 : i32
    %c0_i32_1 = arith.constant 0 : i32
    return %c0_i32, %c0_i32_0 : i32, i32
  }
  func.func @transform_24(%arg0: i32) -> (i32, i32) {
    %c0_i32 = arith.constant 0 : i32
    %c0_i32_0 = arith.constant 0 : i32
    %c0_i32_1 = arith.constant 0 : i32
    return %c0_i32, %c0_i32_0 : i32, i32
  }
  func.func @transform_25(%arg0: i32) -> (i32, i32) {
    %c0_i32 = arith.constant 0 : i32
    %c0_i32_0 = arith.constant 0 : i32
    %c0_i32_1 = arith.constant 0 : i32
    return %c0_i32, %c0_i32_0 : i32, i32
  }
  func.func @transform_26(%arg0: i32) -> (i32, i32) {
    %c0_i32 = arith.constant 0 : i32
    %c0_i32_0 = arith.constant 0 : i32
    %c0_i32_1 = arith.constant 0 : i32
    return %c0_i32, %c0_i32_0 : i32, i32
  }
  func.func @transform_27(%arg0: i32) -> (i32, i32) {
    %c0_i32 = arith.constant 0 : i32
    %c0_i32_0 = arith.constant 0 : i32
    %c0_i32_1 = arith.constant 0 : i32
    return %c0_i32, %c0_i32_0 : i32, i32
  }
  func.func @transform_28(%arg0: i32) -> (i32, i32) {
    %c0_i32 = arith.constant 0 : i32
    %c0_i32_0 = arith.constant 0 : i32
    return %arg0, %c0_i32 : i32, i32
  }
}

</mosaic_0001>

<sc_bundles>
// kernel: kernel.4.cloned.1.call-start
scs
__scs_entry_jumppad:
0x0: {  	(pc) =	sbr.rel $0x88, $3  }
0x1: {  	(tag) =	ssettag $0x0;
	lr =	simm.s32 $0x1  }
0x2: {  	[smem:$0x3F8A] =	sst lr;
	_ =	strace $0xD0000000  }
0x3: {  	_ = 	snop  }
0x4: {  	_ = 	snop  }
0x5: {  	_ = 	snop  }
0x6: {  	_ = 	snop  }
0x7: {  	_ = 	snop  }
__scs_overlays_trampoline_lowered:
0x8: {  	[smem:$0x3F99] =	sst s0  }
0x9: {  	[smem:$0x3F9A] =	sst s1  }
0xa: {  	[smem:$0x3F9B] =	sst s2  }
0xb: {  	[smem:$0x3F9C] =	sst s3  }
0xc: {  	[smem:$0x3F9D] =	sst s4  }
0xd: {  	[smem:$0x3F9E] =	sst s5  }
0xe: {  	[smem:$0x3F9F] =	sst s6  }
0xf: {  	[smem:$0x3FA0] =	sst s7  }
0x10: {  	[smem:$0x3FA1] =	sst s8  }
0x11: {  	[smem:$0x3FA2] =	sst s9;
	s0 =	simm.s32 @!p0 $0x0  }
0x12: {  	s1 =	sld [smem:$0x3F88];
	s0 =	simm.s32 @p0 $0x1  }
0x13: {  	[smem:$0x3FA3] =	sst s0;
	s0 =	simm.s32 @!p1 $0x0  }
0x14: {  	s2 =	sld [smem:$0x3F87];
	s0 =	simm.s32 @p1 $0x1  }
0x15: {  	[smem:$0x3FA4] =	sst s0;
	s0 =	simm.s32 @!p2 $0x0  }
0x16: {  	s3 =	sld [smem:$0x3FDB];
	s0 =	simm.s32 @p2 $0x1  }
0x17: {  	s4 =	simm.s32 $0x1BF5;
	[smem:$0x3FA6] =	sst s0  }
0x18: {  	s0 =	sld [smem:$0x3F89];
	_ =	swait.ge [sflag:s4], $0x0  }
0x19: {  	s7 =	sld [smem:$0x3F8A]  }
0x1a: {  	s8 =	sadd.s32 $0xFFFFE003, lr  }
0x1b: {  	s9 =	sadd.s32 $0xFFFFFEF7, lr;
	s5 =	simm.s32 $0xFFFFFFFF;
	p2 =	slt.u32 s8, $0xFFFFF086  }
0x1c: {  	p1 =	slt.u32 s9, $0xF7A;
	s5 =	simm.s32 @!p2 $0x0  }
0x1d: {  	s5 =	simm.s32 @p1 $0x1;
	p0 =	seq.s32 s7, s2  }
0x1e: {  	s7 =	smul.u32 @!p0 $0xF7A, s2;
	p2 =	seq.s32 @!p0 s5, $0x0  }
0x1f: {  	s9 =	smul.u32 $0xF7A, s1;
	s8 =	simm.s32 @!p0 $0x1BF5;
	p2 =	por !p2, p0  }
0x20: {  	[sflag:s8] =	ssyncset.s32 @!p0 $0xFFFFF086;
	s6 =	sadd.s32 @!p0 s3, s7;
	s7 =	simm.s32 @!p0 $0x108  }
0x21: {  	s3 =	sadd.s32 s3, s9;
	s6 =	sadd.s32 @!p0 $0x88, s6;
	s7 =	simm.s32 @p2 $0x1082  }
0x22: {  	[simem:s7], [sflag:s8] =	dma.local @!p0 [hbm:s6], $0xF7A  }
0x23: {  	s9 =	sor.u32 $0xD0000000, s2;
	s6 =	simm.s32 $0x108;
	_ =	swait.ge @!p0 [sflag:s8], $0x0  }
0x24: {  	s3 =	sadd.s32 $0x88, s3;
	s6 =	simm.s32 @!p1 $0x1082;
	[sflag:s4] =	ssyncset.s32 $0xFFFFF086  }
0x25: {  	[simem:s6], [sflag:s4] =	dma.local [hbm:s3], $0xF7A  }
0x26: {  	[smem:$0x3F8A] =	sst s1;
	(tag) =	ssettag s2;
	_ =	strace s9  }
0x27: {  	s1 =	sld [smem:$0x3F9A]  }
0x28: {  	s2 =	sld [smem:$0x3F9B]  }
0x29: {  	s4 =	sld [smem:$0x3F9D]  }
0x2a: {  	p0 =	seq.s32 s5, $0x0;
	s5 =	sld [smem:$0x3F9E]  }
0x2b: {  	s6 =	sld [smem:$0x3F9F]  }
0x2c: {  	s7 =	sld [smem:$0x3FA0]  }
0x2d: {  	s3 =	simm.s32 $0x108;
	s8 =	sld [smem:$0x3FA1]  }
0x2e: {  	s3 =	simm.s32 @!p0 $0x1082;
	s9 =	sld [smem:$0x3FA2]  }
0x2f: {  	lr =	sadd.s32 s0, s3;
	s0 =	sld [smem:$0x3F99]  }
0x30: {  	s3 =	sld [smem:$0x3F9C]  }
0x31: {  	[smem:$0x3FA5] =	sst s10  }
0x32: {  	s10 =	sld [smem:$0x3FA3];
	_ =	sdelay $0x3  }
0x33: {  	p0 =	seq.s32 s10, $0x1;
	s10 =	sld [smem:$0x3FA5];
	_ =	sdelay $0x3  }
0x34: {  	[smem:$0x3FA5] =	sst s10  }
0x35: {  	s10 =	sld [smem:$0x3FA4];
	_ =	sdelay $0x3  }
0x36: {  	p1 =	seq.s32 s10, $0x1;
	s10 =	sld [smem:$0x3FA5];
	_ =	sdelay $0x3  }
0x37: {  	[smem:$0x3FA5] =	sst s10  }
0x38: {  	s10 =	sld [smem:$0x3FA6]  }
0x39: {  	_ = 	snop;
	(pc) =	sbr.ind lr, $3  }
0x3a: {  	_ = 	snop  }
0x3b: {  	_ = 	snop  }
0x3c: {  	p2 =	seq.s32 s10, $0x1;
	s10 =	sld [smem:$0x3FA5]  }
0x3d: {  	_ =	shalt  }
0x3e: {  	_ =	shalt  }
0x3f: {  	_ =	shalt  }
0x40: {  	_ =	shalt  }
0x41: {  	_ =	shalt  }
0x42: {  	_ =	shalt  }
0x43: {  	_ =	shalt  }
0x44: {  	_ =	shalt  }
0x45: {  	_ =	shalt  }
0x46: {  	_ =	shalt  }
0x47: {  	_ =	shalt  }
0x48: {  	_ =	shalt  }
0x49: {  	_ =	shalt  }
0x4a: {  	_ =	shalt  }
0x4b: {  	_ =	shalt  }
0x4c: {  	_ =	shalt  }
0x4d: {  	_ =	shalt  }
0x4e: {  	_ =	shalt  }
0x4f: {  	_ =	shalt  }
0x50: {  	_ =	shalt  }
0x51: {  	_ =	shalt  }
0x52: {  	_ =	shalt  }
0x53: {  	_ =	shalt  }
0x54: {  	_ =	shalt  }
0x55: {  	_ =	shalt  }
0x56: {  	_ =	shalt  }
0x57: {  	_ =	shalt  }
0x58: {  	_ =	shalt  }
0x59: {  	_ =	shalt  }
0x5a: {  	_ =	shalt  }
0x5b: {  	_ =	shalt  }
0x5c: {  	_ =	shalt  }
0x5d: {  	_ =	shalt  }
0x5e: {  	_ =	shalt  }
0x5f: {  	_ =	shalt  }
0x60: {  	_ =	shalt  }
0x61: {  	_ =	shalt  }
0x62: {  	_ =	shalt  }
0x63: {  	_ =	shalt  }
0x64: {  	_ =	shalt  }
0x65: {  	_ =	shalt  }
0x66: {  	_ =	shalt  }
0x67: {  	_ =	shalt  }
0x68: {  	_ =	shalt  }
0x69: {  	_ =	shalt  }
0x6a: {  	_ =	shalt  }
0x6b: {  	_ =	shalt  }
0x6c: {  	_ =	shalt  }
0x6d: {  	_ =	shalt  }
0x6e: {  	_ =	shalt  }
0x6f: {  	_ =	shalt  }
0x70: {  	_ =	shalt  }
0x71: {  	_ =	shalt  }
0x72: {  	_ =	shalt  }
0x73: {  	_ =	shalt  }
0x74: {  	_ =	shalt  }
0x75: {  	_ =	shalt  }
0x76: {  	_ =	shalt  }
0x77: {  	_ =	shalt  }
0x78: {  	_ =	shalt  }
0x79: {  	_ =	shalt  }
0x7a: {  	_ =	shalt  }
0x7b: {  	_ =	shalt  }
0x7c: {  	_ =	shalt  }
0x7d: {  	_ =	shalt  }
0x7e: {  	_ =	shalt  }
0x7f: {  	_ =	shalt  }
0x80: {  	_ =	shalt  }
0x81: {  	_ =	shalt  }
0x82: {  	_ =	shalt  }
0x83: {  	_ =	shalt  }
0x84: {  	_ =	shalt  }
0x85: {  	_ =	shalt  }
0x86: {  	_ =	shalt  }
0x87: {  	_ =	shalt  }
.Lfunc_end0:
.L_simem_size_0:
called_computation.4_lowered:
.L_overlay_start_0:
0x88: {  	s2 =	sld [smem:$0x3FD9]  }
0x89: {  	s3 =	sld [smem:$0x3FFE];
	_ =	sdelay $0x1  }
0x8a: {  	s1 =	srdreg.scid  }
0x8b: {  	s0 =	sand.u32 $0x1, s1  }
0x8c: {  	s16 =	sshll.u32 s0, $0xA;
	s2 =	sadd.s32 s3, s2  }
0x8d: {  	s2 =	sadd.s32 s2, s16  }
0x8e: {  	[smem:$0x3FB1] =	sst s2  }
0x8f: {  	_ = 	snop  }
0x90: {  	(tm) =	ssettm $0x1  }
0x91: {  	s17 =	sld [smem:$0x3FFB];
	_ =	sdelay $0x3  }
0x92: {  	_ =	strace s17  }
0x93: {  	s2 =	sld [smem:$0x3FFC];
	_ =	sdelay $0x3  }
0x94: {  	_ =	strace s2  }
0x95: {  	s2 =	sld [smem:$0x3FFD];
	_ =	sdelay $0x3  }
0x96: {  	_ =	strace s2  }
0x97: {  	_ =	strace $0x8FFFFFFF  }
0x98: {  	s18 =	sld [smem:$0x3FDB];
	_ =	sdelay $0x1  }
0x99: {  	s19 =	simm.s32 $_scs_section_size  }
0x9a: {  	s4 =	simm.s32 $_size__tile_overlayer_lowered;
	s5 =	simm.s32 $_tile_overlayer_lowered  }
0x9b: {  	s22 =	simm.s32 $0x1BFF;
	s21 =	sshll.u32 s5, $0x1;
	s2 =	sadd.s32 s19, s18  }
0x9c: {  	s6 =	simm.s32 $0x0;
	s20 =	sshll.u32 s4, $0x1;
	s4 =	sadd.s32 s21, s2  }
0x9d: {  	[timem:s6], [sflag:s22] =	dma.local [hbm:s4], s20  }
0x9e: {  	_ =	swait.ge [sflag:s22], s20  }
0x9f: {  	s3 =	ssub.s32 $0x0, s20;
	[sflag:s22] =	ssyncset.done $0x0  }
0xa0: {  	[sflag:s22] =	ssyncadd.s32 s3;
	_ =	sdelay $0x1  }
0xa1: {  	s23 =	simm.s32 $0x1B8B  }
0xa2: {  	_ =	swait.ge [sflag:s23], $0x1  }
0xa3: {  	[sflag:s23] =	ssyncset.done $0x0  }
0xa4: {  	s25 =	simm.s32 $0x1B8E;
	s24 =	sld [smem:$0x3FFE];
	[sflag:s23] =	ssyncadd.s32 $0xFFFFFFFF  }
0xa5: {  	s26 =	simm.s32 $execute0_lowered;
	[smem:$0x3FD2] =	sst s25  }
0xa6: {  	s4 =	sshll.u32 s26, $0x1;
	_ =	strace $0x80000052;
	[dreg:$0x1] =	wrdreg $0xFFFFFFFF  }
0xa7: {  	s28 =	simm.s32 $_size_execute0_lowered;
	s2 =	sadd.s32 s2, s4;
	[dreg:$0x0] =	wrdreg $0x0  }
0xa8: {  	s4 =	sshll.u32 s28, $0x1;
	[dreg:$0x2] =	wrdreg s2  }
0xa9: {  	[dreg:$0x3] =	wrdreg s4  }
0xaa: {  	[dreg:$0x4] =	wrdreg $0xC0  }
0xab: {  	_ =	task [dreg:s6], $0x5FFFF  }
0xac: {  	[dreg:$0x1] =	wrdreg $0xFFFFFFFF  }
0xad: {  	[dreg:$0x0] =	wrdreg $0x60  }
0xae: {  	[dreg:$0x2] =	wrdreg s24  }
0xaf: {  	[dreg:$0x3] =	wrdreg $0x9  }
0xb0: {  	_ =	task.clear_ibuf [dreg:s6], $0x4FFFF;
	_ =	strace $0x90000052  }
0xb1: {  	s29 =	simm.s32 $0x9;
	_ =	strace $0x80000054  }
0xb2: {  	_ =	swait.ge [sflag:s29], $0x1  }
0xb3: {  	[sflag:s29] =	ssyncadd.s32 $0xFFFFFFFF  }
0xb4: {  	_ =	strace $0x90000054  }
0xb5: {  	_ =	sfence  }
0xb6: {  	s30 =	sld [smem:$0x0];
	_ =	sdelay $0x2  }
0xb7: {  	s31 =	sshll.u32 s1, $0xD;
	s1 =	sshrl.u32 s1, $0x2  }
0xb8: {  	s3 =	sand.u32 $0x4000, s31;
	s1 =	sadd.s32 s1, s30  }
0xb9: {  	s0 =	sor.u32 s3, s0;
	s1 =	sshll.u32 s1, $0x11  }
0xba: {  	s0 =	sor.u32 s1, s0  }
0xbb: {  	s0 =	sadd.s32 $0x8F2B, s0  }
0xbc: {  	[sflag:s0] =	ssyncadd.remote.s32 $0x1  }
0xbd: {  	_ =	sfence.sel $0xFFFF  }
0xbe: {  	[dreg:$0x0] =	wrdreg $0xFFFFFFFF;
	(pc) =	sbr.abs _section_cstart, $3  }
0xbf: {  	[dreg:$0x1] =	wrdreg $0xFFFFFFFF  }
0xc0: {  	_ =	task.clear_ibuf [dreg:s6], $0x2FFFF;
	_ =	strace $0x9FFFFFFF  }
0xc1: {  	(tm) =	ssettm $0x7FFFFFFF  }
tec
execute0_lowered:
.L_overlay_start_1:
0x0: {  	(tag) =	ssettag $0x1  }
0x1: {  	s0 =	srdreg.scid;
	s2 =	stileid.u32  }
0x2: {  	s1 =	sand.u32 $0x1, s0;
	s13 =	sshll.u32 s2, $0x1  }
0x3: {  	s3 =	rddreg [dreg:$0x0];
	s0 =	sor.u32 s1, s13  }
0x4: {  	s8 =	sadd.s32 $0x2AAC400, s3;
	s10 =	smul.u32 $0x1A00, s0  }
0x5: {  	s2 =	simm.s32 $0x0;
	s7 =	sadd.s32 $0x2AB2C00, s3;
	s0 =	smul.u32 $0x1A000, s0  }
0x6: {  	s6 =	sadd.s32 $0x27FE00, s3;
	[smem:$0x7FF] =	sst s2  }
0x7: {  	s9 =	sadd.s32 $0x5BFE00, s3;
	_ =	strace $0x80000053;
	s15 =	sadd.s32 s6, s0  }
0x8: {  	s4 =	sshrl.u32 s10, $0x3;
	s0 =	sadd.s32 s9, s0;
	[dreg:$0x4] =	wrdreg s15  }
0x9: {  	s11 =	sor.u32 $0x1A0, s10;
	s5 =	sadd.s32 s8, s4;
	[dreg:$0x6] =	wrdreg s0  }
0xa: {  	s14 =	sadd.s32 s7, s4;
	s12 =	sshrl.u32 s11, $0x3;
	[dreg:$0x2] =	wrdreg s5  }
0xb: {  	s18 =	sadd.s32 $0x340, s10;
	[dreg:$0x3] =	wrdreg s14;
	s16 =	sadd.s32 s8, s12  }
0xc: {  	s11 =	sshll.u32 s11, $0x4;
	s17 =	sadd.s32 s7, s12;
	[dreg:$0x5] =	wrdreg s16  }
0xd: {  	s24 =	sadd.s32 $0x4E0, s10;
	s19 =	sadd.s32 s6, s11;
	[dreg:$0x7] =	wrdreg s17  }
0xe: {  	s23 =	sshll.u32 s18, $0x4;
	s21 =	sadd.s32 s9, s11;
	[dreg:$0x8] =	wrdreg s19  }
0xf: {  	s13 =	sshrl.u32 s24, $0x3;
	s25 =	sadd.s32 s6, s23;
	[dreg:$0xa] =	wrdreg s21  }
0x10: {  	s26 =	sadd.s32 s8, s13;
	[dreg:$0xc] =	wrdreg s25  }
0x11: {  	s11 =	sadd.s32 s9, s23;
	[dreg:$0xd] =	wrdreg s26  }
0x12: {  	s13 =	sadd.s32 s7, s13;
	[dreg:$0xe] =	wrdreg s11  }
0x13: {  	s5 =	sshrl.u32 s18, $0x3;
	[dreg:$0xf] =	wrdreg s13  }
0x14: {  	s20 =	sadd.s32 s8, s5;
	s0 =	rddreg [dreg:$0x2]  }
0x15: {  	s12 =	sshll.u32 s24, $0x4;
	s22 =	sadd.s32 s7, s5;
	[dreg:$0x9] =	wrdreg s20  }
0x16: {  	s14 =	sadd.s32 $0x680, s10;
	s15 =	sadd.s32 s6, s12;
	[dreg:$0xb] =	wrdreg s22  }
0x17: {  	s11 =	sshrl.u32 s14, $0x3;
	s17 =	sadd.s32 s9, s12;
	[dreg:$0x10] =	wrdreg s15  }
0x18: {  	s16 =	sadd.s32 s8, s11;
	[dreg:$0x12] =	wrdreg s17  }
0x19: {  	s19 =	sshll.u32 s14, $0x4;
	s18 =	sadd.s32 s7, s11;
	[dreg:$0x11] =	wrdreg s16  }
0x1a: {  	s25 =	sadd.s32 $0x9C0, s10;
	s21 =	sadd.s32 s6, s19;
	[dreg:$0x13] =	wrdreg s18  }
0x1b: {  	s23 =	sadd.s32 s9, s19;
	s12 =	sshrl.u32 s25, $0x3;
	[dreg:$0x14] =	wrdreg s21  }
0x1c: {  	s20 =	sadd.s32 $0x820, s10;
	[dreg:$0x16] =	wrdreg s23;
	s15 =	sadd.s32 s8, s12  }
0x1d: {  	s14 =	sshrl.u32 s20, $0x3;
	s17 =	sadd.s32 s7, s12;
	[dreg:$0x19] =	wrdreg s15  }
0x1e: {  	s22 =	sadd.s32 s8, s14;
	[dreg:$0x1b] =	wrdreg s17  }
0x1f: {  	s13 =	sshll.u32 s20, $0x4;
	s24 =	sadd.s32 s7, s14;
	[dreg:$0x15] =	wrdreg s22  }
0x20: {  	s19 =	sadd.s32 $0xB60, s10;
	s26 =	sadd.s32 s6, s13;
	[dreg:$0x17] =	wrdreg s24  }
0x21: {  	s18 =	sshll.u32 s25, $0x4;
	s16 =	sadd.s32 s9, s13;
	[dreg:$0x18] =	wrdreg s26  }
0x22: {  	s20 =	sadd.s32 s6, s18;
	s15 =	sshrl.u32 s19, $0x3;
	[dreg:$0x1a] =	wrdreg s16  }
0x23: {  	[dreg:$0x1c] =	wrdreg s20;
	s21 =	sadd.s32 s8, s15  }
0x24: {  	s22 =	sadd.s32 s9, s18;
	[dreg:$0x1d] =	wrdreg s21  }
0x25: {  	s14 =	sshll.u32 s19, $0x4;
	s23 =	sadd.s32 s7, s15;
	[dreg:$0x1e] =	wrdreg s22  }
0x26: {  	s24 =	sadd.s32 $0xD00, s10;
	s25 =	sadd.s32 s6, s14;
	[dreg:$0x1f] =	wrdreg s23  }
0x27: {  	s14 =	sadd.s32 s9, s14;
	s13 =	sshrl.u32 s24, $0x3;
	[smem:$0x7CA] =	sst s25  }
0x28: {  	s18 =	sadd.s32 $0xEA0, s10;
	[smem:$0x7CC] =	sst s14;
	s26 =	sadd.s32 s8, s13  }
0x29: {  	s17 =	sshll.u32 s24, $0x4;
	s16 =	sadd.s32 s7, s13;
	[smem:$0x7CB] =	sst s26  }
0x2a: {  	s15 =	sshll.u32 s18, $0x4;
	s19 =	sadd.s32 s6, s17;
	[smem:$0x7CD] =	sst s16  }
0x2b: {  	s23 =	sadd.s32 $0x1040, s10;
	s21 =	sadd.s32 s9, s17;
	[smem:$0x7CE] =	sst s19  }
0x2c: {  	s24 =	sadd.s32 s6, s15;
	s14 =	sshrl.u32 s23, $0x3;
	[smem:$0x7D0] =	sst s21  }
0x2d: {  	[smem:$0x7D2] =	sst s24;
	s25 =	sadd.s32 s8, s14  }
0x2e: {  	s26 =	sadd.s32 s9, s15;
	[smem:$0x7D3] =	sst s25  }
0x2f: {  	s16 =	sshrl.u32 s18, $0x3;
	s15 =	sadd.s32 s7, s14;
	[smem:$0x7D4] =	sst s26  }
0x30: {  	s18 =	sadd.s32 $0x11E0, s10;
	s20 =	sadd.s32 s8, s16;
	[smem:$0x7D5] =	sst s15  }
0x31: {  	s22 =	sadd.s32 s7, s16;
	s16 =	sshll.u32 s23, $0x4;
	[smem:$0x7CF] =	sst s20  }
0x32: {  	s17 =	sshrl.u32 s18, $0x3;
	[smem:$0x7D1] =	sst s22;
	s19 =	sadd.s32 s6, s16  }
0x33: {  	s20 =	sadd.s32 s8, s17;
	[smem:$0x7D6] =	sst s19  }
0x34: {  	s24 =	sadd.s32 $0x1380, s10;
	s21 =	sadd.s32 s9, s16;
	[smem:$0x7D7] =	sst s20  }
0x35: {  	s23 =	sshll.u32 s18, $0x4;
	s22 =	sadd.s32 s7, s17;
	[smem:$0x7D8] =	sst s21  }
0x36: {  	s26 =	sshrl.u32 s24, $0x3;
	s25 =	sadd.s32 s6, s23;
	[smem:$0x7D9] =	sst s22  }
0x37: {  	s17 =	sadd.s32 s8, s26;
	[smem:$0x7DA] =	sst s25  }
0x38: {  	s18 =	sadd.s32 s9, s23;
	[smem:$0x7DB] =	sst s17  }
0x39: {  	[smem:$0x7DC] =	sst s18;
	s19 =	sadd.s32 s7, s26;
	s20 =	sshll.u32 s24, $0x4  }
0x3a: {  	s21 =	sadd.s32 $0x1520, s10;
	[smem:$0x7DD] =	sst s19;
	s22 =	sadd.s32 s6, s20  }
0x3b: {  	s23 =	sshrl.u32 s21, $0x3;
	s25 =	sadd.s32 s9, s20;
	[smem:$0x7DE] =	sst s22  }
0x3c: {  	s17 =	sadd.s32 $0x16C0, s10;
	s24 =	sadd.s32 s8, s23;
	[smem:$0x7E0] =	sst s25  }
0x3d: {  	s16 =	sshll.u32 s21, $0x4;
	s15 =	sadd.s32 s7, s23;
	[smem:$0x7DF] =	sst s24  }
0x3e: {  	s28 =	sshrl.u32 s17, $0x3;
	s18 =	sadd.s32 s6, s16;
	[smem:$0x7E1] =	sst s15  }
0x3f: {  	s19 =	sadd.s32 s8, s28;
	[smem:$0x7E2] =	sst s18  }
0x40: {  	s10 =	sadd.s32 $0x1860, s10;
	s20 =	sadd.s32 s9, s16;
	[smem:$0x7E3] =	sst s19  }
0x41: {  	s21 =	sadd.s32 s7, s28;
	s22 =	sshll.u32 s17, $0x4;
	[smem:$0x7E4] =	sst s20  }
0x42: {  	s16 =	sshll.u32 s10, $0x4;
	[smem:$0x7E5] =	sst s21;
	s23 =	sadd.s32 s6, s22  }
0x43: {  	s17 =	sadd.s32 s6, s16;
	[smem:$0x7E6] =	sst s23  }
0x44: {  	s24 =	sshrl.u32 s10, $0x3;
	s18 =	sadd.s32 s9, s16;
	[smem:$0x7EA] =	sst s17  }
0x45: {  	s25 =	sadd.s32 s8, s24;
	[smem:$0x7EB] =	sst s18  }
0x46: {  	s30 =	simm.s32 $0x1A0;
	s8 =	sadd.s32 s9, s22;
	[smem:$0x7E7] =	sst s25  }
0x47: {  	s6 =	sadd.s32 $0x2B2C400, s3;
	s15 =	sadd.s32 s7, s24;
	[smem:$0x7E8] =	sst s8  }
0x48: {  	s10 =	sadd.s32 $0x2B0F400, s3;
	s19 =	sadd.s32 s6, s4;
	[smem:$0x7E9] =	sst s15  }
0x49: {  	s31 =	simm.s32 $0xD200;
	s22 =	sadd.s32 s10, s4;
	[smem:$0x7EC] =	sst s19  }
0x4a: {  	p0 =	por $0x0, $0x0;
	s23 =	sadd.s32 s6, s5;
	[smem:$0x7EF] =	sst s22  }
0x4b: {  	s29 =	simm.s32 $0x2;
	s16 =	sadd.s32 s10, s11;
	[smem:$0x7F0] =	sst s23  }
0x4c: {  	s7 =	sadd.s32 $0x2B08C00, s3;
	s17 =	sadd.s32 s6, s12;
	[smem:$0x7F7] =	sst s16  }
0x4d: {  	s9 =	sadd.s32 $0x2B32C00, s3;
	s20 =	sadd.s32 s7, s4;
	[smem:$0x7F8] =	sst s17  }
0x4e: {  	s1 =	ssub.s32 $0x2, s1;
	s21 =	sadd.s32 s9, s4;
	[smem:$0x7ED] =	sst s20  }
0x4f: {  	s24 =	sadd.s32 s7, s5;
	s25 =	sadd.s32 s9, s5;
	[smem:$0x7EE] =	sst s21  }
0x50: {  	s4 =	sadd.s32 s10, s5;
	s5 =	sadd.s32 s6, s11;
	[smem:$0x7F1] =	sst s24  }
0x51: {  	s8 =	sadd.s32 s7, s11;
	s15 =	sadd.s32 s9, s11;
	[smem:$0x7F2] =	sst s25  }
0x52: {  	s18 =	sadd.s32 s7, s12;
	s19 =	sadd.s32 s9, s12;
	[smem:$0x7F3] =	sst s4  }
0x53: {  	s22 =	sadd.s32 s6, s13;
	s23 =	sadd.s32 s7, s13;
	[smem:$0x7F4] =	sst s5  }
0x54: {  	s17 =	sadd.s32 s6, s26;
	s16 =	sadd.s32 s7, s26;
	[smem:$0x7F5] =	sst s8  }
0x55: {  	s11 =	simm.s32 $0x1A400;
	[smem:$0x7F6] =	sst s15;
	s24 =	sadd.s32 $0x2831400, s3  }
0x56: {  	s25 =	sadd.s32 $0x5000, s3;
	s4 =	sadd.s32 $0x2AB9400, s3;
	[smem:$0x7F9] =	sst s18  }
0x57: {  	[smem:$0x7FA] =	sst s19;
	s20 =	sadd.s32 s10, s12;
	s21 =	sshrl.u32 s1, $0x1  }
0x58: {  	s19 =	sadd.s32 s9, s14;
	s18 =	sadd.s32 s10, s14;
	s15 =	sadd.s32 s9, s26  }
0x59: {  	[smem:$0x7FB] =	sst s20;
	s1 =	ssub.s32 s1, s21;
	s21 =	sadd.s32 s6, s14  }
0x5a: {  	s20 =	sadd.s32 s7, s14;
	s14 =	sadd.s32 s10, s26;
	s26 =	smax.u32 s1, $0x1  }
0x5b: {  	s3 =	sadd.s32 $0x2AE1000, s3;
	[smem:$0x7FC] =	sst s22;
	p1 =	sne.s32 s26, $0x1  }
.Ltmp0:
0x5c: {  	[smem:$0x7FD] =	sst s23;
	s23 =	sadd.s32 s9, s13;
	(pc) =	sbr.rel @!p1 .LBB2_3-.Ltmp0, $4  }
0x5d: {  	s22 =	sadd.s32 s10, s13;
	s12 =	sadd.s32 s6, s28;
	s8 =	sadd.s32 s7, s28  }
0x5e: {  	s5 =	simm.s32 $0x3;
	s13 =	simm.s32 $0x340;
	s7 =	sadd.s32 s9, s28  }
0x5f: {  	s6 =	sadd.s32 s10, s28;
	s28 =	simm.s32 $0x200;
	s9 =	simm.s32 $0x1  }
0x60: {  	s10 =	simm.s32 $0x1A780;
	s1 =	sadd.s32 $0xFFFFFFFF, s26;
	s26 =	simm.s32 $0xD400  }
0x61: {  	[tilespmem:s2], [sflag:$0x3] =	stream.linear.gather [hbm4b:s0+s2], $0x1A0, $0x38;
	[tilespmem:$0x1AB00] =	vst v63  }
0x62: {  	_ =	swait.ge [sflag:s5], $0x1A0  }
0x63: {  	[sflag:s5] =	ssyncset.done $0x0  }
0x64: {  	[sflag:s5] =	ssyncadd.s32 $0xFFFFFE60  }
0x65: {  	[tilespmem:s28], [sflag:$0x1] =	stream.indirect.gather [hbm4b:s25+s30], $0x80, s2, s30, $0xb8;
	[tilespmem:$0x1AB00] =	vst v63  }
0x66: {  	s0 =	rddreg [dreg:$0x3]  }
0x67: {  	[tilespmem:s31], [sflag:$0x3] =	stream.linear.gather [hbm4b:s0+s2], $0x1A0, $0x38;
	[tilespmem:$0x1AB00] =	vst v63  }
0x68: {  	_ =	swait.ge [sflag:s5], $0x1A0  }
0x69: {  	[sflag:s5] =	ssyncset.done $0x0  }
0x6a: {  	[sflag:s5] =	ssyncadd.s32 $0xFFFFFE60  }
0x6b: {  	[tilespmem:s26], [sflag:$0x2] =	stream.indirect.gather [hbm4b:s24+s30], $0x80, s31, s30, $0xb8;
	[tilespmem:$0x1AB00] =	vst v63  }
0x6c: {  	_ =	swait.ge [sflag:s9], $0xD000  }
0x6d: {  	[sflag:s9] =	ssyncset.done $0x0  }
0x6e: {  	s0 =	rddreg [dreg:$0x4];
	[sflag:s9] =	ssyncadd.s32 $0xFFFF3000  }
0x6f: {  	[hbm4b:s0+s2] =	stream.linear.scatter [tilespmem:s28], [sflag:$0x3], $0xD000, $0x38;
	[tilespmem:$0x1AB00] =	vst v63  }
0x70: {  	_ =	swait.ge [sflag:s5], $0xD000  }
0x71: {  	[sflag:s5] =	ssyncset.done $0x0  }
0x72: {  	s0 =	rddreg [dreg:$0x5];
	[sflag:s5] =	ssyncadd.s32 $0xFFFF3000  }
0x73: {  	[tilespmem:s2], [sflag:$0x3] =	stream.linear.gather [hbm4b:s0+s2], $0x1A0, $0x38;
	[tilespmem:$0x1AB00] =	vst v63  }
0x74: {  	_ =	swait.ge [sflag:s5], $0x1A0  }
0x75: {  	[sflag:s5] =	ssyncset.done $0x0  }
0x76: {  	[sflag:s5] =	ssyncadd.s32 $0xFFFFFE60  }
0x77: {  	[tilespmem:s28], [sflag:$0x1] =	stream.indirect.gather [hbm4b:s25+s30], $0x80, s2, s30, $0xb8;
	[tilespmem:$0x1AB00] =	vst v63  }
0x78: {  	_ =	swait.ge [sflag:s29], $0xD000  }
0x79: {  	[sflag:s29] =	ssyncset.done $0x0  }
0x7a: {  	s0 =	rddreg [dreg:$0x6];
	[sflag:s29] =	ssyncadd.s32 $0xFFFF3000  }
0x7b: {  	[hbm4b:s0+s2] =	stream.linear.scatter [tilespmem:s26], [sflag:$0x3], $0xD000, $0x38;
	[tilespmem:$0x1AB00] =	vst v63  }
0x7c: {  	_ =	swait.ge [sflag:s5], $0xD000  }
0x7d: {  	[sflag:s5] =	ssyncset.done $0x0  }
0x7e: {  	s0 =	rddreg [dreg:$0x7];
	[sflag:s5] =	ssyncadd.s32 $0xFFFF3000  }
0x7f: {  	[tilespmem:s31], [sflag:$0x3] =	stream.linear.gather [hbm4b:s0+s2], $0x1A0, $0x38;
	[tilespmem:$0x1AB00] =	vst v63  }
0x80: {  	_ =	swait.ge [sflag:s5], $0x1A0  }
0x81: {  	[sflag:s5] =	ssyncset.done $0x0  }
0x82: {  	[sflag:s5] =	ssyncadd.s32 $0xFFFFFE60  }
0x83: {  	[tilespmem:s26], [sflag:$0x2] =	stream.indirect.gather [hbm4b:s24+s30], $0x80, s31, s30, $0xb8;
	[tilespmem:$0x1AB00] =	vst v63  }
0x84: {  	_ =	swait.ge [sflag:s9], $0xD000  }
0x85: {  	[sflag:s9] =	ssyncset.done $0x0  }
0x86: {  	s0 =	rddreg [dreg:$0x8];
	[sflag:s9] =	ssyncadd.s32 $0xFFFF3000  }
0x87: {  	[hbm4b:s0+s2] =	stream.linear.scatter [tilespmem:s28], [sflag:$0x3], $0xD000, $0x38;
	[tilespmem:$0x1AB00] =	vst v63  }
0x88: {  	_ =	swait.ge [sflag:s5], $0xD000  }
0x89: {  	[sflag:s5] =	ssyncset.done $0x0  }
0x8a: {  	s0 =	rddreg [dreg:$0x9];
	[sflag:s5] =	ssyncadd.s32 $0xFFFF3000  }
0x8b: {  	[tilespmem:s2], [sflag:$0x3] =	stream.linear.gather [hbm4b:s0+s2], $0x1A0, $0x38;
	[tilespmem:$0x1AB00] =	vst v63  }
0x8c: {  	_ =	swait.ge [sflag:s5], $0x1A0  }
0x8d: {  	[sflag:s5] =	ssyncset.done $0x0  }
0x8e: {  	[sflag:s5] =	ssyncadd.s32 $0xFFFFFE60  }
0x8f: {  	[tilespmem:s28], [sflag:$0x1] =	stream.indirect.gather [hbm4b:s25+s30], $0x80, s2, s30, $0xb8;
	[tilespmem:$0x1AB00] =	vst v63  }
0x90: {  	_ =	swait.ge [sflag:s29], $0xD000  }
0x91: {  	[sflag:s29] =	ssyncset.done $0x0  }
0x92: {  	s0 =	rddreg [dreg:$0xa];
	[sflag:s29] =	ssyncadd.s32 $0xFFFF3000  }
0x93: {  	[hbm4b:s0+s2] =	stream.linear.scatter [tilespmem:s26], [sflag:$0x3], $0xD000, $0x38;
	[tilespmem:$0x1AB00] =	vst v63  }
0x94: {  	_ =	swait.ge [sflag:s5], $0xD000  }
0x95: {  	[sflag:s5] =	ssyncset.done $0x0  }
0x96: {  	s0 =	rddreg [dreg:$0xb];
	[sflag:s5] =	ssyncadd.s32 $0xFFFF3000  }
0x97: {  	[tilespmem:s31], [sflag:$0x3] =	stream.linear.gather [hbm4b:s0+s2], $0x1A0, $0x38;
	[tilespmem:$0x1AB00] =	vst v63  }
0x98: {  	_ =	swait.ge [sflag:s5], $0x1A0  }
0x99: {  	[sflag:s5] =	ssyncset.done $0x0  }
0x9a: {  	[sflag:s5] =	ssyncadd.s32 $0xFFFFFE60  }
0x9b: {  	[tilespmem:s26], [sflag:$0x2] =	stream.indirect.gather [hbm4b:s24+s30], $0x80, s31, s30, $0xb8;
	[tilespmem:$0x1AB00] =	vst v63  }
0x9c: {  	_ =	swait.ge [sflag:s9], $0xD000  }
0x9d: {  	[sflag:s9] =	ssyncset.done $0x0  }
0x9e: {  	s0 =	rddreg [dreg:$0xc];
	[sflag:s9] =	ssyncadd.s32 $0xFFFF3000  }
0x9f: {  	[hbm4b:s0+s2] =	stream.linear.scatter [tilespmem:s28], [sflag:$0x3], $0xD000, $0x38;
	[tilespmem:$0x1AB00] =	vst v63  }
0xa0: {  	_ =	swait.ge [sflag:s5], $0xD000  }
0xa1: {  	[sflag:s5] =	ssyncset.done $0x0  }
0xa2: {  	s0 =	rddreg [dreg:$0xd];
	[sflag:s5] =	ssyncadd.s32 $0xFFFF3000  }
0xa3: {  	[tilespmem:s2], [sflag:$0x3] =	stream.linear.gather [hbm4b:s0+s2], $0x1A0, $0x38;
	[tilespmem:$0x1AB00] =	vst v63  }
0xa4: {  	_ =	swait.ge [sflag:s5], $0x1A0  }
0xa5: {  	[sflag:s5] =	ssyncset.done $0x0  }
0xa6: {  	[sflag:s5] =	ssyncadd.s32 $0xFFFFFE60  }
0xa7: {  	[tilespmem:s28], [sflag:$0x1] =	stream.indirect.gather [hbm4b:s25+s30], $0x80, s2, s30, $0xb8;
	[tilespmem:$0x1AB00] =	vst v63  }
0xa8: {  	_ =	swait.ge [sflag:s29], $0xD000  }
0xa9: {  	[sflag:s29] =	ssyncset.done $0x0  }
0xaa: {  	s0 =	rddreg [dreg:$0xe];
	[sflag:s29] =	ssyncadd.s32 $0xFFFF3000  }
0xab: {  	[hbm4b:s0+s2] =	stream.linear.scatter [tilespmem:s26], [sflag:$0x3], $0xD000, $0x38;
	[tilespmem:$0x1AB00] =	vst v63  }
0xac: {  	_ =	swait.ge [sflag:s5], $0xD000  }
0xad: {  	[sflag:s5] =	ssyncset.done $0x0  }
0xae: {  	s0 =	rddreg [dreg:$0xf];
	[sflag:s5] =	ssyncadd.s32 $0xFFFF3000  }
0xaf: {  	[tilespmem:s31], [sflag:$0x3] =	stream.linear.gather [hbm4b:s0+s2], $0x1A0, $0x38;
	[tilespmem:$0x1AB00] =	vst v63  }
0xb0: {  	_ =	swait.ge [sflag:s5], $0x1A0  }
0xb1: {  	[sflag:s5] =	ssyncset.done $0x0  }
0xb2: {  	[sflag:s5] =	ssyncadd.s32 $0xFFFFFE60  }
0xb3: {  	[tilespmem:s26], [sflag:$0x2] =	stream.indirect.gather [hbm4b:s24+s30], $0x80, s31, s30, $0xb8;
	[tilespmem:$0x1AB00] =	vst v63  }
0xb4: {  	_ =	swait.ge [sflag:s9], $0xD000  }
0xb5: {  	[sflag:s9] =	ssyncset.done $0x0  }
0xb6: {  	s0 =	rddreg [dreg:$0x10];
	[sflag:s9] =	ssyncadd.s32 $0xFFFF3000  }
0xb7: {  	[hbm4b:s0+s2] =	stream.linear.scatter [tilespmem:s28], [sflag:$0x3], $0xD000, $0x38;
	[tilespmem:$0x1AB00] =	vst v63  }
0xb8: {  	_ =	swait.ge [sflag:s5], $0xD000  }
0xb9: {  	[sflag:s5] =	ssyncset.done $0x0  }
0xba: {  	s0 =	rddreg [dreg:$0x11];
	[sflag:s5] =	ssyncadd.s32 $0xFFFF3000  }
0xbb: {  	[tilespmem:s2], [sflag:$0x3] =	stream.linear.gather [hbm4b:s0+s2], $0x1A0, $0x38;
	[tilespmem:$0x1AB00] =	vst v63  }
0xbc: {  	_ =	swait.ge [sflag:s5], $0x1A0  }
0xbd: {  	[sflag:s5] =	ssyncset.done $0x0  }
0xbe: {  	[sflag:s5] =	ssyncadd.s32 $0xFFFFFE60  }
0xbf: {  	[tilespmem:s28], [sflag:$0x1] =	stream.indirect.gather [hbm4b:s25+s30], $0x80, s2, s30, $0xb8;
	[tilespmem:$0x1AB00] =	vst v63  }
0xc0: {  	_ =	swait.ge [sflag:s29], $0xD000  }
0xc1: {  	[sflag:s29] =	ssyncset.done $0x0  }
0xc2: {  	s0 =	rddreg [dreg:$0x12];
	[sflag:s29] =	ssyncadd.s32 $0xFFFF3000  }
0xc3: {  	[hbm4b:s0+s2] =	stream.linear.scatter [tilespmem:s26], [sflag:$0x3], $0xD000, $0x38;
	[tilespmem:$0x1AB00] =	vst v63  }
0xc4: {  	_ =	swait.ge [sflag:s5], $0xD000  }
0xc5: {  	[sflag:s5] =	ssyncset.done $0x0  }
0xc6: {  	s0 =	rddreg [dreg:$0x13];
	[sflag:s5] =	ssyncadd.s32 $0xFFFF3000  }
0xc7: {  	[tilespmem:s31], [sflag:$0x3] =	stream.linear.gather [hbm4b:s0+s2], $0x1A0, $0x38;
	[tilespmem:$0x1AB00] =	vst v63  }
0xc8: {  	_ =	swait.ge [sflag:s5], $0x1A0  }
0xc9: {  	[sflag:s5] =	ssyncset.done $0x0  }
0xca: {  	[sflag:s5] =	ssyncadd.s32 $0xFFFFFE60  }
0xcb: {  	[tilespmem:s26], [sflag:$0x2] =	stream.indirect.gather [hbm4b:s24+s30], $0x80, s31, s30, $0xb8;
	[tilespmem:$0x1AB00] =	vst v63  }
0xcc: {  	_ =	swait.ge [sflag:s9], $0xD000  }
0xcd: {  	[sflag:s9] =	ssyncset.done $0x0  }
0xce: {  	s0 =	rddreg [dreg:$0x14];
	[sflag:s9] =	ssyncadd.s32 $0xFFFF3000  }
0xcf: {  	[hbm4b:s0+s2] =	stream.linear.scatter [tilespmem:s28], [sflag:$0x3], $0xD000, $0x38;
	[tilespmem:$0x1AB00] =	vst v63  }
0xd0: {  	_ =	swait.ge [sflag:s5], $0xD000  }
0xd1: {  	[sflag:s5] =	ssyncset.done $0x0  }
0xd2: {  	s0 =	rddreg [dreg:$0x15];
	[sflag:s5] =	ssyncadd.s32 $0xFFFF3000  }
0xd3: {  	[tilespmem:s2], [sflag:$0x3] =	stream.linear.gather [hbm4b:s0+s2], $0x1A0, $0x38;
	[tilespmem:$0x1AB00] =	vst v63  }
0xd4: {  	_ =	swait.ge [sflag:s5], $0x1A0  }
0xd5: {  	[sflag:s5] =	ssyncset.done $0x0  }
0xd6: {  	[sflag:s5] =	ssyncadd.s32 $0xFFFFFE60  }
0xd7: {  	[tilespmem:s28], [sflag:$0x1] =	stream.indirect.gather [hbm4b:s25+s30], $0x80, s2, s30, $0xb8;
	[tilespmem:$0x1AB00] =	vst v63  }
0xd8: {  	_ =	swait.ge [sflag:s29], $0xD000  }
0xd9: {  	[sflag:s29] =	ssyncset.done $0x0  }
0xda: {  	s0 =	rddreg [dreg:$0x16];
	[sflag:s29] =	ssyncadd.s32 $0xFFFF3000  }
0xdb: {  	[hbm4b:s0+s2] =	stream.linear.scatter [tilespmem:s26], [sflag:$0x3], $0xD000, $0x38;
	[tilespmem:$0x1AB00] =	vst v63  }
0xdc: {  	_ =	swait.ge [sflag:s5], $0xD000  }
0xdd: {  	[sflag:s5] =	ssyncset.done $0x0  }
0xde: {  	s0 =	rddreg [dreg:$0x17];
	[sflag:s5] =	ssyncadd.s32 $0xFFFF3000  }
0xdf: {  	[tilespmem:s31], [sflag:$0x3] =	stream.linear.gather [hbm4b:s0+s2], $0x1A0, $0x38;
	[tilespmem:$0x1AB00] =	vst v63  }
0xe0: {  	_ =	swait.ge [sflag:s5], $0x1A0  }
0xe1: {  	[sflag:s5] =	ssyncset.done $0x0  }
0xe2: {  	[sflag:s5] =	ssyncadd.s32 $0xFFFFFE60  }
0xe3: {  	[tilespmem:s26], [sflag:$0x2] =	stream.indirect.gather [hbm4b:s24+s30], $0x80, s31, s30, $0xb8;
	[tilespmem:$0x1AB00] =	vst v63  }
0xe4: {  	_ =	swait.ge [sflag:s9], $0xD000  }
0xe5: {  	[sflag:s9] =	ssyncset.done $0x0  }
0xe6: {  	s0 =	rddreg [dreg:$0x18];
	[sflag:s9] =	ssyncadd.s32 $0xFFFF3000  }
0xe7: {  	[hbm4b:s0+s2] =	stream.linear.scatter [tilespmem:s28], [sflag:$0x3], $0xD000, $0x38;
	[tilespmem:$0x1AB00] =	vst v63  }
0xe8: {  	_ =	swait.ge [sflag:s5], $0xD000  }
0xe9: {  	[sflag:s5] =	ssyncset.done $0x0  }
0xea: {  	s0 =	rddreg [dreg:$0x19];
	[sflag:s5] =	ssyncadd.s32 $0xFFFF3000  }
0xeb: {  	[tilespmem:s2], [sflag:$0x3] =	stream.linear.gather [hbm4b:s0+s2], $0x1A0, $0x38;
	[tilespmem:$0x1AB00] =	vst v63  }
0xec: {  	_ =	swait.ge [sflag:s5], $0x1A0  }
0xed: {  	[sflag:s5] =	ssyncset.done $0x0  }
0xee: {  	[sflag:s5] =	ssyncadd.s32 $0xFFFFFE60  }
0xef: {  	[tilespmem:s28], [sflag:$0x1] =	stream.indirect.gather [hbm4b:s25+s30], $0x80, s2, s30, $0xb8;
	[tilespmem:$0x1AB00] =	vst v63  }
0xf0: {  	_ =	swait.ge [sflag:s29], $0xD000  }
0xf1: {  	[sflag:s29] =	ssyncset.done $0x0  }
0xf2: {  	s0 =	rddreg [dreg:$0x1a];
	[sflag:s29] =	ssyncadd.s32 $0xFFFF3000  }
0xf3: {  	[hbm4b:s0+s2] =	stream.linear.scatter [tilespmem:s26], [sflag:$0x3], $0xD000, $0x38;
	[tilespmem:$0x1AB00] =	vst v63  }
0xf4: {  	_ =	swait.ge [sflag:s5], $0xD000  }
0xf5: {  	[sflag:s5] =	ssyncset.done $0x0  }
0xf6: {  	s0 =	rddreg [dreg:$0x1b];
	[sflag:s5] =	ssyncadd.s32 $0xFFFF3000  }
0xf7: {  	[tilespmem:s31], [sflag:$0x3] =	stream.linear.gather [hbm4b:s0+s2], $0x1A0, $0x38;
	[tilespmem:$0x1AB00] =	vst v63  }
0xf8: {  	_ =	swait.ge [sflag:s5], $0x1A0  }
0xf9: {  	[sflag:s5] =	ssyncset.done $0x0  }
0xfa: {  	[sflag:s5] =	ssyncadd.s32 $0xFFFFFE60  }
0xfb: {  	[tilespmem:s26], [sflag:$0x2] =	stream.indirect.gather [hbm4b:s24+s30], $0x80, s31, s30, $0xb8;
	[tilespmem:$0x1AB00] =	vst v63  }
0xfc: {  	_ =	swait.ge [sflag:s9], $0xD000  }
0xfd: {  	[sflag:s9] =	ssyncset.done $0x0  }
0xfe: {  	s0 =	rddreg [dreg:$0x1c];
	[sflag:s9] =	ssyncadd.s32 $0xFFFF3000  }
0xff: {  	[hbm4b:s0+s2] =	stream.linear.scatter [tilespmem:s28], [sflag:$0x3], $0xD000, $0x38;
	[tilespmem:$0x1AB00] =	vst v63  }
0x100: {  	_ =	swait.ge [sflag:s5], $0xD000  }
0x101: {  	[sflag:s5] =	ssyncset.done $0x0  }
0x102: {  	s0 =	rddreg [dreg:$0x1d];
	[sflag:s5] =	ssyncadd.s32 $0xFFFF3000  }
0x103: {  	[tilespmem:s2], [sflag:$0x3] =	stream.linear.gather [hbm4b:s0+s2], $0x1A0, $0x38;
	[tilespmem:$0x1AB00] =	vst v63  }
0x104: {  	_ =	swait.ge [sflag:s5], $0x1A0  }
0x105: {  	[sflag:s5] =	ssyncset.done $0x0  }
0x106: {  	[sflag:s5] =	ssyncadd.s32 $0xFFFFFE60  }
0x107: {  	[tilespmem:s28], [sflag:$0x1] =	stream.indirect.gather [hbm4b:s25+s30], $0x80, s2, s30, $0xb8;
	[tilespmem:$0x1AB00] =	vst v63  }
0x108: {  	_ =	swait.ge [sflag:s29], $0xD000  }
0x109: {  	[sflag:s29] =	ssyncset.done $0x0  }
0x10a: {  	s0 =	rddreg [dreg:$0x1e];
	[sflag:s29] =	ssyncadd.s32 $0xFFFF3000  }
0x10b: {  	[hbm4b:s0+s2] =	stream.linear.scatter [tilespmem:s26], [sflag:$0x3], $0xD000, $0x38;
	[tilespmem:$0x1AB00] =	vst v63  }
0x10c: {  	_ =	swait.ge [sflag:s5], $0xD000  }
0x10d: {  	[sflag:s5] =	ssyncset.done $0x0  }
0x10e: {  	s0 =	rddreg [dreg:$0x1f];
	[sflag:s5] =	ssyncadd.s32 $0xFFFF3000  }
0x10f: {  	[tilespmem:s31], [sflag:$0x3] =	stream.linear.gather [hbm4b:s0+s2], $0x1A0, $0x38;
	[tilespmem:$0x1AB00] =	vst v63  }
0x110: {  	_ =	swait.ge [sflag:s5], $0x1A0  }
0x111: {  	[sflag:s5] =	ssyncset.done $0x0  }
0x112: {  	[sflag:s5] =	ssyncadd.s32 $0xFFFFFE60  }
0x113: {  	[tilespmem:s26], [sflag:$0x2] =	stream.indirect.gather [hbm4b:s24+s30], $0x80, s31, s30, $0xb8;
	[tilespmem:$0x1AB00] =	vst v63  }
0x114: {  	_ =	swait.ge [sflag:s9], $0xD000  }
0x115: {  	s0 =	sld [smem:$0x7CA]  }
0x116: {  	[sflag:s9] =	ssyncset.done $0x0  }
0x117: {  	[sflag:s9] =	ssyncadd.s32 $0xFFFF3000  }
0x118: {  	[hbm4b:s0+s2] =	stream.linear.scatter [tilespmem:s28], [sflag:$0x3], $0xD000, $0x38;
	[tilespmem:$0x1AB00] =	vst v63  }
0x119: {  	_ =	swait.ge [sflag:s5], $0xD000  }
0x11a: {  	s0 =	sld [smem:$0x7CB]  }
0x11b: {  	[sflag:s5] =	ssyncset.done $0x0  }
0x11c: {  	[sflag:s5] =	ssyncadd.s32 $0xFFFF3000  }
0x11d: {  	[tilespmem:s2], [sflag:$0x3] =	stream.linear.gather [hbm4b:s0+s2], $0x1A0, $0x38;
	[tilespmem:$0x1AB00] =	vst v63  }
0x11e: {  	_ =	swait.ge [sflag:s5], $0x1A0  }
0x11f: {  	[sflag:s5] =	ssyncset.done $0x0  }
0x120: {  	[sflag:s5] =	ssyncadd.s32 $0xFFFFFE60  }
0x121: {  	[tilespmem:s28], [sflag:$0x1] =	stream.indirect.gather [hbm4b:s25+s30], $0x80, s2, s30, $0xb8;
	[tilespmem:$0x1AB00] =	vst v63  }
0x122: {  	_ =	swait.ge [sflag:s29], $0xD000  }
0x123: {  	s0 =	sld [smem:$0x7CC]  }
0x124: {  	[sflag:s29] =	ssyncset.done $0x0  }
0x125: {  	[sflag:s29] =	ssyncadd.s32 $0xFFFF3000  }
0x126: {  	[hbm4b:s0+s2] =	stream.linear.scatter [tilespmem:s26], [sflag:$0x3], $0xD000, $0x38;
	[tilespmem:$0x1AB00] =	vst v63  }
0x127: {  	_ =	swait.ge [sflag:s5], $0xD000  }
0x128: {  	s0 =	sld [smem:$0x7CD]  }
0x129: {  	[sflag:s5] =	ssyncset.done $0x0  }
0x12a: {  	[sflag:s5] =	ssyncadd.s32 $0xFFFF3000  }
0x12b: {  	[tilespmem:s31], [sflag:$0x3] =	stream.linear.gather [hbm4b:s0+s2], $0x1A0, $0x38;
	[tilespmem:$0x1AB00] =	vst v63  }
0x12c: {  	_ =	swait.ge [sflag:s5], $0x1A0  }
0x12d: {  	[sflag:s5] =	ssyncset.done $0x0  }
0x12e: {  	[sflag:s5] =	ssyncadd.s32 $0xFFFFFE60  }
0x12f: {  	[tilespmem:s26], [sflag:$0x2] =	stream.indirect.gather [hbm4b:s24+s30], $0x80, s31, s30, $0xb8;
	[tilespmem:$0x1AB00] =	vst v63  }
0x130: {  	_ =	swait.ge [sflag:s9], $0xD000  }
0x131: {  	s0 =	sld [smem:$0x7CE]  }
0x132: {  	[sflag:s9] =	ssyncset.done $0x0  }
0x133: {  	[sflag:s9] =	ssyncadd.s32 $0xFFFF3000  }
0x134: {  	[hbm4b:s0+s2] =	stream.linear.scatter [tilespmem:s28], [sflag:$0x3], $0xD000, $0x38;
	[tilespmem:$0x1AB00] =	vst v63  }
0x135: {  	_ =	swait.ge [sflag:s5], $0xD000  }
0x136: {  	s0 =	sld [smem:$0x7CF]  }
0x137: {  	[sflag:s5] =	ssyncset.done $0x0  }
0x138: {  	[sflag:s5] =	ssyncadd.s32 $0xFFFF3000  }
0x139: {  	[tilespmem:s2], [sflag:$0x3] =	stream.linear.gather [hbm4b:s0+s2], $0x1A0, $0x38;
	[tilespmem:$0x1AB00] =	vst v63  }
0x13a: {  	_ =	swait.ge [sflag:s5], $0x1A0  }
0x13b: {  	[sflag:s5] =	ssyncset.done $0x0  }
0x13c: {  	[sflag:s5] =	ssyncadd.s32 $0xFFFFFE60  }
0x13d: {  	[tilespmem:s28], [sflag:$0x1] =	stream.indirect.gather [hbm4b:s25+s30], $0x80, s2, s30, $0xb8;
	[tilespmem:$0x1AB00] =	vst v63  }
0x13e: {  	_ =	swait.ge [sflag:s29], $0xD000  }
0x13f: {  	s0 =	sld [smem:$0x7D0]  }
0x140: {  	[sflag:s29] =	ssyncset.done $0x0  }
0x141: {  	[sflag:s29] =	ssyncadd.s32 $0xFFFF3000  }
0x142: {  	[hbm4b:s0+s2] =	stream.linear.scatter [tilespmem:s26], [sflag:$0x3], $0xD000, $0x38;
	[tilespmem:$0x1AB00] =	vst v63  }
0x143: {  	_ =	swait.ge [sflag:s5], $0xD000  }
0x144: {  	s0 =	sld [smem:$0x7D1]  }
0x145: {  	[sflag:s5] =	ssyncset.done $0x0  }
0x146: {  	[sflag:s5] =	ssyncadd.s32 $0xFFFF3000  }
0x147: {  	[tilespmem:s31], [sflag:$0x3] =	stream.linear.gather [hbm4b:s0+s2], $0x1A0, $0x38;
	[tilespmem:$0x1AB00] =	vst v63  }
0x148: {  	_ =	swait.ge [sflag:s5], $0x1A0  }
0x149: {  	[sflag:s5] =	ssyncset.done $0x0  }
0x14a: {  	[sflag:s5] =	ssyncadd.s32 $0xFFFFFE60  }
0x14b: {  	[tilespmem:s26], [sflag:$0x2] =	stream.indirect.gather [hbm4b:s24+s30], $0x80, s31, s30, $0xb8;
	[tilespmem:$0x1AB00] =	vst v63  }
0x14c: {  	_ =	swait.ge [sflag:s9], $0xD000  }
0x14d: {  	s0 =	sld [smem:$0x7D2]  }
0x14e: {  	[sflag:s9] =	ssyncset.done $0x0  }
0x14f: {  	[sflag:s9] =	ssyncadd.s32 $0xFFFF3000  }
0x150: {  	[hbm4b:s0+s2] =	stream.linear.scatter [tilespmem:s28], [sflag:$0x3], $0xD000, $0x38;
	[tilespmem:$0x1AB00] =	vst v63  }
0x151: {  	_ =	swait.ge [sflag:s5], $0xD000  }
0x152: {  	s0 =	sld [smem:$0x7D3]  }
0x153: {  	[sflag:s5] =	ssyncset.done $0x0  }
0x154: {  	[sflag:s5] =	ssyncadd.s32 $0xFFFF3000  }
0x155: {  	[tilespmem:s2], [sflag:$0x3] =	stream.linear.gather [hbm4b:s0+s2], $0x1A0, $0x38;
	[tilespmem:$0x1AB00] =	vst v63  }
0x156: {  	_ =	swait.ge [sflag:s5], $0x1A0  }
0x157: {  	[sflag:s5] =	ssyncset.done $0x0  }
0x158: {  	[sflag:s5] =	ssyncadd.s32 $0xFFFFFE60  }
0x159: {  	[tilespmem:s28], [sflag:$0x1] =	stream.indirect.gather [hbm4b:s25+s30], $0x80, s2, s30, $0xb8;
	[tilespmem:$0x1AB00] =	vst v63  }
0x15a: {  	_ =	swait.ge [sflag:s29], $0xD000  }
0x15b: {  	s0 =	sld [smem:$0x7D4]  }
0x15c: {  	[sflag:s29] =	ssyncset.done $0x0  }
0x15d: {  	[sflag:s29] =	ssyncadd.s32 $0xFFFF3000  }
0x15e: {  	[hbm4b:s0+s2] =	stream.linear.scatter [tilespmem:s26], [sflag:$0x3], $0xD000, $0x38;
	[tilespmem:$0x1AB00] =	vst v63  }
0x15f: {  	_ =	swait.ge [sflag:s5], $0xD000  }
0x160: {  	s0 =	sld [smem:$0x7D5]  }
0x161: {  	[sflag:s5] =	ssyncset.done $0x0  }
0x162: {  	[sflag:s5] =	ssyncadd.s32 $0xFFFF3000  }
0x163: {  	[tilespmem:s31], [sflag:$0x3] =	stream.linear.gather [hbm4b:s0+s2], $0x1A0, $0x38;
	[tilespmem:$0x1AB00] =	vst v63  }
0x164: {  	_ =	swait.ge [sflag:s5], $0x1A0  }
0x165: {  	[sflag:s5] =	ssyncset.done $0x0  }
0x166: {  	[sflag:s5] =	ssyncadd.s32 $0xFFFFFE60  }
0x167: {  	[tilespmem:s26], [sflag:$0x2] =	stream.indirect.gather [hbm4b:s24+s30], $0x80, s31, s30, $0xb8;
	[tilespmem:$0x1AB00] =	vst v63  }
0x168: {  	_ =	swait.ge [sflag:s9], $0xD000  }
0x169: {  	s0 =	sld [smem:$0x7D6]  }
0x16a: {  	[sflag:s9] =	ssyncset.done $0x0  }
0x16b: {  	[sflag:s9] =	ssyncadd.s32 $0xFFFF3000  }
0x16c: {  	[hbm4b:s0+s2] =	stream.linear.scatter [tilespmem:s28], [sflag:$0x3], $0xD000, $0x38;
	[tilespmem:$0x1AB00] =	vst v63  }
0x16d: {  	_ =	swait.ge [sflag:s5], $0xD000  }
0x16e: {  	s0 =	sld [smem:$0x7D7]  }
0x16f: {  	[sflag:s5] =	ssyncset.done $0x0  }
0x170: {  	[sflag:s5] =	ssyncadd.s32 $0xFFFF3000  }
0x171: {  	[tilespmem:s2], [sflag:$0x3] =	stream.linear.gather [hbm4b:s0+s2], $0x1A0, $0x38;
	[tilespmem:$0x1AB00] =	vst v63  }
0x172: {  	_ =	swait.ge [sflag:s5], $0x1A0  }
0x173: {  	[sflag:s5] =	ssyncset.done $0x0  }
0x174: {  	[sflag:s5] =	ssyncadd.s32 $0xFFFFFE60  }
0x175: {  	[tilespmem:s28], [sflag:$0x1] =	stream.indirect.gather [hbm4b:s25+s30], $0x80, s2, s30, $0xb8;
	[tilespmem:$0x1AB00] =	vst v63  }
0x176: {  	_ =	swait.ge [sflag:s29], $0xD000  }
0x177: {  	s0 =	sld [smem:$0x7D8]  }
0x178: {  	[sflag:s29] =	ssyncset.done $0x0  }
0x179: {  	[sflag:s29] =	ssyncadd.s32 $0xFFFF3000  }
0x17a: {  	[hbm4b:s0+s2] =	stream.linear.scatter [tilespmem:s26], [sflag:$0x3], $0xD000, $0x38;
	[tilespmem:$0x1AB00] =	vst v63  }
0x17b: {  	_ =	swait.ge [sflag:s5], $0xD000  }
0x17c: {  	s0 =	sld [smem:$0x7D9]  }
0x17d: {  	[sflag:s5] =	ssyncset.done $0x0  }
0x17e: {  	[sflag:s5] =	ssyncadd.s32 $0xFFFF3000  }
0x17f: {  	[tilespmem:s31], [sflag:$0x3] =	stream.linear.gather [hbm4b:s0+s2], $0x1A0, $0x38;
	[tilespmem:$0x1AB00] =	vst v63  }
0x180: {  	_ =	swait.ge [sflag:s5], $0x1A0  }
0x181: {  	[sflag:s5] =	ssyncset.done $0x0  }
0x182: {  	[sflag:s5] =	ssyncadd.s32 $0xFFFFFE60  }
0x183: {  	[tilespmem:s26], [sflag:$0x2] =	stream.indirect.gather [hbm4b:s24+s30], $0x80, s31, s30, $0xb8;
	[tilespmem:$0x1AB00] =	vst v63  }
0x184: {  	_ =	swait.ge [sflag:s9], $0xD000  }
0x185: {  	s0 =	sld [smem:$0x7DA]  }
0x186: {  	[sflag:s9] =	ssyncset.done $0x0  }
0x187: {  	[sflag:s9] =	ssyncadd.s32 $0xFFFF3000  }
0x188: {  	[hbm4b:s0+s2] =	stream.linear.scatter [tilespmem:s28], [sflag:$0x3], $0xD000, $0x38;
	[tilespmem:$0x1AB00] =	vst v63  }
0x189: {  	_ =	swait.ge [sflag:s5], $0xD000  }
0x18a: {  	s0 =	sld [smem:$0x7DB]  }
0x18b: {  	[sflag:s5] =	ssyncset.done $0x0  }
0x18c: {  	[sflag:s5] =	ssyncadd.s32 $0xFFFF3000  }
0x18d: {  	[tilespmem:s2], [sflag:$0x3] =	stream.linear.gather [hbm4b:s0+s2], $0x1A0, $0x38;
	[tilespmem:$0x1AB00] =	vst v63  }
0x18e: {  	_ =	swait.ge [sflag:s5], $0x1A0  }
0x18f: {  	[sflag:s5] =	ssyncset.done $0x0  }
0x190: {  	[sflag:s5] =	ssyncadd.s32 $0xFFFFFE60  }
0x191: {  	[tilespmem:s28], [sflag:$0x1] =	stream.indirect.gather [hbm4b:s25+s30], $0x80, s2, s30, $0xb8;
	[tilespmem:$0x1AB00] =	vst v63  }
0x192: {  	_ =	swait.ge [sflag:s29], $0xD000  }
0x193: {  	s0 =	sld [smem:$0x7DC]  }
0x194: {  	[sflag:s29] =	ssyncset.done $0x0  }
0x195: {  	[sflag:s29] =	ssyncadd.s32 $0xFFFF3000  }
0x196: {  	[hbm4b:s0+s2] =	stream.linear.scatter [tilespmem:s26], [sflag:$0x3], $0xD000, $0x38;
	[tilespmem:$0x1AB00] =	vst v63  }
0x197: {  	_ =	swait.ge [sflag:s5], $0xD000  }
0x198: {  	s0 =	sld [smem:$0x7DD]  }
0x199: {  	[sflag:s5] =	ssyncset.done $0x0  }
0x19a: {  	[sflag:s5] =	ssyncadd.s32 $0xFFFF3000  }
0x19b: {  	[tilespmem:s31], [sflag:$0x3] =	stream.linear.gather [hbm4b:s0+s2], $0x1A0, $0x38;
	[tilespmem:$0x1AB00] =	vst v63  }
0x19c: {  	_ =	swait.ge [sflag:s5], $0x1A0  }
0x19d: {  	[sflag:s5] =	ssyncset.done $0x0  }
0x19e: {  	[sflag:s5] =	ssyncadd.s32 $0xFFFFFE60  }
0x19f: {  	[tilespmem:s26], [sflag:$0x2] =	stream.indirect.gather [hbm4b:s24+s30], $0x80, s31, s30, $0xb8;
	[tilespmem:$0x1AB00] =	vst v63  }
0x1a0: {  	_ =	swait.ge [sflag:s9], $0xD000  }
0x1a1: {  	s0 =	sld [smem:$0x7DE]  }
0x1a2: {  	[sflag:s9] =	ssyncset.done $0x0  }
0x1a3: {  	[sflag:s9] =	ssyncadd.s32 $0xFFFF3000  }
0x1a4: {  	[hbm4b:s0+s2] =	stream.linear.scatter [tilespmem:s28], [sflag:$0x3], $0xD000, $0x38;
	[tilespmem:$0x1AB00] =	vst v63  }
0x1a5: {  	_ =	swait.ge [sflag:s5], $0xD000  }
0x1a6: {  	s0 =	sld [smem:$0x7DF]  }
0x1a7: {  	[sflag:s5] =	ssyncset.done $0x0  }
0x1a8: {  	[sflag:s5] =	ssyncadd.s32 $0xFFFF3000  }
0x1a9: {  	[tilespmem:s2], [sflag:$0x3] =	stream.linear.gather [hbm4b:s0+s2], $0x1A0, $0x38;
	[tilespmem:$0x1AB00] =	vst v63  }
0x1aa: {  	_ =	swait.ge [sflag:s5], $0x1A0  }
0x1ab: {  	[sflag:s5] =	ssyncset.done $0x0  }
0x1ac: {  	[sflag:s5] =	ssyncadd.s32 $0xFFFFFE60  }
0x1ad: {  	[tilespmem:s28], [sflag:$0x1] =	stream.indirect.gather [hbm4b:s25+s30], $0x80, s2, s30, $0xb8;
	[tilespmem:$0x1AB00] =	vst v63  }
0x1ae: {  	_ =	swait.ge [sflag:s29], $0xD000  }
0x1af: {  	s0 =	sld [smem:$0x7E0]  }
0x1b0: {  	[sflag:s29] =	ssyncset.done $0x0  }
0x1b1: {  	[sflag:s29] =	ssyncadd.s32 $0xFFFF3000  }
0x1b2: {  	[hbm4b:s0+s2] =	stream.linear.scatter [tilespmem:s26], [sflag:$0x3], $0xD000, $0x38;
	[tilespmem:$0x1AB00] =	vst v63  }
0x1b3: {  	_ =	swait.ge [sflag:s5], $0xD000  }
0x1b4: {  	s0 =	sld [smem:$0x7E1]  }
0x1b5: {  	[sflag:s5] =	ssyncset.done $0x0  }
0x1b6: {  	[sflag:s5] =	ssyncadd.s32 $0xFFFF3000  }
0x1b7: {  	[tilespmem:s31], [sflag:$0x3] =	stream.linear.gather [hbm4b:s0+s2], $0x1A0, $0x38;
	[tilespmem:$0x1AB00] =	vst v63  }
0x1b8: {  	_ =	swait.ge [sflag:s5], $0x1A0  }
0x1b9: {  	[sflag:s5] =	ssyncset.done $0x0  }
0x1ba: {  	[sflag:s5] =	ssyncadd.s32 $0xFFFFFE60  }
0x1bb: {  	[tilespmem:s26], [sflag:$0x2] =	stream.indirect.gather [hbm4b:s24+s30], $0x80, s31, s30, $0xb8;
	[tilespmem:$0x1AB00] =	vst v63  }
0x1bc: {  	_ =	swait.ge [sflag:s9], $0xD000  }
0x1bd: {  	s0 =	sld [smem:$0x7E2]  }
0x1be: {  	[sflag:s9] =	ssyncset.done $0x0  }
0x1bf: {  	[sflag:s9] =	ssyncadd.s32 $0xFFFF3000  }
0x1c0: {  	[hbm4b:s0+s2] =	stream.linear.scatter [tilespmem:s28], [sflag:$0x3], $0xD000, $0x38;
	[tilespmem:$0x1AB00] =	vst v63  }
0x1c1: {  	_ =	swait.ge [sflag:s5], $0xD000  }
0x1c2: {  	s0 =	sld [smem:$0x7E3]  }
0x1c3: {  	[sflag:s5] =	ssyncset.done $0x0  }
0x1c4: {  	[sflag:s5] =	ssyncadd.s32 $0xFFFF3000  }
0x1c5: {  	[tilespmem:s2], [sflag:$0x3] =	stream.linear.gather [hbm4b:s0+s2], $0x1A0, $0x38;
	[tilespmem:$0x1AB00] =	vst v63  }
0x1c6: {  	_ =	swait.ge [sflag:s5], $0x1A0  }
0x1c7: {  	[sflag:s5] =	ssyncset.done $0x0  }
0x1c8: {  	[sflag:s5] =	ssyncadd.s32 $0xFFFFFE60  }
0x1c9: {  	[tilespmem:s28], [sflag:$0x1] =	stream.indirect.gather [hbm4b:s25+s30], $0x80, s2, s30, $0xb8;
	[tilespmem:$0x1AB00] =	vst v63  }
0x1ca: {  	_ =	swait.ge [sflag:s29], $0xD000  }
0x1cb: {  	s0 =	sld [smem:$0x7E4]  }
0x1cc: {  	[sflag:s29] =	ssyncset.done $0x0  }
0x1cd: {  	[sflag:s29] =	ssyncadd.s32 $0xFFFF3000  }
0x1ce: {  	[hbm4b:s0+s2] =	stream.linear.scatter [tilespmem:s26], [sflag:$0x3], $0xD000, $0x38;
	[tilespmem:$0x1AB00] =	vst v63  }
0x1cf: {  	_ =	swait.ge [sflag:s5], $0xD000  }
0x1d0: {  	s0 =	sld [smem:$0x7E5]  }
0x1d1: {  	[sflag:s5] =	ssyncset.done $0x0  }
0x1d2: {  	[sflag:s5] =	ssyncadd.s32 $0xFFFF3000  }
0x1d3: {  	[tilespmem:s31], [sflag:$0x3] =	stream.linear.gather [hbm4b:s0+s2], $0x1A0, $0x38;
	[tilespmem:$0x1AB00] =	vst v63  }
0x1d4: {  	_ =	swait.ge [sflag:s5], $0x1A0  }
0x1d5: {  	[sflag:s5] =	ssyncset.done $0x0  }
0x1d6: {  	[sflag:s5] =	ssyncadd.s32 $0xFFFFFE60  }
0x1d7: {  	[tilespmem:s26], [sflag:$0x2] =	stream.indirect.gather [hbm4b:s24+s30], $0x80, s31, s30, $0xb8;
	[tilespmem:$0x1AB00] =	vst v63  }
0x1d8: {  	_ =	swait.ge [sflag:s9], $0xD000  }
0x1d9: {  	s0 =	sld [smem:$0x7E6]  }
0x1da: {  	[sflag:s9] =	ssyncset.done $0x0  }
0x1db: {  	[sflag:s9] =	ssyncadd.s32 $0xFFFF3000  }
0x1dc: {  	[hbm4b:s0+s2] =	stream.linear.scatter [tilespmem:s28], [sflag:$0x3], $0xD000, $0x38;
	[tilespmem:$0x1AB00] =	vst v63  }
0x1dd: {  	_ =	swait.ge [sflag:s5], $0xD000  }
0x1de: {  	s0 =	sld [smem:$0x7E7]  }
0x1df: {  	[sflag:s5] =	ssyncset.done $0x0  }
0x1e0: {  	[sflag:s5] =	ssyncadd.s32 $0xFFFF3000  }
0x1e1: {  	[tilespmem:s2], [sflag:$0x3] =	stream.linear.gather [hbm4b:s0+s2], $0x1A0, $0x38;
	[tilespmem:$0x1AB00] =	vst v63  }
0x1e2: {  	_ =	swait.ge [sflag:s5], $0x1A0  }
0x1e3: {  	[sflag:s5] =	ssyncset.done $0x0  }
0x1e4: {  	[sflag:s5] =	ssyncadd.s32 $0xFFFFFE60  }
0x1e5: {  	[tilespmem:s28], [sflag:$0x1] =	stream.indirect.gather [hbm4b:s25+s30], $0x80, s2, s30, $0xb8;
	[tilespmem:$0x1AB00] =	vst v63  }
0x1e6: {  	_ =	swait.ge [sflag:s29], $0xD000  }
0x1e7: {  	s0 =	sld [smem:$0x7E8]  }
0x1e8: {  	[sflag:s29] =	ssyncset.done $0x0  }
0x1e9: {  	[sflag:s29] =	ssyncadd.s32 $0xFFFF3000  }
0x1ea: {  	[hbm4b:s0+s2] =	stream.linear.scatter [tilespmem:s26], [sflag:$0x3], $0xD000, $0x38;
	[tilespmem:$0x1AB00] =	vst v63  }
0x1eb: {  	_ =	swait.ge [sflag:s5], $0xD000  }
0x1ec: {  	s0 =	sld [smem:$0x7E9]  }
0x1ed: {  	[sflag:s5] =	ssyncset.done $0x0  }
0x1ee: {  	[sflag:s5] =	ssyncadd.s32 $0xFFFF3000  }
0x1ef: {  	[tilespmem:s31], [sflag:$0x3] =	stream.linear.gather [hbm4b:s0+s2], $0x1A0, $0x38;
	[tilespmem:$0x1AB00] =	vst v63  }
0x1f0: {  	_ =	swait.ge [sflag:s5], $0x1A0  }
0x1f1: {  	[sflag:s5] =	ssyncset.done $0x0  }
0x1f2: {  	[sflag:s5] =	ssyncadd.s32 $0xFFFFFE60  }
0x1f3: {  	[tilespmem:s26], [sflag:$0x2] =	stream.indirect.gather [hbm4b:s24+s30], $0x80, s31, s30, $0xb8;
	[tilespmem:$0x1AB00] =	vst v63  }
0x1f4: {  	_ =	swait.ge [sflag:s9], $0xD000  }
0x1f5: {  	s0 =	sld [smem:$0x7EA]  }
0x1f6: {  	[sflag:s9] =	ssyncset.done $0x0  }
0x1f7: {  	[sflag:s9] =	ssyncadd.s32 $0xFFFF3000  }
0x1f8: {  	[hbm4b:s0+s2] =	stream.linear.scatter [tilespmem:s28], [sflag:$0x3], $0xD000, $0x38;
	[tilespmem:$0x1AB00] =	vst v63  }
0x1f9: {  	_ =	swait.ge [sflag:s5], $0xD000  }
0x1fa: {  	[sflag:s5] =	ssyncset.done $0x0  }
0x1fb: {  	[sflag:s5] =	ssyncadd.s32 $0xFFFF3000  }
0x1fc: {  	_ =	swait.ge [sflag:s29], $0xD000  }
0x1fd: {  	s0 =	sld [smem:$0x7EB]  }
0x1fe: {  	[sflag:s29] =	ssyncset.done $0x0  }
0x1ff: {  	[sflag:s29] =	ssyncadd.s32 $0xFFFF3000  }
0x200: {  	[hbm4b:s0+s2] =	stream.linear.scatter [tilespmem:s26], [sflag:$0x3], $0xD000, $0x38;
	[tilespmem:$0x1AB00] =	vst v63  }
0x201: {  	_ =	swait.ge [sflag:s5], $0xD000  }
0x202: {  	s0 =	sld [smem:$0x7EC]  }
0x203: {  	[sflag:s5] =	ssyncset.done $0x0  }
0x204: {  	[sflag:s5] =	ssyncadd.s32 $0xFFFF3000  }
0x205: {  	[tilespmem:s11], [sflag:$0x3] =	stream.linear.gather [hbm4b:s0+s2], $0x340, $0x38;
	[tilespmem:$0x1AB00] =	vst v63  }
0x206: {  	_ =	swait.ge [sflag:s5], $0x340  }
0x207: {  	[sflag:s5] =	ssyncset.done $0x0  }
0x208: {  	[sflag:s5] =	ssyncadd.s32 $0xFFFFFCC0  }
0x209: {  	[tilespmem:s10], [sflag:$0x1] =	stream.indirect.gather [hbm4b:s4+s13], $0x1, s11, s13, $0xb8;
	[tilespmem:$0x1AB00] =	vst v63  }
0x20a: {  	_ =	swait.ge [sflag:s9], $0x340  }
0x20b: {  	s0 =	sld [smem:$0x7ED]  }
0x20c: {  	[sflag:s9] =	ssyncset.done $0x0  }
0x20d: {  	[sflag:s9] =	ssyncadd.s32 $0xFFFFFCC0  }
0x20e: {  	[hbm4b:s0+s2] =	stream.linear.scatter [tilespmem:s10], [sflag:$0x3], $0x340, $0x38;
	[tilespmem:$0x1AB00] =	vst v63  }
0x20f: {  	_ =	swait.ge [sflag:s5], $0x340  }
0x210: {  	s0 =	sld [smem:$0x7EE]  }
0x211: {  	[sflag:s5] =	ssyncset.done $0x0  }
0x212: {  	[sflag:s5] =	ssyncadd.s32 $0xFFFFFCC0  }
0x213: {  	[tilespmem:s11], [sflag:$0x3] =	stream.linear.gather [hbm4b:s0+s2], $0x340, $0x38;
	[tilespmem:$0x1AB00] =	vst v63  }
0x214: {  	_ =	swait.ge [sflag:s5], $0x340  }
0x215: {  	[sflag:s5] =	ssyncset.done $0x0  }
0x216: {  	[sflag:s5] =	ssyncadd.s32 $0xFFFFFCC0  }
0x217: {  	[tilespmem:s10], [sflag:$0x1] =	stream.indirect.gather [hbm4b:s3+s13], $0x1, s11, s13, $0xb8;
	[tilespmem:$0x1AB00] =	vst v63  }
0x218: {  	_ =	swait.ge [sflag:s9], $0x340  }
0x219: {  	s0 =	sld [smem:$0x7EF]  }
0x21a: {  	[sflag:s9] =	ssyncset.done $0x0  }
0x21b: {  	[sflag:s9] =	ssyncadd.s32 $0xFFFFFCC0  }
0x21c: {  	[hbm4b:s0+s2] =	stream.linear.scatter [tilespmem:s10], [sflag:$0x3], $0x340, $0x38;
	[tilespmem:$0x1AB00] =	vst v63  }
0x21d: {  	_ =	swait.ge [sflag:s5], $0x340  }
0x21e: {  	s0 =	sld [smem:$0x7F0]  }
0x21f: {  	[sflag:s5] =	ssyncset.done $0x0  }
0x220: {  	[sflag:s5] =	ssyncadd.s32 $0xFFFFFCC0  }
0x221: {  	[tilespmem:s11], [sflag:$0x3] =	stream.linear.gather [hbm4b:s0+s2], $0x340, $0x38;
	[tilespmem:$0x1AB00] =	vst v63  }
0x222: {  	_ =	swait.ge [sflag:s5], $0x340  }
0x223: {  	[sflag:s5] =	ssyncset.done $0x0  }
0x224: {  	[sflag:s5] =	ssyncadd.s32 $0xFFFFFCC0  }
0x225: {  	[tilespmem:s10], [sflag:$0x1] =	stream.indirect.gather [hbm4b:s4+s13], $0x1, s11, s13, $0xb8;
	[tilespmem:$0x1AB00] =	vst v63  }
0x226: {  	_ =	swait.ge [sflag:s9], $0x340  }
0x227: {  	s0 =	sld [smem:$0x7F1]  }
0x228: {  	[sflag:s9] =	ssyncset.done $0x0  }
0x229: {  	[sflag:s9] =	ssyncadd.s32 $0xFFFFFCC0  }
0x22a: {  	[hbm4b:s0+s2] =	stream.linear.scatter [tilespmem:s10], [sflag:$0x3], $0x340, $0x38;
	[tilespmem:$0x1AB00] =	vst v63  }
0x22b: {  	_ =	swait.ge [sflag:s5], $0x340  }
0x22c: {  	s0 =	sld [smem:$0x7F2]  }
0x22d: {  	[sflag:s5] =	ssyncset.done $0x0  }
0x22e: {  	[sflag:s5] =	ssyncadd.s32 $0xFFFFFCC0  }
0x22f: {  	[tilespmem:s11], [sflag:$0x3] =	stream.linear.gather [hbm4b:s0+s2], $0x340, $0x38;
	[tilespmem:$0x1AB00] =	vst v63  }
0x230: {  	_ =	swait.ge [sflag:s5], $0x340  }
0x231: {  	[sflag:s5] =	ssyncset.done $0x0  }
0x232: {  	[sflag:s5] =	ssyncadd.s32 $0xFFFFFCC0  }
0x233: {  	[tilespmem:s10], [sflag:$0x1] =	stream.indirect.gather [hbm4b:s3+s13], $0x1, s11, s13, $0xb8;
	[tilespmem:$0x1AB00] =	vst v63  }
0x234: {  	_ =	swait.ge [sflag:s9], $0x340  }
0x235: {  	s0 =	sld [smem:$0x7F3]  }
0x236: {  	[sflag:s9] =	ssyncset.done $0x0  }
0x237: {  	[sflag:s9] =	ssyncadd.s32 $0xFFFFFCC0  }
0x238: {  	[hbm4b:s0+s2] =	stream.linear.scatter [tilespmem:s10], [sflag:$0x3], $0x340, $0x38;
	[tilespmem:$0x1AB00] =	vst v63  }
0x239: {  	_ =	swait.ge [sflag:s5], $0x340  }
0x23a: {  	s0 =	sld [smem:$0x7F4]  }
0x23b: {  	[sflag:s5] =	ssyncset.done $0x0  }
0x23c: {  	[sflag:s5] =	ssyncadd.s32 $0xFFFFFCC0  }
0x23d: {  	[tilespmem:s11], [sflag:$0x3] =	stream.linear.gather [hbm4b:s0+s2], $0x340, $0x38;
	[tilespmem:$0x1AB00] =	vst v63  }
0x23e: {  	_ =	swait.ge [sflag:s5], $0x340  }
0x23f: {  	[sflag:s5] =	ssyncset.done $0x0  }
0x240: {  	[sflag:s5] =	ssyncadd.s32 $0xFFFFFCC0  }
0x241: {  	[tilespmem:s10], [sflag:$0x1] =	stream.indirect.gather [hbm4b:s4+s13], $0x1, s11, s13, $0xb8;
	[tilespmem:$0x1AB00] =	vst v63  }
0x242: {  	_ =	swait.ge [sflag:s9], $0x340  }
0x243: {  	s0 =	sld [smem:$0x7F5]  }
0x244: {  	[sflag:s9] =	ssyncset.done $0x0  }
0x245: {  	[sflag:s9] =	ssyncadd.s32 $0xFFFFFCC0  }
0x246: {  	[hbm4b:s0+s2] =	stream.linear.scatter [tilespmem:s10], [sflag:$0x3], $0x340, $0x38;
	[tilespmem:$0x1AB00] =	vst v63  }
0x247: {  	_ =	swait.ge [sflag:s5], $0x340  }
0x248: {  	s0 =	sld [smem:$0x7F6]  }
0x249: {  	[sflag:s5] =	ssyncset.done $0x0  }
0x24a: {  	[sflag:s5] =	ssyncadd.s32 $0xFFFFFCC0  }
0x24b: {  	[tilespmem:s11], [sflag:$0x3] =	stream.linear.gather [hbm4b:s0+s2], $0x340, $0x38;
	[tilespmem:$0x1AB00] =	vst v63  }
0x24c: {  	_ =	swait.ge [sflag:s5], $0x340  }
0x24d: {  	[sflag:s5] =	ssyncset.done $0x0  }
0x24e: {  	[sflag:s5] =	ssyncadd.s32 $0xFFFFFCC0  }
0x24f: {  	[tilespmem:s10], [sflag:$0x1] =	stream.indirect.gather [hbm4b:s3+s13], $0x1, s11, s13, $0xb8;
	[tilespmem:$0x1AB00] =	vst v63  }
0x250: {  	_ =	swait.ge [sflag:s9], $0x340  }
0x251: {  	s0 =	sld [smem:$0x7F7]  }
0x252: {  	[sflag:s9] =	ssyncset.done $0x0  }
0x253: {  	[sflag:s9] =	ssyncadd.s32 $0xFFFFFCC0  }
0x254: {  	[hbm4b:s0+s2] =	stream.linear.scatter [tilespmem:s10], [sflag:$0x3], $0x340, $0x38;
	[tilespmem:$0x1AB00] =	vst v63  }
0x255: {  	_ =	swait.ge [sflag:s5], $0x340  }
0x256: {  	s0 =	sld [smem:$0x7F8]  }
0x257: {  	[sflag:s5] =	ssyncset.done $0x0  }
0x258: {  	[sflag:s5] =	ssyncadd.s32 $0xFFFFFCC0  }
0x259: {  	[tilespmem:s11], [sflag:$0x3] =	stream.linear.gather [hbm4b:s0+s2], $0x340, $0x38;
	[tilespmem:$0x1AB00] =	vst v63  }
0x25a: {  	_ =	swait.ge [sflag:s5], $0x340  }
0x25b: {  	[sflag:s5] =	ssyncset.done $0x0  }
0x25c: {  	[sflag:s5] =	ssyncadd.s32 $0xFFFFFCC0  }
0x25d: {  	[tilespmem:s10], [sflag:$0x1] =	stream.indirect.gather [hbm4b:s4+s13], $0x1, s11, s13, $0xb8;
	[tilespmem:$0x1AB00] =	vst v63  }
0x25e: {  	_ =	swait.ge [sflag:s9], $0x340  }
0x25f: {  	s0 =	sld [smem:$0x7F9]  }
0x260: {  	[sflag:s9] =	ssyncset.done $0x0  }
0x261: {  	[sflag:s9] =	ssyncadd.s32 $0xFFFFFCC0  }
0x262: {  	[hbm4b:s0+s2] =	stream.linear.scatter [tilespmem:s10], [sflag:$0x3], $0x340, $0x38;
	[tilespmem:$0x1AB00] =	vst v63  }
0x263: {  	_ =	swait.ge [sflag:s5], $0x340  }
0x264: {  	s0 =	sld [smem:$0x7FA]  }
0x265: {  	[sflag:s5] =	ssyncset.done $0x0  }
0x266: {  	[sflag:s5] =	ssyncadd.s32 $0xFFFFFCC0  }
0x267: {  	[tilespmem:s11], [sflag:$0x3] =	stream.linear.gather [hbm4b:s0+s2], $0x340, $0x38;
	[tilespmem:$0x1AB00] =	vst v63  }
0x268: {  	_ =	swait.ge [sflag:s5], $0x340  }
0x269: {  	[sflag:s5] =	ssyncset.done $0x0  }
0x26a: {  	[sflag:s5] =	ssyncadd.s32 $0xFFFFFCC0  }
0x26b: {  	[tilespmem:s10], [sflag:$0x1] =	stream.indirect.gather [hbm4b:s3+s13], $0x1, s11, s13, $0xb8;
	[tilespmem:$0x1AB00] =	vst v63  }
0x26c: {  	_ =	swait.ge [sflag:s9], $0x340  }
0x26d: {  	s0 =	sld [smem:$0x7FB]  }
0x26e: {  	[sflag:s9] =	ssyncset.done $0x0  }
0x26f: {  	[sflag:s9] =	ssyncadd.s32 $0xFFFFFCC0  }
0x270: {  	[hbm4b:s0+s2] =	stream.linear.scatter [tilespmem:s10], [sflag:$0x3], $0x340, $0x38;
	[tilespmem:$0x1AB00] =	vst v63  }
0x271: {  	_ =	swait.ge [sflag:s5], $0x340  }
0x272: {  	s0 =	sld [smem:$0x7FC]  }
0x273: {  	[sflag:s5] =	ssyncset.done $0x0  }
0x274: {  	[sflag:s5] =	ssyncadd.s32 $0xFFFFFCC0  }
0x275: {  	[tilespmem:s11], [sflag:$0x3] =	stream.linear.gather [hbm4b:s0+s2], $0x340, $0x38;
	[tilespmem:$0x1AB00] =	vst v63  }
0x276: {  	_ =	swait.ge [sflag:s5], $0x340  }
0x277: {  	[sflag:s5] =	ssyncset.done $0x0  }
0x278: {  	[sflag:s5] =	ssyncadd.s32 $0xFFFFFCC0  }
0x279: {  	[tilespmem:s10], [sflag:$0x1] =	stream.indirect.gather [hbm4b:s4+s13], $0x1, s11, s13, $0xb8;
	[tilespmem:$0x1AB00] =	vst v63  }
0x27a: {  	_ =	swait.ge [sflag:s9], $0x340  }
0x27b: {  	s0 =	sld [smem:$0x7FD]  }
0x27c: {  	[sflag:s9] =	ssyncset.done $0x0  }
0x27d: {  	[sflag:s9] =	ssyncadd.s32 $0xFFFFFCC0  }
0x27e: {  	[hbm4b:s0+s2] =	stream.linear.scatter [tilespmem:s10], [sflag:$0x3], $0x340, $0x38;
	[tilespmem:$0x1AB00] =	vst v63  }
0x27f: {  	_ =	swait.ge [sflag:s5], $0x340  }
0x280: {  	[sflag:s5] =	ssyncset.done $0x0  }
0x281: {  	[sflag:s5] =	ssyncadd.s32 $0xFFFFFCC0  }
0x282: {  	[tilespmem:s11], [sflag:$0x3] =	stream.linear.gather [hbm4b:s23+s2], $0x340, $0x38;
	[tilespmem:$0x1AB00] =	vst v63  }
0x283: {  	_ =	swait.ge [sflag:s5], $0x340  }
0x284: {  	[sflag:s5] =	ssyncset.done $0x0  }
0x285: {  	[sflag:s5] =	ssyncadd.s32 $0xFFFFFCC0  }
0x286: {  	[tilespmem:s10], [sflag:$0x1] =	stream.indirect.gather [hbm4b:s3+s13], $0x1, s11, s13, $0xb8;
	[tilespmem:$0x1AB00] =	vst v63  }
0x287: {  	_ =	swait.ge [sflag:s9], $0x340  }
0x288: {  	[sflag:s9] =	ssyncset.done $0x0  }
0x289: {  	[sflag:s9] =	ssyncadd.s32 $0xFFFFFCC0  }
0x28a: {  	[hbm4b:s22+s2] =	stream.linear.scatter [tilespmem:s10], [sflag:$0x3], $0x340, $0x38;
	[tilespmem:$0x1AB00] =	vst v63  }
0x28b: {  	_ =	swait.ge [sflag:s5], $0x340  }
0x28c: {  	[sflag:s5] =	ssyncset.done $0x0  }
0x28d: {  	[sflag:s5] =	ssyncadd.s32 $0xFFFFFCC0  }
0x28e: {  	[tilespmem:s11], [sflag:$0x3] =	stream.linear.gather [hbm4b:s21+s2], $0x340, $0x38;
	[tilespmem:$0x1AB00] =	vst v63  }
0x28f: {  	_ =	swait.ge [sflag:s5], $0x340  }
0x290: {  	[sflag:s5] =	ssyncset.done $0x0  }
0x291: {  	[sflag:s5] =	ssyncadd.s32 $0xFFFFFCC0  }
0x292: {  	[tilespmem:s10], [sflag:$0x1] =	stream.indirect.gather [hbm4b:s4+s13], $0x1, s11, s13, $0xb8;
	[tilespmem:$0x1AB00] =	vst v63  }
0x293: {  	_ =	swait.ge [sflag:s9], $0x340  }
0x294: {  	[sflag:s9] =	ssyncset.done $0x0  }
0x295: {  	[sflag:s9] =	ssyncadd.s32 $0xFFFFFCC0  }
0x296: {  	[hbm4b:s20+s2] =	stream.linear.scatter [tilespmem:s10], [sflag:$0x3], $0x340, $0x38;
	[tilespmem:$0x1AB00] =	vst v63  }
0x297: {  	_ =	swait.ge [sflag:s5], $0x340  }
0x298: {  	[sflag:s5] =	ssyncset.done $0x0  }
0x299: {  	[sflag:s5] =	ssyncadd.s32 $0xFFFFFCC0  }
0x29a: {  	[tilespmem:s11], [sflag:$0x3] =	stream.linear.gather [hbm4b:s19+s2], $0x340, $0x38;
	[tilespmem:$0x1AB00] =	vst v63  }
0x29b: {  	_ =	swait.ge [sflag:s5], $0x340  }
0x29c: {  	[sflag:s5] =	ssyncset.done $0x0  }
0x29d: {  	[sflag:s5] =	ssyncadd.s32 $0xFFFFFCC0  }
0x29e: {  	[tilespmem:s10], [sflag:$0x1] =	stream.indirect.gather [hbm4b:s3+s13], $0x1, s11, s13, $0xb8;
	[tilespmem:$0x1AB00] =	vst v63  }
0x29f: {  	_ =	swait.ge [sflag:s9], $0x340  }
0x2a0: {  	[sflag:s9] =	ssyncset.done $0x0  }
0x2a1: {  	[sflag:s9] =	ssyncadd.s32 $0xFFFFFCC0  }
0x2a2: {  	[hbm4b:s18+s2] =	stream.linear.scatter [tilespmem:s10], [sflag:$0x3], $0x340, $0x38;
	[tilespmem:$0x1AB00] =	vst v63  }
0x2a3: {  	_ =	swait.ge [sflag:s5], $0x340  }
0x2a4: {  	[sflag:s5] =	ssyncset.done $0x0  }
0x2a5: {  	[sflag:s5] =	ssyncadd.s32 $0xFFFFFCC0  }
0x2a6: {  	[tilespmem:s11], [sflag:$0x3] =	stream.linear.gather [hbm4b:s17+s2], $0x340, $0x38;
	[tilespmem:$0x1AB00] =	vst v63  }
0x2a7: {  	_ =	swait.ge [sflag:s5], $0x340  }
0x2a8: {  	[sflag:s5] =	ssyncset.done $0x0  }
0x2a9: {  	[sflag:s5] =	ssyncadd.s32 $0xFFFFFCC0  }
0x2aa: {  	[tilespmem:s10], [sflag:$0x1] =	stream.indirect.gather [hbm4b:s4+s13], $0x1, s11, s13, $0xb8;
	[tilespmem:$0x1AB00] =	vst v63  }
0x2ab: {  	_ =	swait.ge [sflag:s9], $0x340  }
0x2ac: {  	[sflag:s9] =	ssyncset.done $0x0  }
0x2ad: {  	[sflag:s9] =	ssyncadd.s32 $0xFFFFFCC0  }
0x2ae: {  	[hbm4b:s16+s2] =	stream.linear.scatter [tilespmem:s10], [sflag:$0x3], $0x340, $0x38;
	[tilespmem:$0x1AB00] =	vst v63  }
0x2af: {  	_ =	swait.ge [sflag:s5], $0x340  }
0x2b0: {  	[sflag:s5] =	ssyncset.done $0x0  }
0x2b1: {  	[sflag:s5] =	ssyncadd.s32 $0xFFFFFCC0  }
0x2b2: {  	[tilespmem:s11], [sflag:$0x3] =	stream.linear.gather [hbm4b:s15+s2], $0x340, $0x38;
	[tilespmem:$0x1AB00] =	vst v63  }
0x2b3: {  	_ =	swait.ge [sflag:s5], $0x340  }
0x2b4: {  	[sflag:s5] =	ssyncset.done $0x0  }
0x2b5: {  	[sflag:s5] =	ssyncadd.s32 $0xFFFFFCC0  }
0x2b6: {  	[tilespmem:s10], [sflag:$0x1] =	stream.indirect.gather [hbm4b:s3+s13], $0x1, s11, s13, $0xb8;
	[tilespmem:$0x1AB00] =	vst v63  }
0x2b7: {  	_ =	swait.ge [sflag:s9], $0x340  }
0x2b8: {  	[sflag:s9] =	ssyncset.done $0x0  }
0x2b9: {  	[sflag:s9] =	ssyncadd.s32 $0xFFFFFCC0  }
0x2ba: {  	[hbm4b:s14+s2] =	stream.linear.scatter [tilespmem:s10], [sflag:$0x3], $0x340, $0x38;
	[tilespmem:$0x1AB00] =	vst v63  }
0x2bb: {  	_ =	swait.ge [sflag:s5], $0x340  }
0x2bc: {  	[sflag:s5] =	ssyncset.done $0x0  }
0x2bd: {  	[sflag:s5] =	ssyncadd.s32 $0xFFFFFCC0  }
0x2be: {  	[tilespmem:s11], [sflag:$0x3] =	stream.linear.gather [hbm4b:s12+s2], $0x340, $0x38;
	[tilespmem:$0x1AB00] =	vst v63  }
0x2bf: {  	_ =	swait.ge [sflag:s5], $0x340  }
0x2c0: {  	[sflag:s5] =	ssyncset.done $0x0  }
0x2c1: {  	[sflag:s5] =	ssyncadd.s32 $0xFFFFFCC0  }
0x2c2: {  	[tilespmem:s10], [sflag:$0x1] =	stream.indirect.gather [hbm4b:s4+s13], $0x1, s11, s13, $0xb8;
	[tilespmem:$0x1AB00] =	vst v63  }
0x2c3: {  	_ =	swait.ge [sflag:s9], $0x340  }
0x2c4: {  	[sflag:s9] =	ssyncset.done $0x0  }
0x2c5: {  	[sflag:s9] =	ssyncadd.s32 $0xFFFFFCC0  }
0x2c6: {  	[hbm4b:s8+s2] =	stream.linear.scatter [tilespmem:s10], [sflag:$0x3], $0x340, $0x38;
	[tilespmem:$0x1AB00] =	vst v63  }
0x2c7: {  	_ =	swait.ge [sflag:s5], $0x340  }
0x2c8: {  	[sflag:s5] =	ssyncset.done $0x0  }
0x2c9: {  	[sflag:s5] =	ssyncadd.s32 $0xFFFFFCC0  }
0x2ca: {  	[tilespmem:s11], [sflag:$0x3] =	stream.linear.gather [hbm4b:s7+s2], $0x340, $0x38;
	[tilespmem:$0x1AB00] =	vst v63  }
0x2cb: {  	_ =	swait.ge [sflag:s5], $0x340  }
0x2cc: {  	[sflag:s5] =	ssyncset.done $0x0  }
0x2cd: {  	[sflag:s5] =	ssyncadd.s32 $0xFFFFFCC0  }
0x2ce: {  	[tilespmem:s10], [sflag:$0x1] =	stream.indirect.gather [hbm4b:s3+s13], $0x1, s11, s13, $0xb8;
	[tilespmem:$0x1AB00] =	vst v63  }
0x2cf: {  	p1 =	sne.s32 s1, $0x1;
	_ =	swait.ge [sflag:s9], $0x340  }
.Ltmp1:
0x2d0: {  	[sflag:s9] =	ssyncset.done $0x0;
	(pc) =	sbr.rel @!p1 .LBB2_3-.Ltmp1, $4  }
0x2d1: {  	[sflag:s9] =	ssyncadd.s32 $0xFFFFFCC0  }
0x2d2: {  	[hbm4b:s6+s2] =	stream.linear.scatter [tilespmem:s10], [sflag:$0x3], $0x340, $0x38;
	[tilespmem:$0x1AB00] =	vst v63  }
0x2d3: {  	s1 =	sadd.s32 $0xFFFFFFFF, s1;
	_ =	swait.ge [sflag:s5], $0x340  }
0x2d4: {  	p0 =	por $0x1, $0x1;
	s0 =	rddreg [dreg:$0x2];
	[sflag:s5] =	ssyncset.done $0x0  }
.LBB2_2:
0x2d5: {  	[sflag:s5] =	ssyncadd.s32 $0xFFFFFCC0  }
0x2d6: {  	[tilespmem:s2], [sflag:$0x3] =	stream.linear.gather [hbm4b:s0+s2], $0x1A0, $0x38;
	[tilespmem:$0x1AB00] =	vst v63  }
0x2d7: {  	_ =	swait.ge [sflag:s5], $0x1A0  }
0x2d8: {  	[sflag:s5] =	ssyncset.done $0x0  }
0x2d9: {  	[sflag:s5] =	ssyncadd.s32 $0xFFFFFE60  }
0x2da: {  	[tilespmem:s28], [sflag:$0x1] =	stream.indirect.gather [hbm4b:s25+s30], $0x80, s2, s30, $0xb8;
	[tilespmem:$0x1AB00] =	vst v63  }
0x2db: {  	s0 =	rddreg [dreg:$0x3]  }
0x2dc: {  	[tilespmem:s31], [sflag:$0x3] =	stream.linear.gather [hbm4b:s0+s2], $0x1A0, $0x38;
	[tilespmem:$0x1AB00] =	vst v63  }
0x2dd: {  	_ =	swait.ge [sflag:s5], $0x1A0  }
0x2de: {  	[sflag:s5] =	ssyncset.done $0x0  }
0x2df: {  	[sflag:s5] =	ssyncadd.s32 $0xFFFFFE60  }
0x2e0: {  	[tilespmem:s26], [sflag:$0x2] =	stream.indirect.gather [hbm4b:s24+s30], $0x80, s31, s30, $0xb8;
	[tilespmem:$0x1AB00] =	vst v63  }
0x2e1: {  	_ =	swait.ge [sflag:s9], $0xD000  }
0x2e2: {  	[sflag:s9] =	ssyncset.done $0x0  }
0x2e3: {  	s0 =	rddreg [dreg:$0x4];
	[sflag:s9] =	ssyncadd.s32 $0xFFFF3000  }
0x2e4: {  	[hbm4b:s0+s2] =	stream.linear.scatter [tilespmem:s28], [sflag:$0x3], $0xD000, $0x38;
	[tilespmem:$0x1AB00] =	vst v63  }
0x2e5: {  	_ =	swait.ge [sflag:s5], $0xD000  }
0x2e6: {  	[sflag:s5] =	ssyncset.done $0x0  }
0x2e7: {  	s0 =	rddreg [dreg:$0x5];
	[sflag:s5] =	ssyncadd.s32 $0xFFFF3000  }
0x2e8: {  	[tilespmem:s2], [sflag:$0x3] =	stream.linear.gather [hbm4b:s0+s2], $0x1A0, $0x38;
	[tilespmem:$0x1AB00] =	vst v63  }
0x2e9: {  	_ =	swait.ge [sflag:s5], $0x1A0  }
0x2ea: {  	[sflag:s5] =	ssyncset.done $0x0  }
0x2eb: {  	[sflag:s5] =	ssyncadd.s32 $0xFFFFFE60  }
0x2ec: {  	[tilespmem:s28], [sflag:$0x1] =	stream.indirect.gather [hbm4b:s25+s30], $0x80, s2, s30, $0xb8;
	[tilespmem:$0x1AB00] =	vst v63  }
0x2ed: {  	_ =	swait.ge [sflag:s29], $0xD000  }
0x2ee: {  	[sflag:s29] =	ssyncset.done $0x0  }
0x2ef: {  	s0 =	rddreg [dreg:$0x6];
	[sflag:s29] =	ssyncadd.s32 $0xFFFF3000  }
0x2f0: {  	[hbm4b:s0+s2] =	stream.linear.scatter [tilespmem:s26], [sflag:$0x3], $0xD000, $0x38;
	[tilespmem:$0x1AB00] =	vst v63  }
0x2f1: {  	_ =	swait.ge [sflag:s5], $0xD000  }
0x2f2: {  	[sflag:s5] =	ssyncset.done $0x0  }
0x2f3: {  	s0 =	rddreg [dreg:$0x7];
	[sflag:s5] =	ssyncadd.s32 $0xFFFF3000  }
0x2f4: {  	[tilespmem:s31], [sflag:$0x3] =	stream.linear.gather [hbm4b:s0+s2], $0x1A0, $0x38;
	[tilespmem:$0x1AB00] =	vst v63  }
0x2f5: {  	_ =	swait.ge [sflag:s5], $0x1A0  }
0x2f6: {  	[sflag:s5] =	ssyncset.done $0x0  }
0x2f7: {  	[sflag:s5] =	ssyncadd.s32 $0xFFFFFE60  }
0x2f8: {  	[tilespmem:s26], [sflag:$0x2] =	stream.indirect.gather [hbm4b:s24+s30], $0x80, s31, s30, $0xb8;
	[tilespmem:$0x1AB00] =	vst v63  }
0x2f9: {  	_ =	swait.ge [sflag:s9], $0xD000  }
0x2fa: {  	[sflag:s9] =	ssyncset.done $0x0  }
0x2fb: {  	s0 =	rddreg [dreg:$0x8];
	[sflag:s9] =	ssyncadd.s32 $0xFFFF3000  }
0x2fc: {  	[hbm4b:s0+s2] =	stream.linear.scatter [tilespmem:s28], [sflag:$0x3], $0xD000, $0x38;
	[tilespmem:$0x1AB00] =	vst v63  }
0x2fd: {  	_ =	swait.ge [sflag:s5], $0xD000  }
0x2fe: {  	[sflag:s5] =	ssyncset.done $0x0  }
0x2ff: {  	s0 =	rddreg [dreg:$0x9];
	[sflag:s5] =	ssyncadd.s32 $0xFFFF3000  }
0x300: {  	[tilespmem:s2], [sflag:$0x3] =	stream.linear.gather [hbm4b:s0+s2], $0x1A0, $0x38;
	[tilespmem:$0x1AB00] =	vst v63  }
0x301: {  	_ =	swait.ge [sflag:s5], $0x1A0  }
0x302: {  	[sflag:s5] =	ssyncset.done $0x0  }
0x303: {  	[sflag:s5] =	ssyncadd.s32 $0xFFFFFE60  }
0x304: {  	[tilespmem:s28], [sflag:$0x1] =	stream.indirect.gather [hbm4b:s25+s30], $0x80, s2, s30, $0xb8;
	[tilespmem:$0x1AB00] =	vst v63  }
0x305: {  	_ =	swait.ge [sflag:s29], $0xD000  }
0x306: {  	[sflag:s29] =	ssyncset.done $0x0  }
0x307: {  	s0 =	rddreg [dreg:$0xa];
	[sflag:s29] =	ssyncadd.s32 $0xFFFF3000  }
0x308: {  	[hbm4b:s0+s2] =	stream.linear.scatter [tilespmem:s26], [sflag:$0x3], $0xD000, $0x38;
	[tilespmem:$0x1AB00] =	vst v63  }
0x309: {  	_ =	swait.ge [sflag:s5], $0xD000  }
0x30a: {  	[sflag:s5] =	ssyncset.done $0x0  }
0x30b: {  	s0 =	rddreg [dreg:$0xb];
	[sflag:s5] =	ssyncadd.s32 $0xFFFF3000  }
0x30c: {  	[tilespmem:s31], [sflag:$0x3] =	stream.linear.gather [hbm4b:s0+s2], $0x1A0, $0x38;
	[tilespmem:$0x1AB00] =	vst v63  }
0x30d: {  	_ =	swait.ge [sflag:s5], $0x1A0  }
0x30e: {  	[sflag:s5] =	ssyncset.done $0x0  }
0x30f: {  	[sflag:s5] =	ssyncadd.s32 $0xFFFFFE60  }
0x310: {  	[tilespmem:s26], [sflag:$0x2] =	stream.indirect.gather [hbm4b:s24+s30], $0x80, s31, s30, $0xb8;
	[tilespmem:$0x1AB00] =	vst v63  }
0x311: {  	_ =	swait.ge [sflag:s9], $0xD000  }
0x312: {  	[sflag:s9] =	ssyncset.done $0x0  }
0x313: {  	s0 =	rddreg [dreg:$0xc];
	[sflag:s9] =	ssyncadd.s32 $0xFFFF3000  }
0x314: {  	[hbm4b:s0+s2] =	stream.linear.scatter [tilespmem:s28], [sflag:$0x3], $0xD000, $0x38;
	[tilespmem:$0x1AB00] =	vst v63  }
0x315: {  	_ =	swait.ge [sflag:s5], $0xD000  }
0x316: {  	[sflag:s5] =	ssyncset.done $0x0  }
0x317: {  	s0 =	rddreg [dreg:$0xd];
	[sflag:s5] =	ssyncadd.s32 $0xFFFF3000  }
0x318: {  	[tilespmem:s2], [sflag:$0x3] =	stream.linear.gather [hbm4b:s0+s2], $0x1A0, $0x38;
	[tilespmem:$0x1AB00] =	vst v63  }
0x319: {  	_ =	swait.ge [sflag:s5], $0x1A0  }
0x31a: {  	[sflag:s5] =	ssyncset.done $0x0  }
0x31b: {  	[sflag:s5] =	ssyncadd.s32 $0xFFFFFE60  }
0x31c: {  	[tilespmem:s28], [sflag:$0x1] =	stream.indirect.gather [hbm4b:s25+s30], $0x80, s2, s30, $0xb8;
	[tilespmem:$0x1AB00] =	vst v63  }
0x31d: {  	_ =	swait.ge [sflag:s29], $0xD000  }
0x31e: {  	[sflag:s29] =	ssyncset.done $0x0  }
0x31f: {  	s0 =	rddreg [dreg:$0xe];
	[sflag:s29] =	ssyncadd.s32 $0xFFFF3000  }
0x320: {  	[hbm4b:s0+s2] =	stream.linear.scatter [tilespmem:s26], [sflag:$0x3], $0xD000, $0x38;
	[tilespmem:$0x1AB00] =	vst v63  }
0x321: {  	_ =	swait.ge [sflag:s5], $0xD000  }
0x322: {  	[sflag:s5] =	ssyncset.done $0x0  }
0x323: {  	s0 =	rddreg [dreg:$0xf];
	[sflag:s5] =	ssyncadd.s32 $0xFFFF3000  }
0x324: {  	[tilespmem:s31], [sflag:$0x3] =	stream.linear.gather [hbm4b:s0+s2], $0x1A0, $0x38;
	[tilespmem:$0x1AB00] =	vst v63  }
0x325: {  	_ =	swait.ge [sflag:s5], $0x1A0  }
0x326: {  	[sflag:s5] =	ssyncset.done $0x0  }
0x327: {  	[sflag:s5] =	ssyncadd.s32 $0xFFFFFE60  }
0x328: {  	[tilespmem:s26], [sflag:$0x2] =	stream.indirect.gather [hbm4b:s24+s30], $0x80, s31, s30, $0xb8;
	[tilespmem:$0x1AB00] =	vst v63  }
0x329: {  	_ =	swait.ge [sflag:s9], $0xD000  }
0x32a: {  	[sflag:s9] =	ssyncset.done $0x0  }
0x32b: {  	s0 =	rddreg [dreg:$0x10];
	[sflag:s9] =	ssyncadd.s32 $0xFFFF3000  }
0x32c: {  	[hbm4b:s0+s2] =	stream.linear.scatter [tilespmem:s28], [sflag:$0x3], $0xD000, $0x38;
	[tilespmem:$0x1AB00] =	vst v63  }
0x32d: {  	_ =	swait.ge [sflag:s5], $0xD000  }
0x32e: {  	[sflag:s5] =	ssyncset.done $0x0  }
0x32f: {  	s0 =	rddreg [dreg:$0x11];
	[sflag:s5] =	ssyncadd.s32 $0xFFFF3000  }
0x330: {  	[tilespmem:s2], [sflag:$0x3] =	stream.linear.gather [hbm4b:s0+s2], $0x1A0, $0x38;
	[tilespmem:$0x1AB00] =	vst v63  }
0x331: {  	_ =	swait.ge [sflag:s5], $0x1A0  }
0x332: {  	[sflag:s5] =	ssyncset.done $0x0  }
0x333: {  	[sflag:s5] =	ssyncadd.s32 $0xFFFFFE60  }
0x334: {  	[tilespmem:s28], [sflag:$0x1] =	stream.indirect.gather [hbm4b:s25+s30], $0x80, s2, s30, $0xb8;
	[tilespmem:$0x1AB00] =	vst v63  }
0x335: {  	_ =	swait.ge [sflag:s29], $0xD000  }
0x336: {  	[sflag:s29] =	ssyncset.done $0x0  }
0x337: {  	s0 =	rddreg [dreg:$0x12];
	[sflag:s29] =	ssyncadd.s32 $0xFFFF3000  }
0x338: {  	[hbm4b:s0+s2] =	stream.linear.scatter [tilespmem:s26], [sflag:$0x3], $0xD000, $0x38;
	[tilespmem:$0x1AB00] =	vst v63  }
0x339: {  	_ =	swait.ge [sflag:s5], $0xD000  }
0x33a: {  	[sflag:s5] =	ssyncset.done $0x0  }
0x33b: {  	s0 =	rddreg [dreg:$0x13];
	[sflag:s5] =	ssyncadd.s32 $0xFFFF3000  }
0x33c: {  	[tilespmem:s31], [sflag:$0x3] =	stream.linear.gather [hbm4b:s0+s2], $0x1A0, $0x38;
	[tilespmem:$0x1AB00] =	vst v63  }
0x33d: {  	_ =	swait.ge [sflag:s5], $0x1A0  }
0x33e: {  	[sflag:s5] =	ssyncset.done $0x0  }
0x33f: {  	[sflag:s5] =	ssyncadd.s32 $0xFFFFFE60  }
0x340: {  	[tilespmem:s26], [sflag:$0x2] =	stream.indirect.gather [hbm4b:s24+s30], $0x80, s31, s30, $0xb8;
	[tilespmem:$0x1AB00] =	vst v63  }
0x341: {  	_ =	swait.ge [sflag:s9], $0xD000  }
0x342: {  	[sflag:s9] =	ssyncset.done $0x0  }
0x343: {  	s0 =	rddreg [dreg:$0x14];
	[sflag:s9] =	ssyncadd.s32 $0xFFFF3000  }
0x344: {  	[hbm4b:s0+s2] =	stream.linear.scatter [tilespmem:s28], [sflag:$0x3], $0xD000, $0x38;
	[tilespmem:$0x1AB00] =	vst v63  }
0x345: {  	_ =	swait.ge [sflag:s5], $0xD000  }
0x346: {  	[sflag:s5] =	ssyncset.done $0x0  }
0x347: {  	s0 =	rddreg [dreg:$0x15];
	[sflag:s5] =	ssyncadd.s32 $0xFFFF3000  }
0x348: {  	[tilespmem:s2], [sflag:$0x3] =	stream.linear.gather [hbm4b:s0+s2], $0x1A0, $0x38;
	[tilespmem:$0x1AB00] =	vst v63  }
0x349: {  	_ =	swait.ge [sflag:s5], $0x1A0  }
0x34a: {  	[sflag:s5] =	ssyncset.done $0x0  }
0x34b: {  	[sflag:s5] =	ssyncadd.s32 $0xFFFFFE60  }
0x34c: {  	[tilespmem:s28], [sflag:$0x1] =	stream.indirect.gather [hbm4b:s25+s30], $0x80, s2, s30, $0xb8;
	[tilespmem:$0x1AB00] =	vst v63  }
0x34d: {  	_ =	swait.ge [sflag:s29], $0xD000  }
0x34e: {  	[sflag:s29] =	ssyncset.done $0x0  }
0x34f: {  	s0 =	rddreg [dreg:$0x16];
	[sflag:s29] =	ssyncadd.s32 $0xFFFF3000  }
0x350: {  	[hbm4b:s0+s2] =	stream.linear.scatter [tilespmem:s26], [sflag:$0x3], $0xD000, $0x38;
	[tilespmem:$0x1AB00] =	vst v63  }
0x351: {  	_ =	swait.ge [sflag:s5], $0xD000  }
0x352: {  	[sflag:s5] =	ssyncset.done $0x0  }
0x353: {  	s0 =	rddreg [dreg:$0x17];
	[sflag:s5] =	ssyncadd.s32 $0xFFFF3000  }
0x354: {  	[tilespmem:s31], [sflag:$0x3] =	stream.linear.gather [hbm4b:s0+s2], $0x1A0, $0x38;
	[tilespmem:$0x1AB00] =	vst v63  }
0x355: {  	_ =	swait.ge [sflag:s5], $0x1A0  }
0x356: {  	[sflag:s5] =	ssyncset.done $0x0  }
0x357: {  	[sflag:s5] =	ssyncadd.s32 $0xFFFFFE60  }
0x358: {  	[tilespmem:s26], [sflag:$0x2] =	stream.indirect.gather [hbm4b:s24+s30], $0x80, s31, s30, $0xb8;
	[tilespmem:$0x1AB00] =	vst v63  }
0x359: {  	_ =	swait.ge [sflag:s9], $0xD000  }
0x35a: {  	[sflag:s9] =	ssyncset.done $0x0  }
0x35b: {  	s0 =	rddreg [dreg:$0x18];
	[sflag:s9] =	ssyncadd.s32 $0xFFFF3000  }
0x35c: {  	[hbm4b:s0+s2] =	stream.linear.scatter [tilespmem:s28], [sflag:$0x3], $0xD000, $0x38;
	[tilespmem:$0x1AB00] =	vst v63  }
0x35d: {  	_ =	swait.ge [sflag:s5], $0xD000  }
0x35e: {  	[sflag:s5] =	ssyncset.done $0x0  }
0x35f: {  	s0 =	rddreg [dreg:$0x19];
	[sflag:s5] =	ssyncadd.s32 $0xFFFF3000  }
0x360: {  	[tilespmem:s2], [sflag:$0x3] =	stream.linear.gather [hbm4b:s0+s2], $0x1A0, $0x38;
	[tilespmem:$0x1AB00] =	vst v63  }
0x361: {  	_ =	swait.ge [sflag:s5], $0x1A0  }
0x362: {  	[sflag:s5] =	ssyncset.done $0x0  }
0x363: {  	[sflag:s5] =	ssyncadd.s32 $0xFFFFFE60  }
0x364: {  	[tilespmem:s28], [sflag:$0x1] =	stream.indirect.gather [hbm4b:s25+s30], $0x80, s2, s30, $0xb8;
	[tilespmem:$0x1AB00] =	vst v63  }
0x365: {  	_ =	swait.ge [sflag:s29], $0xD000  }
0x366: {  	[sflag:s29] =	ssyncset.done $0x0  }
0x367: {  	s0 =	rddreg [dreg:$0x1a];
	[sflag:s29] =	ssyncadd.s32 $0xFFFF3000  }
0x368: {  	[hbm4b:s0+s2] =	stream.linear.scatter [tilespmem:s26], [sflag:$0x3], $0xD000, $0x38;
	[tilespmem:$0x1AB00] =	vst v63  }
0x369: {  	_ =	swait.ge [sflag:s5], $0xD000  }
0x36a: {  	[sflag:s5] =	ssyncset.done $0x0  }
0x36b: {  	s0 =	rddreg [dreg:$0x1b];
	[sflag:s5] =	ssyncadd.s32 $0xFFFF3000  }
0x36c: {  	[tilespmem:s31], [sflag:$0x3] =	stream.linear.gather [hbm4b:s0+s2], $0x1A0, $0x38;
	[tilespmem:$0x1AB00] =	vst v63  }
0x36d: {  	_ =	swait.ge [sflag:s5], $0x1A0  }
0x36e: {  	[sflag:s5] =	ssyncset.done $0x0  }
0x36f: {  	[sflag:s5] =	ssyncadd.s32 $0xFFFFFE60  }
0x370: {  	[tilespmem:s26], [sflag:$0x2] =	stream.indirect.gather [hbm4b:s24+s30], $0x80, s31, s30, $0xb8;
	[tilespmem:$0x1AB00] =	vst v63  }
0x371: {  	_ =	swait.ge [sflag:s9], $0xD000  }
0x372: {  	[sflag:s9] =	ssyncset.done $0x0  }
0x373: {  	s0 =	rddreg [dreg:$0x1c];
	[sflag:s9] =	ssyncadd.s32 $0xFFFF3000  }
0x374: {  	[hbm4b:s0+s2] =	stream.linear.scatter [tilespmem:s28], [sflag:$0x3], $0xD000, $0x38;
	[tilespmem:$0x1AB00] =	vst v63  }
0x375: {  	_ =	swait.ge [sflag:s5], $0xD000  }
0x376: {  	[sflag:s5] =	ssyncset.done $0x0  }
0x377: {  	s0 =	rddreg [dreg:$0x1d];
	[sflag:s5] =	ssyncadd.s32 $0xFFFF3000  }
0x378: {  	[tilespmem:s2], [sflag:$0x3] =	stream.linear.gather [hbm4b:s0+s2], $0x1A0, $0x38;
	[tilespmem:$0x1AB00] =	vst v63  }
0x379: {  	_ =	swait.ge [sflag:s5], $0x1A0  }
0x37a: {  	[sflag:s5] =	ssyncset.done $0x0  }
0x37b: {  	[sflag:s5] =	ssyncadd.s32 $0xFFFFFE60  }
0x37c: {  	[tilespmem:s28], [sflag:$0x1] =	stream.indirect.gather [hbm4b:s25+s30], $0x80, s2, s30, $0xb8;
	[tilespmem:$0x1AB00] =	vst v63  }
0x37d: {  	_ =	swait.ge [sflag:s29], $0xD000  }
0x37e: {  	[sflag:s29] =	ssyncset.done $0x0  }
0x37f: {  	s0 =	rddreg [dreg:$0x1e];
	[sflag:s29] =	ssyncadd.s32 $0xFFFF3000  }
0x380: {  	[hbm4b:s0+s2] =	stream.linear.scatter [tilespmem:s26], [sflag:$0x3], $0xD000, $0x38;
	[tilespmem:$0x1AB00] =	vst v63  }
0x381: {  	_ =	swait.ge [sflag:s5], $0xD000  }
0x382: {  	[sflag:s5] =	ssyncset.done $0x0  }
0x383: {  	s0 =	rddreg [dreg:$0x1f];
	[sflag:s5] =	ssyncadd.s32 $0xFFFF3000  }
0x384: {  	[tilespmem:s31], [sflag:$0x3] =	stream.linear.gather [hbm4b:s0+s2], $0x1A0, $0x38;
	[tilespmem:$0x1AB00] =	vst v63  }
0x385: {  	_ =	swait.ge [sflag:s5], $0x1A0  }
0x386: {  	[sflag:s5] =	ssyncset.done $0x0  }
0x387: {  	[sflag:s5] =	ssyncadd.s32 $0xFFFFFE60  }
0x388: {  	[tilespmem:s26], [sflag:$0x2] =	stream.indirect.gather [hbm4b:s24+s30], $0x80, s31, s30, $0xb8;
	[tilespmem:$0x1AB00] =	vst v63  }
0x389: {  	_ =	swait.ge [sflag:s9], $0xD000  }
0x38a: {  	s0 =	sld [smem:$0x7CA]  }
0x38b: {  	[sflag:s9] =	ssyncset.done $0x0  }
0x38c: {  	[sflag:s9] =	ssyncadd.s32 $0xFFFF3000  }
0x38d: {  	[hbm4b:s0+s2] =	stream.linear.scatter [tilespmem:s28], [sflag:$0x3], $0xD000, $0x38;
	[tilespmem:$0x1AB00] =	vst v63  }
0x38e: {  	_ =	swait.ge [sflag:s5], $0xD000  }
0x38f: {  	s0 =	sld [smem:$0x7CB]  }
0x390: {  	[sflag:s5] =	ssyncset.done $0x0  }
0x391: {  	[sflag:s5] =	ssyncadd.s32 $0xFFFF3000  }
0x392: {  	[tilespmem:s2], [sflag:$0x3] =	stream.linear.gather [hbm4b:s0+s2], $0x1A0, $0x38;
	[tilespmem:$0x1AB00] =	vst v63  }
0x393: {  	_ =	swait.ge [sflag:s5], $0x1A0  }
0x394: {  	[sflag:s5] =	ssyncset.done $0x0  }
0x395: {  	[sflag:s5] =	ssyncadd.s32 $0xFFFFFE60  }
0x396: {  	[tilespmem:s28], [sflag:$0x1] =	stream.indirect.gather [hbm4b:s25+s30], $0x80, s2, s30, $0xb8;
	[tilespmem:$0x1AB00] =	vst v63  }
0x397: {  	_ =	swait.ge [sflag:s29], $0xD000  }
0x398: {  	s0 =	sld [smem:$0x7CC]  }
0x399: {  	[sflag:s29] =	ssyncset.done $0x0  }
0x39a: {  	[sflag:s29] =	ssyncadd.s32 $0xFFFF3000  }
0x39b: {  	[hbm4b:s0+s2] =	stream.linear.scatter [tilespmem:s26], [sflag:$0x3], $0xD000, $0x38;
	[tilespmem:$0x1AB00] =	vst v63  }
0x39c: {  	_ =	swait.ge [sflag:s5], $0xD000  }
0x39d: {  	s0 =	sld [smem:$0x7CD]  }
0x39e: {  	[sflag:s5] =	ssyncset.done $0x0  }
0x39f: {  	[sflag:s5] =	ssyncadd.s32 $0xFFFF3000  }
0x3a0: {  	[tilespmem:s31], [sflag:$0x3] =	stream.linear.gather [hbm4b:s0+s2], $0x1A0, $0x38;
	[tilespmem:$0x1AB00] =	vst v63  }
0x3a1: {  	_ =	swait.ge [sflag:s5], $0x1A0  }
0x3a2: {  	[sflag:s5] =	ssyncset.done $0x0  }
0x3a3: {  	[sflag:s5] =	ssyncadd.s32 $0xFFFFFE60  }
0x3a4: {  	[tilespmem:s26], [sflag:$0x2] =	stream.indirect.gather [hbm4b:s24+s30], $0x80, s31, s30, $0xb8;
	[tilespmem:$0x1AB00] =	vst v63  }
0x3a5: {  	_ =	swait.ge [sflag:s9], $0xD000  }
0x3a6: {  	s0 =	sld [smem:$0x7CE]  }
0x3a7: {  	[sflag:s9] =	ssyncset.done $0x0  }
0x3a8: {  	[sflag:s9] =	ssyncadd.s32 $0xFFFF3000  }
0x3a9: {  	[hbm4b:s0+s2] =	stream.linear.scatter [tilespmem:s28], [sflag:$0x3], $0xD000, $0x38;
	[tilespmem:$0x1AB00] =	vst v63  }
0x3aa: {  	_ =	swait.ge [sflag:s5], $0xD000  }
0x3ab: {  	s0 =	sld [smem:$0x7CF]  }
0x3ac: {  	[sflag:s5] =	ssyncset.done $0x0  }
0x3ad: {  	[sflag:s5] =	ssyncadd.s32 $0xFFFF3000  }
0x3ae: {  	[tilespmem:s2], [sflag:$0x3] =	stream.linear.gather [hbm4b:s0+s2], $0x1A0, $0x38;
	[tilespmem:$0x1AB00] =	vst v63  }
0x3af: {  	_ =	swait.ge [sflag:s5], $0x1A0  }
0x3b0: {  	[sflag:s5] =	ssyncset.done $0x0  }
0x3b1: {  	[sflag:s5] =	ssyncadd.s32 $0xFFFFFE60  }
0x3b2: {  	[tilespmem:s28], [sflag:$0x1] =	stream.indirect.gather [hbm4b:s25+s30], $0x80, s2, s30, $0xb8;
	[tilespmem:$0x1AB00] =	vst v63  }
0x3b3: {  	_ =	swait.ge [sflag:s29], $0xD000  }
0x3b4: {  	s0 =	sld [smem:$0x7D0]  }
0x3b5: {  	[sflag:s29] =	ssyncset.done $0x0  }
0x3b6: {  	[sflag:s29] =	ssyncadd.s32 $0xFFFF3000  }
0x3b7: {  	[hbm4b:s0+s2] =	stream.linear.scatter [tilespmem:s26], [sflag:$0x3], $0xD000, $0x38;
	[tilespmem:$0x1AB00] =	vst v63  }
0x3b8: {  	_ =	swait.ge [sflag:s5], $0xD000  }
0x3b9: {  	s0 =	sld [smem:$0x7D1]  }
0x3ba: {  	[sflag:s5] =	ssyncset.done $0x0  }
0x3bb: {  	[sflag:s5] =	ssyncadd.s32 $0xFFFF3000  }
0x3bc: {  	[tilespmem:s31], [sflag:$0x3] =	stream.linear.gather [hbm4b:s0+s2], $0x1A0, $0x38;
	[tilespmem:$0x1AB00] =	vst v63  }
0x3bd: {  	_ =	swait.ge [sflag:s5], $0x1A0  }
0x3be: {  	[sflag:s5] =	ssyncset.done $0x0  }
0x3bf: {  	[sflag:s5] =	ssyncadd.s32 $0xFFFFFE60  }
0x3c0: {  	[tilespmem:s26], [sflag:$0x2] =	stream.indirect.gather [hbm4b:s24+s30], $0x80, s31, s30, $0xb8;
	[tilespmem:$0x1AB00] =	vst v63  }
0x3c1: {  	_ =	swait.ge [sflag:s9], $0xD000  }
0x3c2: {  	s0 =	sld [smem:$0x7D2]  }
0x3c3: {  	[sflag:s9] =	ssyncset.done $0x0  }
0x3c4: {  	[sflag:s9] =	ssyncadd.s32 $0xFFFF3000  }
0x3c5: {  	[hbm4b:s0+s2] =	stream.linear.scatter [tilespmem:s28], [sflag:$0x3], $0xD000, $0x38;
	[tilespmem:$0x1AB00] =	vst v63  }
0x3c6: {  	_ =	swait.ge [sflag:s5], $0xD000  }
0x3c7: {  	s0 =	sld [smem:$0x7D3]  }
0x3c8: {  	[sflag:s5] =	ssyncset.done $0x0  }
0x3c9: {  	[sflag:s5] =	ssyncadd.s32 $0xFFFF3000  }
0x3ca: {  	[tilespmem:s2], [sflag:$0x3] =	stream.linear.gather [hbm4b:s0+s2], $0x1A0, $0x38;
	[tilespmem:$0x1AB00] =	vst v63  }
0x3cb: {  	_ =	swait.ge [sflag:s5], $0x1A0  }
0x3cc: {  	[sflag:s5] =	ssyncset.done $0x0  }
0x3cd: {  	[sflag:s5] =	ssyncadd.s32 $0xFFFFFE60  }
0x3ce: {  	[tilespmem:s28], [sflag:$0x1] =	stream.indirect.gather [hbm4b:s25+s30], $0x80, s2, s30, $0xb8;
	[tilespmem:$0x1AB00] =	vst v63  }
0x3cf: {  	_ =	swait.ge [sflag:s29], $0xD000  }
0x3d0: {  	s0 =	sld [smem:$0x7D4]  }
0x3d1: {  	[sflag:s29] =	ssyncset.done $0x0  }
0x3d2: {  	[sflag:s29] =	ssyncadd.s32 $0xFFFF3000  }
0x3d3: {  	[hbm4b:s0+s2] =	stream.linear.scatter [tilespmem:s26], [sflag:$0x3], $0xD000, $0x38;
	[tilespmem:$0x1AB00] =	vst v63  }
0x3d4: {  	_ =	swait.ge [sflag:s5], $0xD000  }
0x3d5: {  	s0 =	sld [smem:$0x7D5]  }
0x3d6: {  	[sflag:s5] =	ssyncset.done $0x0  }
0x3d7: {  	[sflag:s5] =	ssyncadd.s32 $0xFFFF3000  }
0x3d8: {  	[tilespmem:s31], [sflag:$0x3] =	stream.linear.gather [hbm4b:s0+s2], $0x1A0, $0x38;
	[tilespmem:$0x1AB00] =	vst v63  }
0x3d9: {  	_ =	swait.ge [sflag:s5], $0x1A0  }
0x3da: {  	[sflag:s5] =	ssyncset.done $0x0  }
0x3db: {  	[sflag:s5] =	ssyncadd.s32 $0xFFFFFE60  }
0x3dc: {  	[tilespmem:s26], [sflag:$0x2] =	stream.indirect.gather [hbm4b:s24+s30], $0x80, s31, s30, $0xb8;
	[tilespmem:$0x1AB00] =	vst v63  }
0x3dd: {  	_ =	swait.ge [sflag:s9], $0xD000  }
0x3de: {  	s0 =	sld [smem:$0x7D6]  }
0x3df: {  	[sflag:s9] =	ssyncset.done $0x0  }
0x3e0: {  	[sflag:s9] =	ssyncadd.s32 $0xFFFF3000  }
0x3e1: {  	[hbm4b:s0+s2] =	stream.linear.scatter [tilespmem:s28], [sflag:$0x3], $0xD000, $0x38;
	[tilespmem:$0x1AB00] =	vst v63  }
0x3e2: {  	_ =	swait.ge [sflag:s5], $0xD000  }
0x3e3: {  	s0 =	sld [smem:$0x7D7]  }
0x3e4: {  	[sflag:s5] =	ssyncset.done $0x0  }
0x3e5: {  	[sflag:s5] =	ssyncadd.s32 $0xFFFF3000  }
0x3e6: {  	[tilespmem:s2], [sflag:$0x3] =	stream.linear.gather [hbm4b:s0+s2], $0x1A0, $0x38;
	[tilespmem:$0x1AB00] =	vst v63  }
0x3e7: {  	_ =	swait.ge [sflag:s5], $0x1A0  }
0x3e8: {  	[sflag:s5] =	ssyncset.done $0x0  }
0x3e9: {  	[sflag:s5] =	ssyncadd.s32 $0xFFFFFE60  }
0x3ea: {  	[tilespmem:s28], [sflag:$0x1] =	stream.indirect.gather [hbm4b:s25+s30], $0x80, s2, s30, $0xb8;
	[tilespmem:$0x1AB00] =	vst v63  }
0x3eb: {  	_ =	swait.ge [sflag:s29], $0xD000  }
0x3ec: {  	s0 =	sld [smem:$0x7D8]  }
0x3ed: {  	[sflag:s29] =	ssyncset.done $0x0  }
0x3ee: {  	[sflag:s29] =	ssyncadd.s32 $0xFFFF3000  }
0x3ef: {  	[hbm4b:s0+s2] =	stream.linear.scatter [tilespmem:s26], [sflag:$0x3], $0xD000, $0x38;
	[tilespmem:$0x1AB00] =	vst v63  }
0x3f0: {  	_ =	swait.ge [sflag:s5], $0xD000  }
0x3f1: {  	s0 =	sld [smem:$0x7D9]  }
0x3f2: {  	[sflag:s5] =	ssyncset.done $0x0  }
0x3f3: {  	[sflag:s5] =	ssyncadd.s32 $0xFFFF3000  }
0x3f4: {  	[tilespmem:s31], [sflag:$0x3] =	stream.linear.gather [hbm4b:s0+s2], $0x1A0, $0x38;
	[tilespmem:$0x1AB00] =	vst v63  }
0x3f5: {  	_ =	swait.ge [sflag:s5], $0x1A0  }
0x3f6: {  	[sflag:s5] =	ssyncset.done $0x0  }
0x3f7: {  	[sflag:s5] =	ssyncadd.s32 $0xFFFFFE60  }
0x3f8: {  	[tilespmem:s26], [sflag:$0x2] =	stream.indirect.gather [hbm4b:s24+s30], $0x80, s31, s30, $0xb8;
	[tilespmem:$0x1AB00] =	vst v63  }
0x3f9: {  	_ =	swait.ge [sflag:s9], $0xD000  }
0x3fa: {  	s0 =	sld [smem:$0x7DA]  }
0x3fb: {  	[sflag:s9] =	ssyncset.done $0x0  }
0x3fc: {  	[sflag:s9] =	ssyncadd.s32 $0xFFFF3000  }
0x3fd: {  	[hbm4b:s0+s2] =	stream.linear.scatter [tilespmem:s28], [sflag:$0x3], $0xD000, $0x38;
	[tilespmem:$0x1AB00] =	vst v63  }
0x3fe: {  	_ =	swait.ge [sflag:s5], $0xD000  }
0x3ff: {  	s0 =	sld [smem:$0x7DB]  }
0x400: {  	[sflag:s5] =	ssyncset.done $0x0  }
0x401: {  	[sflag:s5] =	ssyncadd.s32 $0xFFFF3000  }
0x402: {  	[tilespmem:s2], [sflag:$0x3] =	stream.linear.gather [hbm4b:s0+s2], $0x1A0, $0x38;
	[tilespmem:$0x1AB00] =	vst v63  }
0x403: {  	_ =	swait.ge [sflag:s5], $0x1A0  }
0x404: {  	[sflag:s5] =	ssyncset.done $0x0  }
0x405: {  	[sflag:s5] =	ssyncadd.s32 $0xFFFFFE60  }
0x406: {  	[tilespmem:s28], [sflag:$0x1] =	stream.indirect.gather [hbm4b:s25+s30], $0x80, s2, s30, $0xb8;
	[tilespmem:$0x1AB00] =	vst v63  }
0x407: {  	_ =	swait.ge [sflag:s29], $0xD000  }
0x408: {  	s0 =	sld [smem:$0x7DC]  }
0x409: {  	[sflag:s29] =	ssyncset.done $0x0  }
0x40a: {  	[sflag:s29] =	ssyncadd.s32 $0xFFFF3000  }
0x40b: {  	[hbm4b:s0+s2] =	stream.linear.scatter [tilespmem:s26], [sflag:$0x3], $0xD000, $0x38;
	[tilespmem:$0x1AB00] =	vst v63  }
0x40c: {  	_ =	swait.ge [sflag:s5], $0xD000  }
0x40d: {  	s0 =	sld [smem:$0x7DD]  }
0x40e: {  	[sflag:s5] =	ssyncset.done $0x0  }
0x40f: {  	[sflag:s5] =	ssyncadd.s32 $0xFFFF3000  }
0x410: {  	[tilespmem:s31], [sflag:$0x3] =	stream.linear.gather [hbm4b:s0+s2], $0x1A0, $0x38;
	[tilespmem:$0x1AB00] =	vst v63  }
0x411: {  	_ =	swait.ge [sflag:s5], $0x1A0  }
0x412: {  	[sflag:s5] =	ssyncset.done $0x0  }
0x413: {  	[sflag:s5] =	ssyncadd.s32 $0xFFFFFE60  }
0x414: {  	[tilespmem:s26], [sflag:$0x2] =	stream.indirect.gather [hbm4b:s24+s30], $0x80, s31, s30, $0xb8;
	[tilespmem:$0x1AB00] =	vst v63  }
0x415: {  	_ =	swait.ge [sflag:s9], $0xD000  }
0x416: {  	s0 =	sld [smem:$0x7DE]  }
0x417: {  	[sflag:s9] =	ssyncset.done $0x0  }
0x418: {  	[sflag:s9] =	ssyncadd.s32 $0xFFFF3000  }
0x419: {  	[hbm4b:s0+s2] =	stream.linear.scatter [tilespmem:s28], [sflag:$0x3], $0xD000, $0x38;
	[tilespmem:$0x1AB00] =	vst v63  }
0x41a: {  	_ =	swait.ge [sflag:s5], $0xD000  }
0x41b: {  	s0 =	sld [smem:$0x7DF]  }
0x41c: {  	[sflag:s5] =	ssyncset.done $0x0  }
0x41d: {  	[sflag:s5] =	ssyncadd.s32 $0xFFFF3000  }
0x41e: {  	[tilespmem:s2], [sflag:$0x3] =	stream.linear.gather [hbm4b:s0+s2], $0x1A0, $0x38;
	[tilespmem:$0x1AB00] =	vst v63  }
0x41f: {  	_ =	swait.ge [sflag:s5], $0x1A0  }
0x420: {  	[sflag:s5] =	ssyncset.done $0x0  }
0x421: {  	[sflag:s5] =	ssyncadd.s32 $0xFFFFFE60  }
0x422: {  	[tilespmem:s28], [sflag:$0x1] =	stream.indirect.gather [hbm4b:s25+s30], $0x80, s2, s30, $0xb8;
	[tilespmem:$0x1AB00] =	vst v63  }
0x423: {  	_ =	swait.ge [sflag:s29], $0xD000  }
0x424: {  	s0 =	sld [smem:$0x7E0]  }
0x425: {  	[sflag:s29] =	ssyncset.done $0x0  }
0x426: {  	[sflag:s29] =	ssyncadd.s32 $0xFFFF3000  }
0x427: {  	[hbm4b:s0+s2] =	stream.linear.scatter [tilespmem:s26], [sflag:$0x3], $0xD000, $0x38;
	[tilespmem:$0x1AB00] =	vst v63  }
0x428: {  	_ =	swait.ge [sflag:s5], $0xD000  }
0x429: {  	s0 =	sld [smem:$0x7E1]  }
0x42a: {  	[sflag:s5] =	ssyncset.done $0x0  }
0x42b: {  	[sflag:s5] =	ssyncadd.s32 $0xFFFF3000  }
0x42c: {  	[tilespmem:s31], [sflag:$0x3] =	stream.linear.gather [hbm4b:s0+s2], $0x1A0, $0x38;
	[tilespmem:$0x1AB00] =	vst v63  }
0x42d: {  	_ =	swait.ge [sflag:s5], $0x1A0  }
0x42e: {  	[sflag:s5] =	ssyncset.done $0x0  }
0x42f: {  	[sflag:s5] =	ssyncadd.s32 $0xFFFFFE60  }
0x430: {  	[tilespmem:s26], [sflag:$0x2] =	stream.indirect.gather [hbm4b:s24+s30], $0x80, s31, s30, $0xb8;
	[tilespmem:$0x1AB00] =	vst v63  }
0x431: {  	_ =	swait.ge [sflag:s9], $0xD000  }
0x432: {  	s0 =	sld [smem:$0x7E2]  }
0x433: {  	[sflag:s9] =	ssyncset.done $0x0  }
0x434: {  	[sflag:s9] =	ssyncadd.s32 $0xFFFF3000  }
0x435: {  	[hbm4b:s0+s2] =	stream.linear.scatter [tilespmem:s28], [sflag:$0x3], $0xD000, $0x38;
	[tilespmem:$0x1AB00] =	vst v63  }
0x436: {  	_ =	swait.ge [sflag:s5], $0xD000  }
0x437: {  	s0 =	sld [smem:$0x7E3]  }
0x438: {  	[sflag:s5] =	ssyncset.done $0x0  }
0x439: {  	[sflag:s5] =	ssyncadd.s32 $0xFFFF3000  }
0x43a: {  	[tilespmem:s2], [sflag:$0x3] =	stream.linear.gather [hbm4b:s0+s2], $0x1A0, $0x38;
	[tilespmem:$0x1AB00] =	vst v63  }
0x43b: {  	_ =	swait.ge [sflag:s5], $0x1A0  }
0x43c: {  	[sflag:s5] =	ssyncset.done $0x0  }
0x43d: {  	[sflag:s5] =	ssyncadd.s32 $0xFFFFFE60  }
0x43e: {  	[tilespmem:s28], [sflag:$0x1] =	stream.indirect.gather [hbm4b:s25+s30], $0x80, s2, s30, $0xb8;
	[tilespmem:$0x1AB00] =	vst v63  }
0x43f: {  	_ =	swait.ge [sflag:s29], $0xD000  }
0x440: {  	s0 =	sld [smem:$0x7E4]  }
0x441: {  	[sflag:s29] =	ssyncset.done $0x0  }
0x442: {  	[sflag:s29] =	ssyncadd.s32 $0xFFFF3000  }
0x443: {  	[hbm4b:s0+s2] =	stream.linear.scatter [tilespmem:s26], [sflag:$0x3], $0xD000, $0x38;
	[tilespmem:$0x1AB00] =	vst v63  }
0x444: {  	_ =	swait.ge [sflag:s5], $0xD000  }
0x445: {  	s0 =	sld [smem:$0x7E5]  }
0x446: {  	[sflag:s5] =	ssyncset.done $0x0  }
0x447: {  	[sflag:s5] =	ssyncadd.s32 $0xFFFF3000  }
0x448: {  	[tilespmem:s31], [sflag:$0x3] =	stream.linear.gather [hbm4b:s0+s2], $0x1A0, $0x38;
	[tilespmem:$0x1AB00] =	vst v63  }
0x449: {  	_ =	swait.ge [sflag:s5], $0x1A0  }
0x44a: {  	[sflag:s5] =	ssyncset.done $0x0  }
0x44b: {  	[sflag:s5] =	ssyncadd.s32 $0xFFFFFE60  }
0x44c: {  	[tilespmem:s26], [sflag:$0x2] =	stream.indirect.gather [hbm4b:s24+s30], $0x80, s31, s30, $0xb8;
	[tilespmem:$0x1AB00] =	vst v63  }
0x44d: {  	_ =	swait.ge [sflag:s9], $0xD000  }
0x44e: {  	s0 =	sld [smem:$0x7E6]  }
0x44f: {  	[sflag:s9] =	ssyncset.done $0x0  }
0x450: {  	[sflag:s9] =	ssyncadd.s32 $0xFFFF3000  }
0x451: {  	[hbm4b:s0+s2] =	stream.linear.scatter [tilespmem:s28], [sflag:$0x3], $0xD000, $0x38;
	[tilespmem:$0x1AB00] =	vst v63  }
0x452: {  	_ =	swait.ge [sflag:s5], $0xD000  }
0x453: {  	s0 =	sld [smem:$0x7E7]  }
0x454: {  	[sflag:s5] =	ssyncset.done $0x0  }
0x455: {  	[sflag:s5] =	ssyncadd.s32 $0xFFFF3000  }
0x456: {  	[tilespmem:s2], [sflag:$0x3] =	stream.linear.gather [hbm4b:s0+s2], $0x1A0, $0x38;
	[tilespmem:$0x1AB00] =	vst v63  }
0x457: {  	_ =	swait.ge [sflag:s5], $0x1A0  }
0x458: {  	[sflag:s5] =	ssyncset.done $0x0  }
0x459: {  	[sflag:s5] =	ssyncadd.s32 $0xFFFFFE60  }
0x45a: {  	[tilespmem:s28], [sflag:$0x1] =	stream.indirect.gather [hbm4b:s25+s30], $0x80, s2, s30, $0xb8;
	[tilespmem:$0x1AB00] =	vst v63  }
0x45b: {  	_ =	swait.ge [sflag:s29], $0xD000  }
0x45c: {  	s0 =	sld [smem:$0x7E8]  }
0x45d: {  	[sflag:s29] =	ssyncset.done $0x0  }
0x45e: {  	[sflag:s29] =	ssyncadd.s32 $0xFFFF3000  }
0x45f: {  	[hbm4b:s0+s2] =	stream.linear.scatter [tilespmem:s26], [sflag:$0x3], $0xD000, $0x38;
	[tilespmem:$0x1AB00] =	vst v63  }
0x460: {  	_ =	swait.ge [sflag:s5], $0xD000  }
0x461: {  	s0 =	sld [smem:$0x7E9]  }
0x462: {  	[sflag:s5] =	ssyncset.done $0x0  }
0x463: {  	[sflag:s5] =	ssyncadd.s32 $0xFFFF3000  }
0x464: {  	[tilespmem:s31], [sflag:$0x3] =	stream.linear.gather [hbm4b:s0+s2], $0x1A0, $0x38;
	[tilespmem:$0x1AB00] =	vst v63  }
0x465: {  	_ =	swait.ge [sflag:s5], $0x1A0  }
0x466: {  	[sflag:s5] =	ssyncset.done $0x0  }
0x467: {  	[sflag:s5] =	ssyncadd.s32 $0xFFFFFE60  }
0x468: {  	[tilespmem:s26], [sflag:$0x2] =	stream.indirect.gather [hbm4b:s24+s30], $0x80, s31, s30, $0xb8;
	[tilespmem:$0x1AB00] =	vst v63  }
0x469: {  	_ =	swait.ge [sflag:s9], $0xD000  }
0x46a: {  	s0 =	sld [smem:$0x7EA]  }
0x46b: {  	[sflag:s9] =	ssyncset.done $0x0  }
0x46c: {  	[sflag:s9] =	ssyncadd.s32 $0xFFFF3000  }
0x46d: {  	[hbm4b:s0+s2] =	stream.linear.scatter [tilespmem:s28], [sflag:$0x3], $0xD000, $0x38;
	[tilespmem:$0x1AB00] =	vst v63  }
0x46e: {  	_ =	swait.ge [sflag:s5], $0xD000  }
0x46f: {  	[sflag:s5] =	ssyncset.done $0x0  }
0x470: {  	[sflag:s5] =	ssyncadd.s32 $0xFFFF3000  }
0x471: {  	_ =	swait.ge [sflag:s29], $0xD000  }
0x472: {  	s0 =	sld [smem:$0x7EB]  }
0x473: {  	[sflag:s29] =	ssyncset.done $0x0  }
0x474: {  	[sflag:s29] =	ssyncadd.s32 $0xFFFF3000  }
0x475: {  	[hbm4b:s0+s2] =	stream.linear.scatter [tilespmem:s26], [sflag:$0x3], $0xD000, $0x38;
	[tilespmem:$0x1AB00] =	vst v63  }
0x476: {  	_ =	swait.ge [sflag:s5], $0xD000  }
0x477: {  	s0 =	sld [smem:$0x7EC]  }
0x478: {  	[sflag:s5] =	ssyncset.done $0x0  }
0x479: {  	[sflag:s5] =	ssyncadd.s32 $0xFFFF3000  }
0x47a: {  	[tilespmem:s11], [sflag:$0x3] =	stream.linear.gather [hbm4b:s0+s2], $0x340, $0x38;
	[tilespmem:$0x1AB00] =	vst v63  }
0x47b: {  	_ =	swait.ge [sflag:s5], $0x340  }
0x47c: {  	[sflag:s5] =	ssyncset.done $0x0  }
0x47d: {  	[sflag:s5] =	ssyncadd.s32 $0xFFFFFCC0  }
0x47e: {  	[tilespmem:s10], [sflag:$0x1] =	stream.indirect.gather [hbm4b:s4+s13], $0x1, s11, s13, $0xb8;
	[tilespmem:$0x1AB00] =	vst v63  }
0x47f: {  	_ =	swait.ge [sflag:s9], $0x340  }
0x480: {  	s0 =	sld [smem:$0x7ED]  }
0x481: {  	[sflag:s9] =	ssyncset.done $0x0  }
0x482: {  	[sflag:s9] =	ssyncadd.s32 $0xFFFFFCC0  }
0x483: {  	[hbm4b:s0+s2] =	stream.linear.scatter [tilespmem:s10], [sflag:$0x3], $0x340, $0x38;
	[tilespmem:$0x1AB00] =	vst v63  }
0x484: {  	_ =	swait.ge [sflag:s5], $0x340  }
0x485: {  	s0 =	sld [smem:$0x7EE]  }
0x486: {  	[sflag:s5] =	ssyncset.done $0x0  }
0x487: {  	[sflag:s5] =	ssyncadd.s32 $0xFFFFFCC0  }
0x488: {  	[tilespmem:s11], [sflag:$0x3] =	stream.linear.gather [hbm4b:s0+s2], $0x340, $0x38;
	[tilespmem:$0x1AB00] =	vst v63  }
0x489: {  	_ =	swait.ge [sflag:s5], $0x340  }
0x48a: {  	[sflag:s5] =	ssyncset.done $0x0  }
0x48b: {  	[sflag:s5] =	ssyncadd.s32 $0xFFFFFCC0  }
0x48c: {  	[tilespmem:s10], [sflag:$0x1] =	stream.indirect.gather [hbm4b:s3+s13], $0x1, s11, s13, $0xb8;
	[tilespmem:$0x1AB00] =	vst v63  }
0x48d: {  	_ =	swait.ge [sflag:s9], $0x340  }
0x48e: {  	s0 =	sld [smem:$0x7EF]  }
0x48f: {  	[sflag:s9] =	ssyncset.done $0x0  }
0x490: {  	[sflag:s9] =	ssyncadd.s32 $0xFFFFFCC0  }
0x491: {  	[hbm4b:s0+s2] =	stream.linear.scatter [tilespmem:s10], [sflag:$0x3], $0x340, $0x38;
	[tilespmem:$0x1AB00] =	vst v63  }
0x492: {  	_ =	swait.ge [sflag:s5], $0x340  }
0x493: {  	s0 =	sld [smem:$0x7F0]  }
0x494: {  	[sflag:s5] =	ssyncset.done $0x0  }
0x495: {  	[sflag:s5] =	ssyncadd.s32 $0xFFFFFCC0  }
0x496: {  	[tilespmem:s11], [sflag:$0x3] =	stream.linear.gather [hbm4b:s0+s2], $0x340, $0x38;
	[tilespmem:$0x1AB00] =	vst v63  }
0x497: {  	_ =	swait.ge [sflag:s5], $0x340  }
0x498: {  	[sflag:s5] =	ssyncset.done $0x0  }
0x499: {  	[sflag:s5] =	ssyncadd.s32 $0xFFFFFCC0  }
0x49a: {  	[tilespmem:s10], [sflag:$0x1] =	stream.indirect.gather [hbm4b:s4+s13], $0x1, s11, s13, $0xb8;
	[tilespmem:$0x1AB00] =	vst v63  }
0x49b: {  	_ =	swait.ge [sflag:s9], $0x340  }
0x49c: {  	s0 =	sld [smem:$0x7F1]  }
0x49d: {  	[sflag:s9] =	ssyncset.done $0x0  }
0x49e: {  	[sflag:s9] =	ssyncadd.s32 $0xFFFFFCC0  }
0x49f: {  	[hbm4b:s0+s2] =	stream.linear.scatter [tilespmem:s10], [sflag:$0x3], $0x340, $0x38;
	[tilespmem:$0x1AB00] =	vst v63  }
0x4a0: {  	_ =	swait.ge [sflag:s5], $0x340  }
0x4a1: {  	s0 =	sld [smem:$0x7F2]  }
0x4a2: {  	[sflag:s5] =	ssyncset.done $0x0  }
0x4a3: {  	[sflag:s5] =	ssyncadd.s32 $0xFFFFFCC0  }
0x4a4: {  	[tilespmem:s11], [sflag:$0x3] =	stream.linear.gather [hbm4b:s0+s2], $0x340, $0x38;
	[tilespmem:$0x1AB00] =	vst v63  }
0x4a5: {  	_ =	swait.ge [sflag:s5], $0x340  }
0x4a6: {  	[sflag:s5] =	ssyncset.done $0x0  }
0x4a7: {  	[sflag:s5] =	ssyncadd.s32 $0xFFFFFCC0  }
0x4a8: {  	[tilespmem:s10], [sflag:$0x1] =	stream.indirect.gather [hbm4b:s3+s13], $0x1, s11, s13, $0xb8;
	[tilespmem:$0x1AB00] =	vst v63  }
0x4a9: {  	_ =	swait.ge [sflag:s9], $0x340  }
0x4aa: {  	s0 =	sld [smem:$0x7F3]  }
0x4ab: {  	[sflag:s9] =	ssyncset.done $0x0  }
0x4ac: {  	[sflag:s9] =	ssyncadd.s32 $0xFFFFFCC0  }
0x4ad: {  	[hbm4b:s0+s2] =	stream.linear.scatter [tilespmem:s10], [sflag:$0x3], $0x340, $0x38;
	[tilespmem:$0x1AB00] =	vst v63  }
0x4ae: {  	_ =	swait.ge [sflag:s5], $0x340  }
0x4af: {  	s0 =	sld [smem:$0x7F4]  }
0x4b0: {  	[sflag:s5] =	ssyncset.done $0x0  }
0x4b1: {  	[sflag:s5] =	ssyncadd.s32 $0xFFFFFCC0  }
0x4b2: {  	[tilespmem:s11], [sflag:$0x3] =	stream.linear.gather [hbm4b:s0+s2], $0x340, $0x38;
	[tilespmem:$0x1AB00] =	vst v63  }
0x4b3: {  	_ =	swait.ge [sflag:s5], $0x340  }
0x4b4: {  	[sflag:s5] =	ssyncset.done $0x0  }
0x4b5: {  	[sflag:s5] =	ssyncadd.s32 $0xFFFFFCC0  }
0x4b6: {  	[tilespmem:s10], [sflag:$0x1] =	stream.indirect.gather [hbm4b:s4+s13], $0x1, s11, s13, $0xb8;
	[tilespmem:$0x1AB00] =	vst v63  }
0x4b7: {  	_ =	swait.ge [sflag:s9], $0x340  }
0x4b8: {  	s0 =	sld [smem:$0x7F5]  }
0x4b9: {  	[sflag:s9] =	ssyncset.done $0x0  }
0x4ba: {  	[sflag:s9] =	ssyncadd.s32 $0xFFFFFCC0  }
0x4bb: {  	[hbm4b:s0+s2] =	stream.linear.scatter [tilespmem:s10], [sflag:$0x3], $0x340, $0x38;
	[tilespmem:$0x1AB00] =	vst v63  }
0x4bc: {  	_ =	swait.ge [sflag:s5], $0x340  }
0x4bd: {  	s0 =	sld [smem:$0x7F6]  }
0x4be: {  	[sflag:s5] =	ssyncset.done $0x0  }
0x4bf: {  	[sflag:s5] =	ssyncadd.s32 $0xFFFFFCC0  }
0x4c0: {  	[tilespmem:s11], [sflag:$0x3] =	stream.linear.gather [hbm4b:s0+s2], $0x340, $0x38;
	[tilespmem:$0x1AB00] =	vst v63  }
0x4c1: {  	_ =	swait.ge [sflag:s5], $0x340  }
0x4c2: {  	[sflag:s5] =	ssyncset.done $0x0  }
0x4c3: {  	[sflag:s5] =	ssyncadd.s32 $0xFFFFFCC0  }
0x4c4: {  	[tilespmem:s10], [sflag:$0x1] =	stream.indirect.gather [hbm4b:s3+s13], $0x1, s11, s13, $0xb8;
	[tilespmem:$0x1AB00] =	vst v63  }
0x4c5: {  	_ =	swait.ge [sflag:s9], $0x340  }
0x4c6: {  	s0 =	sld [smem:$0x7F7]  }
0x4c7: {  	[sflag:s9] =	ssyncset.done $0x0  }
0x4c8: {  	[sflag:s9] =	ssyncadd.s32 $0xFFFFFCC0  }
0x4c9: {  	[hbm4b:s0+s2] =	stream.linear.scatter [tilespmem:s10], [sflag:$0x3], $0x340, $0x38;
	[tilespmem:$0x1AB00] =	vst v63  }
0x4ca: {  	_ =	swait.ge [sflag:s5], $0x340  }
0x4cb: {  	s0 =	sld [smem:$0x7F8]  }
0x4cc: {  	[sflag:s5] =	ssyncset.done $0x0  }
0x4cd: {  	[sflag:s5] =	ssyncadd.s32 $0xFFFFFCC0  }
0x4ce: {  	[tilespmem:s11], [sflag:$0x3] =	stream.linear.gather [hbm4b:s0+s2], $0x340, $0x38;
	[tilespmem:$0x1AB00] =	vst v63  }
0x4cf: {  	_ =	swait.ge [sflag:s5], $0x340  }
0x4d0: {  	[sflag:s5] =	ssyncset.done $0x0  }
0x4d1: {  	[sflag:s5] =	ssyncadd.s32 $0xFFFFFCC0  }
0x4d2: {  	[tilespmem:s10], [sflag:$0x1] =	stream.indirect.gather [hbm4b:s4+s13], $0x1, s11, s13, $0xb8;
	[tilespmem:$0x1AB00] =	vst v63  }
0x4d3: {  	_ =	swait.ge [sflag:s9], $0x340  }
0x4d4: {  	s0 =	sld [smem:$0x7F9]  }
0x4d5: {  	[sflag:s9] =	ssyncset.done $0x0  }
0x4d6: {  	[sflag:s9] =	ssyncadd.s32 $0xFFFFFCC0  }
0x4d7: {  	[hbm4b:s0+s2] =	stream.linear.scatter [tilespmem:s10], [sflag:$0x3], $0x340, $0x38;
	[tilespmem:$0x1AB00] =	vst v63  }
0x4d8: {  	_ =	swait.ge [sflag:s5], $0x340  }
0x4d9: {  	s0 =	sld [smem:$0x7FA]  }
0x4da: {  	[sflag:s5] =	ssyncset.done $0x0  }
0x4db: {  	[sflag:s5] =	ssyncadd.s32 $0xFFFFFCC0  }
0x4dc: {  	[tilespmem:s11], [sflag:$0x3] =	stream.linear.gather [hbm4b:s0+s2], $0x340, $0x38;
	[tilespmem:$0x1AB00] =	vst v63  }
0x4dd: {  	_ =	swait.ge [sflag:s5], $0x340  }
0x4de: {  	[sflag:s5] =	ssyncset.done $0x0  }
0x4df: {  	[sflag:s5] =	ssyncadd.s32 $0xFFFFFCC0  }
0x4e0: {  	[tilespmem:s10], [sflag:$0x1] =	stream.indirect.gather [hbm4b:s3+s13], $0x1, s11, s13, $0xb8;
	[tilespmem:$0x1AB00] =	vst v63  }
0x4e1: {  	_ =	swait.ge [sflag:s9], $0x340  }
0x4e2: {  	s0 =	sld [smem:$0x7FB]  }
0x4e3: {  	[sflag:s9] =	ssyncset.done $0x0  }
0x4e4: {  	[sflag:s9] =	ssyncadd.s32 $0xFFFFFCC0  }
0x4e5: {  	[hbm4b:s0+s2] =	stream.linear.scatter [tilespmem:s10], [sflag:$0x3], $0x340, $0x38;
	[tilespmem:$0x1AB00] =	vst v63  }
0x4e6: {  	_ =	swait.ge [sflag:s5], $0x340  }
0x4e7: {  	s0 =	sld [smem:$0x7FC]  }
0x4e8: {  	[sflag:s5] =	ssyncset.done $0x0  }
0x4e9: {  	[sflag:s5] =	ssyncadd.s32 $0xFFFFFCC0  }
0x4ea: {  	[tilespmem:s11], [sflag:$0x3] =	stream.linear.gather [hbm4b:s0+s2], $0x340, $0x38;
	[tilespmem:$0x1AB00] =	vst v63  }
0x4eb: {  	_ =	swait.ge [sflag:s5], $0x340  }
0x4ec: {  	[sflag:s5] =	ssyncset.done $0x0  }
0x4ed: {  	[sflag:s5] =	ssyncadd.s32 $0xFFFFFCC0  }
0x4ee: {  	[tilespmem:s10], [sflag:$0x1] =	stream.indirect.gather [hbm4b:s4+s13], $0x1, s11, s13, $0xb8;
	[tilespmem:$0x1AB00] =	vst v63  }
0x4ef: {  	_ =	swait.ge [sflag:s9], $0x340  }
0x4f0: {  	s0 =	sld [smem:$0x7FD]  }
0x4f1: {  	[sflag:s9] =	ssyncset.done $0x0  }
0x4f2: {  	[sflag:s9] =	ssyncadd.s32 $0xFFFFFCC0  }
0x4f3: {  	[hbm4b:s0+s2] =	stream.linear.scatter [tilespmem:s10], [sflag:$0x3], $0x340, $0x38;
	[tilespmem:$0x1AB00] =	vst v63  }
0x4f4: {  	_ =	swait.ge [sflag:s5], $0x340  }
0x4f5: {  	[sflag:s5] =	ssyncset.done $0x0  }
0x4f6: {  	[sflag:s5] =	ssyncadd.s32 $0xFFFFFCC0  }
0x4f7: {  	[tilespmem:s11], [sflag:$0x3] =	stream.linear.gather [hbm4b:s23+s2], $0x340, $0x38;
	[tilespmem:$0x1AB00] =	vst v63  }
0x4f8: {  	_ =	swait.ge [sflag:s5], $0x340  }
0x4f9: {  	[sflag:s5] =	ssyncset.done $0x0  }
0x4fa: {  	[sflag:s5] =	ssyncadd.s32 $0xFFFFFCC0  }
0x4fb: {  	[tilespmem:s10], [sflag:$0x1] =	stream.indirect.gather [hbm4b:s3+s13], $0x1, s11, s13, $0xb8;
	[tilespmem:$0x1AB00] =	vst v63  }
0x4fc: {  	_ =	swait.ge [sflag:s9], $0x340  }
0x4fd: {  	[sflag:s9] =	ssyncset.done $0x0  }
0x4fe: {  	[sflag:s9] =	ssyncadd.s32 $0xFFFFFCC0  }
0x4ff: {  	[hbm4b:s22+s2] =	stream.linear.scatter [tilespmem:s10], [sflag:$0x3], $0x340, $0x38;
	[tilespmem:$0x1AB00] =	vst v63  }
0x500: {  	_ =	swait.ge [sflag:s5], $0x340  }
0x501: {  	[sflag:s5] =	ssyncset.done $0x0  }
0x502: {  	[sflag:s5] =	ssyncadd.s32 $0xFFFFFCC0  }
0x503: {  	[tilespmem:s11], [sflag:$0x3] =	stream.linear.gather [hbm4b:s21+s2], $0x340, $0x38;
	[tilespmem:$0x1AB00] =	vst v63  }
0x504: {  	_ =	swait.ge [sflag:s5], $0x340  }
0x505: {  	[sflag:s5] =	ssyncset.done $0x0  }
0x506: {  	[sflag:s5] =	ssyncadd.s32 $0xFFFFFCC0  }
0x507: {  	[tilespmem:s10], [sflag:$0x1] =	stream.indirect.gather [hbm4b:s4+s13], $0x1, s11, s13, $0xb8;
	[tilespmem:$0x1AB00] =	vst v63  }
0x508: {  	_ =	swait.ge [sflag:s9], $0x340  }
0x509: {  	[sflag:s9] =	ssyncset.done $0x0  }
0x50a: {  	[sflag:s9] =	ssyncadd.s32 $0xFFFFFCC0  }
0x50b: {  	[hbm4b:s20+s2] =	stream.linear.scatter [tilespmem:s10], [sflag:$0x3], $0x340, $0x38;
	[tilespmem:$0x1AB00] =	vst v63  }
0x50c: {  	_ =	swait.ge [sflag:s5], $0x340  }
0x50d: {  	[sflag:s5] =	ssyncset.done $0x0  }
0x50e: {  	[sflag:s5] =	ssyncadd.s32 $0xFFFFFCC0  }
0x50f: {  	[tilespmem:s11], [sflag:$0x3] =	stream.linear.gather [hbm4b:s19+s2], $0x340, $0x38;
	[tilespmem:$0x1AB00] =	vst v63  }
0x510: {  	_ =	swait.ge [sflag:s5], $0x340  }
0x511: {  	[sflag:s5] =	ssyncset.done $0x0  }
0x512: {  	[sflag:s5] =	ssyncadd.s32 $0xFFFFFCC0  }
0x513: {  	[tilespmem:s10], [sflag:$0x1] =	stream.indirect.gather [hbm4b:s3+s13], $0x1, s11, s13, $0xb8;
	[tilespmem:$0x1AB00] =	vst v63  }
0x514: {  	_ =	swait.ge [sflag:s9], $0x340  }
0x515: {  	[sflag:s9] =	ssyncset.done $0x0  }
0x516: {  	[sflag:s9] =	ssyncadd.s32 $0xFFFFFCC0  }
0x517: {  	[hbm4b:s18+s2] =	stream.linear.scatter [tilespmem:s10], [sflag:$0x3], $0x340, $0x38;
	[tilespmem:$0x1AB00] =	vst v63  }
0x518: {  	_ =	swait.ge [sflag:s5], $0x340  }
0x519: {  	[sflag:s5] =	ssyncset.done $0x0  }
0x51a: {  	[sflag:s5] =	ssyncadd.s32 $0xFFFFFCC0  }
0x51b: {  	[tilespmem:s11], [sflag:$0x3] =	stream.linear.gather [hbm4b:s17+s2], $0x340, $0x38;
	[tilespmem:$0x1AB00] =	vst v63  }
0x51c: {  	_ =	swait.ge [sflag:s5], $0x340  }
0x51d: {  	[sflag:s5] =	ssyncset.done $0x0  }
0x51e: {  	[sflag:s5] =	ssyncadd.s32 $0xFFFFFCC0  }
0x51f: {  	[tilespmem:s10], [sflag:$0x1] =	stream.indirect.gather [hbm4b:s4+s13], $0x1, s11, s13, $0xb8;
	[tilespmem:$0x1AB00] =	vst v63  }
0x520: {  	_ =	swait.ge [sflag:s9], $0x340  }
0x521: {  	[sflag:s9] =	ssyncset.done $0x0  }
0x522: {  	[sflag:s9] =	ssyncadd.s32 $0xFFFFFCC0  }
0x523: {  	[hbm4b:s16+s2] =	stream.linear.scatter [tilespmem:s10], [sflag:$0x3], $0x340, $0x38;
	[tilespmem:$0x1AB00] =	vst v63  }
0x524: {  	_ =	swait.ge [sflag:s5], $0x340  }
0x525: {  	[sflag:s5] =	ssyncset.done $0x0  }
0x526: {  	[sflag:s5] =	ssyncadd.s32 $0xFFFFFCC0  }
0x527: {  	[tilespmem:s11], [sflag:$0x3] =	stream.linear.gather [hbm4b:s15+s2], $0x340, $0x38;
	[tilespmem:$0x1AB00] =	vst v63  }
0x528: {  	_ =	swait.ge [sflag:s5], $0x340  }
0x529: {  	[sflag:s5] =	ssyncset.done $0x0  }
0x52a: {  	[sflag:s5] =	ssyncadd.s32 $0xFFFFFCC0  }
0x52b: {  	[tilespmem:s10], [sflag:$0x1] =	stream.indirect.gather [hbm4b:s3+s13], $0x1, s11, s13, $0xb8;
	[tilespmem:$0x1AB00] =	vst v63  }
0x52c: {  	_ =	swait.ge [sflag:s9], $0x340  }
0x52d: {  	[sflag:s9] =	ssyncset.done $0x0  }
0x52e: {  	[sflag:s9] =	ssyncadd.s32 $0xFFFFFCC0  }
0x52f: {  	[hbm4b:s14+s2] =	stream.linear.scatter [tilespmem:s10], [sflag:$0x3], $0x340, $0x38;
	[tilespmem:$0x1AB00] =	vst v63  }
0x530: {  	_ =	swait.ge [sflag:s5], $0x340  }
0x531: {  	[sflag:s5] =	ssyncset.done $0x0  }
0x532: {  	[sflag:s5] =	ssyncadd.s32 $0xFFFFFCC0  }
0x533: {  	[tilespmem:s11], [sflag:$0x3] =	stream.linear.gather [hbm4b:s12+s2], $0x340, $0x38;
	[tilespmem:$0x1AB00] =	vst v63  }
0x534: {  	_ =	swait.ge [sflag:s5], $0x340  }
0x535: {  	[sflag:s5] =	ssyncset.done $0x0  }
0x536: {  	[sflag:s5] =	ssyncadd.s32 $0xFFFFFCC0  }
0x537: {  	[tilespmem:s10], [sflag:$0x1] =	stream.indirect.gather [hbm4b:s4+s13], $0x1, s11, s13, $0xb8;
	[tilespmem:$0x1AB00] =	vst v63  }
0x538: {  	_ =	swait.ge [sflag:s9], $0x340  }
0x539: {  	[sflag:s9] =	ssyncset.done $0x0  }
0x53a: {  	[sflag:s9] =	ssyncadd.s32 $0xFFFFFCC0  }
0x53b: {  	[hbm4b:s8+s2] =	stream.linear.scatter [tilespmem:s10], [sflag:$0x3], $0x340, $0x38;
	[tilespmem:$0x1AB00] =	vst v63  }
0x53c: {  	_ =	swait.ge [sflag:s5], $0x340  }
0x53d: {  	[sflag:s5] =	ssyncset.done $0x0  }
0x53e: {  	[sflag:s5] =	ssyncadd.s32 $0xFFFFFCC0  }
0x53f: {  	[tilespmem:s11], [sflag:$0x3] =	stream.linear.gather [hbm4b:s7+s2], $0x340, $0x38;
	[tilespmem:$0x1AB00] =	vst v63  }
0x540: {  	_ =	swait.ge [sflag:s5], $0x340  }
0x541: {  	[sflag:s5] =	ssyncset.done $0x0  }
0x542: {  	[sflag:s5] =	ssyncadd.s32 $0xFFFFFCC0  }
0x543: {  	[tilespmem:s10], [sflag:$0x1] =	stream.indirect.gather [hbm4b:s3+s13], $0x1, s11, s13, $0xb8;
	[tilespmem:$0x1AB00] =	vst v63  }
0x544: {  	p1 =	sne.s32 s1, $0x1;
	_ =	swait.ge [sflag:s9], $0x340  }
.Ltmp2:
0x545: {  	[sflag:s9] =	ssyncset.done $0x0;
	(pc) =	sbr.rel @p1 .LBB2_2-.Ltmp2, $4  }
0x546: {  	[sflag:s9] =	ssyncadd.s32 $0xFFFFFCC0  }
0x547: {  	[hbm4b:s6+s2] =	stream.linear.scatter [tilespmem:s10], [sflag:$0x3], $0x340, $0x38;
	[tilespmem:$0x1AB00] =	vst v63  }
0x548: {  	_ =	swait.ge [sflag:s5], $0x340  }
0x549: {  	s1 =	sadd.s32 $0xFFFFFFFF, s1;
	s0 =	rddreg [dreg:$0x2];
	[sflag:s5] =	ssyncset.done $0x0  }
.LBB2_3:
0x54a: {  	[sflag:s5] =	ssyncadd.s32 @p0 $0xFFFFFCC0  }
0x54b: {  	[tilespmem:s2], [sflag:$0x3] =	stream.linear.gather [hbm4b:s0+s2], $0x1A0, $0x38;
	[tilespmem:$0x1AB00] =	vst v63  }
0x54c: {  	_ =	swait.ge [sflag:s5], $0x1A0  }
0x54d: {  	[sflag:s5] =	ssyncset.done $0x0  }
0x54e: {  	[sflag:s5] =	ssyncadd.s32 $0xFFFFFE60  }
0x54f: {  	[tilespmem:s28], [sflag:$0x1] =	stream.indirect.gather [hbm4b:s25+s30], $0x80, s2, s30, $0xb8;
	[tilespmem:$0x1AB00] =	vst v63  }
0x550: {  	s1 =	rddreg [dreg:$0x3]  }
0x551: {  	[tilespmem:s31], [sflag:$0x3] =	stream.linear.gather [hbm4b:s1+s2], $0x1A0, $0x38;
	[tilespmem:$0x1AB00] =	vst v63  }
0x552: {  	_ =	swait.ge [sflag:s5], $0x1A0  }
0x553: {  	[sflag:s5] =	ssyncset.done $0x0  }
0x554: {  	[sflag:s5] =	ssyncadd.s32 $0xFFFFFE60  }
0x555: {  	[tilespmem:s26], [sflag:$0x2] =	stream.indirect.gather [hbm4b:s24+s30], $0x80, s31, s30, $0xb8;
	[tilespmem:$0x1AB00] =	vst v63  }
0x556: {  	_ =	swait.ge [sflag:s9], $0xD000  }
0x557: {  	[sflag:s9] =	ssyncset.done $0x0  }
0x558: {  	s1 =	rddreg [dreg:$0x4];
	[sflag:s9] =	ssyncadd.s32 $0xFFFF3000  }
0x559: {  	[hbm4b:s1+s2] =	stream.linear.scatter [tilespmem:s28], [sflag:$0x3], $0xD000, $0x38;
	[tilespmem:$0x1AB00] =	vst v63  }
0x55a: {  	_ =	swait.ge [sflag:s5], $0xD000  }
0x55b: {  	[sflag:s5] =	ssyncset.done $0x0  }
0x55c: {  	s1 =	rddreg [dreg:$0x5];
	[sflag:s5] =	ssyncadd.s32 $0xFFFF3000  }
0x55d: {  	[tilespmem:s2], [sflag:$0x3] =	stream.linear.gather [hbm4b:s1+s2], $0x1A0, $0x38;
	[tilespmem:$0x1AB00] =	vst v63  }
0x55e: {  	_ =	swait.ge [sflag:s5], $0x1A0  }
0x55f: {  	[sflag:s5] =	ssyncset.done $0x0  }
0x560: {  	[sflag:s5] =	ssyncadd.s32 $0xFFFFFE60  }
0x561: {  	[tilespmem:s28], [sflag:$0x1] =	stream.indirect.gather [hbm4b:s25+s30], $0x80, s2, s30, $0xb8;
	[tilespmem:$0x1AB00] =	vst v63  }
0x562: {  	_ =	swait.ge [sflag:s29], $0xD000  }
0x563: {  	[sflag:s29] =	ssyncset.done $0x0  }
0x564: {  	s1 =	rddreg [dreg:$0x6];
	[sflag:s29] =	ssyncadd.s32 $0xFFFF3000  }
0x565: {  	[hbm4b:s1+s2] =	stream.linear.scatter [tilespmem:s26], [sflag:$0x3], $0xD000, $0x38;
	[tilespmem:$0x1AB00] =	vst v63  }
0x566: {  	_ =	swait.ge [sflag:s5], $0xD000  }
0x567: {  	[sflag:s5] =	ssyncset.done $0x0  }
0x568: {  	s1 =	rddreg [dreg:$0x7];
	[sflag:s5] =	ssyncadd.s32 $0xFFFF3000  }
0x569: {  	[tilespmem:s31], [sflag:$0x3] =	stream.linear.gather [hbm4b:s1+s2], $0x1A0, $0x38;
	[tilespmem:$0x1AB00] =	vst v63  }
0x56a: {  	_ =	swait.ge [sflag:s5], $0x1A0  }
0x56b: {  	[sflag:s5] =	ssyncset.done $0x0  }
0x56c: {  	[sflag:s5] =	ssyncadd.s32 $0xFFFFFE60  }
0x56d: {  	[tilespmem:s26], [sflag:$0x2] =	stream.indirect.gather [hbm4b:s24+s30], $0x80, s31, s30, $0xb8;
	[tilespmem:$0x1AB00] =	vst v63  }
0x56e: {  	_ =	swait.ge [sflag:s9], $0xD000  }
0x56f: {  	[sflag:s9] =	ssyncset.done $0x0  }
0x570: {  	s1 =	rddreg [dreg:$0x8];
	[sflag:s9] =	ssyncadd.s32 $0xFFFF3000  }
0x571: {  	[hbm4b:s1+s2] =	stream.linear.scatter [tilespmem:s28], [sflag:$0x3], $0xD000, $0x38;
	[tilespmem:$0x1AB00] =	vst v63  }
0x572: {  	_ =	swait.ge [sflag:s5], $0xD000  }
0x573: {  	[sflag:s5] =	ssyncset.done $0x0  }
0x574: {  	s1 =	rddreg [dreg:$0x9];
	[sflag:s5] =	ssyncadd.s32 $0xFFFF3000  }
0x575: {  	[tilespmem:s2], [sflag:$0x3] =	stream.linear.gather [hbm4b:s1+s2], $0x1A0, $0x38;
	[tilespmem:$0x1AB00] =	vst v63  }
0x576: {  	_ =	swait.ge [sflag:s5], $0x1A0  }
0x577: {  	[sflag:s5] =	ssyncset.done $0x0  }
0x578: {  	[sflag:s5] =	ssyncadd.s32 $0xFFFFFE60  }
0x579: {  	[tilespmem:s28], [sflag:$0x1] =	stream.indirect.gather [hbm4b:s25+s30], $0x80, s2, s30, $0xb8;
	[tilespmem:$0x1AB00] =	vst v63  }
0x57a: {  	_ =	swait.ge [sflag:s29], $0xD000  }
0x57b: {  	[sflag:s29] =	ssyncset.done $0x0  }
0x57c: {  	s1 =	rddreg [dreg:$0xa];
	[sflag:s29] =	ssyncadd.s32 $0xFFFF3000  }
0x57d: {  	[hbm4b:s1+s2] =	stream.linear.scatter [tilespmem:s26], [sflag:$0x3], $0xD000, $0x38;
	[tilespmem:$0x1AB00] =	vst v63  }
0x57e: {  	_ =	swait.ge [sflag:s5], $0xD000  }
0x57f: {  	[sflag:s5] =	ssyncset.done $0x0  }
0x580: {  	s1 =	rddreg [dreg:$0xb];
	[sflag:s5] =	ssyncadd.s32 $0xFFFF3000  }
0x581: {  	[tilespmem:s31], [sflag:$0x3] =	stream.linear.gather [hbm4b:s1+s2], $0x1A0, $0x38;
	[tilespmem:$0x1AB00] =	vst v63  }
0x582: {  	_ =	swait.ge [sflag:s5], $0x1A0  }
0x583: {  	[sflag:s5] =	ssyncset.done $0x0  }
0x584: {  	[sflag:s5] =	ssyncadd.s32 $0xFFFFFE60  }
0x585: {  	[tilespmem:s26], [sflag:$0x2] =	stream.indirect.gather [hbm4b:s24+s30], $0x80, s31, s30, $0xb8;
	[tilespmem:$0x1AB00] =	vst v63  }
0x586: {  	_ =	swait.ge [sflag:s9], $0xD000  }
0x587: {  	[sflag:s9] =	ssyncset.done $0x0  }
0x588: {  	s1 =	rddreg [dreg:$0xc];
	[sflag:s9] =	ssyncadd.s32 $0xFFFF3000  }
0x589: {  	[hbm4b:s1+s2] =	stream.linear.scatter [tilespmem:s28], [sflag:$0x3], $0xD000, $0x38;
	[tilespmem:$0x1AB00] =	vst v63  }
0x58a: {  	_ =	swait.ge [sflag:s5], $0xD000  }
0x58b: {  	[sflag:s5] =	ssyncset.done $0x0  }
0x58c: {  	s1 =	rddreg [dreg:$0xd];
	[sflag:s5] =	ssyncadd.s32 $0xFFFF3000  }
0x58d: {  	[tilespmem:s2], [sflag:$0x3] =	stream.linear.gather [hbm4b:s1+s2], $0x1A0, $0x38;
	[tilespmem:$0x1AB00] =	vst v63  }
0x58e: {  	_ =	swait.ge [sflag:s5], $0x1A0  }
0x58f: {  	[sflag:s5] =	ssyncset.done $0x0  }
0x590: {  	[sflag:s5] =	ssyncadd.s32 $0xFFFFFE60  }
0x591: {  	[tilespmem:s28], [sflag:$0x1] =	stream.indirect.gather [hbm4b:s25+s30], $0x80, s2, s30, $0xb8;
	[tilespmem:$0x1AB00] =	vst v63  }
0x592: {  	_ =	swait.ge [sflag:s29], $0xD000  }
0x593: {  	[sflag:s29] =	ssyncset.done $0x0  }
0x594: {  	s1 =	rddreg [dreg:$0xe];
	[sflag:s29] =	ssyncadd.s32 $0xFFFF3000  }
0x595: {  	[hbm4b:s1+s2] =	stream.linear.scatter [tilespmem:s26], [sflag:$0x3], $0xD000, $0x38;
	[tilespmem:$0x1AB00] =	vst v63  }
0x596: {  	_ =	swait.ge [sflag:s5], $0xD000  }
0x597: {  	[sflag:s5] =	ssyncset.done $0x0  }
0x598: {  	s1 =	rddreg [dreg:$0xf];
	[sflag:s5] =	ssyncadd.s32 $0xFFFF3000  }
0x599: {  	[tilespmem:s31], [sflag:$0x3] =	stream.linear.gather [hbm4b:s1+s2], $0x1A0, $0x38;
	[tilespmem:$0x1AB00] =	vst v63  }
0x59a: {  	_ =	swait.ge [sflag:s5], $0x1A0  }
0x59b: {  	[sflag:s5] =	ssyncset.done $0x0  }
0x59c: {  	[sflag:s5] =	ssyncadd.s32 $0xFFFFFE60  }
0x59d: {  	[tilespmem:s26], [sflag:$0x2] =	stream.indirect.gather [hbm4b:s24+s30], $0x80, s31, s30, $0xb8;
	[tilespmem:$0x1AB00] =	vst v63  }
0x59e: {  	_ =	swait.ge [sflag:s9], $0xD000  }
0x59f: {  	[sflag:s9] =	ssyncset.done $0x0  }
0x5a0: {  	s1 =	rddreg [dreg:$0x10];
	[sflag:s9] =	ssyncadd.s32 $0xFFFF3000  }
0x5a1: {  	[hbm4b:s1+s2] =	stream.linear.scatter [tilespmem:s28], [sflag:$0x3], $0xD000, $0x38;
	[tilespmem:$0x1AB00] =	vst v63  }
0x5a2: {  	_ =	swait.ge [sflag:s5], $0xD000  }
0x5a3: {  	[sflag:s5] =	ssyncset.done $0x0  }
0x5a4: {  	s1 =	rddreg [dreg:$0x11];
	[sflag:s5] =	ssyncadd.s32 $0xFFFF3000  }
0x5a5: {  	[tilespmem:s2], [sflag:$0x3] =	stream.linear.gather [hbm4b:s1+s2], $0x1A0, $0x38;
	[tilespmem:$0x1AB00] =	vst v63  }
0x5a6: {  	_ =	swait.ge [sflag:s5], $0x1A0  }
0x5a7: {  	[sflag:s5] =	ssyncset.done $0x0  }
0x5a8: {  	[sflag:s5] =	ssyncadd.s32 $0xFFFFFE60  }
0x5a9: {  	[tilespmem:s28], [sflag:$0x1] =	stream.indirect.gather [hbm4b:s25+s30], $0x80, s2, s30, $0xb8;
	[tilespmem:$0x1AB00] =	vst v63  }
0x5aa: {  	_ =	swait.ge [sflag:s29], $0xD000  }
0x5ab: {  	[sflag:s29] =	ssyncset.done $0x0  }
0x5ac: {  	s1 =	rddreg [dreg:$0x12];
	[sflag:s29] =	ssyncadd.s32 $0xFFFF3000  }
0x5ad: {  	[hbm4b:s1+s2] =	stream.linear.scatter [tilespmem:s26], [sflag:$0x3], $0xD000, $0x38;
	[tilespmem:$0x1AB00] =	vst v63  }
0x5ae: {  	_ =	swait.ge [sflag:s5], $0xD000  }
0x5af: {  	[sflag:s5] =	ssyncset.done $0x0  }
0x5b0: {  	s1 =	rddreg [dreg:$0x13];
	[sflag:s5] =	ssyncadd.s32 $0xFFFF3000  }
0x5b1: {  	[tilespmem:s31], [sflag:$0x3] =	stream.linear.gather [hbm4b:s1+s2], $0x1A0, $0x38;
	[tilespmem:$0x1AB00] =	vst v63  }
0x5b2: {  	_ =	swait.ge [sflag:s5], $0x1A0  }
0x5b3: {  	[sflag:s5] =	ssyncset.done $0x0  }
0x5b4: {  	[sflag:s5] =	ssyncadd.s32 $0xFFFFFE60  }
0x5b5: {  	[tilespmem:s26], [sflag:$0x2] =	stream.indirect.gather [hbm4b:s24+s30], $0x80, s31, s30, $0xb8;
	[tilespmem:$0x1AB00] =	vst v63  }
0x5b6: {  	_ =	swait.ge [sflag:s9], $0xD000  }
0x5b7: {  	[sflag:s9] =	ssyncset.done $0x0  }
0x5b8: {  	s1 =	rddreg [dreg:$0x14];
	[sflag:s9] =	ssyncadd.s32 $0xFFFF3000  }
0x5b9: {  	[hbm4b:s1+s2] =	stream.linear.scatter [tilespmem:s28], [sflag:$0x3], $0xD000, $0x38;
	[tilespmem:$0x1AB00] =	vst v63  }
0x5ba: {  	_ =	swait.ge [sflag:s5], $0xD000  }
0x5bb: {  	[sflag:s5] =	ssyncset.done $0x0  }
0x5bc: {  	s1 =	rddreg [dreg:$0x15];
	[sflag:s5] =	ssyncadd.s32 $0xFFFF3000  }
0x5bd: {  	[tilespmem:s2], [sflag:$0x3] =	stream.linear.gather [hbm4b:s1+s2], $0x1A0, $0x38;
	[tilespmem:$0x1AB00] =	vst v63  }
0x5be: {  	_ =	swait.ge [sflag:s5], $0x1A0  }
0x5bf: {  	[sflag:s5] =	ssyncset.done $0x0  }
0x5c0: {  	[sflag:s5] =	ssyncadd.s32 $0xFFFFFE60  }
0x5c1: {  	[tilespmem:s28], [sflag:$0x1] =	stream.indirect.gather [hbm4b:s25+s30], $0x80, s2, s30, $0xb8;
	[tilespmem:$0x1AB00] =	vst v63  }
0x5c2: {  	_ =	swait.ge [sflag:s29], $0xD000  }
0x5c3: {  	[sflag:s29] =	ssyncset.done $0x0  }
0x5c4: {  	s1 =	rddreg [dreg:$0x16];
	[sflag:s29] =	ssyncadd.s32 $0xFFFF3000  }
0x5c5: {  	[hbm4b:s1+s2] =	stream.linear.scatter [tilespmem:s26], [sflag:$0x3], $0xD000, $0x38;
	[tilespmem:$0x1AB00] =	vst v63  }
0x5c6: {  	_ =	swait.ge [sflag:s5], $0xD000  }
0x5c7: {  	[sflag:s5] =	ssyncset.done $0x0  }
0x5c8: {  	s1 =	rddreg [dreg:$0x17];
	[sflag:s5] =	ssyncadd.s32 $0xFFFF3000  }
0x5c9: {  	[tilespmem:s31], [sflag:$0x3] =	stream.linear.gather [hbm4b:s1+s2], $0x1A0, $0x38;
	[tilespmem:$0x1AB00] =	vst v63  }
0x5ca: {  	_ =	swait.ge [sflag:s5], $0x1A0  }
0x5cb: {  	[sflag:s5] =	ssyncset.done $0x0  }
0x5cc: {  	[sflag:s5] =	ssyncadd.s32 $0xFFFFFE60  }
0x5cd: {  	[tilespmem:s26], [sflag:$0x2] =	stream.indirect.gather [hbm4b:s24+s30], $0x80, s31, s30, $0xb8;
	[tilespmem:$0x1AB00] =	vst v63  }
0x5ce: {  	_ =	swait.ge [sflag:s9], $0xD000  }
0x5cf: {  	[sflag:s9] =	ssyncset.done $0x0  }
0x5d0: {  	s1 =	rddreg [dreg:$0x18];
	[sflag:s9] =	ssyncadd.s32 $0xFFFF3000  }
0x5d1: {  	[hbm4b:s1+s2] =	stream.linear.scatter [tilespmem:s28], [sflag:$0x3], $0xD000, $0x38;
	[tilespmem:$0x1AB00] =	vst v63  }
0x5d2: {  	_ =	swait.ge [sflag:s5], $0xD000  }
0x5d3: {  	[sflag:s5] =	ssyncset.done $0x0  }
0x5d4: {  	s1 =	rddreg [dreg:$0x19];
	[sflag:s5] =	ssyncadd.s32 $0xFFFF3000  }
0x5d5: {  	[tilespmem:s2], [sflag:$0x3] =	stream.linear.gather [hbm4b:s1+s2], $0x1A0, $0x38;
	[tilespmem:$0x1AB00] =	vst v63  }
0x5d6: {  	_ =	swait.ge [sflag:s5], $0x1A0  }
0x5d7: {  	[sflag:s5] =	ssyncset.done $0x0  }
0x5d8: {  	[sflag:s5] =	ssyncadd.s32 $0xFFFFFE60  }
0x5d9: {  	[tilespmem:s28], [sflag:$0x1] =	stream.indirect.gather [hbm4b:s25+s30], $0x80, s2, s30, $0xb8;
	[tilespmem:$0x1AB00] =	vst v63  }
0x5da: {  	_ =	swait.ge [sflag:s29], $0xD000  }
0x5db: {  	[sflag:s29] =	ssyncset.done $0x0  }
0x5dc: {  	s1 =	rddreg [dreg:$0x1a];
	[sflag:s29] =	ssyncadd.s32 $0xFFFF3000  }
0x5dd: {  	[hbm4b:s1+s2] =	stream.linear.scatter [tilespmem:s26], [sflag:$0x3], $0xD000, $0x38;
	[tilespmem:$0x1AB00] =	vst v63  }
0x5de: {  	_ =	swait.ge [sflag:s5], $0xD000  }
0x5df: {  	[sflag:s5] =	ssyncset.done $0x0  }
0x5e0: {  	s1 =	rddreg [dreg:$0x1b];
	[sflag:s5] =	ssyncadd.s32 $0xFFFF3000  }
0x5e1: {  	[tilespmem:s31], [sflag:$0x3] =	stream.linear.gather [hbm4b:s1+s2], $0x1A0, $0x38;
	[tilespmem:$0x1AB00] =	vst v63  }
0x5e2: {  	_ =	swait.ge [sflag:s5], $0x1A0  }
0x5e3: {  	[sflag:s5] =	ssyncset.done $0x0  }
0x5e4: {  	[sflag:s5] =	ssyncadd.s32 $0xFFFFFE60  }
0x5e5: {  	[tilespmem:s26], [sflag:$0x2] =	stream.indirect.gather [hbm4b:s24+s30], $0x80, s31, s30, $0xb8;
	[tilespmem:$0x1AB00] =	vst v63  }
0x5e6: {  	_ =	swait.ge [sflag:s9], $0xD000  }
0x5e7: {  	[sflag:s9] =	ssyncset.done $0x0  }
0x5e8: {  	s1 =	rddreg [dreg:$0x1c];
	[sflag:s9] =	ssyncadd.s32 $0xFFFF3000  }
0x5e9: {  	[hbm4b:s1+s2] =	stream.linear.scatter [tilespmem:s28], [sflag:$0x3], $0xD000, $0x38;
	[tilespmem:$0x1AB00] =	vst v63  }
0x5ea: {  	_ =	swait.ge [sflag:s5], $0xD000  }
0x5eb: {  	[sflag:s5] =	ssyncset.done $0x0  }
0x5ec: {  	s1 =	rddreg [dreg:$0x1d];
	[sflag:s5] =	ssyncadd.s32 $0xFFFF3000  }
0x5ed: {  	[tilespmem:s2], [sflag:$0x3] =	stream.linear.gather [hbm4b:s1+s2], $0x1A0, $0x38;
	[tilespmem:$0x1AB00] =	vst v63  }
0x5ee: {  	_ =	swait.ge [sflag:s5], $0x1A0  }
0x5ef: {  	[sflag:s5] =	ssyncset.done $0x0  }
0x5f0: {  	[sflag:s5] =	ssyncadd.s32 $0xFFFFFE60  }
0x5f1: {  	[tilespmem:s28], [sflag:$0x1] =	stream.indirect.gather [hbm4b:s25+s30], $0x80, s2, s30, $0xb8;
	[tilespmem:$0x1AB00] =	vst v63  }
0x5f2: {  	_ =	swait.ge [sflag:s29], $0xD000  }
0x5f3: {  	[sflag:s29] =	ssyncset.done $0x0  }
0x5f4: {  	s1 =	rddreg [dreg:$0x1e];
	[sflag:s29] =	ssyncadd.s32 $0xFFFF3000  }
0x5f5: {  	[hbm4b:s1+s2] =	stream.linear.scatter [tilespmem:s26], [sflag:$0x3], $0xD000, $0x38;
	[tilespmem:$0x1AB00] =	vst v63  }
0x5f6: {  	_ =	swait.ge [sflag:s5], $0xD000  }
0x5f7: {  	[sflag:s5] =	ssyncset.done $0x0  }
0x5f8: {  	s1 =	rddreg [dreg:$0x1f];
	[sflag:s5] =	ssyncadd.s32 $0xFFFF3000  }
0x5f9: {  	[tilespmem:s31], [sflag:$0x3] =	stream.linear.gather [hbm4b:s1+s2], $0x1A0, $0x38;
	[tilespmem:$0x1AB00] =	vst v63  }
0x5fa: {  	_ =	swait.ge [sflag:s5], $0x1A0  }
0x5fb: {  	[sflag:s5] =	ssyncset.done $0x0  }
0x5fc: {  	[sflag:s5] =	ssyncadd.s32 $0xFFFFFE60  }
0x5fd: {  	[tilespmem:s26], [sflag:$0x2] =	stream.indirect.gather [hbm4b:s24+s30], $0x80, s31, s30, $0xb8;
	[tilespmem:$0x1AB00] =	vst v63  }
0x5fe: {  	_ =	swait.ge [sflag:s9], $0xD000  }
0x5ff: {  	s1 =	sld [smem:$0x7CA]  }
0x600: {  	[sflag:s9] =	ssyncset.done $0x0  }
0x601: {  	[sflag:s9] =	ssyncadd.s32 $0xFFFF3000  }
0x602: {  	[hbm4b:s1+s2] =	stream.linear.scatter [tilespmem:s28], [sflag:$0x3], $0xD000, $0x38;
	[tilespmem:$0x1AB00] =	vst v63  }
0x603: {  	_ =	swait.ge [sflag:s5], $0xD000  }
0x604: {  	s1 =	sld [smem:$0x7CB]  }
0x605: {  	[sflag:s5] =	ssyncset.done $0x0  }
0x606: {  	[sflag:s5] =	ssyncadd.s32 $0xFFFF3000  }
0x607: {  	[tilespmem:s2], [sflag:$0x3] =	stream.linear.gather [hbm4b:s1+s2], $0x1A0, $0x38;
	[tilespmem:$0x1AB00] =	vst v63  }
0x608: {  	_ =	swait.ge [sflag:s5], $0x1A0  }
0x609: {  	[sflag:s5] =	ssyncset.done $0x0  }
0x60a: {  	[sflag:s5] =	ssyncadd.s32 $0xFFFFFE60  }
0x60b: {  	[tilespmem:s28], [sflag:$0x1] =	stream.indirect.gather [hbm4b:s25+s30], $0x80, s2, s30, $0xb8;
	[tilespmem:$0x1AB00] =	vst v63  }
0x60c: {  	_ =	swait.ge [sflag:s29], $0xD000  }
0x60d: {  	s1 =	sld [smem:$0x7CC]  }
0x60e: {  	[sflag:s29] =	ssyncset.done $0x0  }
0x60f: {  	[sflag:s29] =	ssyncadd.s32 $0xFFFF3000  }
0x610: {  	[hbm4b:s1+s2] =	stream.linear.scatter [tilespmem:s26], [sflag:$0x3], $0xD000, $0x38;
	[tilespmem:$0x1AB00] =	vst v63  }
0x611: {  	_ =	swait.ge [sflag:s5], $0xD000  }
0x612: {  	s1 =	sld [smem:$0x7CD]  }
0x613: {  	[sflag:s5] =	ssyncset.done $0x0  }
0x614: {  	[sflag:s5] =	ssyncadd.s32 $0xFFFF3000  }
0x615: {  	[tilespmem:s31], [sflag:$0x3] =	stream.linear.gather [hbm4b:s1+s2], $0x1A0, $0x38;
	[tilespmem:$0x1AB00] =	vst v63  }
0x616: {  	_ =	swait.ge [sflag:s5], $0x1A0  }
0x617: {  	[sflag:s5] =	ssyncset.done $0x0  }
0x618: {  	[sflag:s5] =	ssyncadd.s32 $0xFFFFFE60  }
0x619: {  	[tilespmem:s26], [sflag:$0x2] =	stream.indirect.gather [hbm4b:s24+s30], $0x80, s31, s30, $0xb8;
	[tilespmem:$0x1AB00] =	vst v63  }
0x61a: {  	_ =	swait.ge [sflag:s9], $0xD000  }
0x61b: {  	s1 =	sld [smem:$0x7CE]  }
0x61c: {  	[sflag:s9] =	ssyncset.done $0x0  }
0x61d: {  	[sflag:s9] =	ssyncadd.s32 $0xFFFF3000  }
0x61e: {  	[hbm4b:s1+s2] =	stream.linear.scatter [tilespmem:s28], [sflag:$0x3], $0xD000, $0x38;
	[tilespmem:$0x1AB00] =	vst v63  }
0x61f: {  	_ =	swait.ge [sflag:s5], $0xD000  }
0x620: {  	s1 =	sld [smem:$0x7CF]  }
0x621: {  	[sflag:s5] =	ssyncset.done $0x0  }
0x622: {  	[sflag:s5] =	ssyncadd.s32 $0xFFFF3000  }
0x623: {  	[tilespmem:s2], [sflag:$0x3] =	stream.linear.gather [hbm4b:s1+s2], $0x1A0, $0x38;
	[tilespmem:$0x1AB00] =	vst v63  }
0x624: {  	_ =	swait.ge [sflag:s5], $0x1A0  }
0x625: {  	[sflag:s5] =	ssyncset.done $0x0  }
0x626: {  	[sflag:s5] =	ssyncadd.s32 $0xFFFFFE60  }
0x627: {  	[tilespmem:s28], [sflag:$0x1] =	stream.indirect.gather [hbm4b:s25+s30], $0x80, s2, s30, $0xb8;
	[tilespmem:$0x1AB00] =	vst v63  }
0x628: {  	_ =	swait.ge [sflag:s29], $0xD000  }
0x629: {  	s1 =	sld [smem:$0x7D0]  }
0x62a: {  	[sflag:s29] =	ssyncset.done $0x0  }
0x62b: {  	[sflag:s29] =	ssyncadd.s32 $0xFFFF3000  }
0x62c: {  	[hbm4b:s1+s2] =	stream.linear.scatter [tilespmem:s26], [sflag:$0x3], $0xD000, $0x38;
	[tilespmem:$0x1AB00] =	vst v63  }
0x62d: {  	_ =	swait.ge [sflag:s5], $0xD000  }
0x62e: {  	s1 =	sld [smem:$0x7D1]  }
0x62f: {  	[sflag:s5] =	ssyncset.done $0x0  }
0x630: {  	[sflag:s5] =	ssyncadd.s32 $0xFFFF3000  }
0x631: {  	[tilespmem:s31], [sflag:$0x3] =	stream.linear.gather [hbm4b:s1+s2], $0x1A0, $0x38;
	[tilespmem:$0x1AB00] =	vst v63  }
0x632: {  	_ =	swait.ge [sflag:s5], $0x1A0  }
0x633: {  	[sflag:s5] =	ssyncset.done $0x0  }
0x634: {  	[sflag:s5] =	ssyncadd.s32 $0xFFFFFE60  }
0x635: {  	[tilespmem:s26], [sflag:$0x2] =	stream.indirect.gather [hbm4b:s24+s30], $0x80, s31, s30, $0xb8;
	[tilespmem:$0x1AB00] =	vst v63  }
0x636: {  	_ =	swait.ge [sflag:s9], $0xD000  }
0x637: {  	s1 =	sld [smem:$0x7D2]  }
0x638: {  	[sflag:s9] =	ssyncset.done $0x0  }
0x639: {  	[sflag:s9] =	ssyncadd.s32 $0xFFFF3000  }
0x63a: {  	[hbm4b:s1+s2] =	stream.linear.scatter [tilespmem:s28], [sflag:$0x3], $0xD000, $0x38;
	[tilespmem:$0x1AB00] =	vst v63  }
0x63b: {  	_ =	swait.ge [sflag:s5], $0xD000  }
0x63c: {  	s1 =	sld [smem:$0x7D3]  }
0x63d: {  	[sflag:s5] =	ssyncset.done $0x0  }
0x63e: {  	[sflag:s5] =	ssyncadd.s32 $0xFFFF3000  }
0x63f: {  	[tilespmem:s2], [sflag:$0x3] =	stream.linear.gather [hbm4b:s1+s2], $0x1A0, $0x38;
	[tilespmem:$0x1AB00] =	vst v63  }
0x640: {  	_ =	swait.ge [sflag:s5], $0x1A0  }
0x641: {  	[sflag:s5] =	ssyncset.done $0x0  }
0x642: {  	[sflag:s5] =	ssyncadd.s32 $0xFFFFFE60  }
0x643: {  	[tilespmem:s28], [sflag:$0x1] =	stream.indirect.gather [hbm4b:s25+s30], $0x80, s2, s30, $0xb8;
	[tilespmem:$0x1AB00] =	vst v63  }
0x644: {  	_ =	swait.ge [sflag:s29], $0xD000  }
0x645: {  	s1 =	sld [smem:$0x7D4]  }
0x646: {  	[sflag:s29] =	ssyncset.done $0x0  }
0x647: {  	[sflag:s29] =	ssyncadd.s32 $0xFFFF3000  }
0x648: {  	[hbm4b:s1+s2] =	stream.linear.scatter [tilespmem:s26], [sflag:$0x3], $0xD000, $0x38;
	[tilespmem:$0x1AB00] =	vst v63  }
0x649: {  	_ =	swait.ge [sflag:s5], $0xD000  }
0x64a: {  	s1 =	sld [smem:$0x7D5]  }
0x64b: {  	[sflag:s5] =	ssyncset.done $0x0  }
0x64c: {  	[sflag:s5] =	ssyncadd.s32 $0xFFFF3000  }
0x64d: {  	[tilespmem:s31], [sflag:$0x3] =	stream.linear.gather [hbm4b:s1+s2], $0x1A0, $0x38;
	[tilespmem:$0x1AB00] =	vst v63  }
0x64e: {  	_ =	swait.ge [sflag:s5], $0x1A0  }
0x64f: {  	[sflag:s5] =	ssyncset.done $0x0  }
0x650: {  	[sflag:s5] =	ssyncadd.s32 $0xFFFFFE60  }
0x651: {  	[tilespmem:s26], [sflag:$0x2] =	stream.indirect.gather [hbm4b:s24+s30], $0x80, s31, s30, $0xb8;
	[tilespmem:$0x1AB00] =	vst v63  }
0x652: {  	_ =	swait.ge [sflag:s9], $0xD000  }
0x653: {  	s1 =	sld [smem:$0x7D6]  }
0x654: {  	[sflag:s9] =	ssyncset.done $0x0  }
0x655: {  	[sflag:s9] =	ssyncadd.s32 $0xFFFF3000  }
0x656: {  	[hbm4b:s1+s2] =	stream.linear.scatter [tilespmem:s28], [sflag:$0x3], $0xD000, $0x38;
	[tilespmem:$0x1AB00] =	vst v63  }
0x657: {  	_ =	swait.ge [sflag:s5], $0xD000  }
0x658: {  	s1 =	sld [smem:$0x7D7]  }
0x659: {  	[sflag:s5] =	ssyncset.done $0x0  }
0x65a: {  	[sflag:s5] =	ssyncadd.s32 $0xFFFF3000  }
0x65b: {  	[tilespmem:s2], [sflag:$0x3] =	stream.linear.gather [hbm4b:s1+s2], $0x1A0, $0x38;
	[tilespmem:$0x1AB00] =	vst v63  }
0x65c: {  	_ =	swait.ge [sflag:s5], $0x1A0  }
0x65d: {  	[sflag:s5] =	ssyncset.done $0x0  }
0x65e: {  	[sflag:s5] =	ssyncadd.s32 $0xFFFFFE60  }
0x65f: {  	[tilespmem:s28], [sflag:$0x1] =	stream.indirect.gather [hbm4b:s25+s30], $0x80, s2, s30, $0xb8;
	[tilespmem:$0x1AB00] =	vst v63  }
0x660: {  	_ =	swait.ge [sflag:s29], $0xD000  }
0x661: {  	s1 =	sld [smem:$0x7D8]  }
0x662: {  	[sflag:s29] =	ssyncset.done $0x0  }
0x663: {  	[sflag:s29] =	ssyncadd.s32 $0xFFFF3000  }
0x664: {  	[hbm4b:s1+s2] =	stream.linear.scatter [tilespmem:s26], [sflag:$0x3], $0xD000, $0x38;
	[tilespmem:$0x1AB00] =	vst v63  }
0x665: {  	_ =	swait.ge [sflag:s5], $0xD000  }
0x666: {  	s1 =	sld [smem:$0x7D9]  }
0x667: {  	[sflag:s5] =	ssyncset.done $0x0  }
0x668: {  	[sflag:s5] =	ssyncadd.s32 $0xFFFF3000  }
0x669: {  	[tilespmem:s31], [sflag:$0x3] =	stream.linear.gather [hbm4b:s1+s2], $0x1A0, $0x38;
	[tilespmem:$0x1AB00] =	vst v63  }
0x66a: {  	_ =	swait.ge [sflag:s5], $0x1A0  }
0x66b: {  	[sflag:s5] =	ssyncset.done $0x0  }
0x66c: {  	[sflag:s5] =	ssyncadd.s32 $0xFFFFFE60  }
0x66d: {  	[tilespmem:s26], [sflag:$0x2] =	stream.indirect.gather [hbm4b:s24+s30], $0x80, s31, s30, $0xb8;
	[tilespmem:$0x1AB00] =	vst v63  }
0x66e: {  	_ =	swait.ge [sflag:s9], $0xD000  }
0x66f: {  	s1 =	sld [smem:$0x7DA]  }
0x670: {  	[sflag:s9] =	ssyncset.done $0x0  }
0x671: {  	[sflag:s9] =	ssyncadd.s32 $0xFFFF3000  }
0x672: {  	[hbm4b:s1+s2] =	stream.linear.scatter [tilespmem:s28], [sflag:$0x3], $0xD000, $0x38;
	[tilespmem:$0x1AB00] =	vst v63  }
0x673: {  	_ =	swait.ge [sflag:s5], $0xD000  }
0x674: {  	s1 =	sld [smem:$0x7DB]  }
0x675: {  	[sflag:s5] =	ssyncset.done $0x0  }
0x676: {  	[sflag:s5] =	ssyncadd.s32 $0xFFFF3000  }
0x677: {  	[tilespmem:s2], [sflag:$0x3] =	stream.linear.gather [hbm4b:s1+s2], $0x1A0, $0x38;
	[tilespmem:$0x1AB00] =	vst v63  }
0x678: {  	_ =	swait.ge [sflag:s5], $0x1A0  }
0x679: {  	[sflag:s5] =	ssyncset.done $0x0  }
0x67a: {  	[sflag:s5] =	ssyncadd.s32 $0xFFFFFE60  }
0x67b: {  	[tilespmem:s28], [sflag:$0x1] =	stream.indirect.gather [hbm4b:s25+s30], $0x80, s2, s30, $0xb8;
	[tilespmem:$0x1AB00] =	vst v63  }
0x67c: {  	_ =	swait.ge [sflag:s29], $0xD000  }
0x67d: {  	s1 =	sld [smem:$0x7DC]  }
0x67e: {  	[sflag:s29] =	ssyncset.done $0x0  }
0x67f: {  	[sflag:s29] =	ssyncadd.s32 $0xFFFF3000  }
0x680: {  	[hbm4b:s1+s2] =	stream.linear.scatter [tilespmem:s26], [sflag:$0x3], $0xD000, $0x38;
	[tilespmem:$0x1AB00] =	vst v63  }
0x681: {  	_ =	swait.ge [sflag:s5], $0xD000  }
0x682: {  	s1 =	sld [smem:$0x7DD]  }
0x683: {  	[sflag:s5] =	ssyncset.done $0x0  }
0x684: {  	[sflag:s5] =	ssyncadd.s32 $0xFFFF3000  }
0x685: {  	[tilespmem:s31], [sflag:$0x3] =	stream.linear.gather [hbm4b:s1+s2], $0x1A0, $0x38;
	[tilespmem:$0x1AB00] =	vst v63  }
0x686: {  	_ =	swait.ge [sflag:s5], $0x1A0  }
0x687: {  	[sflag:s5] =	ssyncset.done $0x0  }
0x688: {  	[sflag:s5] =	ssyncadd.s32 $0xFFFFFE60  }
0x689: {  	[tilespmem:s26], [sflag:$0x2] =	stream.indirect.gather [hbm4b:s24+s30], $0x80, s31, s30, $0xb8;
	[tilespmem:$0x1AB00] =	vst v63  }
0x68a: {  	_ =	swait.ge [sflag:s9], $0xD000  }
0x68b: {  	s1 =	sld [smem:$0x7DE]  }
0x68c: {  	[sflag:s9] =	ssyncset.done $0x0  }
0x68d: {  	[sflag:s9] =	ssyncadd.s32 $0xFFFF3000  }
0x68e: {  	[hbm4b:s1+s2] =	stream.linear.scatter [tilespmem:s28], [sflag:$0x3], $0xD000, $0x38;
	[tilespmem:$0x1AB00] =	vst v63  }
0x68f: {  	_ =	swait.ge [sflag:s5], $0xD000  }
0x690: {  	s1 =	sld [smem:$0x7DF]  }
0x691: {  	[sflag:s5] =	ssyncset.done $0x0  }
0x692: {  	[sflag:s5] =	ssyncadd.s32 $0xFFFF3000  }
0x693: {  	[tilespmem:s2], [sflag:$0x3] =	stream.linear.gather [hbm4b:s1+s2], $0x1A0, $0x38;
	[tilespmem:$0x1AB00] =	vst v63  }
0x694: {  	_ =	swait.ge [sflag:s5], $0x1A0  }
0x695: {  	[sflag:s5] =	ssyncset.done $0x0  }
0x696: {  	[sflag:s5] =	ssyncadd.s32 $0xFFFFFE60  }
0x697: {  	[tilespmem:s28], [sflag:$0x1] =	stream.indirect.gather [hbm4b:s25+s30], $0x80, s2, s30, $0xb8;
	[tilespmem:$0x1AB00] =	vst v63  }
0x698: {  	_ =	swait.ge [sflag:s29], $0xD000  }
0x699: {  	s1 =	sld [smem:$0x7E0]  }
0x69a: {  	[sflag:s29] =	ssyncset.done $0x0  }
0x69b: {  	[sflag:s29] =	ssyncadd.s32 $0xFFFF3000  }
0x69c: {  	[hbm4b:s1+s2] =	stream.linear.scatter [tilespmem:s26], [sflag:$0x3], $0xD000, $0x38;
	[tilespmem:$0x1AB00] =	vst v63  }
0x69d: {  	_ =	swait.ge [sflag:s5], $0xD000  }
0x69e: {  	s1 =	sld [smem:$0x7E1]  }
0x69f: {  	[sflag:s5] =	ssyncset.done $0x0  }
0x6a0: {  	[sflag:s5] =	ssyncadd.s32 $0xFFFF3000  }
0x6a1: {  	[tilespmem:s31], [sflag:$0x3] =	stream.linear.gather [hbm4b:s1+s2], $0x1A0, $0x38;
	[tilespmem:$0x1AB00] =	vst v63  }
0x6a2: {  	_ =	swait.ge [sflag:s5], $0x1A0  }
0x6a3: {  	[sflag:s5] =	ssyncset.done $0x0  }
0x6a4: {  	[sflag:s5] =	ssyncadd.s32 $0xFFFFFE60  }
0x6a5: {  	[tilespmem:s26], [sflag:$0x2] =	stream.indirect.gather [hbm4b:s24+s30], $0x80, s31, s30, $0xb8;
	[tilespmem:$0x1AB00] =	vst v63  }
0x6a6: {  	_ =	swait.ge [sflag:s9], $0xD000  }
0x6a7: {  	s1 =	sld [smem:$0x7E2]  }
0x6a8: {  	[sflag:s9] =	ssyncset.done $0x0  }
0x6a9: {  	[sflag:s9] =	ssyncadd.s32 $0xFFFF3000  }
0x6aa: {  	[hbm4b:s1+s2] =	stream.linear.scatter [tilespmem:s28], [sflag:$0x3], $0xD000, $0x38;
	[tilespmem:$0x1AB00] =	vst v63  }
0x6ab: {  	_ =	swait.ge [sflag:s5], $0xD000  }
0x6ac: {  	s1 =	sld [smem:$0x7E3]  }
0x6ad: {  	[sflag:s5] =	ssyncset.done $0x0  }
0x6ae: {  	[sflag:s5] =	ssyncadd.s32 $0xFFFF3000  }
0x6af: {  	[tilespmem:s2], [sflag:$0x3] =	stream.linear.gather [hbm4b:s1+s2], $0x1A0, $0x38;
	[tilespmem:$0x1AB00] =	vst v63  }
0x6b0: {  	_ =	swait.ge [sflag:s5], $0x1A0  }
0x6b1: {  	[sflag:s5] =	ssyncset.done $0x0  }
0x6b2: {  	[sflag:s5] =	ssyncadd.s32 $0xFFFFFE60  }
0x6b3: {  	[tilespmem:s28], [sflag:$0x1] =	stream.indirect.gather [hbm4b:s25+s30], $0x80, s2, s30, $0xb8;
	[tilespmem:$0x1AB00] =	vst v63  }
0x6b4: {  	_ =	swait.ge [sflag:s29], $0xD000  }
0x6b5: {  	s1 =	sld [smem:$0x7E4]  }
0x6b6: {  	[sflag:s29] =	ssyncset.done $0x0  }
0x6b7: {  	[sflag:s29] =	ssyncadd.s32 $0xFFFF3000  }
0x6b8: {  	[hbm4b:s1+s2] =	stream.linear.scatter [tilespmem:s26], [sflag:$0x3], $0xD000, $0x38;
	[tilespmem:$0x1AB00] =	vst v63  }
0x6b9: {  	_ =	swait.ge [sflag:s5], $0xD000  }
0x6ba: {  	s1 =	sld [smem:$0x7E5]  }
0x6bb: {  	[sflag:s5] =	ssyncset.done $0x0  }
0x6bc: {  	[sflag:s5] =	ssyncadd.s32 $0xFFFF3000  }
0x6bd: {  	[tilespmem:s31], [sflag:$0x3] =	stream.linear.gather [hbm4b:s1+s2], $0x1A0, $0x38;
	[tilespmem:$0x1AB00] =	vst v63  }
0x6be: {  	_ =	swait.ge [sflag:s5], $0x1A0  }
0x6bf: {  	[sflag:s5] =	ssyncset.done $0x0  }
0x6c0: {  	[sflag:s5] =	ssyncadd.s32 $0xFFFFFE60  }
0x6c1: {  	[tilespmem:s26], [sflag:$0x2] =	stream.indirect.gather [hbm4b:s24+s30], $0x80, s31, s30, $0xb8;
	[tilespmem:$0x1AB00] =	vst v63  }
0x6c2: {  	_ =	swait.ge [sflag:s9], $0xD000  }
0x6c3: {  	s1 =	sld [smem:$0x7E6]  }
0x6c4: {  	[sflag:s9] =	ssyncset.done $0x0  }
0x6c5: {  	[sflag:s9] =	ssyncadd.s32 $0xFFFF3000  }
0x6c6: {  	[hbm4b:s1+s2] =	stream.linear.scatter [tilespmem:s28], [sflag:$0x3], $0xD000, $0x38;
	[tilespmem:$0x1AB00] =	vst v63  }
0x6c7: {  	_ =	swait.ge [sflag:s5], $0xD000  }
0x6c8: {  	s1 =	sld [smem:$0x7E7]  }
0x6c9: {  	[sflag:s5] =	ssyncset.done $0x0  }
0x6ca: {  	[sflag:s5] =	ssyncadd.s32 $0xFFFF3000  }
0x6cb: {  	[tilespmem:s2], [sflag:$0x3] =	stream.linear.gather [hbm4b:s1+s2], $0x1A0, $0x38;
	[tilespmem:$0x1AB00] =	vst v63  }
0x6cc: {  	_ =	swait.ge [sflag:s5], $0x1A0  }
0x6cd: {  	[sflag:s5] =	ssyncset.done $0x0  }
0x6ce: {  	[sflag:s5] =	ssyncadd.s32 $0xFFFFFE60  }
0x6cf: {  	[tilespmem:s28], [sflag:$0x1] =	stream.indirect.gather [hbm4b:s25+s30], $0x80, s2, s30, $0xb8;
	[tilespmem:$0x1AB00] =	vst v63  }
0x6d0: {  	_ =	swait.ge [sflag:s29], $0xD000  }
0x6d1: {  	s25 =	sld [smem:$0x7E8]  }
0x6d2: {  	[sflag:s29] =	ssyncset.done $0x0  }
0x6d3: {  	[sflag:s29] =	ssyncadd.s32 $0xFFFF3000  }
0x6d4: {  	[hbm4b:s25+s2] =	stream.linear.scatter [tilespmem:s26], [sflag:$0x3], $0xD000, $0x38;
	[tilespmem:$0x1AB00] =	vst v63  }
0x6d5: {  	_ =	swait.ge [sflag:s5], $0xD000  }
0x6d6: {  	s1 =	sld [smem:$0x7E9]  }
0x6d7: {  	[sflag:s5] =	ssyncset.done $0x0  }
0x6d8: {  	[sflag:s5] =	ssyncadd.s32 $0xFFFF3000  }
0x6d9: {  	[tilespmem:s31], [sflag:$0x3] =	stream.linear.gather [hbm4b:s1+s2], $0x1A0, $0x38;
	[tilespmem:$0x1AB00] =	vst v63  }
0x6da: {  	_ =	swait.ge [sflag:s5], $0x1A0  }
0x6db: {  	[sflag:s5] =	ssyncset.done $0x0  }
0x6dc: {  	[sflag:s5] =	ssyncadd.s32 $0xFFFFFE60  }
0x6dd: {  	[tilespmem:s26], [sflag:$0x2] =	stream.indirect.gather [hbm4b:s24+s30], $0x80, s31, s30, $0xb8;
	[tilespmem:$0x1AB00] =	vst v63  }
0x6de: {  	_ =	swait.ge [sflag:s9], $0xD000  }
0x6df: {  	s25 =	sld [smem:$0x7EA]  }
0x6e0: {  	[sflag:s9] =	ssyncset.done $0x0  }
0x6e1: {  	[sflag:s9] =	ssyncadd.s32 $0xFFFF3000  }
0x6e2: {  	[hbm4b:s25+s2] =	stream.linear.scatter [tilespmem:s28], [sflag:$0x3], $0xD000, $0x38;
	[tilespmem:$0x1AB00] =	vst v63  }
0x6e3: {  	_ =	swait.ge [sflag:s5], $0xD000  }
0x6e4: {  	[sflag:s5] =	ssyncset.done $0x0  }
0x6e5: {  	[sflag:s5] =	ssyncadd.s32 $0xFFFF3000  }
0x6e6: {  	_ =	swait.ge [sflag:s29], $0xD000  }
0x6e7: {  	s28 =	sld [smem:$0x7EB]  }
0x6e8: {  	[sflag:s29] =	ssyncset.done $0x0  }
0x6e9: {  	[sflag:s29] =	ssyncadd.s32 $0xFFFF3000  }
0x6ea: {  	[hbm4b:s28+s2] =	stream.linear.scatter [tilespmem:s26], [sflag:$0x3], $0xD000, $0x38;
	[tilespmem:$0x1AB00] =	vst v63  }
0x6eb: {  	_ =	swait.ge [sflag:s5], $0xD000  }
0x6ec: {  	s29 =	sld [smem:$0x7EC]  }
0x6ed: {  	[sflag:s5] =	ssyncset.done $0x0  }
0x6ee: {  	[sflag:s5] =	ssyncadd.s32 $0xFFFF3000  }
0x6ef: {  	[tilespmem:s11], [sflag:$0x3] =	stream.linear.gather [hbm4b:s29+s2], $0x340, $0x38;
	[tilespmem:$0x1AB00] =	vst v63  }
0x6f0: {  	_ =	swait.ge [sflag:s5], $0x340  }
0x6f1: {  	[sflag:s5] =	ssyncset.done $0x0  }
0x6f2: {  	[sflag:s5] =	ssyncadd.s32 $0xFFFFFCC0  }
0x6f3: {  	[tilespmem:s10], [sflag:$0x1] =	stream.indirect.gather [hbm4b:s4+s13], $0x1, s11, s13, $0xb8;
	[tilespmem:$0x1AB00] =	vst v63  }
0x6f4: {  	_ =	swait.ge [sflag:s9], $0x340  }
0x6f5: {  	s30 =	sld [smem:$0x7ED]  }
0x6f6: {  	[sflag:s9] =	ssyncset.done $0x0  }
0x6f7: {  	[sflag:s9] =	ssyncadd.s32 $0xFFFFFCC0  }
0x6f8: {  	[hbm4b:s30+s2] =	stream.linear.scatter [tilespmem:s10], [sflag:$0x3], $0x340, $0x38;
	[tilespmem:$0x1AB00] =	vst v63  }
0x6f9: {  	_ =	swait.ge [sflag:s5], $0x340  }
0x6fa: {  	s31 =	sld [smem:$0x7EE]  }
0x6fb: {  	[sflag:s5] =	ssyncset.done $0x0  }
0x6fc: {  	[sflag:s5] =	ssyncadd.s32 $0xFFFFFCC0  }
0x6fd: {  	[tilespmem:s11], [sflag:$0x3] =	stream.linear.gather [hbm4b:s31+s2], $0x340, $0x38;
	[tilespmem:$0x1AB00] =	vst v63  }
0x6fe: {  	_ =	swait.ge [sflag:s5], $0x340  }
0x6ff: {  	[sflag:s5] =	ssyncset.done $0x0  }
0x700: {  	[sflag:s5] =	ssyncadd.s32 $0xFFFFFCC0  }
0x701: {  	[tilespmem:s10], [sflag:$0x1] =	stream.indirect.gather [hbm4b:s3+s13], $0x1, s11, s13, $0xb8;
	[tilespmem:$0x1AB00] =	vst v63  }
0x702: {  	_ =	swait.ge [sflag:s9], $0x340  }
0x703: {  	s1 =	sld [smem:$0x7EF]  }
0x704: {  	[sflag:s9] =	ssyncset.done $0x0  }
0x705: {  	[sflag:s9] =	ssyncadd.s32 $0xFFFFFCC0  }
0x706: {  	[hbm4b:s1+s2] =	stream.linear.scatter [tilespmem:s10], [sflag:$0x3], $0x340, $0x38;
	[tilespmem:$0x1AB00] =	vst v63  }
0x707: {  	_ =	swait.ge [sflag:s5], $0x340  }
0x708: {  	s24 =	sld [smem:$0x7F0]  }
0x709: {  	[sflag:s5] =	ssyncset.done $0x0  }
0x70a: {  	[sflag:s5] =	ssyncadd.s32 $0xFFFFFCC0  }
0x70b: {  	[tilespmem:s11], [sflag:$0x3] =	stream.linear.gather [hbm4b:s24+s2], $0x340, $0x38;
	[tilespmem:$0x1AB00] =	vst v63  }
0x70c: {  	_ =	swait.ge [sflag:s5], $0x340  }
0x70d: {  	[sflag:s5] =	ssyncset.done $0x0  }
0x70e: {  	[sflag:s5] =	ssyncadd.s32 $0xFFFFFCC0  }
0x70f: {  	[tilespmem:s10], [sflag:$0x1] =	stream.indirect.gather [hbm4b:s4+s13], $0x1, s11, s13, $0xb8;
	[tilespmem:$0x1AB00] =	vst v63  }
0x710: {  	_ =	swait.ge [sflag:s9], $0x340  }
0x711: {  	s25 =	sld [smem:$0x7F1]  }
0x712: {  	[sflag:s9] =	ssyncset.done $0x0  }
0x713: {  	[sflag:s9] =	ssyncadd.s32 $0xFFFFFCC0  }
0x714: {  	[hbm4b:s25+s2] =	stream.linear.scatter [tilespmem:s10], [sflag:$0x3], $0x340, $0x38;
	[tilespmem:$0x1AB00] =	vst v63  }
0x715: {  	_ =	swait.ge [sflag:s5], $0x340  }
0x716: {  	s26 =	sld [smem:$0x7F2]  }
0x717: {  	[sflag:s5] =	ssyncset.done $0x0  }
0x718: {  	[sflag:s5] =	ssyncadd.s32 $0xFFFFFCC0  }
0x719: {  	[tilespmem:s11], [sflag:$0x3] =	stream.linear.gather [hbm4b:s26+s2], $0x340, $0x38;
	[tilespmem:$0x1AB00] =	vst v63  }
0x71a: {  	_ =	swait.ge [sflag:s5], $0x340  }
0x71b: {  	[sflag:s5] =	ssyncset.done $0x0  }
0x71c: {  	[sflag:s5] =	ssyncadd.s32 $0xFFFFFCC0  }
0x71d: {  	[tilespmem:s10], [sflag:$0x1] =	stream.indirect.gather [hbm4b:s3+s13], $0x1, s11, s13, $0xb8;
	[tilespmem:$0x1AB00] =	vst v63  }
0x71e: {  	_ =	swait.ge [sflag:s9], $0x340  }
0x71f: {  	s28 =	sld [smem:$0x7F3]  }
0x720: {  	[sflag:s9] =	ssyncset.done $0x0  }
0x721: {  	[sflag:s9] =	ssyncadd.s32 $0xFFFFFCC0  }
0x722: {  	[hbm4b:s28+s2] =	stream.linear.scatter [tilespmem:s10], [sflag:$0x3], $0x340, $0x38;
	[tilespmem:$0x1AB00] =	vst v63  }
0x723: {  	_ =	swait.ge [sflag:s5], $0x340  }
0x724: {  	s29 =	sld [smem:$0x7F4]  }
0x725: {  	[sflag:s5] =	ssyncset.done $0x0  }
0x726: {  	[sflag:s5] =	ssyncadd.s32 $0xFFFFFCC0  }
0x727: {  	[tilespmem:s11], [sflag:$0x3] =	stream.linear.gather [hbm4b:s29+s2], $0x340, $0x38;
	[tilespmem:$0x1AB00] =	vst v63  }
0x728: {  	_ =	swait.ge [sflag:s5], $0x340  }
0x729: {  	[sflag:s5] =	ssyncset.done $0x0  }
0x72a: {  	[sflag:s5] =	ssyncadd.s32 $0xFFFFFCC0  }
0x72b: {  	[tilespmem:s10], [sflag:$0x1] =	stream.indirect.gather [hbm4b:s4+s13], $0x1, s11, s13, $0xb8;
	[tilespmem:$0x1AB00] =	vst v63  }
0x72c: {  	_ =	swait.ge [sflag:s9], $0x340  }
0x72d: {  	s30 =	sld [smem:$0x7F5]  }
0x72e: {  	[sflag:s9] =	ssyncset.done $0x0  }
0x72f: {  	[sflag:s9] =	ssyncadd.s32 $0xFFFFFCC0  }
0x730: {  	[hbm4b:s30+s2] =	stream.linear.scatter [tilespmem:s10], [sflag:$0x3], $0x340, $0x38;
	[tilespmem:$0x1AB00] =	vst v63  }
0x731: {  	_ =	swait.ge [sflag:s5], $0x340  }
0x732: {  	s31 =	sld [smem:$0x7F6]  }
0x733: {  	[sflag:s5] =	ssyncset.done $0x0  }
0x734: {  	[sflag:s5] =	ssyncadd.s32 $0xFFFFFCC0  }
0x735: {  	[tilespmem:s11], [sflag:$0x3] =	stream.linear.gather [hbm4b:s31+s2], $0x340, $0x38;
	[tilespmem:$0x1AB00] =	vst v63  }
0x736: {  	_ =	swait.ge [sflag:s5], $0x340  }
0x737: {  	[sflag:s5] =	ssyncset.done $0x0  }
0x738: {  	[sflag:s5] =	ssyncadd.s32 $0xFFFFFCC0  }
0x739: {  	[tilespmem:s10], [sflag:$0x1] =	stream.indirect.gather [hbm4b:s3+s13], $0x1, s11, s13, $0xb8;
	[tilespmem:$0x1AB00] =	vst v63  }
0x73a: {  	_ =	swait.ge [sflag:s9], $0x340  }
0x73b: {  	s1 =	sld [smem:$0x7F7]  }
0x73c: {  	[sflag:s9] =	ssyncset.done $0x0  }
0x73d: {  	[sflag:s9] =	ssyncadd.s32 $0xFFFFFCC0  }
0x73e: {  	[hbm4b:s1+s2] =	stream.linear.scatter [tilespmem:s10], [sflag:$0x3], $0x340, $0x38;
	[tilespmem:$0x1AB00] =	vst v63  }
0x73f: {  	_ =	swait.ge [sflag:s5], $0x340  }
0x740: {  	s24 =	sld [smem:$0x7F8]  }
0x741: {  	[sflag:s5] =	ssyncset.done $0x0  }
0x742: {  	[sflag:s5] =	ssyncadd.s32 $0xFFFFFCC0  }
0x743: {  	[tilespmem:s11], [sflag:$0x3] =	stream.linear.gather [hbm4b:s24+s2], $0x340, $0x38;
	[tilespmem:$0x1AB00] =	vst v63  }
0x744: {  	_ =	swait.ge [sflag:s5], $0x340  }
0x745: {  	[sflag:s5] =	ssyncset.done $0x0  }
0x746: {  	[sflag:s5] =	ssyncadd.s32 $0xFFFFFCC0  }
0x747: {  	[tilespmem:s10], [sflag:$0x1] =	stream.indirect.gather [hbm4b:s4+s13], $0x1, s11, s13, $0xb8;
	[tilespmem:$0x1AB00] =	vst v63  }
0x748: {  	_ =	swait.ge [sflag:s9], $0x340  }
0x749: {  	s25 =	sld [smem:$0x7F9]  }
0x74a: {  	[sflag:s9] =	ssyncset.done $0x0  }
0x74b: {  	[sflag:s9] =	ssyncadd.s32 $0xFFFFFCC0  }
0x74c: {  	[hbm4b:s25+s2] =	stream.linear.scatter [tilespmem:s10], [sflag:$0x3], $0x340, $0x38;
	[tilespmem:$0x1AB00] =	vst v63  }
0x74d: {  	_ =	swait.ge [sflag:s5], $0x340  }
0x74e: {  	s26 =	sld [smem:$0x7FA]  }
0x74f: {  	[sflag:s5] =	ssyncset.done $0x0  }
0x750: {  	[sflag:s5] =	ssyncadd.s32 $0xFFFFFCC0  }
0x751: {  	[tilespmem:s11], [sflag:$0x3] =	stream.linear.gather [hbm4b:s26+s2], $0x340, $0x38;
	[tilespmem:$0x1AB00] =	vst v63  }
0x752: {  	_ =	swait.ge [sflag:s5], $0x340  }
0x753: {  	[sflag:s5] =	ssyncset.done $0x0  }
0x754: {  	[sflag:s5] =	ssyncadd.s32 $0xFFFFFCC0  }
0x755: {  	[tilespmem:s10], [sflag:$0x1] =	stream.indirect.gather [hbm4b:s3+s13], $0x1, s11, s13, $0xb8;
	[tilespmem:$0x1AB00] =	vst v63  }
0x756: {  	_ =	swait.ge [sflag:s9], $0x340  }
0x757: {  	s28 =	sld [smem:$0x7FB]  }
0x758: {  	[sflag:s9] =	ssyncset.done $0x0  }
0x759: {  	[sflag:s9] =	ssyncadd.s32 $0xFFFFFCC0  }
0x75a: {  	[hbm4b:s28+s2] =	stream.linear.scatter [tilespmem:s10], [sflag:$0x3], $0x340, $0x38;
	[tilespmem:$0x1AB00] =	vst v63  }
0x75b: {  	_ =	swait.ge [sflag:s5], $0x340  }
0x75c: {  	s29 =	sld [smem:$0x7FC]  }
0x75d: {  	[sflag:s5] =	ssyncset.done $0x0  }
0x75e: {  	[sflag:s5] =	ssyncadd.s32 $0xFFFFFCC0  }
0x75f: {  	[tilespmem:s11], [sflag:$0x3] =	stream.linear.gather [hbm4b:s29+s2], $0x340, $0x38;
	[tilespmem:$0x1AB00] =	vst v63  }
0x760: {  	_ =	swait.ge [sflag:s5], $0x340  }
0x761: {  	[sflag:s5] =	ssyncset.done $0x0  }
0x762: {  	[sflag:s5] =	ssyncadd.s32 $0xFFFFFCC0  }
0x763: {  	[tilespmem:s10], [sflag:$0x1] =	stream.indirect.gather [hbm4b:s4+s13], $0x1, s11, s13, $0xb8;
	[tilespmem:$0x1AB00] =	vst v63  }
0x764: {  	_ =	swait.ge [sflag:s9], $0x340  }
0x765: {  	s30 =	sld [smem:$0x7FD]  }
0x766: {  	[sflag:s9] =	ssyncset.done $0x0  }
0x767: {  	[sflag:s9] =	ssyncadd.s32 $0xFFFFFCC0  }
0x768: {  	[hbm4b:s30+s2] =	stream.linear.scatter [tilespmem:s10], [sflag:$0x3], $0x340, $0x38;
	[tilespmem:$0x1AB00] =	vst v63  }
0x769: {  	_ =	swait.ge [sflag:s5], $0x340  }
0x76a: {  	[sflag:s5] =	ssyncset.done $0x0  }
0x76b: {  	[sflag:s5] =	ssyncadd.s32 $0xFFFFFCC0  }
0x76c: {  	[tilespmem:s11], [sflag:$0x3] =	stream.linear.gather [hbm4b:s23+s2], $0x340, $0x38;
	[tilespmem:$0x1AB00] =	vst v63  }
0x76d: {  	_ =	swait.ge [sflag:s5], $0x340  }
0x76e: {  	[sflag:s5] =	ssyncset.done $0x0  }
0x76f: {  	[sflag:s5] =	ssyncadd.s32 $0xFFFFFCC0  }
0x770: {  	[tilespmem:s10], [sflag:$0x1] =	stream.indirect.gather [hbm4b:s3+s13], $0x1, s11, s13, $0xb8;
	[tilespmem:$0x1AB00] =	vst v63  }
0x771: {  	_ =	swait.ge [sflag:s9], $0x340  }
0x772: {  	[sflag:s9] =	ssyncset.done $0x0  }
0x773: {  	[sflag:s9] =	ssyncadd.s32 $0xFFFFFCC0  }
0x774: {  	[hbm4b:s22+s2] =	stream.linear.scatter [tilespmem:s10], [sflag:$0x3], $0x340, $0x38;
	[tilespmem:$0x1AB00] =	vst v63  }
0x775: {  	_ =	swait.ge [sflag:s5], $0x340  }
0x776: {  	[sflag:s5] =	ssyncset.done $0x0  }
0x777: {  	[sflag:s5] =	ssyncadd.s32 $0xFFFFFCC0  }
0x778: {  	[tilespmem:s11], [sflag:$0x3] =	stream.linear.gather [hbm4b:s21+s2], $0x340, $0x38;
	[tilespmem:$0x1AB00] =	vst v63  }
0x779: {  	_ =	swait.ge [sflag:s5], $0x340  }
0x77a: {  	[sflag:s5] =	ssyncset.done $0x0  }
0x77b: {  	[sflag:s5] =	ssyncadd.s32 $0xFFFFFCC0  }
0x77c: {  	[tilespmem:s10], [sflag:$0x1] =	stream.indirect.gather [hbm4b:s4+s13], $0x1, s11, s13, $0xb8;
	[tilespmem:$0x1AB00] =	vst v63  }
0x77d: {  	_ =	swait.ge [sflag:s9], $0x340  }
0x77e: {  	[sflag:s9] =	ssyncset.done $0x0  }
0x77f: {  	[sflag:s9] =	ssyncadd.s32 $0xFFFFFCC0  }
0x780: {  	[hbm4b:s20+s2] =	stream.linear.scatter [tilespmem:s10], [sflag:$0x3], $0x340, $0x38;
	[tilespmem:$0x1AB00] =	vst v63  }
0x781: {  	_ =	swait.ge [sflag:s5], $0x340  }
0x782: {  	[sflag:s5] =	ssyncset.done $0x0  }
0x783: {  	[sflag:s5] =	ssyncadd.s32 $0xFFFFFCC0  }
0x784: {  	[tilespmem:s11], [sflag:$0x3] =	stream.linear.gather [hbm4b:s19+s2], $0x340, $0x38;
	[tilespmem:$0x1AB00] =	vst v63  }
0x785: {  	_ =	swait.ge [sflag:s5], $0x340  }
0x786: {  	[sflag:s5] =	ssyncset.done $0x0  }
0x787: {  	[sflag:s5] =	ssyncadd.s32 $0xFFFFFCC0  }
0x788: {  	[tilespmem:s10], [sflag:$0x1] =	stream.indirect.gather [hbm4b:s3+s13], $0x1, s11, s13, $0xb8;
	[tilespmem:$0x1AB00] =	vst v63  }
0x789: {  	_ =	swait.ge [sflag:s9], $0x340  }
0x78a: {  	[sflag:s9] =	ssyncset.done $0x0  }
0x78b: {  	[sflag:s9] =	ssyncadd.s32 $0xFFFFFCC0  }
0x78c: {  	[hbm4b:s18+s2] =	stream.linear.scatter [tilespmem:s10], [sflag:$0x3], $0x340, $0x38;
	[tilespmem:$0x1AB00] =	vst v63  }
0x78d: {  	_ =	swait.ge [sflag:s5], $0x340  }
0x78e: {  	[sflag:s5] =	ssyncset.done $0x0  }
0x78f: {  	[sflag:s5] =	ssyncadd.s32 $0xFFFFFCC0  }
0x790: {  	[tilespmem:s11], [sflag:$0x3] =	stream.linear.gather [hbm4b:s17+s2], $0x340, $0x38;
	[tilespmem:$0x1AB00] =	vst v63  }
0x791: {  	_ =	swait.ge [sflag:s5], $0x340  }
0x792: {  	[sflag:s5] =	ssyncset.done $0x0  }
0x793: {  	[sflag:s5] =	ssyncadd.s32 $0xFFFFFCC0  }
0x794: {  	[tilespmem:s10], [sflag:$0x1] =	stream.indirect.gather [hbm4b:s4+s13], $0x1, s11, s13, $0xb8;
	[tilespmem:$0x1AB00] =	vst v63  }
0x795: {  	_ =	swait.ge [sflag:s9], $0x340  }
0x796: {  	[sflag:s9] =	ssyncset.done $0x0  }
0x797: {  	[sflag:s9] =	ssyncadd.s32 $0xFFFFFCC0  }
0x798: {  	[hbm4b:s16+s2] =	stream.linear.scatter [tilespmem:s10], [sflag:$0x3], $0x340, $0x38;
	[tilespmem:$0x1AB00] =	vst v63  }
0x799: {  	_ =	swait.ge [sflag:s5], $0x340  }
0x79a: {  	[sflag:s5] =	ssyncset.done $0x0  }
0x79b: {  	[sflag:s5] =	ssyncadd.s32 $0xFFFFFCC0  }
0x79c: {  	[tilespmem:s11], [sflag:$0x3] =	stream.linear.gather [hbm4b:s15+s2], $0x340, $0x38;
	[tilespmem:$0x1AB00] =	vst v63  }
0x79d: {  	_ =	swait.ge [sflag:s5], $0x340  }
0x79e: {  	[sflag:s5] =	ssyncset.done $0x0  }
0x79f: {  	[sflag:s5] =	ssyncadd.s32 $0xFFFFFCC0  }
0x7a0: {  	[tilespmem:s10], [sflag:$0x1] =	stream.indirect.gather [hbm4b:s3+s13], $0x1, s11, s13, $0xb8;
	[tilespmem:$0x1AB00] =	vst v63  }
0x7a1: {  	_ =	swait.ge [sflag:s9], $0x340  }
0x7a2: {  	[sflag:s9] =	ssyncset.done $0x0  }
0x7a3: {  	[sflag:s9] =	ssyncadd.s32 $0xFFFFFCC0  }
0x7a4: {  	[hbm4b:s14+s2] =	stream.linear.scatter [tilespmem:s10], [sflag:$0x3], $0x340, $0x38;
	[tilespmem:$0x1AB00] =	vst v63  }
0x7a5: {  	_ =	swait.ge [sflag:s5], $0x340  }
0x7a6: {  	[sflag:s5] =	ssyncset.done $0x0  }
0x7a7: {  	[sflag:s5] =	ssyncadd.s32 $0xFFFFFCC0  }
0x7a8: {  	[tilespmem:s11], [sflag:$0x3] =	stream.linear.gather [hbm4b:s12+s2], $0x340, $0x38;
	[tilespmem:$0x1AB00] =	vst v63  }
0x7a9: {  	_ =	swait.ge [sflag:s5], $0x340  }
0x7aa: {  	[sflag:s5] =	ssyncset.done $0x0  }
0x7ab: {  	[sflag:s5] =	ssyncadd.s32 $0xFFFFFCC0  }
0x7ac: {  	[tilespmem:s10], [sflag:$0x1] =	stream.indirect.gather [hbm4b:s4+s13], $0x1, s11, s13, $0xb8;
	[tilespmem:$0x1AB00] =	vst v63  }
0x7ad: {  	_ =	swait.ge [sflag:s9], $0x340  }
0x7ae: {  	[sflag:s9] =	ssyncset.done $0x0  }
0x7af: {  	[sflag:s9] =	ssyncadd.s32 $0xFFFFFCC0  }
0x7b0: {  	[hbm4b:s8+s2] =	stream.linear.scatter [tilespmem:s10], [sflag:$0x3], $0x340, $0x38;
	[tilespmem:$0x1AB00] =	vst v63  }
0x7b1: {  	_ =	swait.ge [sflag:s5], $0x340  }
0x7b2: {  	[sflag:s5] =	ssyncset.done $0x0  }
0x7b3: {  	[sflag:s5] =	ssyncadd.s32 $0xFFFFFCC0  }
0x7b4: {  	[tilespmem:s11], [sflag:$0x3] =	stream.linear.gather [hbm4b:s7+s2], $0x340, $0x38;
	[tilespmem:$0x1AB00] =	vst v63  }
0x7b5: {  	_ =	swait.ge [sflag:s5], $0x340  }
0x7b6: {  	[sflag:s5] =	ssyncset.done $0x0  }
0x7b7: {  	[sflag:s5] =	ssyncadd.s32 $0xFFFFFCC0  }
0x7b8: {  	[tilespmem:s10], [sflag:$0x1] =	stream.indirect.gather [hbm4b:s3+s13], $0x1, s11, s13, $0xb8;
	[tilespmem:$0x1AB00] =	vst v63  }
0x7b9: {  	_ =	swait.ge [sflag:s9], $0x340  }
0x7ba: {  	[sflag:s9] =	ssyncset.done $0x0  }
0x7bb: {  	[sflag:s9] =	ssyncadd.s32 $0xFFFFFCC0  }
0x7bc: {  	[hbm4b:s6+s2] =	stream.linear.scatter [tilespmem:s10], [sflag:$0x3], $0x340, $0x38;
	[tilespmem:$0x1AB00] =	vst v63  }
0x7bd: {  	_ =	swait.ge [sflag:s5], $0x340  }
0x7be: {  	[sflag:s5] =	ssyncset.done $0x0  }
0x7bf: {  	[sflag:s5] =	ssyncadd.s32 $0xFFFFFCC0  }
0x7c0: {  	_ =	sfence.sel $0x180000  }
0x7c1: {  	[bflag:$0x0] =	sbarrier.arrive $0xFFFF  }
0x7c2: {  	_ =	strace $0x90000053  }
0x7c3: {  	s31 =	stileid.u32;
	[bflag:$0x2] =	sbarrier.arrive $0xFFFF  }
0x7c4: {  	p0 =	sne.s32 s31, $0x0;
	s0 =	rddreg [dreg:$0x1]  }
0x7c5: {  	s0 =	sadd.s32 @!p0 $0x100000, s0  }
0x7c6: {  	[sflag:s0] =	ssyncadd.tile.s32 @!p0 $0x1;
	_ =	shalt  }
.Lfunc_end2:
_tile_overlayer_lowered:
.L_overlay_start_2:
0x7c7: {  	(tag) =	ssettag $0x2  }
0x7c8: {  	s0 =	rddreg [dreg:$0x0];
	s2 =	stileid.u32  }
0x7c9: {  	s1 =	rddreg [dreg:$0x1];
	p0 =	sne.s32 s2, $0x0  }
0x7ca: {  	s3 =	rddreg [dreg:$0x2];
	[bflag:$0x3] =	sbarrier.arrive $0xFFFF;
	s2 =	simm.s32 @!p0 $0x1C03  }
0x7cb: {  	[timem:s3], [sflag:s2] =	dma.local @!p0 [hbm:s0], s1  }
0x7cc: {  	s0 =	simm.s32 @!p0 $0x3  }
0x7cd: {  	_ =	swait.ge @!p0 [sflag:s0], s1  }
0x7ce: {  	s1 =	ssub.s32 @!p0 $0x0, s1;
	[sflag:s0] =	ssyncset.done @!p0 $0x0  }
0x7cf: {  	[sflag:s0] =	ssyncadd.s32 @!p0 s1  }
0x7d0: {  	[bflag:$0x3] =	sbarrier.arrive $0xFFFF  }
0x7d1: {  	_ =	shalt  }

// kernel: sparse-core-data-format-call.1.cloned.1.call-start
scs
called_computation.1_lowered:
.L_overlay_start_0:
0x0: {  	s2 =	sld [smem:$0x3FD9]  }
0x1: {  	s3 =	sld [smem:$0x3FFE];
	_ =	sdelay $0x1  }
0x2: {  	s1 =	srdreg.scid  }
0x3: {  	s0 =	sand.u32 $0x1, s1  }
0x4: {  	s18 =	sshll.u32 s0, $0xA;
	s2 =	sadd.s32 s3, s2  }
0x5: {  	s2 =	sadd.s32 s2, s18  }
0x6: {  	[smem:$0x3FB1] =	sst s2  }
0x7: {  	_ = 	snop  }
0x8: {  	s19 =	sld [smem:$0x3FC4];
	(tm) =	ssettm $0x1  }
0x9: {  	s20 =	sld [smem:$0x3FFB];
	_ =	sdelay $0x3  }
0xa: {  	_ =	strace s20  }
0xb: {  	s2 =	sld [smem:$0x3FFC];
	_ =	sdelay $0x3  }
0xc: {  	_ =	strace s2  }
0xd: {  	s2 =	sld [smem:$0x3FFD];
	_ =	sdelay $0x3  }
0xe: {  	_ =	strace s2  }
0xf: {  	_ =	strace $0x8FFFFFFF  }
0x10: {  	s21 =	sld [smem:$0x3FDB];
	_ =	sdelay $0x1  }
0x11: {  	s4 =	simm.s32 $_scs_section_size  }
0x12: {  	s5 =	simm.s32 $_size__tile_overlayer_lowered;
	s6 =	simm.s32 $_tile_overlayer_lowered  }
0x13: {  	s7 =	simm.s32 $0x1BFF;
	s22 =	sshll.u32 s6, $0x1;
	s4 =	sadd.s32 s4, s21  }
0x14: {  	s23 =	simm.s32 $0x0;
	s5 =	sshll.u32 s5, $0x1;
	s6 =	sadd.s32 s22, s4  }
0x15: {  	[timem:s23], [sflag:s7] =	dma.local [hbm:s6], s5  }
0x16: {  	_ =	swait.ge [sflag:s7], s5  }
0x17: {  	s5 =	ssub.s32 $0x0, s5;
	[sflag:s7] =	ssyncset.done $0x0  }
0x18: {  	[sflag:s7] =	ssyncadd.s32 s5;
	_ =	sdelay $0x1  }
0x19: {  	s24 =	simm.s32 $0x1B8B  }
0x1a: {  	_ =	swait.ge [sflag:s24], $0x1  }
0x1b: {  	[sflag:s24] =	ssyncset.done $0x0  }
0x1c: {  	[sflag:s24] =	ssyncadd.s32 $0xFFFFFFFF  }
0x1d: {  	s5 =	sld [smem:$0x0]  }
0x1e: {  	s6 =	sand.u32 $0xFFFFFFFE, s1  }
0x1f: {  	p0 =	sne.s32 s1, s6  }
0x20: {  	s6 =	sshll.u32 @p0 s6, $0xE  }
0x21: {  	s6 =	sadd.s32 @p0 $0x11B8D, s6;
	s7 =	sshll.u32 @p0 s5, $0x11  }
0x22: {  	s6 =	sor.u32 @p0 s7, s6  }
0x23: {  	[sflag:s6] =	ssyncadd.remote.s32 @p0 $0x1;
	_ =	sdelay $0x1  }
0x24: {  	s6 =	simm.s32 @p0 $0x1B8D  }
0x25: {  	_ =	swait.eq @p0 [sflag:s6], $0x1  }
0x26: {  	[sflag:s6] =	ssyncadd.s32 @p0 $0xFFFFFFFF  }
0x27: {  	s7 =	sshll.u32 @!p0 s1, $0xE  }
0x28: {  	s7 =	sor.u32 @!p0 $0x4000, s7;
	s6 =	simm.s32 @!p0 $0x1B8D  }
0x29: {  	s5 =	sshll.u32 @!p0 s5, $0x11;
	s7 =	sadd.s32 @!p0 $0x11B8D, s7;
	_ =	swait.eq @!p0 [sflag:s6], $0x1  }
0x2a: {  	s5 =	sor.u32 @!p0 s5, s7;
	[sflag:s6] =	ssyncadd.s32 @!p0 $0xFFFFFFFF  }
0x2b: {  	s26 =	simm.s32 $0x1B8E;
	s25 =	sld [smem:$0x3FFE];
	[sflag:s5] =	ssyncadd.remote.s32 @!p0 $0x1  }
0x2c: {  	s27 =	simm.s32 $execute0_lowered;
	[smem:$0x3FD2] =	sst s26  }
0x2d: {  	s6 =	sshll.u32 s27, $0x1;
	_ =	strace $0x80000049;
	[dreg:$0x1] =	wrdreg $0xFFFFFFFF  }
0x2e: {  	s28 =	simm.s32 $_size_execute0_lowered;
	s4 =	sadd.s32 s4, s6;
	[dreg:$0x0] =	wrdreg $0x0  }
0x2f: {  	s6 =	sshll.u32 s28, $0x1;
	[dreg:$0x2] =	wrdreg s4  }
0x30: {  	[dreg:$0x3] =	wrdreg s6  }
0x31: {  	[dreg:$0x4] =	wrdreg $0xC0  }
0x32: {  	_ =	task [dreg:s23], $0x5FFFF  }
0x33: {  	[dreg:$0x1] =	wrdreg $0xFFFFFFFF  }
0x34: {  	[dreg:$0x0] =	wrdreg $0x60  }
0x35: {  	[dreg:$0x2] =	wrdreg s19  }
0x36: {  	[dreg:$0x3] =	wrdreg s25  }
0x37: {  	[dreg:$0x4] =	wrdreg $0x9  }
0x38: {  	_ =	task.clear_ibuf [dreg:s23], $0x5FFFF;
	_ =	strace $0x90000049  }
0x39: {  	s29 =	simm.s32 $0x9;
	_ =	strace $0x8000004B  }
0x3a: {  	_ =	swait.ge [sflag:s29], $0x1  }
0x3b: {  	[sflag:s29] =	ssyncadd.s32 $0xFFFFFFFF  }
0x3c: {  	_ =	strace $0x9000004B  }
0x3d: {  	_ =	sfence  }
0x3e: {  	s30 =	sld [smem:$0x0];
	_ =	sdelay $0x2  }
0x3f: {  	s31 =	sshll.u32 s1, $0xD;
	s1 =	sshrl.u32 s1, $0x2  }
0x40: {  	s4 =	sand.u32 $0x4000, s31;
	s1 =	sadd.s32 s1, s30  }
0x41: {  	s0 =	sor.u32 s4, s0;
	s1 =	sshll.u32 s1, $0x11  }
0x42: {  	s0 =	sor.u32 s1, s0  }
0x43: {  	s0 =	sadd.s32 $0x8F2B, s0  }
0x44: {  	[sflag:s0] =	ssyncadd.remote.s32 $0x1  }
0x45: {  	_ =	sfence.sel $0xFFFF  }
0x46: {  	[dreg:$0x0] =	wrdreg $0xFFFFFFFF;
	(pc) =	sbr.abs _section_cstart, $3  }
0x47: {  	[dreg:$0x1] =	wrdreg $0xFFFFFFFF  }
0x48: {  	_ =	task.clear_ibuf [dreg:s23], $0x2FFFF;
	_ =	strace $0x9FFFFFFF  }
0x49: {  	(tm) =	ssettm $0x7FFFFFFF  }
tec
execute0_lowered:
.L_overlay_start_1:
0x0: {  	(tag) =	ssettag $0x1  }
0x1: {  	s0 =	srdreg.scid;
	s2 =	rddreg [dreg:$0x0]  }
0x2: {  	s5 =	rddreg [dreg:$0x1];
	s1 =	stileid.u32  }
0x3: {  	s4 =	simm.s32 $0x1;
	s6 =	simm.s32 $0x2;
	s15 =	simm.s32 $0x0  }
0x4: {  	p0 =	por $0x0, $0x0;
	s8 =	simm.s32 $0x80;
	s0 =	sshll.u32 s0, $0x4  }
0x5: {  	s14 =	simm.s32 $0x0;
	s9 =	simm.s32 $0x0;
	s3 =	sand.u32 $0x10, s0  }
.Ltmp0:
0x6: {  	s10 =	simm.s32 $0x0;
	s3 =	sor.u32 s1, s3;
	(pc) =	sbr.rel .LBB1_1-.Ltmp0, $4  }
0x7: {  	s0 =	rddreg [dreg:$0x2];
	_ =	strace $0x8000004A;
	s3 =	sshll.u32 s3, $0x7  }
0x8: {  	s12 =	simm.s32 $0x0;
	[sflag:s4] =	ssyncpa.u1 $0x0;
	s7 =	ssub.s32 $0x13D600, s3  }
0x9: {  	s13 =	simm.s32 $0x0;
	[sflag:s6] =	ssyncpa.u1 $0x0;
	s6 =	sshrl.u32 s7, $0xC  }
0xa: {  	s5 =	sadd.s32 $0x13DB200, s5;
	s11 =	smov.u32 s3;
	s7 =	sor.u32 $0x2, s6  }
.LBB1_5:
0xb: {  	p1 =	slt.u32 s13, $0x2  }
0xc: {  	s17 =	smov.u32 s15;
	p2 =	sgt.s32 @!p1 s15, $0x13D5A0;
	s16 =	sshra.s32 @!p1 s15, $0x1F  }
0xd: {  	p3 =	sgt.s32 @!p1 s14, $0x70;
	s18 =	sshra.s32 @!p1 s14, $0x1F;
	p2 =	por !p2, p1  }
0xe: {  	s15 =	sand.u32 @!p1 s16, s15;
	p3 =	por !p3, p1;
	s16 =	smov.u32 s14  }
0xf: {  	s14 =	sand.u32 @!p1 s18, s14;
	s17 =	simm.s32 @p2 $0x13D5A0;
	s16 =	simm.s32 @p3 $0x70  }
0x10: {  	s15 =	ssub.s32 @!p1 s17, s15;
	s14 =	ssub.s32 @!p1 s16, s14  }
0x11: {  	s18 =	smov.u32 s12;
	s16 =	sadd.s32 @!p1 $0xFFEC2A60, s15;
	s17 =	sadd.s32 @!p1 $0xFFFFFF90, s14  }
0x12: {  	s15 =	ssub.s32 @!p1 $0x13D620, s15;
	p2 =	sgt.s32 @!p1 s16, $0x7F;
	p3 =	sgt.s32 @!p1 s17, $0xF  }
0x13: {  	s14 =	ssub.s32 @!p1 $0x80, s14;
	p2 =	por !p2, p1;
	p3 =	por !p3, p1  }
0x14: {  	s16 =	sadd.s32 $0x1000, s11;
	s15 =	simm.s32 @!p2 $0x0;
	s14 =	simm.s32 @!p3 $0x0  }
0x15: {  	p2 =	sgt.s32 s16, $0x13D61F;
	s14 =	smul.u32 @!p1 s14, s15;
	s15 =	sadd.s32 $0x10, s12  }
0x16: {  	s18 =	smov.u32 @p2 s15  }
0x17: {  	s16 =	smov.u32 @p2 s3;
	p2 =	sgt.s32 s18, $0xF  }
0x18: {  	s18 =	simm.s32 @p2 $0x0;
	p2 =	sne.s32 s13, s7  }
.Ltmp1:
0x19: {  	p0 =	por !p0, !p0;
	s17 =	simm.s32 @!p1 $0x2;
	(pc) =	sbr.rel @!p2 .LBB1_6-.Ltmp1, $4  }
0x1a: {  	s15 =	smov.u32 s9;
	s9 =	smov.u32 s11;
	s14 =	sand.u32 @!p1 $0x3FFFFFFF, s14  }
0x1b: {  	s11 =	smov.u32 s16;
	_ =	swait.ge @!p1 [sflag:s17], s14;
	s19 =	ssub.s32 @!p1 $0x0, s14  }
0x1c: {  	s14 =	smov.u32 s10;
	s13 =	sadd.s32 $0x1, s13;
	[sflag:s17] =	ssyncset.done @!p1 $0x0  }
0x1d: {  	s10 =	smov.u32 s12;
	s12 =	smov.u32 s18;
	[sflag:s17] =	ssyncadd.s32 @!p1 s19  }
.LBB1_1:
0x1e: {  	p1 =	sgt.u32 s13, s6  }
0x1f: {  	s16 =	sshrl.u32 @!p1 s12, $0x3  }
0x20: {  	s17 =	sshll.u32 @!p1 s11, $0x3;
	s16 =	smul.u32 @!p1 $0x9EB400, s16  }
0x21: {  	s18 =	sshll.u32 @!p1 s12, $0x7;
	s17 =	sand.u32 @!p1 $0xFFFFFC00, s17  }
0x22: {  	s16 =	sadd.s32 @!p1 s16, s17;
	s17 =	sand.u32 @!p1 $0x380, s18  }
0x23: {  	s18 =	sand.u32 @!p1 $0x7F, s11;
	s16 =	sor.u32 @!p1 s17, s16  }
0x24: {  	s17 =	sor.u32 @!p1 s18, s16  }
0x25: {  	s18 =	smulhi.u32 @!p1 $0xCE793B8F, s17;
	_ =	sdelay $0x1  }
0x26: {  	s16 =	smulhi.u32 @!p1 $0xCE793B8F, s16;
	s18 =	sshrl.u32 @!p1 s18, $0x14  }
0x27: {  	s18 =	smul.u32 @!p1 $0x13D680, s18  }
0x28: {  	s19 =	sxor.u32 @!p1 $0xFFFFFFFF, s13;
	s16 =	sshrl.u32 @!p1 s16, $0x14  }
0x29: {  	s19 =	sshll.u32 @!p1 s19, $0xB;
	s16 =	sand.u32 @!p1 $0xF, s16;
	s17 =	ssub.s32 @!p1 s17, s18  }
0x2a: {  	s16 =	smul.u32 @!p1 $0x27AD0, s16;
	s18 =	sshrl.u32 @!p1 s17, $0x3;
	s17 =	sand.u32 @!p1 $0x7, s17  }
0x2b: {  	s19 =	sand.u32 @!p1 $0x800, s19;
	s18 =	sadd.s32 @!p1 s2, s18;
	s17 =	sshll.u32 @!p1 s17, $0x12  }
0x2c: {  	s16 =	sadd.s32 @!p1 s16, s18;
	s17 =	sor.u32 @!p1 $0x400, s17;
	s18 =	simm.s32 @!p1 $0x9EB400  }
0x2d: {  	[tilespmem:s19], [sflag:$0x1] =	stream.strided.gather @!p1 [hbm4b:s16+s17], $0x800, s18, s17, $0x38;
	[tilespmem:$0x2100] =	vst v63  }
0x2e: {  	p1 =	seq.s32 s13, $0x0  }
0x2f: {  	p2 =	sge.u32 @!p1 s13, s7  }
0x30: {  	p1 =	por p1, p2  }
.Ltmp2:
0x31: {  	_ = 	snop;
	(pc) =	sbr.rel @p1 .LBB1_5-.Ltmp2, $1  }
0x32: {  	_ =	sdelay $0x3  }
0x33: {  	s16 =	simm.s32 $0x1  }
0x34: {  	_ =	swait.ge [sflag:s4], $0x800;
	s16 =	simm.s32 @!p0 $0x0  }
0x35: {  	[sflag:s4] =	ssyncset.done $0x0;
	s17 =	sshll.u32 s16, $0xB  }
0x36: {  	[sflag:s4] =	ssyncadd.s32 $0xFFFFF800;
	s18 =	sor.u32 $0x40, s17  }
0x37: {  	s16 =	smul.u32 $0x2200, s16;
	v0 =	vld [tilespmem:s18+$0x30]  }
0x38: {  	v1 =	vld [tilespmem:s18+$0xFFFFFFD0]  }
0x39: {  	s16 =	sshrl.u32 s16, $0x2;
	v5 =	vld [tilespmem:s18+$0xFFFFFFE0]  }
0x3a: {  	v6 =	vld [tilespmem:s18+$0xFFFFFFF0];
	s19 =	sor.u32 $0x1000, s16  }
0x3b: {  	s31 =	sand.u32 $0x1, s13;
	v4 =	vld [tilespmem:s18+$0x0];
	s17 =	sadd.s32 $0x0, s19  }
0x3c: {  	v3 =	vld [tilespmem:s18+$0x10];
	s16 =	smul.u32 $0x2200, s31;
	[tilespmem:s17+$0x770 ss:$0x11] =	vst.msk $0xffff, v0  }
0x3d: {  	v2 =	vld [tilespmem:s18+$0x20];
	[tilespmem:s17+$0x110 ss:$0x11] =	vst.msk $0xffff, v1  }
0x3e: {  	s16 =	sshrl.u32 s16, $0x2;
	v1 =	vld [tilespmem:s18+$0xFFFFFFC0];
	[tilespmem:s17+$0x220 ss:$0x11] =	vst.msk $0xffff, v5;
	s18 =	sadd.s32 $0x80, s18  }
0x3f: {  	s20 =	simm.s32 $0x4;
	s21 =	simm.s32 $0x8;
	s16 =	sor.u32 $0x1000, s16;
	[tilespmem:s17+$0x330 ss:$0x11] =	vst.msk $0xffff, v6;
	v0 =	vld [tilespmem:s18+$0x30]  }
.LBB1_3:
0x40: {  	p1 =	sne.s32 s21, $0x3C;
	v5 =	vld [tilespmem:s18+$0xFFFFFFD0];
	[tilespmem:s17+$0x440 ss:$0x11] =	vst.msk $0xffff, v4  }
0x41: {  	v6 =	vld [tilespmem:s18+$0xFFFFFFE0];
	[tilespmem:s17+$0x550 ss:$0x11] =	vst.msk $0xffff, v3  }
0x42: {  	s22 =	sshra.s32 s20, $0x2;
	s20 =	smov.u32 s21;
	v7 =	vld [tilespmem:s18+$0xFFFFFFF0];
	[tilespmem:s17+$0x660 ss:$0x11] =	vst.msk $0xffff, v2  }
.Ltmp3:
0x43: {  	v4 =	vld [tilespmem:s18+$0x0];
	[tilespmem:s17+$0x0 ss:$0x11] =	vst.msk $0xffff, v1;
	s17 =	sadd.s32 s22, s19;
	(pc) =	sbr.rel @p1 .LBB1_3-.Ltmp3, $4  }
0x44: {  	v3 =	vld [tilespmem:s18+$0x10];
	[tilespmem:s17+$0x770 ss:$0x11] =	vst.msk $0xffff, v0  }
0x45: {  	[tilespmem:s17+$0x110 ss:$0x11] =	vst.msk $0xffff, v5;
	v2 =	vld [tilespmem:s18+$0x20]  }
0x46: {  	v1 =	vld [tilespmem:s18+$0xFFFFFFC0];
	[tilespmem:s17+$0x220 ss:$0x11] =	vst.msk $0xffff, v6;
	s18 =	sadd.s32 $0x80, s18  }
0x47: {  	s21 =	sadd.s32 $0x4, s21;
	v0 =	vld [tilespmem:s18+$0x30];
	[tilespmem:s17+$0x330 ss:$0x11] =	vst.msk $0xffff, v7  }
0x48: {  	s21 =	sshll.u32 s9, $0x7;
	s22 =	sshll.u32 s10, $0x3;
	s20 =	sshra.s32 s20, $0x2  }
0x49: {  	p1 =	sgt.s32 s9, $0x13D5A0;
	s23 =	sand.u32 $0xFFFFFC00, s21;
	s22 =	sand.u32 $0xFFFFFC00, s22  }
0x4a: {  	v5 =	vld [tilespmem:s18+$0xFFFFFFD0];
	s30 =	sshra.s32 s9, $0x1F;
	s21 =	sand.u32 $0x380, s21;
	s22 =	sadd.s32 s22, s23  }
0x4b: {  	v6 =	vld [tilespmem:s18+$0xFFFFFFE0];
	[tilespmem:s17+$0x440 ss:$0x11] =	vst.msk $0xffff, v4;
	s25 =	sshra.s32 s10, $0x1F;
	s19 =	sadd.s32 s20, s19;
	s29 =	sor.u32 s21, s22  }
0x4c: {  	v60 =	vld [tilespmem:s18+$0xFFFFFFF0];
	[tilespmem:s17+$0x550 ss:$0x11] =	vst.msk $0xffff, v3;
	s21 =	smov.u32 s9;
	s22 =	sand.u32 s30, s9;
	s30 =	sand.u32 $0x7, s10  }
0x4d: {  	v61 =	vld [tilespmem:s18+$0x0];
	[tilespmem:s17+$0x660 ss:$0x11] =	vst.msk $0xffff, v2;
	s20 =	sshrl.u32 s29, $0x7;
	s21 =	simm.s32 @!p1 $0x13D5A0;
	p1 =	sgt.s32 s10, $0x70  }
0x4e: {  	v62 =	vld [tilespmem:s18+$0x10];
	[tilespmem:s17+$0x0 ss:$0x11] =	vst.msk $0xffff, v1;
	s29 =	sshrl.u32 s10, $0x3;
	s24 =	ssub.s32 s21, s22;
	s21 =	smov.u32 s10  }
0x4f: {  	v63 =	vld [tilespmem:s18+$0x20];
	[tilespmem:s19+$0x770 ss:$0x11] =	vst.msk $0xffff, v0;
	s31 =	smulhi.u32 $0xCE7D23, s20;
	s22 =	sand.u32 s25, s10;
	s21 =	simm.s32 @!p1 $0x70  }
0x50: {  	[tilespmem:s19+$0x110 ss:$0x11] =	vst.msk $0xffff, v5;
	s27 =	sadd.s32 $0xFFEC2A60, s24;
	s17 =	ssub.s32 $0x13D620, s24;
	s21 =	ssub.s32 s21, s22  }
0x51: {  	v7 =	vld [tilespmem:s18+$0xFFFFFFC0];
	[tilespmem:s19+$0x220 ss:$0x11] =	vst.msk $0xffff, v6;
	s26 =	sshrl.u32 s31, $0xC;
	p1 =	sgt.s32 s27, $0x7F;
	s28 =	sadd.s32 $0xFFFFFF90, s21  }
0x52: {  	[tilespmem:s19+$0x330 ss:$0x11] =	vst.msk $0xffff, v60;
	s18 =	smul.u32 $0x13D620, s26;
	s21 =	ssub.s32 $0x80, s21;
	p2 =	sgt.s32 s28, $0xF  }
.Ltmp4:
0x53: {  	[tilespmem:s19+$0x440 ss:$0x11] =	vst.msk $0xffff, v61;
	s17 =	simm.s32 @p1 $0x0;
	s21 =	simm.s32 @p2 $0x0;
	(pc) =	sbr.rel .LBB1_5-.Ltmp4, $4  }
0x54: {  	[tilespmem:s19+$0x550 ss:$0x11] =	vst.msk $0xffff, v62;
	s18 =	ssub.s32 s20, s18;
	s20 =	sand.u32 $0xF, s29;
	s17 =	smul.u32 s21, s17  }
0x55: {  	[tilespmem:s19+$0x660 ss:$0x11] =	vst.msk $0xffff, v63;
	s18 =	sshll.u32 s18, $0x4;
	s20 =	sadd.s32 s5, s20;
	s21 =	sshll.u32 s30, $0x12  }
0x56: {  	[tilespmem:s19+$0x0 ss:$0x11] =	vst.msk $0xffff, v7;
	s18 =	sadd.s32 s18, s20;
	s31 =	sor.u32 $0x10, s21;
	s17 =	sand.u32 $0x3FFFFFFF, s17  }
0x57: {  	[hbm4b:s18+s31] =	stream.strided.scatter [tilespmem:s16], [sflag:$0x2], s17, s8, s31, $0x8;
	[tilespmem:$0x2100] =	vst v63  }
.LBB1_6:
0x58: {  	_ =	sfence.sel $0x180000  }
0x59: {  	s2 =	simm.s32 $0x1;
	[bflag:$0x0] =	sbarrier.arrive $0xFFFF  }
0x5a: {  	s31 =	simm.s32 $0x2;
	[sflag:s2] =	ssyncpa.u1 $0x1  }
0x5b: {  	[sflag:s31] =	ssyncpa.u1 $0x1  }
0x5c: {  	p0 =	sne.s32 s1, $0x0;
	_ =	strace $0x9000004A  }
0x5d: {  	s0 =	sadd.s32 @!p0 $0x100000, s0;
	[bflag:$0x2] =	sbarrier.arrive $0xFFFF  }
0x5e: {  	[sflag:s0] =	ssyncadd.tile.s32 @!p0 $0x1;
	_ =	shalt  }
.Lfunc_end1:
_tile_overlayer_lowered:
.L_overlay_start_2:
0x5f: {  	(tag) =	ssettag $0x2  }
0x60: {  	s0 =	rddreg [dreg:$0x0];
	s2 =	stileid.u32  }
0x61: {  	s1 =	rddreg [dreg:$0x1];
	p0 =	sne.s32 s2, $0x0  }
0x62: {  	s3 =	rddreg [dreg:$0x2];
	[bflag:$0x3] =	sbarrier.arrive $0xFFFF;
	s2 =	simm.s32 @!p0 $0x1C01  }
0x63: {  	[timem:s3], [sflag:s2] =	dma.local @!p0 [hbm:s0], s1  }
0x64: {  	s0 =	simm.s32 @!p0 $0x1  }
0x65: {  	_ =	swait.ge @!p0 [sflag:s0], s1  }
0x66: {  	s1 =	ssub.s32 @!p0 $0x0, s1;
	[sflag:s0] =	ssyncset.done @!p0 $0x0  }
0x67: {  	[sflag:s0] =	ssyncadd.s32 @!p0 s1  }
0x68: {  	[bflag:$0x3] =	sbarrier.arrive $0xFFFF  }
0x69: {  	_ =	shalt  }

// kernel: sparse-core-data-format-call.2.cloned.1.call-start
scs
called_computation.2_lowered:
.L_overlay_start_0:
0x0: {  	s2 =	sld [smem:$0x3FD9]  }
0x1: {  	s3 =	sld [smem:$0x3FFE];
	_ =	sdelay $0x1  }
0x2: {  	s1 =	srdreg.scid  }
0x3: {  	s0 =	sand.u32 $0x1, s1  }
0x4: {  	s18 =	sshll.u32 s0, $0xA;
	s2 =	sadd.s32 s3, s2  }
0x5: {  	s2 =	sadd.s32 s2, s18  }
0x6: {  	[smem:$0x3FB1] =	sst s2  }
0x7: {  	_ = 	snop  }
0x8: {  	(tm) =	ssettm $0x1  }
0x9: {  	s19 =	sld [smem:$0x3FFB];
	_ =	sdelay $0x3  }
0xa: {  	_ =	strace s19  }
0xb: {  	s2 =	sld [smem:$0x3FFC];
	_ =	sdelay $0x3  }
0xc: {  	_ =	strace s2  }
0xd: {  	s2 =	sld [smem:$0x3FFD];
	_ =	sdelay $0x3  }
0xe: {  	_ =	strace s2  }
0xf: {  	_ =	strace $0x8FFFFFFF  }
0x10: {  	s20 =	sld [smem:$0x3FDB];
	_ =	sdelay $0x1  }
0x11: {  	s21 =	simm.s32 $_scs_section_size  }
0x12: {  	s4 =	simm.s32 $_size__tile_overlayer_lowered;
	s5 =	simm.s32 $_tile_overlayer_lowered  }
0x13: {  	s6 =	simm.s32 $0x1BFF;
	s22 =	sshll.u32 s5, $0x1;
	s3 =	sadd.s32 s21, s20  }
0x14: {  	s23 =	simm.s32 $0x0;
	s4 =	sshll.u32 s4, $0x1;
	s5 =	sadd.s32 s22, s3  }
0x15: {  	[timem:s23], [sflag:s6] =	dma.local [hbm:s5], s4  }
0x16: {  	_ =	swait.ge [sflag:s6], s4  }
0x17: {  	s4 =	ssub.s32 $0x0, s4;
	[sflag:s6] =	ssyncset.done $0x0  }
0x18: {  	[sflag:s6] =	ssyncadd.s32 s4;
	_ =	sdelay $0x1  }
0x19: {  	s24 =	simm.s32 $0x1B8B  }
0x1a: {  	_ =	swait.ge [sflag:s24], $0x1  }
0x1b: {  	[sflag:s24] =	ssyncset.done $0x0  }
0x1c: {  	[sflag:s24] =	ssyncadd.s32 $0xFFFFFFFF  }
0x1d: {  	s4 =	sld [smem:$0x0]  }
0x1e: {  	s5 =	sand.u32 $0xFFFFFFFE, s1  }
0x1f: {  	p0 =	sne.s32 s1, s5  }
0x20: {  	s5 =	sshll.u32 @p0 s5, $0xE  }
0x21: {  	s5 =	sadd.s32 @p0 $0x11B8D, s5;
	s6 =	sshll.u32 @p0 s4, $0x11  }
0x22: {  	s5 =	sor.u32 @p0 s6, s5  }
0x23: {  	[sflag:s5] =	ssyncadd.remote.s32 @p0 $0x1;
	_ =	sdelay $0x1  }
0x24: {  	s5 =	simm.s32 @p0 $0x1B8D  }
0x25: {  	_ =	swait.eq @p0 [sflag:s5], $0x1  }
0x26: {  	[sflag:s5] =	ssyncadd.s32 @p0 $0xFFFFFFFF  }
0x27: {  	s6 =	sshll.u32 @!p0 s1, $0xE  }
0x28: {  	s6 =	sor.u32 @!p0 $0x4000, s6;
	s5 =	simm.s32 @!p0 $0x1B8D  }
0x29: {  	s4 =	sshll.u32 @!p0 s4, $0x11;
	s6 =	sadd.s32 @!p0 $0x11B8D, s6;
	_ =	swait.eq @!p0 [sflag:s5], $0x1  }
0x2a: {  	s4 =	sor.u32 @!p0 s4, s6;
	[sflag:s5] =	ssyncadd.s32 @!p0 $0xFFFFFFFF  }
0x2b: {  	s26 =	simm.s32 $0x1B8E;
	s25 =	sld [smem:$0x3FFE];
	[sflag:s4] =	ssyncadd.remote.s32 @!p0 $0x1  }
0x2c: {  	s27 =	simm.s32 $execute0_lowered;
	[smem:$0x3FD2] =	sst s26  }
0x2d: {  	s5 =	sshll.u32 s27, $0x1;
	_ =	strace $0x8000004C;
	[dreg:$0x1] =	wrdreg $0xFFFFFFFF  }
0x2e: {  	s28 =	simm.s32 $_size_execute0_lowered;
	s3 =	sadd.s32 s3, s5;
	[dreg:$0x0] =	wrdreg $0x0  }
0x2f: {  	s5 =	sshll.u32 s28, $0x1;
	[dreg:$0x2] =	wrdreg s3  }
0x30: {  	[dreg:$0x3] =	wrdreg s5  }
0x31: {  	[dreg:$0x4] =	wrdreg $0xC0  }
0x32: {  	_ =	task [dreg:s23], $0x5FFFF  }
0x33: {  	[dreg:$0x1] =	wrdreg $0xFFFFFFFF  }
0x34: {  	[dreg:$0x0] =	wrdreg $0x60  }
0x35: {  	[dreg:$0x2] =	wrdreg s25  }
0x36: {  	[dreg:$0x3] =	wrdreg $0xA  }
0x37: {  	_ =	task.clear_ibuf [dreg:s23], $0x4FFFF;
	_ =	strace $0x9000004C  }
0x38: {  	s29 =	simm.s32 $0xA;
	_ =	strace $0x8000004E  }
0x39: {  	_ =	swait.ge [sflag:s29], $0x1  }
0x3a: {  	[sflag:s29] =	ssyncadd.s32 $0xFFFFFFFF  }
0x3b: {  	_ =	strace $0x9000004E  }
0x3c: {  	_ =	sfence  }
0x3d: {  	s30 =	sld [smem:$0x0];
	_ =	sdelay $0x2  }
0x3e: {  	s31 =	sshll.u32 s1, $0xD;
	s1 =	sshrl.u32 s1, $0x2  }
0x3f: {  	s4 =	sand.u32 $0x4000, s31;
	s1 =	sadd.s32 s1, s30  }
0x40: {  	s0 =	sor.u32 s4, s0;
	s1 =	sshll.u32 s1, $0x11  }
0x41: {  	s0 =	sor.u32 s1, s0  }
0x42: {  	s0 =	sadd.s32 $0x8F2B, s0  }
0x43: {  	[sflag:s0] =	ssyncadd.remote.s32 $0x1  }
0x44: {  	_ =	sfence.sel $0xFFFF  }
0x45: {  	[dreg:$0x0] =	wrdreg $0xFFFFFFFF;
	(pc) =	sbr.abs _section_cstart, $3  }
0x46: {  	[dreg:$0x1] =	wrdreg $0xFFFFFFFF  }
0x47: {  	_ =	task.clear_ibuf [dreg:s23], $0x2FFFF;
	_ =	strace $0x9FFFFFFF  }
0x48: {  	(tm) =	ssettm $0x7FFFFFFF  }
0x49: {  	_ =	shalt  }
tec
execute0_lowered:
.L_overlay_start_1:
0x0: {  	(tag) =	ssettag $0x1  }
0x1: {  	s0 =	srdreg.scid  }
0x2: {  	s4 =	rddreg [dreg:$0x0];
	s1 =	stileid.u32  }
0x3: {  	s5 =	simm.s32 $0x1;
	s7 =	simm.s32 $0x2;
	s0 =	sshll.u32 s0, $0x4  }
0x4: {  	s11 =	simm.s32 $0x0;
	p0 =	por $0x0, $0x0;
	s2 =	sand.u32 $0x10, s0  }
.Ltmp0:
0x5: {  	s8 =	simm.s32 $0x13D800;
	s3 =	sor.u32 s1, s2;
	(pc) =	sbr.rel .LBB1_1-.Ltmp0, $4  }
0x6: {  	s10 =	simm.s32 $0x0;
	s0 =	rddreg [dreg:$0x1];
	s3 =	sshll.u32 s3, $0x7  }
0x7: {  	_ =	strace $0x8000004D;
	s2 =	sadd.s32 $0x5000, s4;
	s6 =	ssub.s32 $0x27A80, s3  }
0x8: {  	s4 =	sadd.s32 $0x2831400, s4;
	[sflag:s5] =	ssyncpa.u1 $0x0;
	s6 =	sshrl.u32 s6, $0xC  }
0x9: {  	[sflag:s7] =	ssyncpa.u1 $0x0;
	s9 =	smov.u32 s3;
	s7 =	sadd.s32 $0x2, s6  }
.LBB1_5:
0xa: {  	s13 =	sadd.s32 $0x1000, s9  }
0xb: {  	p2 =	sgt.s32 s13, $0x27AC3  }
0xc: {  	s13 =	smov.u32 @p2 s3;
	p2 =	sne.s32 s10, s7  }
.Ltmp1:
0xd: {  	p1 =	slt.u32 s10, $0x2;
	(pc) =	sbr.rel @!p2 .LBB1_6-.Ltmp1, $4  }
0xe: {  	s12 =	simm.s32 @!p1 $0x2  }
0xf: {  	s14 =	sadd.s32 $0x1, s10;
	_ =	swait.ge @!p1 [sflag:s12], $0x4000  }
0x10: {  	s11 =	smov.u32 s9;
	p0 =	por !p0, !p0;
	[sflag:s12] =	ssyncset.done @!p1 $0x0  }
0x11: {  	s10 =	smov.u32 s14;
	s9 =	smov.u32 s13;
	[sflag:s12] =	ssyncadd.s32 @!p1 $0xFFFFC000  }
.LBB1_1:
0x12: {  	p1 =	sgt.u32 s10, s6  }
0x13: {  	p2 =	sgt.s32 @!p1 s9, $0x27A44  }
0x14: {  	s12 =	smov.u32 s9;
	s13 =	sshra.s32 @!p1 s9, $0x1F;
	p2 =	por !p2, p1  }
0x15: {  	s13 =	sand.u32 @!p1 s13, s9;
	s12 =	simm.s32 @p2 $0x27A44  }
0x16: {  	s12 =	ssub.s32 @!p1 s12, s13  }
0x17: {  	s14 =	sxor.u32 @!p1 $0xFFFFFFFF, s10;
	s12 =	sadd.s32 @!p1 $0xFFFD85BC, s12  }
0x18: {  	s15 =	simm.s32 @!p1 $0x10;
	s16 =	simm.s32 @!p1 $0x80;
	s13 =	sshll.u32 @!p1 s12, $0x9  }
0x19: {  	p2 =	sgt.s32 @!p1 s12, $0x7F;
	s12 =	ssub.s32 @!p1 $0x10000, s13;
	s13 =	sshll.u32 @!p1 s14, $0xE  }
0x1a: {  	p2 =	por !p2, p1;
	s14 =	sshll.u32 @!p1 s9, $0x7;
	s12 =	sshrl.u32 @!p1 s12, $0x2  }
0x1b: {  	s13 =	sand.u32 @!p1 $0x4000, s13;
	s14 =	sadd.s32 @!p1 s2, s14;
	s12 =	simm.s32 @!p2 $0x0  }
0x1c: {  	[tilespmem:s13], [sflag:$0x1] =	stream.strided.gather @!p1 [hbm4b:s14+s15], s12, s16, s15, $0x38;
	[tilespmem:$0x10100] =	vst v63  }
0x1d: {  	p1 =	seq.s32 s10, $0x0  }
0x1e: {  	p2 =	sge.u32 @!p1 s10, s7  }
0x1f: {  	p1 =	por p1, p2  }
.Ltmp2:
0x20: {  	_ = 	snop;
	(pc) =	sbr.rel @p1 .LBB1_5-.Ltmp2, $1  }
0x21: {  	_ =	sdelay $0x3  }
0x22: {  	p1 =	sgt.s32 s11, $0x27A44;
	s12 =	smov.u32 s11;
	s13 =	sshra.s32 s11, $0x1F  }
0x23: {  	s12 =	simm.s32 @!p1 $0x27A44;
	s13 =	sand.u32 s13, s11  }
0x24: {  	s12 =	ssub.s32 s12, s13  }
0x25: {  	s12 =	sadd.s32 $0xFFFD85BC, s12  }
0x26: {  	s29 =	sshll.u32 s12, $0x9  }
0x27: {  	s13 =	ssub.s32 $0x10000, s29  }
0x28: {  	p1 =	sgt.s32 s12, $0x7F;
	s12 =	sshrl.u32 s13, $0x2  }
0x29: {  	s13 =	simm.s32 $0x1;
	s12 =	simm.s32 @p1 $0x0  }
0x2a: {  	s13 =	simm.s32 @!p0 $0x0;
	_ =	swait.ge [sflag:s5], s12  }
0x2b: {  	s14 =	sshll.u32 s13, $0xE;
	s12 =	ssub.s32 $0x0, s12;
	[sflag:s5] =	ssyncset.done $0x0  }
0x2c: {  	s15 =	sor.u32 $0x40, s14;
	[sflag:s5] =	ssyncadd.s32 s12  }
0x2d: {  	s30 =	smul.u32 $0x10200, s13;
	v0 =	vld [tilespmem:s15+$0x30]  }
0x2e: {  	v1 =	vld [tilespmem:s15+$0xFFFFFFD0]  }
0x2f: {  	s12 =	sshrl.u32 s30, $0x2;
	v5 =	vld [tilespmem:s15+$0xFFFFFFE0]  }
0x30: {  	s13 =	sor.u32 $0x8000, s12;
	v6 =	vld [tilespmem:s15+$0xFFFFFFF0]  }
0x31: {  	s31 =	sand.u32 $0x1, s10;
	v3 =	vld [tilespmem:s15+$0x0];
	s14 =	sadd.s32 $0x0, s13  }
0x32: {  	s12 =	smul.u32 $0x10200, s31;
	v4 =	vld [tilespmem:s15+$0x10];
	[tilespmem:s14+$0x3870 ss:$0x81] =	vst.msk $0xffff, v0  }
0x33: {  	v2 =	vld [tilespmem:s15+$0x20];
	[tilespmem:s14+$0x810 ss:$0x81] =	vst.msk $0xffff, v1  }
0x34: {  	s12 =	sshrl.u32 s12, $0x2;
	v0 =	vld [tilespmem:s15+$0xFFFFFFC0];
	[tilespmem:s14+$0x1020 ss:$0x81] =	vst.msk $0xffff, v5;
	s15 =	sadd.s32 $0x80, s15  }
0x35: {  	s16 =	simm.s32 $0x4;
	s17 =	simm.s32 $0x8;
	s12 =	sor.u32 $0x8000, s12;
	[tilespmem:s14+$0x1830 ss:$0x81] =	vst.msk $0xffff, v6;
	v1 =	vld [tilespmem:s15+$0x30]  }
.LBB1_3:
0x36: {  	p1 =	sne.s32 s17, $0x1FC;
	v5 =	vld [tilespmem:s15+$0xFFFFFFD0];
	[tilespmem:s14+$0x2040 ss:$0x81] =	vst.msk $0xffff, v3  }
0x37: {  	v6 =	vld [tilespmem:s15+$0xFFFFFFE0];
	[tilespmem:s14+$0x2850 ss:$0x81] =	vst.msk $0xffff, v4  }
0x38: {  	s18 =	sshra.s32 s16, $0x2;
	s16 =	smov.u32 s17;
	v7 =	vld [tilespmem:s15+$0xFFFFFFF0];
	[tilespmem:s14+$0x3060 ss:$0x81] =	vst.msk $0xffff, v2  }
.Ltmp3:
0x39: {  	v3 =	vld [tilespmem:s15+$0x0];
	[tilespmem:s14+$0x0 ss:$0x81] =	vst.msk $0xffff, v0;
	s14 =	sadd.s32 s18, s13;
	(pc) =	sbr.rel @p1 .LBB1_3-.Ltmp3, $4  }
0x3a: {  	v4 =	vld [tilespmem:s15+$0x10];
	[tilespmem:s14+$0x3870 ss:$0x81] =	vst.msk $0xffff, v1  }
0x3b: {  	[tilespmem:s14+$0x810 ss:$0x81] =	vst.msk $0xffff, v5;
	v2 =	vld [tilespmem:s15+$0x20]  }
0x3c: {  	v0 =	vld [tilespmem:s15+$0xFFFFFFC0];
	[tilespmem:s14+$0x1020 ss:$0x81] =	vst.msk $0xffff, v6;
	s15 =	sadd.s32 $0x80, s15  }
0x3d: {  	s17 =	sadd.s32 $0x4, s17;
	v1 =	vld [tilespmem:s15+$0x30];
	[tilespmem:s14+$0x1830 ss:$0x81] =	vst.msk $0xffff, v7  }
0x3e: {  	v5 =	vld [tilespmem:s15+$0xFFFFFFD0];
	[tilespmem:s14+$0x2040 ss:$0x81] =	vst.msk $0xffff, v3;
	s17 =	sshll.u32 s11, $0x3  }
0x3f: {  	v58 =	vld [tilespmem:s15+$0xFFFFFFE0];
	s25 =	sand.u32 $0x7F, s11;
	[tilespmem:s14+$0x2850 ss:$0x81] =	vst.msk $0xffff, v4;
	s17 =	sand.u32 $0xFFFFFC00, s17  }
0x40: {  	s16 =	sshra.s32 s16, $0x2;
	v59 =	vld [tilespmem:s15+$0xFFFFFFF0];
	[tilespmem:s14+$0x3060 ss:$0x81] =	vst.msk $0xffff, v2;
	s11 =	sor.u32 s25, s17  }
0x41: {  	v60 =	vld [tilespmem:s15+$0x0];
	s13 =	sadd.s32 s16, s13;
	[tilespmem:s14+$0x0 ss:$0x81] =	vst.msk $0xffff, v0;
	s26 =	smulhi.u32 $0xCE69A00D, s11  }
0x42: {  	v61 =	vld [tilespmem:s15+$0x10];
	[tilespmem:s13+$0x3870 ss:$0x81] =	vst.msk $0xffff, v1  }
0x43: {  	v62 =	vld [tilespmem:s15+$0x20];
	s27 =	smulhi.u32 $0xCE69A00D, s17;
	[tilespmem:s13+$0x810 ss:$0x81] =	vst.msk $0xffff, v5;
	s14 =	sshrl.u32 s26, $0x11  }
0x44: {  	v63 =	vld [tilespmem:s15+$0xFFFFFFC0];
	[tilespmem:s13+$0x1020 ss:$0x81] =	vst.msk $0xffff, v58;
	s14 =	smul.u32 $0x27B00, s14  }
0x45: {  	s28 =	sshrl.u32 s27, $0x11;
	[tilespmem:s13+$0x1830 ss:$0x81] =	vst.msk $0xffff, v59  }
.Ltmp4:
0x46: {  	[tilespmem:s13+$0x2040 ss:$0x81] =	vst.msk $0xffff, v60;
	s29 =	sand.u32 $0xF, s28;
	s11 =	ssub.s32 s11, s14;
	(pc) =	sbr.rel .LBB1_5-.Ltmp4, $4  }
0x47: {  	[tilespmem:s13+$0x2850 ss:$0x81] =	vst.msk $0xffff, v61;
	s14 =	smul.u32 $0x4F60, s29;
	s30 =	sshrl.u32 s11, $0x3;
	s11 =	sand.u32 $0x7, s11  }
0x48: {  	[tilespmem:s13+$0x3060 ss:$0x81] =	vst.msk $0xffff, v62;
	s15 =	sadd.s32 s4, s30;
	s11 =	sshll.u32 s11, $0x12  }
0x49: {  	[tilespmem:s13+$0x0 ss:$0x81] =	vst.msk $0xffff, v63;
	s31 =	sadd.s32 s14, s15;
	s11 =	sor.u32 $0x400, s11  }
0x4a: {  	[hbm4b:s31+s11] =	stream.strided.scatter [tilespmem:s12], [sflag:$0x2], $0x4000, s8, s11, $0x20;
	[tilespmem:$0x10100] =	vst v63  }
.LBB1_6:
0x4b: {  	_ =	sfence.sel $0x180000  }
0x4c: {  	s2 =	simm.s32 $0x1;
	[bflag:$0x0] =	sbarrier.arrive $0xFFFF  }
0x4d: {  	s31 =	simm.s32 $0x2;
	[sflag:s2] =	ssyncpa.u1 $0x1  }
0x4e: {  	[sflag:s31] =	ssyncpa.u1 $0x1  }
0x4f: {  	p0 =	sne.s32 s1, $0x0;
	_ =	strace $0x9000004D  }
0x50: {  	s0 =	sadd.s32 @!p0 $0x100000, s0;
	[bflag:$0x2] =	sbarrier.arrive $0xFFFF  }
0x51: {  	[sflag:s0] =	ssyncadd.tile.s32 @!p0 $0x1;
	_ =	shalt  }
.Lfunc_end1:
_tile_overlayer_lowered:
.L_overlay_start_2:
0x52: {  	(tag) =	ssettag $0x2  }
0x53: {  	s0 =	rddreg [dreg:$0x0];
	s2 =	stileid.u32  }
0x54: {  	s1 =	rddreg [dreg:$0x1];
	p0 =	sne.s32 s2, $0x0  }
0x55: {  	s3 =	rddreg [dreg:$0x2];
	[bflag:$0x3] =	sbarrier.arrive $0xFFFF;
	s2 =	simm.s32 @!p0 $0x1C01  }
0x56: {  	[timem:s3], [sflag:s2] =	dma.local @!p0 [hbm:s0], s1  }
0x57: {  	s0 =	simm.s32 @!p0 $0x1  }
0x58: {  	_ =	swait.ge @!p0 [sflag:s0], s1  }
0x59: {  	s1 =	ssub.s32 @!p0 $0x0, s1;
	[sflag:s0] =	ssyncset.done @!p0 $0x0  }
0x5a: {  	[sflag:s0] =	ssyncadd.s32 @!p0 s1  }
0x5b: {  	[bflag:$0x3] =	sbarrier.arrive $0xFFFF  }
0x5c: {  	_ =	shalt  }

// kernel: sparse-core-data-format-call.3.cloned.1.call-start
scs
called_computation.3_lowered:
.L_overlay_start_0:
0x0: {  	s2 =	sld [smem:$0x3FD9]  }
0x1: {  	s3 =	sld [smem:$0x3FFE];
	_ =	sdelay $0x1  }
0x2: {  	s1 =	srdreg.scid  }
0x3: {  	s0 =	sand.u32 $0x1, s1  }
0x4: {  	s18 =	sshll.u32 s0, $0xA;
	s2 =	sadd.s32 s3, s2  }
0x5: {  	s2 =	sadd.s32 s2, s18  }
0x6: {  	[smem:$0x3FB1] =	sst s2  }
0x7: {  	_ = 	snop  }
0x8: {  	s2 =	sld [smem:$0x3FC5];
	(tm) =	ssettm $0x1  }
0x9: {  	s19 =	sld [smem:$0x3FFB];
	_ =	sdelay $0x3  }
0xa: {  	_ =	strace s19  }
0xb: {  	s3 =	sld [smem:$0x3FFC];
	_ =	sdelay $0x3  }
0xc: {  	_ =	strace s3  }
0xd: {  	s3 =	sld [smem:$0x3FFD];
	_ =	sdelay $0x3  }
0xe: {  	_ =	strace s3  }
0xf: {  	_ =	strace $0x8FFFFFFF  }
0x10: {  	s20 =	sld [smem:$0x3FDB];
	_ =	sdelay $0x1  }
0x11: {  	s4 =	simm.s32 $_scs_section_size  }
0x12: {  	s5 =	simm.s32 $_size__tile_overlayer_lowered;
	s6 =	simm.s32 $_tile_overlayer_lowered  }
0x13: {  	s23 =	simm.s32 $0x1BFF;
	s22 =	sshll.u32 s6, $0x1;
	s3 =	sadd.s32 s4, s20  }
0x14: {  	s7 =	simm.s32 $0x0;
	s21 =	sshll.u32 s5, $0x1;
	s5 =	sadd.s32 s22, s3  }
0x15: {  	[timem:s7], [sflag:s23] =	dma.local [hbm:s5], s21  }
0x16: {  	_ =	swait.ge [sflag:s23], s21  }
0x17: {  	s4 =	ssub.s32 $0x0, s21;
	[sflag:s23] =	ssyncset.done $0x0  }
0x18: {  	[sflag:s23] =	ssyncadd.s32 s4;
	_ =	sdelay $0x1  }
0x19: {  	s24 =	simm.s32 $0x1B8B  }
0x1a: {  	_ =	swait.ge [sflag:s24], $0x1  }
0x1b: {  	[sflag:s24] =	ssyncset.done $0x0  }
0x1c: {  	s26 =	simm.s32 $0x1B8E;
	s25 =	sld [smem:$0x3FFE];
	[sflag:s24] =	ssyncadd.s32 $0xFFFFFFFF  }
0x1d: {  	s27 =	simm.s32 $execute0_lowered;
	[smem:$0x3FD2] =	sst s26  }
0x1e: {  	s5 =	sshll.u32 s27, $0x1;
	_ =	strace $0x80000046;
	[dreg:$0x1] =	wrdreg $0xFFFFFFFF  }
0x1f: {  	s28 =	simm.s32 $_size_execute0_lowered;
	s3 =	sadd.s32 s3, s5;
	[dreg:$0x0] =	wrdreg $0x0  }
0x20: {  	s5 =	sshll.u32 s28, $0x1;
	[dreg:$0x2] =	wrdreg s3  }
0x21: {  	[dreg:$0x3] =	wrdreg s5  }
0x22: {  	[dreg:$0x4] =	wrdreg $0xC0  }
0x23: {  	_ =	task [dreg:s7], $0x5FFFF  }
0x24: {  	[dreg:$0x1] =	wrdreg $0xFFFFFFFF  }
0x25: {  	[dreg:$0x0] =	wrdreg $0x60  }
0x26: {  	[dreg:$0x2] =	wrdreg s2  }
0x27: {  	[dreg:$0x3] =	wrdreg s25  }
0x28: {  	[dreg:$0x4] =	wrdreg $0xA  }
0x29: {  	_ =	task.clear_ibuf [dreg:s7], $0x5FFFF;
	_ =	strace $0x90000046  }
0x2a: {  	s29 =	simm.s32 $0xA;
	_ =	strace $0x80000048  }
0x2b: {  	_ =	swait.ge [sflag:s29], $0x1  }
0x2c: {  	[sflag:s29] =	ssyncadd.s32 $0xFFFFFFFF  }
0x2d: {  	_ =	strace $0x90000048  }
0x2e: {  	_ =	sfence  }
0x2f: {  	s30 =	sld [smem:$0x0];
	_ =	sdelay $0x2  }
0x30: {  	s31 =	sshll.u32 s1, $0xD;
	s1 =	sshrl.u32 s1, $0x2  }
0x31: {  	s3 =	sand.u32 $0x4000, s31;
	s1 =	sadd.s32 s1, s30  }
0x32: {  	s0 =	sor.u32 s3, s0;
	s1 =	sshll.u32 s1, $0x11  }
0x33: {  	s0 =	sor.u32 s1, s0  }
0x34: {  	s0 =	sadd.s32 $0x8F2B, s0  }
0x35: {  	[sflag:s0] =	ssyncadd.remote.s32 $0x1  }
0x36: {  	_ =	sfence.sel $0xFFFF  }
0x37: {  	[dreg:$0x0] =	wrdreg $0xFFFFFFFF;
	(pc) =	sbr.abs _section_cstart, $3  }
0x38: {  	[dreg:$0x1] =	wrdreg $0xFFFFFFFF  }
0x39: {  	_ =	task.clear_ibuf [dreg:s7], $0x2FFFF;
	_ =	strace $0x9FFFFFFF  }
0x3a: {  	(tm) =	ssettm $0x7FFFFFFF  }
0x3b: {  	_ =	shalt  }
tec
execute0_lowered:
.L_overlay_start_1:
0x0: {  	(tag) =	ssettag $0x1  }
0x1: {  	s0 =	srdreg.scid;
	s2 =	rddreg [dreg:$0x0]  }
0x2: {  	s5 =	rddreg [dreg:$0x1];
	s1 =	stileid.u32  }
0x3: {  	s4 =	simm.s32 $0x1;
	s6 =	simm.s32 $0x2;
	s15 =	simm.s32 $0x0  }
0x4: {  	p0 =	por $0x0, $0x0;
	s8 =	simm.s32 $0x80;
	s0 =	sshll.u32 s0, $0x4  }
0x5: {  	s14 =	simm.s32 $0x0;
	s9 =	simm.s32 $0x0;
	s3 =	sand.u32 $0x10, s0  }
.Ltmp0:
0x6: {  	s10 =	simm.s32 $0x0;
	s3 =	sor.u32 s1, s3;
	(pc) =	sbr.rel .LBB1_1-.Ltmp0, $4  }
0x7: {  	s0 =	rddreg [dreg:$0x2];
	_ =	strace $0x80000047;
	s3 =	sshll.u32 s3, $0x7  }
0x8: {  	s12 =	simm.s32 $0x0;
	[sflag:s4] =	ssyncpa.u1 $0x0;
	s7 =	ssub.s32 $0x13D600, s3  }
0x9: {  	s13 =	simm.s32 $0x0;
	[sflag:s6] =	ssyncpa.u1 $0x0;
	s6 =	sshrl.u32 s7, $0xC  }
0xa: {  	s5 =	sadd.s32 $0x5000, s5;
	s11 =	smov.u32 s3;
	s7 =	sor.u32 $0x2, s6  }
.LBB1_5:
0xb: {  	p1 =	slt.u32 s13, $0x2  }
0xc: {  	s17 =	smov.u32 s15;
	p2 =	sgt.s32 @!p1 s15, $0x13D5A0;
	s16 =	sshra.s32 @!p1 s15, $0x1F  }
0xd: {  	p3 =	sgt.s32 @!p1 s14, $0x70;
	s18 =	sshra.s32 @!p1 s14, $0x1F;
	p2 =	por !p2, p1  }
0xe: {  	s15 =	sand.u32 @!p1 s16, s15;
	p3 =	por !p3, p1;
	s16 =	smov.u32 s14  }
0xf: {  	s14 =	sand.u32 @!p1 s18, s14;
	s17 =	simm.s32 @p2 $0x13D5A0;
	s16 =	simm.s32 @p3 $0x70  }
0x10: {  	s15 =	ssub.s32 @!p1 s17, s15;
	s14 =	ssub.s32 @!p1 s16, s14  }
0x11: {  	s18 =	smov.u32 s12;
	s16 =	sadd.s32 @!p1 $0xFFEC2A60, s15;
	s17 =	sadd.s32 @!p1 $0xFFFFFF90, s14  }
0x12: {  	s15 =	ssub.s32 @!p1 $0x13D620, s15;
	p2 =	sgt.s32 @!p1 s16, $0x7F;
	p3 =	sgt.s32 @!p1 s17, $0xF  }
0x13: {  	s14 =	ssub.s32 @!p1 $0x80, s14;
	p2 =	por !p2, p1;
	p3 =	por !p3, p1  }
0x14: {  	s16 =	sadd.s32 $0x1000, s11;
	s15 =	simm.s32 @!p2 $0x0;
	s14 =	simm.s32 @!p3 $0x0  }
0x15: {  	p2 =	sgt.s32 s16, $0x13D61F;
	s14 =	smul.u32 @!p1 s14, s15;
	s15 =	sadd.s32 $0x10, s12  }
0x16: {  	s18 =	smov.u32 @p2 s15  }
0x17: {  	s16 =	smov.u32 @p2 s3;
	p2 =	sgt.s32 s18, $0xF  }
0x18: {  	s18 =	simm.s32 @p2 $0x0;
	p2 =	sne.s32 s13, s7  }
.Ltmp1:
0x19: {  	p0 =	por !p0, !p0;
	s17 =	simm.s32 @!p1 $0x2;
	(pc) =	sbr.rel @!p2 .LBB1_6-.Ltmp1, $4  }
0x1a: {  	s15 =	smov.u32 s9;
	s9 =	smov.u32 s11;
	s14 =	sand.u32 @!p1 $0x3FFFFFFF, s14  }
0x1b: {  	s11 =	smov.u32 s16;
	_ =	swait.ge @!p1 [sflag:s17], s14;
	s19 =	ssub.s32 @!p1 $0x0, s14  }
0x1c: {  	s14 =	smov.u32 s10;
	s13 =	sadd.s32 $0x1, s13;
	[sflag:s17] =	ssyncset.done @!p1 $0x0  }
0x1d: {  	s10 =	smov.u32 s12;
	s12 =	smov.u32 s18;
	[sflag:s17] =	ssyncadd.s32 @!p1 s19  }
.LBB1_1:
0x1e: {  	p1 =	sgt.u32 s13, s6  }
0x1f: {  	s16 =	sshrl.u32 @!p1 s12, $0x3  }
0x20: {  	s17 =	sshll.u32 @!p1 s11, $0x3;
	s16 =	smul.u32 @!p1 $0x9EB400, s16  }
0x21: {  	s18 =	sshll.u32 @!p1 s12, $0x7;
	s17 =	sand.u32 @!p1 $0xFFFFFC00, s17  }
0x22: {  	s16 =	sadd.s32 @!p1 s16, s17;
	s17 =	sand.u32 @!p1 $0x380, s18  }
0x23: {  	s18 =	sand.u32 @!p1 $0x7F, s11;
	s16 =	sor.u32 @!p1 s17, s16  }
0x24: {  	s17 =	sor.u32 @!p1 s18, s16  }
0x25: {  	s18 =	smulhi.u32 @!p1 $0xCE793B8F, s17;
	_ =	sdelay $0x1  }
0x26: {  	s16 =	smulhi.u32 @!p1 $0xCE793B8F, s16;
	s18 =	sshrl.u32 @!p1 s18, $0x14  }
0x27: {  	s18 =	smul.u32 @!p1 $0x13D680, s18  }
0x28: {  	s19 =	sxor.u32 @!p1 $0xFFFFFFFF, s13;
	s16 =	sshrl.u32 @!p1 s16, $0x14  }
0x29: {  	s19 =	sshll.u32 @!p1 s19, $0xB;
	s16 =	sand.u32 @!p1 $0xF, s16;
	s17 =	ssub.s32 @!p1 s17, s18  }
0x2a: {  	s16 =	smul.u32 @!p1 $0x27AD0, s16;
	s18 =	sshrl.u32 @!p1 s17, $0x3;
	s17 =	sand.u32 @!p1 $0x7, s17  }
0x2b: {  	s19 =	sand.u32 @!p1 $0x800, s19;
	s18 =	sadd.s32 @!p1 s2, s18;
	s17 =	sshll.u32 @!p1 s17, $0x12  }
0x2c: {  	s16 =	sadd.s32 @!p1 s16, s18;
	s17 =	sor.u32 @!p1 $0x400, s17;
	s18 =	simm.s32 @!p1 $0x9EB400  }
0x2d: {  	[tilespmem:s19], [sflag:$0x1] =	stream.strided.gather @!p1 [hbm4b:s16+s17], $0x800, s18, s17, $0x38;
	[tilespmem:$0x2100] =	vst v63  }
0x2e: {  	p1 =	seq.s32 s13, $0x0  }
0x2f: {  	p2 =	sge.u32 @!p1 s13, s7  }
0x30: {  	p1 =	por p1, p2  }
.Ltmp2:
0x31: {  	_ = 	snop;
	(pc) =	sbr.rel @p1 .LBB1_5-.Ltmp2, $1  }
0x32: {  	_ =	sdelay $0x3  }
0x33: {  	s16 =	simm.s32 $0x1  }
0x34: {  	_ =	swait.ge [sflag:s4], $0x800;
	s16 =	simm.s32 @!p0 $0x0  }
0x35: {  	[sflag:s4] =	ssyncset.done $0x0;
	s17 =	sshll.u32 s16, $0xB  }
0x36: {  	[sflag:s4] =	ssyncadd.s32 $0xFFFFF800;
	s18 =	sor.u32 $0x40, s17  }
0x37: {  	s16 =	smul.u32 $0x2200, s16;
	v0 =	vld [tilespmem:s18+$0x30]  }
0x38: {  	v1 =	vld [tilespmem:s18+$0xFFFFFFD0]  }
0x39: {  	s16 =	sshrl.u32 s16, $0x2;
	v5 =	vld [tilespmem:s18+$0xFFFFFFE0]  }
0x3a: {  	v6 =	vld [tilespmem:s18+$0xFFFFFFF0];
	s19 =	sor.u32 $0x1000, s16  }
0x3b: {  	s31 =	sand.u32 $0x1, s13;
	v4 =	vld [tilespmem:s18+$0x0];
	s17 =	sadd.s32 $0x0, s19  }
0x3c: {  	v3 =	vld [tilespmem:s18+$0x10];
	s16 =	smul.u32 $0x2200, s31;
	[tilespmem:s17+$0x770 ss:$0x11] =	vst.msk $0xffff, v0  }
0x3d: {  	v2 =	vld [tilespmem:s18+$0x20];
	[tilespmem:s17+$0x110 ss:$0x11] =	vst.msk $0xffff, v1  }
0x3e: {  	s16 =	sshrl.u32 s16, $0x2;
	v1 =	vld [tilespmem:s18+$0xFFFFFFC0];
	[tilespmem:s17+$0x220 ss:$0x11] =	vst.msk $0xffff, v5;
	s18 =	sadd.s32 $0x80, s18  }
0x3f: {  	s20 =	simm.s32 $0x4;
	s21 =	simm.s32 $0x8;
	s16 =	sor.u32 $0x1000, s16;
	[tilespmem:s17+$0x330 ss:$0x11] =	vst.msk $0xffff, v6;
	v0 =	vld [tilespmem:s18+$0x30]  }
.LBB1_3:
0x40: {  	p1 =	sne.s32 s21, $0x3C;
	v5 =	vld [tilespmem:s18+$0xFFFFFFD0];
	[tilespmem:s17+$0x440 ss:$0x11] =	vst.msk $0xffff, v4  }
0x41: {  	v6 =	vld [tilespmem:s18+$0xFFFFFFE0];
	[tilespmem:s17+$0x550 ss:$0x11] =	vst.msk $0xffff, v3  }
0x42: {  	s22 =	sshra.s32 s20, $0x2;
	s20 =	smov.u32 s21;
	v7 =	vld [tilespmem:s18+$0xFFFFFFF0];
	[tilespmem:s17+$0x660 ss:$0x11] =	vst.msk $0xffff, v2  }
.Ltmp3:
0x43: {  	v4 =	vld [tilespmem:s18+$0x0];
	[tilespmem:s17+$0x0 ss:$0x11] =	vst.msk $0xffff, v1;
	s17 =	sadd.s32 s22, s19;
	(pc) =	sbr.rel @p1 .LBB1_3-.Ltmp3, $4  }
0x44: {  	v3 =	vld [tilespmem:s18+$0x10];
	[tilespmem:s17+$0x770 ss:$0x11] =	vst.msk $0xffff, v0  }
0x45: {  	[tilespmem:s17+$0x110 ss:$0x11] =	vst.msk $0xffff, v5;
	v2 =	vld [tilespmem:s18+$0x20]  }
0x46: {  	v1 =	vld [tilespmem:s18+$0xFFFFFFC0];
	[tilespmem:s17+$0x220 ss:$0x11] =	vst.msk $0xffff, v6;
	s18 =	sadd.s32 $0x80, s18  }
0x47: {  	s21 =	sadd.s32 $0x4, s21;
	v0 =	vld [tilespmem:s18+$0x30];
	[tilespmem:s17+$0x330 ss:$0x11] =	vst.msk $0xffff, v7  }
0x48: {  	s21 =	sshll.u32 s9, $0x7;
	s22 =	sshll.u32 s10, $0x3;
	s20 =	sshra.s32 s20, $0x2  }
0x49: {  	p1 =	sgt.s32 s9, $0x13D5A0;
	s23 =	sand.u32 $0xFFFFFC00, s21;
	s22 =	sand.u32 $0xFFFFFC00, s22  }
0x4a: {  	v5 =	vld [tilespmem:s18+$0xFFFFFFD0];
	s30 =	sshra.s32 s9, $0x1F;
	s21 =	sand.u32 $0x380, s21;
	s22 =	sadd.s32 s22, s23  }
0x4b: {  	v6 =	vld [tilespmem:s18+$0xFFFFFFE0];
	[tilespmem:s17+$0x440 ss:$0x11] =	vst.msk $0xffff, v4;
	s25 =	sshra.s32 s10, $0x1F;
	s19 =	sadd.s32 s20, s19;
	s29 =	sor.u32 s21, s22  }
0x4c: {  	v60 =	vld [tilespmem:s18+$0xFFFFFFF0];
	[tilespmem:s17+$0x550 ss:$0x11] =	vst.msk $0xffff, v3;
	s21 =	smov.u32 s9;
	s22 =	sand.u32 s30, s9;
	s30 =	sand.u32 $0x7, s10  }
0x4d: {  	v61 =	vld [tilespmem:s18+$0x0];
	[tilespmem:s17+$0x660 ss:$0x11] =	vst.msk $0xffff, v2;
	s20 =	sshrl.u32 s29, $0x7;
	s21 =	simm.s32 @!p1 $0x13D5A0;
	p1 =	sgt.s32 s10, $0x70  }
0x4e: {  	v62 =	vld [tilespmem:s18+$0x10];
	[tilespmem:s17+$0x0 ss:$0x11] =	vst.msk $0xffff, v1;
	s29 =	sshrl.u32 s10, $0x3;
	s24 =	ssub.s32 s21, s22;
	s21 =	smov.u32 s10  }
0x4f: {  	v63 =	vld [tilespmem:s18+$0x20];
	[tilespmem:s19+$0x770 ss:$0x11] =	vst.msk $0xffff, v0;
	s31 =	smulhi.u32 $0xCE7D23, s20;
	s22 =	sand.u32 s25, s10;
	s21 =	simm.s32 @!p1 $0x70  }
0x50: {  	[tilespmem:s19+$0x110 ss:$0x11] =	vst.msk $0xffff, v5;
	s27 =	sadd.s32 $0xFFEC2A60, s24;
	s17 =	ssub.s32 $0x13D620, s24;
	s21 =	ssub.s32 s21, s22  }
0x51: {  	v7 =	vld [tilespmem:s18+$0xFFFFFFC0];
	[tilespmem:s19+$0x220 ss:$0x11] =	vst.msk $0xffff, v6;
	s26 =	sshrl.u32 s31, $0xC;
	p1 =	sgt.s32 s27, $0x7F;
	s28 =	sadd.s32 $0xFFFFFF90, s21  }
0x52: {  	[tilespmem:s19+$0x330 ss:$0x11] =	vst.msk $0xffff, v60;
	s18 =	smul.u32 $0x13D620, s26;
	s21 =	ssub.s32 $0x80, s21;
	p2 =	sgt.s32 s28, $0xF  }
.Ltmp4:
0x53: {  	[tilespmem:s19+$0x440 ss:$0x11] =	vst.msk $0xffff, v61;
	s17 =	simm.s32 @p1 $0x0;
	s21 =	simm.s32 @p2 $0x0;
	(pc) =	sbr.rel .LBB1_5-.Ltmp4, $4  }
0x54: {  	[tilespmem:s19+$0x550 ss:$0x11] =	vst.msk $0xffff, v62;
	s18 =	ssub.s32 s20, s18;
	s20 =	sand.u32 $0xF, s29;
	s17 =	smul.u32 s21, s17  }
0x55: {  	[tilespmem:s19+$0x660 ss:$0x11] =	vst.msk $0xffff, v63;
	s18 =	sshll.u32 s18, $0x4;
	s20 =	sadd.s32 s5, s20;
	s21 =	sshll.u32 s30, $0x12  }
0x56: {  	[tilespmem:s19+$0x0 ss:$0x11] =	vst.msk $0xffff, v7;
	s18 =	sadd.s32 s18, s20;
	s31 =	sor.u32 $0x10, s21;
	s17 =	sand.u32 $0x3FFFFFFF, s17  }
0x57: {  	[hbm4b:s18+s31] =	stream.strided.scatter [tilespmem:s16], [sflag:$0x2], s17, s8, s31, $0x8;
	[tilespmem:$0x2100] =	vst v63  }
.LBB1_6:
0x58: {  	_ =	sfence.sel $0x180000  }
0x59: {  	s2 =	simm.s32 $0x1;
	[bflag:$0x0] =	sbarrier.arrive $0xFFFF  }
0x5a: {  	s31 =	simm.s32 $0x2;
	[sflag:s2] =	ssyncpa.u1 $0x1  }
0x5b: {  	[sflag:s31] =	ssyncpa.u1 $0x1  }
0x5c: {  	p0 =	sne.s32 s1, $0x0;
	_ =	strace $0x90000047  }
0x5d: {  	s0 =	sadd.s32 @!p0 $0x100000, s0;
	[bflag:$0x2] =	sbarrier.arrive $0xFFFF  }
0x5e: {  	[sflag:s0] =	ssyncadd.tile.s32 @!p0 $0x1;
	_ =	shalt  }
.Lfunc_end1:
_tile_overlayer_lowered:
.L_overlay_start_2:
0x5f: {  	(tag) =	ssettag $0x2  }
0x60: {  	s0 =	rddreg [dreg:$0x0];
	s2 =	stileid.u32  }
0x61: {  	s1 =	rddreg [dreg:$0x1];
	p0 =	sne.s32 s2, $0x0  }
0x62: {  	s3 =	rddreg [dreg:$0x2];
	[bflag:$0x3] =	sbarrier.arrive $0xFFFF;
	s2 =	simm.s32 @!p0 $0x1C01  }
0x63: {  	[timem:s3], [sflag:s2] =	dma.local @!p0 [hbm:s0], s1  }
0x64: {  	s0 =	simm.s32 @!p0 $0x1  }
0x65: {  	_ =	swait.ge @!p0 [sflag:s0], s1  }
0x66: {  	s1 =	ssub.s32 @!p0 $0x0, s1;
	[sflag:s0] =	ssyncset.done @!p0 $0x0  }
0x67: {  	[sflag:s0] =	ssyncadd.s32 @!p0 s1  }
0x68: {  	[bflag:$0x3] =	sbarrier.arrive $0xFFFF  }
0x69: {  	_ =	shalt  }

// kernel: sparse-core-data-format-call.cloned.1.call-start
scs
called_computation_lowered:
.L_overlay_start_0:
0x0: {  	s2 =	sld [smem:$0x3FD9]  }
0x1: {  	s3 =	sld [smem:$0x3FFE];
	_ =	sdelay $0x1  }
0x2: {  	s1 =	srdreg.scid  }
0x3: {  	s0 =	sand.u32 $0x1, s1  }
0x4: {  	s18 =	sshll.u32 s0, $0xA;
	s2 =	sadd.s32 s3, s2  }
0x5: {  	s2 =	sadd.s32 s2, s18  }
0x6: {  	[smem:$0x3FB1] =	sst s2  }
0x7: {  	_ = 	snop  }
0x8: {  	(tm) =	ssettm $0x1  }
0x9: {  	s19 =	sld [smem:$0x3FFB];
	_ =	sdelay $0x3  }
0xa: {  	_ =	strace s19  }
0xb: {  	s2 =	sld [smem:$0x3FFC];
	_ =	sdelay $0x3  }
0xc: {  	_ =	strace s2  }
0xd: {  	s2 =	sld [smem:$0x3FFD];
	_ =	sdelay $0x3  }
0xe: {  	_ =	strace s2  }
0xf: {  	_ =	strace $0x8FFFFFFF  }
0x10: {  	s20 =	sld [smem:$0x3FDB];
	_ =	sdelay $0x1  }
0x11: {  	s21 =	simm.s32 $_scs_section_size  }
0x12: {  	s4 =	simm.s32 $_size__tile_overlayer_lowered;
	s5 =	simm.s32 $_tile_overlayer_lowered  }
0x13: {  	s6 =	simm.s32 $0x1BFF;
	s22 =	sshll.u32 s5, $0x1;
	s3 =	sadd.s32 s21, s20  }
0x14: {  	s23 =	simm.s32 $0x0;
	s4 =	sshll.u32 s4, $0x1;
	s5 =	sadd.s32 s22, s3  }
0x15: {  	[timem:s23], [sflag:s6] =	dma.local [hbm:s5], s4  }
0x16: {  	_ =	swait.ge [sflag:s6], s4  }
0x17: {  	s4 =	ssub.s32 $0x0, s4;
	[sflag:s6] =	ssyncset.done $0x0  }
0x18: {  	[sflag:s6] =	ssyncadd.s32 s4;
	_ =	sdelay $0x1  }
0x19: {  	s24 =	simm.s32 $0x1B8B  }
0x1a: {  	_ =	swait.ge [sflag:s24], $0x1  }
0x1b: {  	[sflag:s24] =	ssyncset.done $0x0  }
0x1c: {  	[sflag:s24] =	ssyncadd.s32 $0xFFFFFFFF  }
0x1d: {  	s4 =	sld [smem:$0x0]  }
0x1e: {  	s5 =	sand.u32 $0xFFFFFFFE, s1  }
0x1f: {  	p0 =	sne.s32 s1, s5  }
0x20: {  	s5 =	sshll.u32 @p0 s5, $0xE  }
0x21: {  	s5 =	sadd.s32 @p0 $0x11B8D, s5;
	s6 =	sshll.u32 @p0 s4, $0x11  }
0x22: {  	s5 =	sor.u32 @p0 s6, s5  }
0x23: {  	[sflag:s5] =	ssyncadd.remote.s32 @p0 $0x1;
	_ =	sdelay $0x1  }
0x24: {  	s5 =	simm.s32 @p0 $0x1B8D  }
0x25: {  	_ =	swait.eq @p0 [sflag:s5], $0x1  }
0x26: {  	[sflag:s5] =	ssyncadd.s32 @p0 $0xFFFFFFFF  }
0x27: {  	s6 =	sshll.u32 @!p0 s1, $0xE  }
0x28: {  	s6 =	sor.u32 @!p0 $0x4000, s6;
	s5 =	simm.s32 @!p0 $0x1B8D  }
0x29: {  	s4 =	sshll.u32 @!p0 s4, $0x11;
	s6 =	sadd.s32 @!p0 $0x11B8D, s6;
	_ =	swait.eq @!p0 [sflag:s5], $0x1  }
0x2a: {  	s4 =	sor.u32 @!p0 s4, s6;
	[sflag:s5] =	ssyncadd.s32 @!p0 $0xFFFFFFFF  }
0x2b: {  	s26 =	simm.s32 $0x1B8E;
	s25 =	sld [smem:$0x3FFE];
	[sflag:s4] =	ssyncadd.remote.s32 @!p0 $0x1  }
0x2c: {  	s27 =	simm.s32 $execute0_lowered;
	[smem:$0x3FD2] =	sst s26  }
0x2d: {  	s5 =	sshll.u32 s27, $0x1;
	_ =	strace $0x8000004F;
	[dreg:$0x1] =	wrdreg $0xFFFFFFFF  }
0x2e: {  	s28 =	simm.s32 $_size_execute0_lowered;
	s3 =	sadd.s32 s3, s5;
	[dreg:$0x0] =	wrdreg $0x0  }
0x2f: {  	s5 =	sshll.u32 s28, $0x1;
	[dreg:$0x2] =	wrdreg s3  }
0x30: {  	[dreg:$0x3] =	wrdreg s5  }
0x31: {  	[dreg:$0x4] =	wrdreg $0xC0  }
0x32: {  	_ =	task [dreg:s23], $0x5FFFF  }
0x33: {  	[dreg:$0x1] =	wrdreg $0xFFFFFFFF  }
0x34: {  	[dreg:$0x0] =	wrdreg $0x60  }
0x35: {  	[dreg:$0x2] =	wrdreg s25  }
0x36: {  	[dreg:$0x3] =	wrdreg $0x9  }
0x37: {  	_ =	task.clear_ibuf [dreg:s23], $0x4FFFF;
	_ =	strace $0x9000004F  }
0x38: {  	s29 =	simm.s32 $0x9;
	_ =	strace $0x80000051  }
0x39: {  	_ =	swait.ge [sflag:s29], $0x1  }
0x3a: {  	[sflag:s29] =	ssyncadd.s32 $0xFFFFFFFF  }
0x3b: {  	_ =	strace $0x90000051  }
0x3c: {  	_ =	sfence  }
0x3d: {  	s30 =	sld [smem:$0x0];
	_ =	sdelay $0x2  }
0x3e: {  	s31 =	sshll.u32 s1, $0xD;
	s1 =	sshrl.u32 s1, $0x2  }
0x3f: {  	s4 =	sand.u32 $0x4000, s31;
	s1 =	sadd.s32 s1, s30  }
0x40: {  	s0 =	sor.u32 s4, s0;
	s1 =	sshll.u32 s1, $0x11  }
0x41: {  	s0 =	sor.u32 s1, s0  }
0x42: {  	s0 =	sadd.s32 $0x8F2B, s0  }
0x43: {  	[sflag:s0] =	ssyncadd.remote.s32 $0x1  }
0x44: {  	_ =	sfence.sel $0xFFFF  }
0x45: {  	[dreg:$0x0] =	wrdreg $0xFFFFFFFF;
	(pc) =	sbr.abs _section_cstart, $3  }
0x46: {  	[dreg:$0x1] =	wrdreg $0xFFFFFFFF  }
0x47: {  	_ =	task.clear_ibuf [dreg:s23], $0x2FFFF;
	_ =	strace $0x9FFFFFFF  }
0x48: {  	(tm) =	ssettm $0x7FFFFFFF  }
0x49: {  	_ =	shalt  }
tec
execute0_lowered:
.L_overlay_start_1:
0x0: {  	(tag) =	ssettag $0x1  }
0x1: {  	s0 =	srdreg.scid  }
0x2: {  	s4 =	rddreg [dreg:$0x0];
	s1 =	stileid.u32  }
0x3: {  	s5 =	simm.s32 $0x1;
	s7 =	simm.s32 $0x2;
	s0 =	sshll.u32 s0, $0x4  }
0x4: {  	s11 =	simm.s32 $0x0;
	p0 =	por $0x0, $0x0;
	s2 =	sand.u32 $0x10, s0  }
.Ltmp0:
0x5: {  	s8 =	simm.s32 $0x13D800;
	s3 =	sor.u32 s1, s2;
	(pc) =	sbr.rel .LBB1_1-.Ltmp0, $4  }
0x6: {  	s0 =	rddreg [dreg:$0x1];
	_ =	strace $0x80000050;
	s3 =	sshll.u32 s3, $0x7  }
0x7: {  	s10 =	simm.s32 $0x0;
	s2 =	sadd.s32 $0x13DB200, s4;
	s6 =	ssub.s32 $0x27A80, s3  }
0x8: {  	s4 =	sadd.s32 $0x2B39400, s4;
	[sflag:s5] =	ssyncpa.u1 $0x0;
	s6 =	sshrl.u32 s6, $0xC  }
0x9: {  	[sflag:s7] =	ssyncpa.u1 $0x0;
	s9 =	smov.u32 s3;
	s7 =	sadd.s32 $0x2, s6  }
.LBB1_5:
0xa: {  	s13 =	sadd.s32 $0x1000, s9  }
0xb: {  	p2 =	sgt.s32 s13, $0x27AC3  }
0xc: {  	s13 =	smov.u32 @p2 s3;
	p2 =	sne.s32 s10, s7  }
.Ltmp1:
0xd: {  	p1 =	slt.u32 s10, $0x2;
	(pc) =	sbr.rel @!p2 .LBB1_6-.Ltmp1, $4  }
0xe: {  	s12 =	simm.s32 @!p1 $0x2  }
0xf: {  	s14 =	sadd.s32 $0x1, s10;
	_ =	swait.ge @!p1 [sflag:s12], $0x4000  }
0x10: {  	s11 =	smov.u32 s9;
	p0 =	por !p0, !p0;
	[sflag:s12] =	ssyncset.done @!p1 $0x0  }
0x11: {  	s10 =	smov.u32 s14;
	s9 =	smov.u32 s13;
	[sflag:s12] =	ssyncadd.s32 @!p1 $0xFFFFC000  }
.LBB1_1:
0x12: {  	p1 =	sgt.u32 s10, s6  }
0x13: {  	p2 =	sgt.s32 @!p1 s9, $0x27A44  }
0x14: {  	s12 =	smov.u32 s9;
	s13 =	sshra.s32 @!p1 s9, $0x1F;
	p2 =	por !p2, p1  }
0x15: {  	s13 =	sand.u32 @!p1 s13, s9;
	s12 =	simm.s32 @p2 $0x27A44  }
0x16: {  	s12 =	ssub.s32 @!p1 s12, s13  }
0x17: {  	s14 =	sxor.u32 @!p1 $0xFFFFFFFF, s10;
	s12 =	sadd.s32 @!p1 $0xFFFD85BC, s12  }
0x18: {  	s15 =	simm.s32 @!p1 $0x10;
	s16 =	simm.s32 @!p1 $0x80;
	s13 =	sshll.u32 @!p1 s12, $0x9  }
0x19: {  	p2 =	sgt.s32 @!p1 s12, $0x7F;
	s12 =	ssub.s32 @!p1 $0x10000, s13;
	s13 =	sshll.u32 @!p1 s14, $0xE  }
0x1a: {  	p2 =	por !p2, p1;
	s14 =	sshll.u32 @!p1 s9, $0x7;
	s12 =	sshrl.u32 @!p1 s12, $0x2  }
0x1b: {  	s13 =	sand.u32 @!p1 $0x4000, s13;
	s14 =	sadd.s32 @!p1 s2, s14;
	s12 =	simm.s32 @!p2 $0x0  }
0x1c: {  	[tilespmem:s13], [sflag:$0x1] =	stream.strided.gather @!p1 [hbm4b:s14+s15], s12, s16, s15, $0x38;
	[tilespmem:$0x10100] =	vst v63  }
0x1d: {  	p1 =	seq.s32 s10, $0x0  }
0x1e: {  	p2 =	sge.u32 @!p1 s10, s7  }
0x1f: {  	p1 =	por p1, p2  }
.Ltmp2:
0x20: {  	_ = 	snop;
	(pc) =	sbr.rel @p1 .LBB1_5-.Ltmp2, $1  }
0x21: {  	_ =	sdelay $0x3  }
0x22: {  	p1 =	sgt.s32 s11, $0x27A44;
	s12 =	smov.u32 s11;
	s13 =	sshra.s32 s11, $0x1F  }
0x23: {  	s12 =	simm.s32 @!p1 $0x27A44;
	s13 =	sand.u32 s13, s11  }
0x24: {  	s12 =	ssub.s32 s12, s13  }
0x25: {  	s12 =	sadd.s32 $0xFFFD85BC, s12  }
0x26: {  	s29 =	sshll.u32 s12, $0x9  }
0x27: {  	s13 =	ssub.s32 $0x10000, s29  }
0x28: {  	p1 =	sgt.s32 s12, $0x7F;
	s12 =	sshrl.u32 s13, $0x2  }
0x29: {  	s13 =	simm.s32 $0x1;
	s12 =	simm.s32 @p1 $0x0  }
0x2a: {  	s13 =	simm.s32 @!p0 $0x0;
	_ =	swait.ge [sflag:s5], s12  }
0x2b: {  	s14 =	sshll.u32 s13, $0xE;
	s12 =	ssub.s32 $0x0, s12;
	[sflag:s5] =	ssyncset.done $0x0  }
0x2c: {  	s15 =	sor.u32 $0x40, s14;
	[sflag:s5] =	ssyncadd.s32 s12  }
0x2d: {  	s30 =	smul.u32 $0x10200, s13;
	v0 =	vld [tilespmem:s15+$0x30]  }
0x2e: {  	v1 =	vld [tilespmem:s15+$0xFFFFFFD0]  }
0x2f: {  	s12 =	sshrl.u32 s30, $0x2;
	v5 =	vld [tilespmem:s15+$0xFFFFFFE0]  }
0x30: {  	s13 =	sor.u32 $0x8000, s12;
	v6 =	vld [tilespmem:s15+$0xFFFFFFF0]  }
0x31: {  	s31 =	sand.u32 $0x1, s10;
	v3 =	vld [tilespmem:s15+$0x0];
	s14 =	sadd.s32 $0x0, s13  }
0x32: {  	s12 =	smul.u32 $0x10200, s31;
	v4 =	vld [tilespmem:s15+$0x10];
	[tilespmem:s14+$0x3870 ss:$0x81] =	vst.msk $0xffff, v0  }
0x33: {  	v2 =	vld [tilespmem:s15+$0x20];
	[tilespmem:s14+$0x810 ss:$0x81] =	vst.msk $0xffff, v1  }
0x34: {  	s12 =	sshrl.u32 s12, $0x2;
	v0 =	vld [tilespmem:s15+$0xFFFFFFC0];
	[tilespmem:s14+$0x1020 ss:$0x81] =	vst.msk $0xffff, v5;
	s15 =	sadd.s32 $0x80, s15  }
0x35: {  	s16 =	simm.s32 $0x4;
	s17 =	simm.s32 $0x8;
	s12 =	sor.u32 $0x8000, s12;
	[tilespmem:s14+$0x1830 ss:$0x81] =	vst.msk $0xffff, v6;
	v1 =	vld [tilespmem:s15+$0x30]  }
.LBB1_3:
0x36: {  	p1 =	sne.s32 s17, $0x1FC;
	v5 =	vld [tilespmem:s15+$0xFFFFFFD0];
	[tilespmem:s14+$0x2040 ss:$0x81] =	vst.msk $0xffff, v3  }
0x37: {  	v6 =	vld [tilespmem:s15+$0xFFFFFFE0];
	[tilespmem:s14+$0x2850 ss:$0x81] =	vst.msk $0xffff, v4  }
0x38: {  	s18 =	sshra.s32 s16, $0x2;
	s16 =	smov.u32 s17;
	v7 =	vld [tilespmem:s15+$0xFFFFFFF0];
	[tilespmem:s14+$0x3060 ss:$0x81] =	vst.msk $0xffff, v2  }
.Ltmp3:
0x39: {  	v3 =	vld [tilespmem:s15+$0x0];
	[tilespmem:s14+$0x0 ss:$0x81] =	vst.msk $0xffff, v0;
	s14 =	sadd.s32 s18, s13;
	(pc) =	sbr.rel @p1 .LBB1_3-.Ltmp3, $4  }
0x3a: {  	v4 =	vld [tilespmem:s15+$0x10];
	[tilespmem:s14+$0x3870 ss:$0x81] =	vst.msk $0xffff, v1  }
0x3b: {  	[tilespmem:s14+$0x810 ss:$0x81] =	vst.msk $0xffff, v5;
	v2 =	vld [tilespmem:s15+$0x20]  }
0x3c: {  	v0 =	vld [tilespmem:s15+$0xFFFFFFC0];
	[tilespmem:s14+$0x1020 ss:$0x81] =	vst.msk $0xffff, v6;
	s15 =	sadd.s32 $0x80, s15  }
0x3d: {  	s17 =	sadd.s32 $0x4, s17;
	v1 =	vld [tilespmem:s15+$0x30];
	[tilespmem:s14+$0x1830 ss:$0x81] =	vst.msk $0xffff, v7  }
0x3e: {  	v5 =	vld [tilespmem:s15+$0xFFFFFFD0];
	[tilespmem:s14+$0x2040 ss:$0x81] =	vst.msk $0xffff, v3;
	s17 =	sshll.u32 s11, $0x3  }
0x3f: {  	v58 =	vld [tilespmem:s15+$0xFFFFFFE0];
	s25 =	sand.u32 $0x7F, s11;
	[tilespmem:s14+$0x2850 ss:$0x81] =	vst.msk $0xffff, v4;
	s17 =	sand.u32 $0xFFFFFC00, s17  }
0x40: {  	s16 =	sshra.s32 s16, $0x2;
	v59 =	vld [tilespmem:s15+$0xFFFFFFF0];
	[tilespmem:s14+$0x3060 ss:$0x81] =	vst.msk $0xffff, v2;
	s11 =	sor.u32 s25, s17  }
0x41: {  	v60 =	vld [tilespmem:s15+$0x0];
	s13 =	sadd.s32 s16, s13;
	[tilespmem:s14+$0x0 ss:$0x81] =	vst.msk $0xffff, v0;
	s26 =	smulhi.u32 $0xCE69A00D, s11  }
0x42: {  	v61 =	vld [tilespmem:s15+$0x10];
	[tilespmem:s13+$0x3870 ss:$0x81] =	vst.msk $0xffff, v1  }
0x43: {  	v62 =	vld [tilespmem:s15+$0x20];
	s27 =	smulhi.u32 $0xCE69A00D, s17;
	[tilespmem:s13+$0x810 ss:$0x81] =	vst.msk $0xffff, v5;
	s14 =	sshrl.u32 s26, $0x11  }
0x44: {  	v63 =	vld [tilespmem:s15+$0xFFFFFFC0];
	[tilespmem:s13+$0x1020 ss:$0x81] =	vst.msk $0xffff, v58;
	s14 =	smul.u32 $0x27B00, s14  }
0x45: {  	s28 =	sshrl.u32 s27, $0x11;
	[tilespmem:s13+$0x1830 ss:$0x81] =	vst.msk $0xffff, v59  }
.Ltmp4:
0x46: {  	[tilespmem:s13+$0x2040 ss:$0x81] =	vst.msk $0xffff, v60;
	s29 =	sand.u32 $0xF, s28;
	s11 =	ssub.s32 s11, s14;
	(pc) =	sbr.rel .LBB1_5-.Ltmp4, $4  }
0x47: {  	[tilespmem:s13+$0x2850 ss:$0x81] =	vst.msk $0xffff, v61;
	s14 =	smul.u32 $0x4F60, s29;
	s30 =	sshrl.u32 s11, $0x3;
	s11 =	sand.u32 $0x7, s11  }
0x48: {  	[tilespmem:s13+$0x3060 ss:$0x81] =	vst.msk $0xffff, v62;
	s15 =	sadd.s32 s4, s30;
	s11 =	sshll.u32 s11, $0x12  }
0x49: {  	[tilespmem:s13+$0x0 ss:$0x81] =	vst.msk $0xffff, v63;
	s31 =	sadd.s32 s14, s15;
	s11 =	sor.u32 $0x400, s11  }
0x4a: {  	[hbm4b:s31+s11] =	stream.strided.scatter [tilespmem:s12], [sflag:$0x2], $0x4000, s8, s11, $0x20;
	[tilespmem:$0x10100] =	vst v63  }
.LBB1_6:
0x4b: {  	_ =	sfence.sel $0x180000  }
0x4c: {  	s2 =	simm.s32 $0x1;
	[bflag:$0x0] =	sbarrier.arrive $0xFFFF  }
0x4d: {  	s31 =	simm.s32 $0x2;
	[sflag:s2] =	ssyncpa.u1 $0x1  }
0x4e: {  	[sflag:s31] =	ssyncpa.u1 $0x1  }
0x4f: {  	p0 =	sne.s32 s1, $0x0;
	_ =	strace $0x90000050  }
0x50: {  	s0 =	sadd.s32 @!p0 $0x100000, s0;
	[bflag:$0x2] =	sbarrier.arrive $0xFFFF  }
0x51: {  	[sflag:s0] =	ssyncadd.tile.s32 @!p0 $0x1;
	_ =	shalt  }
.Lfunc_end1:
_tile_overlayer_lowered:
.L_overlay_start_2:
0x52: {  	(tag) =	ssettag $0x2  }
0x53: {  	s0 =	rddreg [dreg:$0x0];
	s2 =	stileid.u32  }
0x54: {  	s1 =	rddreg [dreg:$0x1];
	p0 =	sne.s32 s2, $0x0  }
0x55: {  	s3 =	rddreg [dreg:$0x2];
	[bflag:$0x3] =	sbarrier.arrive $0xFFFF;
	s2 =	simm.s32 @!p0 $0x1C01  }
0x56: {  	[timem:s3], [sflag:s2] =	dma.local @!p0 [hbm:s0], s1  }
0x57: {  	s0 =	simm.s32 @!p0 $0x1  }
0x58: {  	_ =	swait.ge @!p0 [sflag:s0], s1  }
0x59: {  	s1 =	ssub.s32 @!p0 $0x0, s1;
	[sflag:s0] =	ssyncset.done @!p0 $0x0  }
0x5a: {  	[sflag:s0] =	ssyncadd.s32 @!p0 s1  }
0x5b: {  	[bflag:$0x3] =	sbarrier.arrive $0xFFFF  }
0x5c: {  	_ =	shalt  }

</sc_bundles>
